<compile_context>
chip_gen: v7x
topology: tpu7x:2x2x1
jax: 0.10.2.dev20260603
libtpu: 0.0.44.dev20260713+nightly
codegen_flags: <defaults>
</compile_context>

<pallas_src>
import functools

import jax
import jax.numpy as jnp
from jax import lax
from jax.experimental import pallas as pl
from jax.experimental.pallas import tpu as pltpu
from jax.experimental.pallas import tpu_sc as plsc

N = 10000
E = 320000
D_IN = 128
D_H = 64
G = 256
T = 5
EPS = 1e-5

NC = 2
NS = 16
NW = NC * NS
C = 128
K = 3
TOTCH = E // C
NCHE = 78
NXTRA = TOTCH - NW * NCHE
NPS = 10240
RPT = NPS // NS
CPT = 625

@functools.lru_cache(maxsize=None)
def _sc_edge_scatter(width, do_gather):

  fill = 0.0 if do_gather else 1.0

  def body(src_hbm, dst_hbm, table_hbm, out_hbm, src_v, dst_v, rows_v,
           fill_v, acc_sh, gsem0, gsem1, ssem0, ssem1):
    c = lax.axis_index("c")
    s = lax.axis_index("s")
    gsem = (gsem0, gsem1)
    ssem = (ssem0, ssem1)

    def fill_row(i, _):
      for j in range(width // 16):
        fill_v[i, pl.ds(j * 16, 16)] = jnp.full((16,), fill, jnp.float32)
      return 0
    lax.fori_loop(0, C, fill_row, 0)

    if do_gather:
      zsrc = fill_v
    else:
      zsrc = rows_v.at[0, pl.ds(0, C)]
      def zero_row(i, _):
        rows_v[0, i, pl.ds(0, 16)] = jnp.zeros((16,), jnp.float32)
        return 0
      lax.fori_loop(0, C, zero_row, 0)
    for k in range(RPT // C):
      pltpu.sync_copy(zsrc, acc_sh.at[pl.ds(s * RPT + k * C, C)])
    plsc.subcore_barrier()

    def run_edges(nch, chunk_base):
      pltpu.sync_copy(dst_hbm.at[pl.ds(chunk_base, nch)],
                      dst_v.at[pl.ds(0, nch)])
      if not do_gather:
        def chunk(j, _):
          pltpu.async_copy(fill_v, acc_sh.at[dst_v.at[j]], ssem0, add=True)
          return 0
        lax.fori_loop(0, nch, chunk, 0)
        def dchunk(j, _):
          pltpu.make_async_copy(fill_v, acc_sh.at[pl.ds(0, C)], ssem0).wait()
          return 0
        lax.fori_loop(0, nch, dchunk, 0)
        return

      nsup = nch // K
      pltpu.sync_copy(
          src_hbm.at[pl.ds(pl.multiple_of(chunk_base * C, C), nch * C)],
          src_v.at[pl.ds(0, nch * C)])

      def fire_gathers(t, a):
        for k in range(K):
          off = pl.multiple_of((t * K + k) * C, C)
          pltpu.async_copy(table_hbm.at[src_v.at[pl.ds(off, C)]],
                           rows_v.at[a, pl.ds(k * C, C)], gsem[a])

      def drain_gathers(a):
        pltpu.make_async_copy(table_hbm.at[pl.ds(0, K * C)],
                              rows_v.at[a], gsem[a]).wait()

      def fire_scatters(t, a):
        for k in range(K):
          pltpu.async_copy(rows_v.at[a, pl.ds(k * C, C)],
                           acc_sh.at[dst_v.at[t * K + k]], ssem[a], add=True)

      def drain_scatters(a):
        pltpu.make_async_copy(rows_v.at[a],
                              acc_sh.at[pl.ds(0, K * C)], ssem[a]).wait()

      fire_gathers(0, 0)

      def sup_pair(i, _):
        for a in (0, 1):
          t = 2 * i + a
          b = 1 - a

          @pl.when(t + 1 < nsup)
          def _():
            @pl.when(t >= 1)
            def _():
              drain_scatters(b)
            fire_gathers(t + 1, b)

          drain_gathers(a)
          fire_scatters(t, a)
        return 0

      lax.fori_loop(0, nsup // 2, sup_pair, 0)
      if nsup % 2:
        drain_gathers(0)
        fire_scatters(nsup - 1, 0)
      drain_scatters(1)
      drain_scatters(0)

    w = c * NS + s
    run_edges(NCHE, w * NCHE)

    if do_gather:
      @pl.when(w < NXTRA)
      def _():
        xch = NW * NCHE + w
        pltpu.sync_copy(dst_hbm.at[pl.ds(xch, 1)],
                        dst_v.at[pl.ds(NCHE, 1)])
        pltpu.sync_copy(src_hbm.at[pl.ds(pl.multiple_of(xch * C, C), C)],
                        src_v.at[pl.ds(0, C)])
        pltpu.async_copy(table_hbm.at[src_v.at[pl.ds(0, C)]],
                         rows_v.at[0, pl.ds(0, C)], gsem0)
        pltpu.make_async_copy(table_hbm.at[pl.ds(0, C)],
                              rows_v.at[0, pl.ds(0, C)], gsem0).wait()
        pltpu.sync_copy(rows_v.at[0, pl.ds(0, C)],
                        acc_sh.at[dst_v.at[NCHE]], add=True)
    else:
      @pl.when(w < NXTRA)
      def _():
        xch = NW * NCHE + w
        pltpu.sync_copy(dst_hbm.at[pl.ds(xch, 1)],
                        dst_v.at[pl.ds(NCHE, 1)])
        pltpu.sync_copy(fill_v, acc_sh.at[dst_v.at[NCHE]], add=True)

    plsc.subcore_barrier()
    pltpu.sync_copy(acc_sh.at[pl.ds(s * CPT, CPT)],
                    out_hbm.at[c, pl.ds(s * CPT, CPT)])

  mesh = plsc.VectorSubcoreMesh(
      core_axis_name="c", subcore_axis_name="s",
      num_cores=NC, num_subcores=NS)
  kern = functools.partial(
      pl.kernel,
      out_type=jax.ShapeDtypeStruct((NC, N, width), jnp.float32),
      mesh=mesh,
      compiler_params=pltpu.CompilerParams(use_tc_tiling_on_sc=False),
      scratch_types=[
          pltpu.VMEM((NCHE * C,), jnp.int32),
          pltpu.VMEM((NCHE + 1, C), jnp.int32),
          pltpu.VMEM((2, K * C, width), jnp.float32),
          pltpu.VMEM((C, width), jnp.float32),
          pltpu.VMEM_SHARED((NPS, width), jnp.float32),
          pltpu.SemaphoreType.DMA,
          pltpu.SemaphoreType.DMA,
          pltpu.SemaphoreType.DMA,
          pltpu.SemaphoreType.DMA,
      ],
  )(body)
  return kern


def _sc_count(src, dst, table):
  return _sc_edge_scatter(16, False)(src, dst, table)


def _sc_gather_scatter(src, dst, table):
  return _sc_edge_scatter(D_H, True)(src, dst, table)


_ROWS_BLK = 1000
_NBLK = N // _ROWS_BLK


def _k0a_body(x_ref, w1_ref, hraw_ref):
  hraw_ref[...] = jnp.dot(
      x_ref[...], w1_ref[...], preferred_element_type=jnp.float32)


def _k0b_body(hraw_ref, degp_ref, h1_ref, dinv_ref):
  deg = degp_ref[0] + degp_ref[1] + 1.0
  dinv = lax.rsqrt(jnp.maximum(deg, 1.0))
  dinv_ref[...] = dinv
  h1_ref[...] = hraw_ref[...] * dinv[:, :1]


def _kmid_body(p_ref, h_ref, dinv_ref, b_ref, w_ref, out_ref):
  dinv = dinv_ref[:, :1]
  t = dinv * (p_ref[0] + p_ref[1] + h_ref[...]) + b_ref[...]
  t = jnp.maximum(t, 0.0)
  out_ref[...] = jnp.dot(
      t, w_ref[...], preferred_element_type=jnp.float32) * dinv


def _kfinal_body(p_ref, h_ref, dinv_ref, b_ref, out_ref):
  dinv = dinv_ref[:, :1]
  t = dinv * (p_ref[0] + p_ref[1] + h_ref[...]) + b_ref[...]
  out_ref[...] = jnp.maximum(t, 0.0)


_G_PER = 8


def _kpool_body(starts_ref, t3_ref, emb_ref):
  for gg in range(_G_PER):
    g = pl.program_id(0) * _G_PER + gg
    s0 = starts_ref[g]
    e0 = starts_ref[g + 1]
    base = (s0 // 8) * 8
    nblk = (e0 - base + 7) // 8

    def body(i, carry):
      sacc, macc = carry
      r0 = base + i * 8
      rows = t3_ref[pl.ds(pl.multiple_of(r0, 8), 8), :]
      rid = r0 + lax.broadcasted_iota(jnp.int32, (8, 1), 0)
      m = (rid >= s0) & (rid < e0)
      sacc = sacc + jnp.where(m, rows, 0.0)
      macc = jnp.maximum(macc, jnp.where(m, rows, -jnp.inf))
      return sacc, macc

    init = (jnp.zeros((8, D_H), jnp.float32),
            jnp.full((8, D_H), -jnp.inf, jnp.float32))
    sacc, macc = lax.fori_loop(0, nblk, body, init)
    cnt = jnp.maximum((e0 - s0).astype(jnp.float32), 1.0)
    emb_ref[pl.ds(gg, 1), :D_H] = jnp.sum(sacc, axis=0, keepdims=True) / cnt
    emb_ref[pl.ds(gg, 1), D_H:] = jnp.max(macc, axis=0, keepdims=True)


def _kmlp_body(emb_ref, wc1_ref, bc1_ref, s1_ref, t1_ref,
               wc2_ref, bc2_ref, s2_ref, t2_ref, wc3_ref, bc3_ref, out_ref):
  z = jnp.dot(emb_ref[...], wc1_ref[...], preferred_element_type=jnp.float32)
  z = jnp.maximum(z * s1_ref[...] + t1_ref[...], 0.0)
  z = jnp.dot(z, wc2_ref[...], preferred_element_type=jnp.float32)
  z = jnp.maximum(z * s2_ref[...] + t2_ref[...], 0.0)
  out_ref[...] = jnp.dot(
      z, wc3_ref[...], preferred_element_type=jnp.float32) + bc3_ref[...]


def kernel(x, edge_index, batch, W1, b1, W2, b2, W3, b3, Wc1, bc1, g1, be1,
           m1, v1, Wc2, bc2, g2, be2, m2, v2, Wc3, bc3):
  f32 = jnp.float32
  src = edge_index[0]
  dst = edge_index[1].reshape(TOTCH, C)
  starts = jnp.searchsorted(batch, jnp.arange(G + 1, dtype=jnp.int32)
                            ).astype(jnp.int32)

  degp = _sc_count(src, dst, jnp.zeros((N, 16), f32))

  blk = _ROWS_BLK
  hraw = pl.pallas_call(
      _k0a_body,
      grid=(_NBLK,),
      in_specs=[
          pl.BlockSpec((blk, D_IN), lambda i: (i, 0)),
          pl.BlockSpec((D_IN, D_H), lambda i: (0, 0)),
      ],
      out_specs=pl.BlockSpec((blk, D_H), lambda i: (i, 0)),
      out_shape=jax.ShapeDtypeStruct((N, D_H), f32),
  )(x, W1)

  h1, dinv = pl.pallas_call(
      _k0b_body,
      grid=(_NBLK,),
      in_specs=[
          pl.BlockSpec((blk, D_H), lambda i: (i, 0)),
          pl.BlockSpec((NC, blk, 16), lambda i: (0, i, 0)),
      ],
      out_specs=[
          pl.BlockSpec((blk, D_H), lambda i: (i, 0)),
          pl.BlockSpec((blk, 16), lambda i: (i, 0)),
      ],
      out_shape=[
          jax.ShapeDtypeStruct((N, D_H), f32),
          jax.ShapeDtypeStruct((N, 16), f32),
      ],
  )(hraw, degp)

  def mid(h, b, w):
    p = _sc_gather_scatter(src, dst, h)
    return pl.pallas_call(
        _kmid_body,
        grid=(_NBLK,),
        in_specs=[
            pl.BlockSpec((NC, blk, D_H), lambda i: (0, i, 0)),
            pl.BlockSpec((blk, D_H), lambda i: (i, 0)),
            pl.BlockSpec((blk, 16), lambda i: (i, 0)),
            pl.BlockSpec((1, D_H), lambda i: (0, 0)),
            pl.BlockSpec((D_H, D_H), lambda i: (0, 0)),
        ],
        out_specs=pl.BlockSpec((blk, D_H), lambda i: (i, 0)),
        out_shape=jax.ShapeDtypeStruct((N, D_H), f32),
    )(p, h, dinv, b.reshape(1, D_H), w)

  h2 = mid(h1, b1, W2)
  h3 = mid(h2, b2, W3)

  p3 = _sc_gather_scatter(src, dst, h3)
  t3 = pl.pallas_call(
      _kfinal_body,
      grid=(_NBLK,),
      in_specs=[
          pl.BlockSpec((NC, blk, D_H), lambda i: (0, i, 0)),
          pl.BlockSpec((blk, D_H), lambda i: (i, 0)),
          pl.BlockSpec((blk, 16), lambda i: (i, 0)),
          pl.BlockSpec((1, D_H), lambda i: (0, 0)),
      ],
      out_specs=pl.BlockSpec((blk, D_H), lambda i: (i, 0)),
      out_shape=jax.ShapeDtypeStruct((N, D_H), f32),
  )(p3, h3, dinv, b3.reshape(1, D_H))

  emb = pl.pallas_call(
      _kpool_body,
      grid=(G // _G_PER,),
      in_specs=[
          pl.BlockSpec(memory_space=pltpu.SMEM),
          pl.BlockSpec((N, D_H), lambda g: (0, 0)),
      ],
      out_specs=pl.BlockSpec((_G_PER, 2 * D_H), lambda g: (g, 0)),
      out_shape=jax.ShapeDtypeStruct((G, 2 * D_H), f32),
  )(starts, t3)

  s1 = (g1 * lax.rsqrt(v1 + EPS)).reshape(1, D_H)
  t1 = (be1 - m1 * g1 * lax.rsqrt(v1 + EPS) + bc1 * g1 * lax.rsqrt(v1 + EPS)
        ).reshape(1, D_H)
  s2 = (g2 * lax.rsqrt(v2 + EPS)).reshape(1, D_H // 2)
  t2 = (be2 - m2 * g2 * lax.rsqrt(v2 + EPS) + bc2 * g2 * lax.rsqrt(v2 + EPS)
        ).reshape(1, D_H // 2)

  full = lambda shape: pl.BlockSpec(shape, lambda: (0,) * len(shape))
  out = pl.pallas_call(
      _kmlp_body,
      in_specs=[
          full((G, 2 * D_H)), full((2 * D_H, D_H)), full((1, D_H)),
          full((1, D_H)), full((1, D_H)),
          full((D_H, D_H // 2)), full((1, D_H // 2)), full((1, D_H // 2)),
          full((1, D_H // 2)), full((D_H // 2, T)), full((1, T)),
      ],
      out_specs=full((G, T)),
      out_shape=jax.ShapeDtypeStruct((G, T), f32),
  )(emb, Wc1, bc1.reshape(1, D_H), s1, t1,
    Wc2, bc2.reshape(1, D_H // 2), s2, t2, Wc3, bc3.reshape(1, T))
  return out

# --- scband reference (transcript-rebuilt; emitter-appended) ---
"""Pipeline reference for scband-transductive-gcn-8254927143023 (READ-ONLY COPY).

The authoritative reference and input builder live on the scoring server;
editing this copy changes nothing except your own understanding.
"""

import jax, jax.numpy as jnp
import numpy as np

N = 10000
E = 320000
D_IN = 128
D_H = 64
T = 5
G = 256
EPS = 1e-5


def setup_inputs(seed: int = 0) -> dict:
    key = jax.random.key(seed)
    ks = jax.random.split(key, 16)
    def lin(k, i, o):
        return (jax.random.normal(k, (i, o), dtype=jnp.float32) / np.sqrt(i)).astype(jnp.float32)
    inp = {}
    inp['x'] = jax.random.normal(ks[0], (N, D_IN), dtype=jnp.float32)
    inp['edge_index'] = jax.random.randint(ks[1], (2, E), 0, N, dtype=jnp.int32)
    inp['batch'] = jnp.sort(jax.random.randint(ks[2], (N,), 0, G, dtype=jnp.int32))
    inp['W1'] = lin(ks[3], D_IN, D_H); inp['b1'] = jnp.zeros((D_H,), jnp.float32)
    inp['W2'] = lin(ks[4], D_H, D_H); inp['b2'] = jnp.zeros((D_H,), jnp.float32)
    inp['W3'] = lin(ks[5], D_H, D_H); inp['b3'] = jnp.zeros((D_H,), jnp.float32)
    inp['Wc1'] = lin(ks[6], 2 * D_H, D_H); inp['bc1'] = jnp.zeros((D_H,), jnp.float32)
    inp['g1'] = jnp.ones((D_H,), jnp.float32); inp['be1'] = jnp.zeros((D_H,), jnp.float32)
    inp['m1'] = jnp.zeros((D_H,), jnp.float32); inp['v1'] = jnp.ones((D_H,), jnp.float32)
    inp['Wc2'] = lin(ks[7], D_H, D_H // 2); inp['bc2'] = jnp.zeros((D_H // 2,), jnp.float32)
    inp['g2'] = jnp.ones((D_H // 2,), jnp.float32); inp['be2'] = jnp.zeros((D_H // 2,), jnp.float32)
    inp['m2'] = jnp.zeros((D_H // 2,), jnp.float32); inp['v2'] = jnp.ones((D_H // 2,), jnp.float32)
    inp['Wc3'] = lin(ks[8], D_H // 2, T); inp['bc3'] = jnp.zeros((T,), jnp.float32)
    return inp


def _gcn(x, src, dst, W, b):
    # PyG-style GCNConv: add self-loops (done by caller), symmetric deg^-1/2 normalization
    n = x.shape[0]
    deg = jnp.zeros((n,), x.dtype).at[dst].add(1.0)
    dinv = jax.lax.rsqrt(jnp.maximum(deg, 1.0))
    h = x @ W
    norm = dinv[src] * dinv[dst]
    msg = h[src] * norm[:, None]
    out = jnp.zeros((n, W.shape[1]), x.dtype).at[dst].add(msg)
    return out + b


def _bn(z, g, b, m, v):
    # eval-mode BatchNorm1d with running stats
    return (z - m) * jax.lax.rsqrt(v + EPS) * g + b


def _forward(x, edge_index, batch, W1, b1, W2, b2, W3, b3, Wc1, bc1, g1, be1, m1, v1, Wc2, bc2, g2, be2, m2, v2, Wc3, bc3):
    n = x.shape[0]
    loop = jnp.arange(n, dtype=edge_index.dtype)
    src = jnp.concatenate([edge_index[0], loop])
    dst = jnp.concatenate([edge_index[1], loop])
    h = jax.nn.relu(_gcn(x, src, dst, W1, b1))
    h = jax.nn.relu(_gcn(h, src, dst, W2, b2))
    h = jax.nn.relu(_gcn(h, src, dst, W3, b3))
    cnt = jax.ops.segment_sum(jnp.ones((n,), x.dtype), batch, num_segments=G)
    mean_pool = jax.ops.segment_sum(h, batch, num_segments=G) / jnp.maximum(cnt, 1.0)[:, None]
    max_pool = jax.ops.segment_max(h, batch, num_segments=G)
    emb = jnp.concatenate([mean_pool, max_pool], axis=1)
    z = jax.nn.relu(_bn(emb @ Wc1 + bc1, g1, be1, m1, v1))
    z = jax.nn.relu(_bn(z @ Wc2 + bc2, g2, be2, m2, v2))
    return z @ Wc3 + bc3


def reference(x, edge_index, batch, W1, b1, W2, b2, W3, b3, Wc1, bc1, g1, be1, m1, v1, Wc2, bc2, g2, be2, m2, v2, Wc3, bc3):
    return _forward(x, edge_index, batch, W1, b1, W2, b2, W3, b3, Wc1, bc1, g1, be1, m1, v1, Wc2, bc2, g2, be2, m2, v2, Wc3, bc3)

if __name__ == "__main__":
    import jax
    _d = setup_inputs()
    print(jax.jit(kernel)(*tuple(_d.values())))

</pallas_src>

<mosaic_0001>
#map = affine_map<(d0, d1) -> (0)>
#map1 = affine_map<(d0, d1) -> (0, 0)>
#map2 = affine_map<(d0, d1) -> (0, 0, 0)>
module attributes {stable_mosaic.version = 14 : i64} {
  func.func @body(%arg0: i32, %arg1: i32, %arg2: memref<320000xi32, #tpu.memory_space<hbm>>, %arg3: memref<2500x128xi32, #tpu.memory_space<hbm>>, %arg4: memref<10000x64xf32, #tpu.memory_space<hbm>>, %arg5: memref<2x10000x64xf32, #tpu.memory_space<hbm>>, %arg6: memref<9984xi32, #tpu.memory_space<vmem>>, %arg7: memref<79x128xi32, #tpu.memory_space<vmem>>, %arg8: memref<2x384x64xf32, #tpu.memory_space<vmem>>, %arg9: memref<128x64xf32, #tpu.memory_space<vmem>>, %arg10: memref<10240x64xf32, #tpu.memory_space<vmem_shared>>, %arg11: memref<!tpu.dma_semaphore, #tpu.memory_space<semaphore_mem>>, %arg12: memref<!tpu.dma_semaphore, #tpu.memory_space<semaphore_mem>>, %arg13: memref<!tpu.dma_semaphore, #tpu.memory_space<semaphore_mem>>, %arg14: memref<!tpu.dma_semaphore, #tpu.memory_space<semaphore_mem>>) attributes {dimension_semantics = [#tpu.dimension_semantics<core_parallel>, #tpu.dimension_semantics<subcore_parallel>], iteration_bounds = array<i64: 2, 16>, scalar_prefetch = 0 : i64, scratch_operands = 9 : i64, tpu.core_type = #tpu.core_type<sc_vector_subcore>, window_params = [{transform_indices = #map}, {transform_indices = #map1}, {transform_indices = #map1}, {transform_indices = #map2}]} {
    %scan3A = arith.constant 0 : i32
    %scan3A_0 = arith.constant 0 : i32
    %scan3A_1 = arith.constant 128 : i32
    %scan3A_2 = arith.addi %scan3A_0, %scan3A_1 : i32
    %scan3A_3 = arith.constant 1 : i32
    %scan3A_4 = scf.for %scan3A_106 = %scan3A_0 to %scan3A_2 step %scan3A_3 iter_args(%scan3A_107 = %scan3A) -> (i32)  : i32 {
      %broadcast_in_dim3A = arith.constant 0.000000e+00 : f32
      %broadcast_in_dim3A_108 = vector.broadcast %broadcast_in_dim3A : f32 to vector<16xf32>
      %swap3A = arith.index_cast %scan3A_106 : i32 to index
      %swap3A_109 = arith.constant 0 : index
      %swap3A_110 = tpu.vector_load %arg9[%swap3A, %swap3A_109] {strides = array<i32>} : memref<128x64xf32, #tpu.memory_space<vmem>>, vector<1x16xf32>,
      %swap3A_111 = vector.shape_cast %swap3A_110 : vector<1x16xf32> to vector<16xf32>
      %swap3A_112 = vector.shape_cast %broadcast_in_dim3A_108 : vector<16xf32> to vector<1x16xf32>
      tpu.vector_store %arg9[%swap3A, %swap3A_109], %swap3A_112 {strides = array<i32>} : memref<128x64xf32, #tpu.memory_space<vmem>>, vector<1x16xf32>,
      %broadcast_in_dim3A_113 = arith.constant 0.000000e+00 : f32
      %broadcast_in_dim3A_114 = vector.broadcast %broadcast_in_dim3A_113 : f32 to vector<16xf32>
      %swap3A_115 = arith.index_cast %scan3A_106 : i32 to index
      %swap3A_116 = arith.constant 16 : index
      %swap3A_117 = tpu.vector_load %arg9[%swap3A_115, %swap3A_116] {strides = array<i32>} : memref<128x64xf32, #tpu.memory_space<vmem>>, vector<1x16xf32>,
      %swap3A_118 = vector.shape_cast %swap3A_117 : vector<1x16xf32> to vector<16xf32>
      %swap3A_119 = vector.shape_cast %broadcast_in_dim3A_114 : vector<16xf32> to vector<1x16xf32>
      tpu.vector_store %arg9[%swap3A_115, %swap3A_116], %swap3A_119 {strides = array<i32>} : memref<128x64xf32, #tpu.memory_space<vmem>>, vector<1x16xf32>,
      %broadcast_in_dim3A_120 = arith.constant 0.000000e+00 : f32
      %broadcast_in_dim3A_121 = vector.broadcast %broadcast_in_dim3A_120 : f32 to vector<16xf32>
      %swap3A_122 = arith.index_cast %scan3A_106 : i32 to index
      %swap3A_123 = arith.constant 32 : index
      %swap3A_124 = tpu.vector_load %arg9[%swap3A_122, %swap3A_123] {strides = array<i32>} : memref<128x64xf32, #tpu.memory_space<vmem>>, vector<1x16xf32>,
      %swap3A_125 = vector.shape_cast %swap3A_124 : vector<1x16xf32> to vector<16xf32>
      %swap3A_126 = vector.shape_cast %broadcast_in_dim3A_121 : vector<16xf32> to vector<1x16xf32>
      tpu.vector_store %arg9[%swap3A_122, %swap3A_123], %swap3A_126 {strides = array<i32>} : memref<128x64xf32, #tpu.memory_space<vmem>>, vector<1x16xf32>,
      %broadcast_in_dim3A_127 = arith.constant 0.000000e+00 : f32
      %broadcast_in_dim3A_128 = vector.broadcast %broadcast_in_dim3A_127 : f32 to vector<16xf32>
      %swap3A_129 = arith.index_cast %scan3A_106 : i32 to index
      %swap3A_130 = arith.constant 48 : index
      %swap3A_131 = tpu.vector_load %arg9[%swap3A_129, %swap3A_130] {strides = array<i32>} : memref<128x64xf32, #tpu.memory_space<vmem>>, vector<1x16xf32>,
      %swap3A_132 = vector.shape_cast %swap3A_131 : vector<1x16xf32> to vector<16xf32>
      %swap3A_133 = vector.shape_cast %broadcast_in_dim3A_128 : vector<16xf32> to vector<1x16xf32>
      tpu.vector_store %arg9[%swap3A_129, %swap3A_130], %swap3A_133 {strides = array<i32>} : memref<128x64xf32, #tpu.memory_space<vmem>>, vector<1x16xf32>,
      %scan3A_134 = arith.constant 0 : i32
      scf.yield %scan3A_134 : i32
    }
    %scan3A_5 = arith.constant 128 : i32
    %mul3A = arith.constant 640 : i32
    %mul3A_6 = arith.muli %arg1, %mul3A : i32
    %add3A = arith.constant 0 : i32
    %add3A_7 = arith.addi %mul3A_6, %add3A : i32
    "tpu.region"() ({
      %run_scoped3A = tpu.sem_alloc : memref<!tpu.dma_semaphore, #tpu.memory_space<semaphore_mem>>
      %dma_start3A_106 = arith.constant 0 : i32
      %dma_start3A_107 = tpu.memref_slice %arg10[%add3A_7, %dma_start3A_106] : memref<10240x64xf32, #tpu.memory_space<vmem_shared>> -> memref<128x64xf32, #tpu.memory_space<vmem_shared>>
      %dma_start3A_108 = arith.constant 0 : i32
      %dma_start3A_109 = tpu.memref_slice %arg10[%add3A_7, %dma_start3A_108] : memref<10240x64xf32, #tpu.memory_space<vmem_shared>> -> memref<128x64xf32, #tpu.memory_space<vmem_shared>>
      tpu.enqueue_dma source(%arg9 : memref<128x64xf32, #tpu.memory_space<vmem>>) target(%dma_start3A_109 : memref<128x64xf32, #tpu.memory_space<vmem_shared>>) target_semaphore(%run_scoped3A : memref<!tpu.dma_semaphore, #tpu.memory_space<semaphore_mem>>)
      %dma_wait3A_110 = arith.constant 0 : i32
      %dma_wait3A_111 = tpu.memref_slice %arg10[%add3A_7, %dma_wait3A_110] : memref<10240x64xf32, #tpu.memory_space<vmem_shared>> -> memref<128x64xf32, #tpu.memory_space<vmem_shared>>
      %dma_wait3A_112 = arith.constant 0 : i32
      %dma_wait3A_113 = tpu.memref_slice %arg10[%add3A_7, %dma_wait3A_112] : memref<10240x64xf32, #tpu.memory_space<vmem_shared>> -> memref<128x64xf32, #tpu.memory_space<vmem_shared>>
      tpu.wait_dma2 semaphore(%run_scoped3A : memref<!tpu.dma_semaphore, #tpu.memory_space<semaphore_mem>>) src(%arg9 : memref<128x64xf32, #tpu.memory_space<vmem>>) dst(%dma_wait3A_113 : memref<128x64xf32, #tpu.memory_space<vmem_shared>>)
      tpu.yield
    }) : () -> ()
    %mul3A_8 = arith.constant 640 : i32
    %mul3A_9 = arith.muli %arg1, %mul3A_8 : i32
    %add3A_10 = arith.constant 128 : i32
    %add3A_11 = arith.addi %mul3A_9, %add3A_10 : i32
    "tpu.region"() ({
      %run_scoped3A = tpu.sem_alloc : memref<!tpu.dma_semaphore, #tpu.memory_space<semaphore_mem>>
      %dma_start3A_106 = arith.constant 0 : i32
      %dma_start3A_107 = tpu.memref_slice %arg10[%add3A_11, %dma_start3A_106] : memref<10240x64xf32, #tpu.memory_space<vmem_shared>> -> memref<128x64xf32, #tpu.memory_space<vmem_shared>>
      %dma_start3A_108 = arith.constant 0 : i32
      %dma_start3A_109 = tpu.memref_slice %arg10[%add3A_11, %dma_start3A_108] : memref<10240x64xf32, #tpu.memory_space<vmem_shared>> -> memref<128x64xf32, #tpu.memory_space<vmem_shared>>
      tpu.enqueue_dma source(%arg9 : memref<128x64xf32, #tpu.memory_space<vmem>>) target(%dma_start3A_109 : memref<128x64xf32, #tpu.memory_space<vmem_shared>>) target_semaphore(%run_scoped3A : memref<!tpu.dma_semaphore, #tpu.memory_space<semaphore_mem>>)
      %dma_wait3A_110 = arith.constant 0 : i32
      %dma_wait3A_111 = tpu.memref_slice %arg10[%add3A_11, %dma_wait3A_110] : memref<10240x64xf32, #tpu.memory_space<vmem_shared>> -> memref<128x64xf32, #tpu.memory_space<vmem_shared>>
      %dma_wait3A_112 = arith.constant 0 : i32
      %dma_wait3A_113 = tpu.memref_slice %arg10[%add3A_11, %dma_wait3A_112] : memref<10240x64xf32, #tpu.memory_space<vmem_shared>> -> memref<128x64xf32, #tpu.memory_space<vmem_shared>>
      tpu.wait_dma2 semaphore(%run_scoped3A : memref<!tpu.dma_semaphore, #tpu.memory_space<semaphore_mem>>) src(%arg9 : memref<128x64xf32, #tpu.memory_space<vmem>>) dst(%dma_wait3A_113 : memref<128x64xf32, #tpu.memory_space<vmem_shared>>)
      tpu.yield
    }) : () -> ()
    %mul3A_12 = arith.constant 640 : i32
    %mul3A_13 = arith.muli %arg1, %mul3A_12 : i32
    %add3A_14 = arith.constant 256 : i32
    %add3A_15 = arith.addi %mul3A_13, %add3A_14 : i32
    "tpu.region"() ({
      %run_scoped3A = tpu.sem_alloc : memref<!tpu.dma_semaphore, #tpu.memory_space<semaphore_mem>>
      %dma_start3A_106 = arith.constant 0 : i32
      %dma_start3A_107 = tpu.memref_slice %arg10[%add3A_15, %dma_start3A_106] : memref<10240x64xf32, #tpu.memory_space<vmem_shared>> -> memref<128x64xf32, #tpu.memory_space<vmem_shared>>
      %dma_start3A_108 = arith.constant 0 : i32
      %dma_start3A_109 = tpu.memref_slice %arg10[%add3A_15, %dma_start3A_108] : memref<10240x64xf32, #tpu.memory_space<vmem_shared>> -> memref<128x64xf32, #tpu.memory_space<vmem_shared>>
      tpu.enqueue_dma source(%arg9 : memref<128x64xf32, #tpu.memory_space<vmem>>) target(%dma_start3A_109 : memref<128x64xf32, #tpu.memory_space<vmem_shared>>) target_semaphore(%run_scoped3A : memref<!tpu.dma_semaphore, #tpu.memory_space<semaphore_mem>>)
      %dma_wait3A_110 = arith.constant 0 : i32
      %dma_wait3A_111 = tpu.memref_slice %arg10[%add3A_15, %dma_wait3A_110] : memref<10240x64xf32, #tpu.memory_space<vmem_shared>> -> memref<128x64xf32, #tpu.memory_space<vmem_shared>>
      %dma_wait3A_112 = arith.constant 0 : i32
      %dma_wait3A_113 = tpu.memref_slice %arg10[%add3A_15, %dma_wait3A_112] : memref<10240x64xf32, #tpu.memory_space<vmem_shared>> -> memref<128x64xf32, #tpu.memory_space<vmem_shared>>
      tpu.wait_dma2 semaphore(%run_scoped3A : memref<!tpu.dma_semaphore, #tpu.memory_space<semaphore_mem>>) src(%arg9 : memref<128x64xf32, #tpu.memory_space<vmem>>) dst(%dma_wait3A_113 : memref<128x64xf32, #tpu.memory_space<vmem_shared>>)
      tpu.yield
    }) : () -> ()
    %mul3A_16 = arith.constant 640 : i32
    %mul3A_17 = arith.muli %arg1, %mul3A_16 : i32
    %add3A_18 = arith.constant 384 : i32
    %add3A_19 = arith.addi %mul3A_17, %add3A_18 : i32
    "tpu.region"() ({
      %run_scoped3A = tpu.sem_alloc : memref<!tpu.dma_semaphore, #tpu.memory_space<semaphore_mem>>
      %dma_start3A_106 = arith.constant 0 : i32
      %dma_start3A_107 = tpu.memref_slice %arg10[%add3A_19, %dma_start3A_106] : memref<10240x64xf32, #tpu.memory_space<vmem_shared>> -> memref<128x64xf32, #tpu.memory_space<vmem_shared>>
      %dma_start3A_108 = arith.constant 0 : i32
      %dma_start3A_109 = tpu.memref_slice %arg10[%add3A_19, %dma_start3A_108] : memref<10240x64xf32, #tpu.memory_space<vmem_shared>> -> memref<128x64xf32, #tpu.memory_space<vmem_shared>>
      tpu.enqueue_dma source(%arg9 : memref<128x64xf32, #tpu.memory_space<vmem>>) target(%dma_start3A_109 : memref<128x64xf32, #tpu.memory_space<vmem_shared>>) target_semaphore(%run_scoped3A : memref<!tpu.dma_semaphore, #tpu.memory_space<semaphore_mem>>)
      %dma_wait3A_110 = arith.constant 0 : i32
      %dma_wait3A_111 = tpu.memref_slice %arg10[%add3A_19, %dma_wait3A_110] : memref<10240x64xf32, #tpu.memory_space<vmem_shared>> -> memref<128x64xf32, #tpu.memory_space<vmem_shared>>
      %dma_wait3A_112 = arith.constant 0 : i32
      %dma_wait3A_113 = tpu.memref_slice %arg10[%add3A_19, %dma_wait3A_112] : memref<10240x64xf32, #tpu.memory_space<vmem_shared>> -> memref<128x64xf32, #tpu.memory_space<vmem_shared>>
      tpu.wait_dma2 semaphore(%run_scoped3A : memref<!tpu.dma_semaphore, #tpu.memory_space<semaphore_mem>>) src(%arg9 : memref<128x64xf32, #tpu.memory_space<vmem>>) dst(%dma_wait3A_113 : memref<128x64xf32, #tpu.memory_space<vmem_shared>>)
      tpu.yield
    }) : () -> ()
    %mul3A_20 = arith.constant 640 : i32
    %mul3A_21 = arith.muli %arg1, %mul3A_20 : i32
    %add3A_22 = arith.constant 512 : i32
    %add3A_23 = arith.addi %mul3A_21, %add3A_22 : i32
    "tpu.region"() ({
      %run_scoped3A = tpu.sem_alloc : memref<!tpu.dma_semaphore, #tpu.memory_space<semaphore_mem>>
      %dma_start3A_106 = arith.constant 0 : i32
      %dma_start3A_107 = tpu.memref_slice %arg10[%add3A_23, %dma_start3A_106] : memref<10240x64xf32, #tpu.memory_space<vmem_shared>> -> memref<128x64xf32, #tpu.memory_space<vmem_shared>>
      %dma_start3A_108 = arith.constant 0 : i32
      %dma_start3A_109 = tpu.memref_slice %arg10[%add3A_23, %dma_start3A_108] : memref<10240x64xf32, #tpu.memory_space<vmem_shared>> -> memref<128x64xf32, #tpu.memory_space<vmem_shared>>
      tpu.enqueue_dma source(%arg9 : memref<128x64xf32, #tpu.memory_space<vmem>>) target(%dma_start3A_109 : memref<128x64xf32, #tpu.memory_space<vmem_shared>>) target_semaphore(%run_scoped3A : memref<!tpu.dma_semaphore, #tpu.memory_space<semaphore_mem>>)
      %dma_wait3A_110 = arith.constant 0 : i32
      %dma_wait3A_111 = tpu.memref_slice %arg10[%add3A_23, %dma_wait3A_110] : memref<10240x64xf32, #tpu.memory_space<vmem_shared>> -> memref<128x64xf32, #tpu.memory_space<vmem_shared>>
      %dma_wait3A_112 = arith.constant 0 : i32
      %dma_wait3A_113 = tpu.memref_slice %arg10[%add3A_23, %dma_wait3A_112] : memref<10240x64xf32, #tpu.memory_space<vmem_shared>> -> memref<128x64xf32, #tpu.memory_space<vmem_shared>>
      tpu.wait_dma2 semaphore(%run_scoped3A : memref<!tpu.dma_semaphore, #tpu.memory_space<semaphore_mem>>) src(%arg9 : memref<128x64xf32, #tpu.memory_space<vmem>>) dst(%dma_wait3A_113 : memref<128x64xf32, #tpu.memory_space<vmem_shared>>)
      tpu.yield
    }) : () -> ()
    %barrier3A = arith.constant 0 : index
    tpu.barrier barrier_id(%barrier3A)
    %mul3A_24 = arith.constant 16 : i32
    %mul3A_25 = arith.muli %arg0, %mul3A_24 : i32
    %add3A_26 = arith.addi %mul3A_25, %arg1 : i32
    %mul3A_27 = arith.constant 78 : i32
    %mul3A_28 = arith.muli %add3A_26, %mul3A_27 : i32
    "tpu.region"() ({
      %run_scoped3A = tpu.sem_alloc : memref<!tpu.dma_semaphore, #tpu.memory_space<semaphore_mem>>
      %dma_start3A_106 = arith.constant 0 : i32
      %dma_start3A_107 = arith.constant 0 : i32
      %dma_start3A_108 = tpu.memref_slice %arg7[%dma_start3A_106, %dma_start3A_107] : memref<79x128xi32, #tpu.memory_space<vmem>> -> memref<78x128xi32, #tpu.memory_space<vmem>>
      %dma_start3A_109 = arith.constant 0 : i32
      %dma_start3A_110 = tpu.memref_slice %arg3[%mul3A_28, %dma_start3A_109] : memref<2500x128xi32, #tpu.memory_space<hbm>> -> memref<78x128xi32, #tpu.memory_space<hbm>>
      %dma_start3A_111 = arith.constant 0 : i32
      %dma_start3A_112 = arith.constant 0 : i32
      %dma_start3A_113 = tpu.memref_slice %arg7[%dma_start3A_111, %dma_start3A_112] : memref<79x128xi32, #tpu.memory_space<vmem>> -> memref<78x128xi32, #tpu.memory_space<vmem>>
      %dma_start3A_114 = arith.constant 0 : i32
      %dma_start3A_115 = tpu.memref_slice %arg3[%mul3A_28, %dma_start3A_114] : memref<2500x128xi32, #tpu.memory_space<hbm>> -> memref<78x128xi32, #tpu.memory_space<hbm>>
      tpu.enqueue_dma source(%dma_start3A_115 : memref<78x128xi32, #tpu.memory_space<hbm>>) target(%dma_start3A_113 : memref<78x128xi32, #tpu.memory_space<vmem>>) target_semaphore(%run_scoped3A : memref<!tpu.dma_semaphore, #tpu.memory_space<semaphore_mem>>)
      %dma_wait3A_116 = arith.constant 0 : i32
      %dma_wait3A_117 = arith.constant 0 : i32
      %dma_wait3A_118 = tpu.memref_slice %arg7[%dma_wait3A_116, %dma_wait3A_117] : memref<79x128xi32, #tpu.memory_space<vmem>> -> memref<78x128xi32, #tpu.memory_space<vmem>>
      %dma_wait3A_119 = arith.constant 0 : i32
      %dma_wait3A_120 = tpu.memref_slice %arg3[%mul3A_28, %dma_wait3A_119] : memref<2500x128xi32, #tpu.memory_space<hbm>> -> memref<78x128xi32, #tpu.memory_space<hbm>>
      %dma_wait3A_121 = arith.constant 0 : i32
      %dma_wait3A_122 = arith.constant 0 : i32
      %dma_wait3A_123 = tpu.memref_slice %arg7[%dma_wait3A_121, %dma_wait3A_122] : memref<79x128xi32, #tpu.memory_space<vmem>> -> memref<78x128xi32, #tpu.memory_space<vmem>>
      %dma_wait3A_124 = arith.constant 0 : i32
      %dma_wait3A_125 = tpu.memref_slice %arg3[%mul3A_28, %dma_wait3A_124] : memref<2500x128xi32, #tpu.memory_space<hbm>> -> memref<78x128xi32, #tpu.memory_space<hbm>>
      tpu.wait_dma2 semaphore(%run_scoped3A : memref<!tpu.dma_semaphore, #tpu.memory_space<semaphore_mem>>) src(%dma_wait3A_125 : memref<78x128xi32, #tpu.memory_space<hbm>>) dst(%dma_wait3A_123 : memref<78x128xi32, #tpu.memory_space<vmem>>)
      tpu.yield
    }) : () -> ()
    %mul3A_29 = arith.constant 128 : i32
    %mul3A_30 = arith.muli %mul3A_28, %mul3A_29 : i32
    %multiple_of3A = tpu.assume_multiple %mul3A_30, 128 : i32
    "tpu.region"() ({
      %run_scoped3A = tpu.sem_alloc : memref<!tpu.dma_semaphore, #tpu.memory_space<semaphore_mem>>
      %dma_start3A_106 = arith.constant 0 : i32
      %dma_start3A_107 = tpu.memref_slice %arg6[%dma_start3A_106] : memref<9984xi32, #tpu.memory_space<vmem>> -> memref<9984xi32, #tpu.memory_space<vmem>>
      %dma_start3A_108 = tpu.memref_slice %arg2[%multiple_of3A] : memref<320000xi32, #tpu.memory_space<hbm>> -> memref<9984xi32, #tpu.memory_space<hbm>>
      %dma_start3A_109 = arith.constant 0 : i32
      %dma_start3A_110 = tpu.memref_slice %arg6[%dma_start3A_109] : memref<9984xi32, #tpu.memory_space<vmem>> -> memref<9984xi32, #tpu.memory_space<vmem>>
      %dma_start3A_111 = tpu.memref_slice %arg2[%multiple_of3A] : memref<320000xi32, #tpu.memory_space<hbm>> -> memref<9984xi32, #tpu.memory_space<hbm>>
      tpu.enqueue_dma source(%dma_start3A_111 : memref<9984xi32, #tpu.memory_space<hbm>>) target(%dma_start3A_110 : memref<9984xi32, #tpu.memory_space<vmem>>) target_semaphore(%run_scoped3A : memref<!tpu.dma_semaphore, #tpu.memory_space<semaphore_mem>>)
      %dma_wait3A_112 = arith.constant 0 : i32
      %dma_wait3A_113 = tpu.memref_slice %arg6[%dma_wait3A_112] : memref<9984xi32, #tpu.memory_space<vmem>> -> memref<9984xi32, #tpu.memory_space<vmem>>
      %dma_wait3A_114 = tpu.memref_slice %arg2[%multiple_of3A] : memref<320000xi32, #tpu.memory_space<hbm>> -> memref<9984xi32, #tpu.memory_space<hbm>>
      %dma_wait3A_115 = arith.constant 0 : i32
      %dma_wait3A_116 = tpu.memref_slice %arg6[%dma_wait3A_115] : memref<9984xi32, #tpu.memory_space<vmem>> -> memref<9984xi32, #tpu.memory_space<vmem>>
      %dma_wait3A_117 = tpu.memref_slice %arg2[%multiple_of3A] : memref<320000xi32, #tpu.memory_space<hbm>> -> memref<9984xi32, #tpu.memory_space<hbm>>
      tpu.wait_dma2 semaphore(%run_scoped3A : memref<!tpu.dma_semaphore, #tpu.memory_space<semaphore_mem>>) src(%dma_wait3A_117 : memref<9984xi32, #tpu.memory_space<hbm>>) dst(%dma_wait3A_116 : memref<9984xi32, #tpu.memory_space<vmem>>)
      tpu.yield
    }) : () -> ()
    %multiple_of3A_31 = arith.constant 0 : i32
    %multiple_of3A_32 = tpu.assume_multiple %multiple_of3A_31, 128 : i32
    %dma_start3A = arith.constant 0 : i32
    %dma_start3A_33 = arith.constant 0 : i32
    %dma_start3A_34 = arith.constant 0 : i32
    %dma_start3A_35 = tpu.memref_slice %arg8[%dma_start3A, %dma_start3A_33, %dma_start3A_34] : memref<2x384x64xf32, #tpu.memory_space<vmem>> -> memref<1x128x64xf32, #tpu.memory_space<vmem>>
    %dma_start3A_36 = tpu.memref_squeeze %dma_start3A_35 : memref<1x128x64xf32, #tpu.memory_space<vmem>> -> memref<128x64xf32, #tpu.memory_space<vmem>>
    %dma_start3A_37 = tpu.memref_slice %arg6[%multiple_of3A_32] : memref<9984xi32, #tpu.memory_space<vmem>> -> memref<128xi32, #tpu.memory_space<vmem>>
    %dma_start3A_38 = arith.constant 0 : i32
    %dma_start3A_39 = arith.constant 0 : i32
    %dma_start3A_40 = tpu.memref_slice %arg4[%dma_start3A_38, %dma_start3A_39] : memref<10000x64xf32, #tpu.memory_space<hbm>> -> memref<10000x64xf32, #tpu.memory_space<hbm>>
    tpu.enqueue_indirect_dma source(%dma_start3A_40 : memref<10000x64xf32, #tpu.memory_space<hbm>>) target(%dma_start3A_36 : memref<128x64xf32, #tpu.memory_space<vmem>>) offsets(%dma_start3A_37 : memref<128xi32, #tpu.memory_space<vmem>>) semaphore(%arg11 : memref<!tpu.dma_semaphore, #tpu.memory_space<semaphore_mem>>)
    %multiple_of3A_41 = arith.constant 128 : i32
    %multiple_of3A_42 = tpu.assume_multiple %multiple_of3A_41, 128 : i32
    %dma_start3A_43 = arith.constant 0 : i32
    %dma_start3A_44 = arith.constant 128 : i32
    %dma_start3A_45 = arith.constant 0 : i32
    %dma_start3A_46 = tpu.memref_slice %arg8[%dma_start3A_43, %dma_start3A_44, %dma_start3A_45] : memref<2x384x64xf32, #tpu.memory_space<vmem>> -> memref<1x128x64xf32, #tpu.memory_space<vmem>>
    %dma_start3A_47 = tpu.memref_squeeze %dma_start3A_46 : memref<1x128x64xf32, #tpu.memory_space<vmem>> -> memref<128x64xf32, #tpu.memory_space<vmem>>
    %dma_start3A_48 = tpu.memref_slice %arg6[%multiple_of3A_42] : memref<9984xi32, #tpu.memory_space<vmem>> -> memref<128xi32, #tpu.memory_space<vmem>>
    %dma_start3A_49 = arith.constant 0 : i32
    %dma_start3A_50 = arith.constant 0 : i32
    %dma_start3A_51 = tpu.memref_slice %arg4[%dma_start3A_49, %dma_start3A_50] : memref<10000x64xf32, #tpu.memory_space<hbm>> -> memref<10000x64xf32, #tpu.memory_space<hbm>>
    tpu.enqueue_indirect_dma source(%dma_start3A_51 : memref<10000x64xf32, #tpu.memory_space<hbm>>) target(%dma_start3A_47 : memref<128x64xf32, #tpu.memory_space<vmem>>) offsets(%dma_start3A_48 : memref<128xi32, #tpu.memory_space<vmem>>) semaphore(%arg11 : memref<!tpu.dma_semaphore, #tpu.memory_space<semaphore_mem>>)
    %multiple_of3A_52 = arith.constant 256 : i32
    %multiple_of3A_53 = tpu.assume_multiple %multiple_of3A_52, 128 : i32
    %dma_start3A_54 = arith.constant 0 : i32
    %dma_start3A_55 = arith.constant 256 : i32
    %dma_start3A_56 = arith.constant 0 : i32
    %dma_start3A_57 = tpu.memref_slice %arg8[%dma_start3A_54, %dma_start3A_55, %dma_start3A_56] : memref<2x384x64xf32, #tpu.memory_space<vmem>> -> memref<1x128x64xf32, #tpu.memory_space<vmem>>
    %dma_start3A_58 = tpu.memref_squeeze %dma_start3A_57 : memref<1x128x64xf32, #tpu.memory_space<vmem>> -> memref<128x64xf32, #tpu.memory_space<vmem>>
    %dma_start3A_59 = tpu.memref_slice %arg6[%multiple_of3A_53] : memref<9984xi32, #tpu.memory_space<vmem>> -> memref<128xi32, #tpu.memory_space<vmem>>
    %dma_start3A_60 = arith.constant 0 : i32
    %dma_start3A_61 = arith.constant 0 : i32
    %dma_start3A_62 = tpu.memref_slice %arg4[%dma_start3A_60, %dma_start3A_61] : memref<10000x64xf32, #tpu.memory_space<hbm>> -> memref<10000x64xf32, #tpu.memory_space<hbm>>
    tpu.enqueue_indirect_dma source(%dma_start3A_62 : memref<10000x64xf32, #tpu.memory_space<hbm>>) target(%dma_start3A_58 : memref<128x64xf32, #tpu.memory_space<vmem>>) offsets(%dma_start3A_59 : memref<128xi32, #tpu.memory_space<vmem>>) semaphore(%arg11 : memref<!tpu.dma_semaphore, #tpu.memory_space<semaphore_mem>>)
    %scan3A_63 = arith.constant 0 : i32
    %scan3A_64 = arith.constant 0 : i32
    %scan3A_65 = arith.constant 13 : i32
    %scan3A_66 = arith.addi %scan3A_64, %scan3A_65 : i32
    %scan3A_67 = arith.constant 1 : i32
    %scan3A_68 = scf.for %scan3A_106 = %scan3A_64 to %scan3A_66 step %scan3A_67 iter_args(%scan3A_107 = %scan3A_63) -> (i32)  : i32 {
      %mul3A_108 = arith.constant 2 : i32
      %mul3A_109 = arith.muli %mul3A_108, %scan3A_106 : i32
      %add3A_110 = arith.constant 0 : i32
      %add3A_111 = arith.addi %mul3A_109, %add3A_110 : i32
      %add3A_112 = arith.constant 1 : i32
      %add3A_113 = arith.addi %add3A_111, %add3A_112 : i32
      %lt3A_114 = arith.constant 26 : i32
      %lt3A_115 = arith.cmpi slt, %add3A_113, %lt3A_114 : i32
      %convert_element_type3A_116 = arith.extui %lt3A_115 : i1 to i32
      %cond3A_117 = arith.constant 0 : i32
      %cond3A_118 = arith.cmpi ne, %convert_element_type3A_116, %cond3A_117 : i32
      scf.if %cond3A_118 {
        %ge3A = arith.constant 1 : i32
        %ge3A_251 = arith.cmpi sge, %add3A_111, %ge3A : i32
        %convert_element_type3A_252 = arith.extui %ge3A_251 : i1 to i32
        %cond3A_253 = arith.constant 0 : i32
        %cond3A_254 = arith.cmpi ne, %convert_element_type3A_252, %cond3A_253 : i32
        scf.if %cond3A_254 {
          %dma_wait3A_305 = arith.constant 1 : i32
          %dma_wait3A_306 = arith.constant 0 : i32
          %dma_wait3A_307 = arith.constant 0 : i32
          %dma_wait3A_308 = tpu.memref_slice %arg8[%dma_wait3A_305, %dma_wait3A_306, %dma_wait3A_307] : memref<2x384x64xf32, #tpu.memory_space<vmem>> -> memref<1x384x64xf32, #tpu.memory_space<vmem>>
          %dma_wait3A_309 = tpu.memref_squeeze %dma_wait3A_308 : memref<1x384x64xf32, #tpu.memory_space<vmem>> -> memref<384x64xf32, #tpu.memory_space<vmem>>
          %dma_wait3A_310 = arith.constant 0 : i32
          %dma_wait3A_311 = arith.constant 0 : i32
          %dma_wait3A_312 = tpu.memref_slice %arg10[%dma_wait3A_310, %dma_wait3A_311] : memref<10240x64xf32, #tpu.memory_space<vmem_shared>> -> memref<384x64xf32, #tpu.memory_space<vmem_shared>>
          %dma_wait3A_313 = arith.constant 0 : i32
          %dma_wait3A_314 = arith.constant 0 : i32
          %dma_wait3A_315 = tpu.memref_slice %arg10[%dma_wait3A_313, %dma_wait3A_314] : memref<10240x64xf32, #tpu.memory_space<vmem_shared>> -> memref<384x64xf32, #tpu.memory_space<vmem_shared>>
          %dma_wait3A_316 = arith.constant 0 : i32
          %dma_wait3A_317 = arith.constant 0 : i32
          %dma_wait3A_318 = tpu.memref_slice %arg8[%dma_wait3A_305, %dma_wait3A_316, %dma_wait3A_317] : memref<2x384x64xf32, #tpu.memory_space<vmem>> -> memref<1x384x64xf32, #tpu.memory_space<vmem>>
          %dma_wait3A_319 = tpu.memref_squeeze %dma_wait3A_318 : memref<1x384x64xf32, #tpu.memory_space<vmem>> -> memref<384x64xf32, #tpu.memory_space<vmem>>
          tpu.wait_dma2 semaphore(%arg14 : memref<!tpu.dma_semaphore, #tpu.memory_space<semaphore_mem>>) src(%dma_wait3A_319 : memref<384x64xf32, #tpu.memory_space<vmem>>) dst(%dma_wait3A_315 : memref<384x64xf32, #tpu.memory_space<vmem_shared>>)
        } else {
        }
        %add3A_255 = arith.constant 1 : i32
        %add3A_256 = arith.addi %add3A_111, %add3A_255 : i32
        %mul3A_257 = arith.constant 3 : i32
        %mul3A_258 = arith.muli %add3A_256, %mul3A_257 : i32
        %add3A_259 = arith.constant 0 : i32
        %add3A_260 = arith.addi %mul3A_258, %add3A_259 : i32
        %mul3A_261 = arith.constant 128 : i32
        %mul3A_262 = arith.muli %add3A_260, %mul3A_261 : i32
        %multiple_of3A_263 = tpu.assume_multiple %mul3A_262, 128 : i32
        %dma_start3A_264 = arith.constant 1 : i32
        %dma_start3A_265 = arith.constant 0 : i32
        %dma_start3A_266 = arith.constant 0 : i32
        %dma_start3A_267 = tpu.memref_slice %arg8[%dma_start3A_264, %dma_start3A_265, %dma_start3A_266] : memref<2x384x64xf32, #tpu.memory_space<vmem>> -> memref<1x128x64xf32, #tpu.memory_space<vmem>>
        %dma_start3A_268 = tpu.memref_squeeze %dma_start3A_267 : memref<1x128x64xf32, #tpu.memory_space<vmem>> -> memref<128x64xf32, #tpu.memory_space<vmem>>
        %dma_start3A_269 = tpu.memref_slice %arg6[%multiple_of3A_263] : memref<9984xi32, #tpu.memory_space<vmem>> -> memref<128xi32, #tpu.memory_space<vmem>>
        %dma_start3A_270 = arith.constant 0 : i32
        %dma_start3A_271 = arith.constant 0 : i32
        %dma_start3A_272 = tpu.memref_slice %arg4[%dma_start3A_270, %dma_start3A_271] : memref<10000x64xf32, #tpu.memory_space<hbm>> -> memref<10000x64xf32, #tpu.memory_space<hbm>>
        tpu.enqueue_indirect_dma source(%dma_start3A_272 : memref<10000x64xf32, #tpu.memory_space<hbm>>) target(%dma_start3A_268 : memref<128x64xf32, #tpu.memory_space<vmem>>) offsets(%dma_start3A_269 : memref<128xi32, #tpu.memory_space<vmem>>) semaphore(%arg12 : memref<!tpu.dma_semaphore, #tpu.memory_space<semaphore_mem>>)
        %mul3A_273 = arith.constant 3 : i32
        %mul3A_274 = arith.muli %add3A_256, %mul3A_273 : i32
        %add3A_275 = arith.constant 1 : i32
        %add3A_276 = arith.addi %mul3A_274, %add3A_275 : i32
        %mul3A_277 = arith.constant 128 : i32
        %mul3A_278 = arith.muli %add3A_276, %mul3A_277 : i32
        %multiple_of3A_279 = tpu.assume_multiple %mul3A_278, 128 : i32
        %dma_start3A_280 = arith.constant 1 : i32
        %dma_start3A_281 = arith.constant 128 : i32
        %dma_start3A_282 = arith.constant 0 : i32
        %dma_start3A_283 = tpu.memref_slice %arg8[%dma_start3A_280, %dma_start3A_281, %dma_start3A_282] : memref<2x384x64xf32, #tpu.memory_space<vmem>> -> memref<1x128x64xf32, #tpu.memory_space<vmem>>
        %dma_start3A_284 = tpu.memref_squeeze %dma_start3A_283 : memref<1x128x64xf32, #tpu.memory_space<vmem>> -> memref<128x64xf32, #tpu.memory_space<vmem>>
        %dma_start3A_285 = tpu.memref_slice %arg6[%multiple_of3A_279] : memref<9984xi32, #tpu.memory_space<vmem>> -> memref<128xi32, #tpu.memory_space<vmem>>
        %dma_start3A_286 = arith.constant 0 : i32
        %dma_start3A_287 = arith.constant 0 : i32
        %dma_start3A_288 = tpu.memref_slice %arg4[%dma_start3A_286, %dma_start3A_287] : memref<10000x64xf32, #tpu.memory_space<hbm>> -> memref<10000x64xf32, #tpu.memory_space<hbm>>
        tpu.enqueue_indirect_dma source(%dma_start3A_288 : memref<10000x64xf32, #tpu.memory_space<hbm>>) target(%dma_start3A_284 : memref<128x64xf32, #tpu.memory_space<vmem>>) offsets(%dma_start3A_285 : memref<128xi32, #tpu.memory_space<vmem>>) semaphore(%arg12 : memref<!tpu.dma_semaphore, #tpu.memory_space<semaphore_mem>>)
        %mul3A_289 = arith.constant 3 : i32
        %mul3A_290 = arith.muli %add3A_256, %mul3A_289 : i32
        %add3A_291 = arith.constant 2 : i32
        %add3A_292 = arith.addi %mul3A_290, %add3A_291 : i32
        %mul3A_293 = arith.constant 128 : i32
        %mul3A_294 = arith.muli %add3A_292, %mul3A_293 : i32
        %multiple_of3A_295 = tpu.assume_multiple %mul3A_294, 128 : i32
        %dma_start3A_296 = arith.constant 1 : i32
        %dma_start3A_297 = arith.constant 256 : i32
        %dma_start3A_298 = arith.constant 0 : i32
        %dma_start3A_299 = tpu.memref_slice %arg8[%dma_start3A_296, %dma_start3A_297, %dma_start3A_298] : memref<2x384x64xf32, #tpu.memory_space<vmem>> -> memref<1x128x64xf32, #tpu.memory_space<vmem>>
        %dma_start3A_300 = tpu.memref_squeeze %dma_start3A_299 : memref<1x128x64xf32, #tpu.memory_space<vmem>> -> memref<128x64xf32, #tpu.memory_space<vmem>>
        %dma_start3A_301 = tpu.memref_slice %arg6[%multiple_of3A_295] : memref<9984xi32, #tpu.memory_space<vmem>> -> memref<128xi32, #tpu.memory_space<vmem>>
        %dma_start3A_302 = arith.constant 0 : i32
        %dma_start3A_303 = arith.constant 0 : i32
        %dma_start3A_304 = tpu.memref_slice %arg4[%dma_start3A_302, %dma_start3A_303] : memref<10000x64xf32, #tpu.memory_space<hbm>> -> memref<10000x64xf32, #tpu.memory_space<hbm>>
        tpu.enqueue_indirect_dma source(%dma_start3A_304 : memref<10000x64xf32, #tpu.memory_space<hbm>>) target(%dma_start3A_300 : memref<128x64xf32, #tpu.memory_space<vmem>>) offsets(%dma_start3A_301 : memref<128xi32, #tpu.memory_space<vmem>>) semaphore(%arg12 : memref<!tpu.dma_semaphore, #tpu.memory_space<semaphore_mem>>)
      } else {
      }
      %dma_wait3A_119 = arith.constant 0 : i32
      %dma_wait3A_120 = arith.constant 0 : i32
      %dma_wait3A_121 = arith.constant 0 : i32
      %dma_wait3A_122 = tpu.memref_slice %arg8[%dma_wait3A_119, %dma_wait3A_120, %dma_wait3A_121] : memref<2x384x64xf32, #tpu.memory_space<vmem>> -> memref<1x384x64xf32, #tpu.memory_space<vmem>>
      %dma_wait3A_123 = tpu.memref_squeeze %dma_wait3A_122 : memref<1x384x64xf32, #tpu.memory_space<vmem>> -> memref<384x64xf32, #tpu.memory_space<vmem>>
      %dma_wait3A_124 = arith.constant 0 : i32
      %dma_wait3A_125 = arith.constant 0 : i32
      %dma_wait3A_126 = tpu.memref_slice %arg4[%dma_wait3A_124, %dma_wait3A_125] : memref<10000x64xf32, #tpu.memory_space<hbm>> -> memref<384x64xf32, #tpu.memory_space<hbm>>
      %dma_wait3A_127 = arith.constant 0 : i32
      %dma_wait3A_128 = arith.constant 0 : i32
      %dma_wait3A_129 = tpu.memref_slice %arg8[%dma_wait3A_119, %dma_wait3A_127, %dma_wait3A_128] : memref<2x384x64xf32, #tpu.memory_space<vmem>> -> memref<1x384x64xf32, #tpu.memory_space<vmem>>
      %dma_wait3A_130 = tpu.memref_squeeze %dma_wait3A_129 : memref<1x384x64xf32, #tpu.memory_space<vmem>> -> memref<384x64xf32, #tpu.memory_space<vmem>>
      %dma_wait3A_131 = arith.constant 0 : i32
      %dma_wait3A_132 = arith.constant 0 : i32
      %dma_wait3A_133 = tpu.memref_slice %arg4[%dma_wait3A_131, %dma_wait3A_132] : memref<10000x64xf32, #tpu.memory_space<hbm>> -> memref<384x64xf32, #tpu.memory_space<hbm>>
      tpu.wait_dma2 semaphore(%arg11 : memref<!tpu.dma_semaphore, #tpu.memory_space<semaphore_mem>>) src(%dma_wait3A_133 : memref<384x64xf32, #tpu.memory_space<hbm>>) dst(%dma_wait3A_130 : memref<384x64xf32, #tpu.memory_space<vmem>>)
      %mul3A_134 = arith.constant 3 : i32
      %mul3A_135 = arith.muli %add3A_111, %mul3A_134 : i32
      %add3A_136 = arith.constant 0 : i32
      %add3A_137 = arith.addi %mul3A_135, %add3A_136 : i32
      %dma_start3A_138 = arith.constant 0 : i32
      %dma_start3A_139 = arith.constant 0 : i32
      %dma_start3A_140 = arith.constant 0 : i32
      %dma_start3A_141 = tpu.memref_slice %arg8[%dma_start3A_138, %dma_start3A_139, %dma_start3A_140] : memref<2x384x64xf32, #tpu.memory_space<vmem>> -> memref<1x128x64xf32, #tpu.memory_space<vmem>>
      %dma_start3A_142 = tpu.memref_squeeze %dma_start3A_141 : memref<1x128x64xf32, #tpu.memory_space<vmem>> -> memref<128x64xf32, #tpu.memory_space<vmem>>
      %dma_start3A_143 = arith.constant 0 : i32
      %dma_start3A_144 = tpu.memref_slice %arg7[%add3A_137, %dma_start3A_143] : memref<79x128xi32, #tpu.memory_space<vmem>> -> memref<1x128xi32, #tpu.memory_space<vmem>>
      %dma_start3A_145 = tpu.memref_squeeze %dma_start3A_144 : memref<1x128xi32, #tpu.memory_space<vmem>> -> memref<128xi32, #tpu.memory_space<vmem>>
      %dma_start3A_146 = arith.constant 0 : i32
      %dma_start3A_147 = arith.constant 0 : i32
      %dma_start3A_148 = tpu.memref_slice %arg10[%dma_start3A_146, %dma_start3A_147] : memref<10240x64xf32, #tpu.memory_space<vmem_shared>> -> memref<10240x64xf32, #tpu.memory_space<vmem_shared>>
      tpu.enqueue_indirect_dma source(%dma_start3A_142 : memref<128x64xf32, #tpu.memory_space<vmem>>) target(%dma_start3A_148 : memref<10240x64xf32, #tpu.memory_space<vmem_shared>>) offsets(%dma_start3A_145 : memref<128xi32, #tpu.memory_space<vmem>>) semaphore(%arg13 : memref<!tpu.dma_semaphore, #tpu.memory_space<semaphore_mem>>) {add = true}
      %mul3A_149 = arith.constant 3 : i32
      %mul3A_150 = arith.muli %add3A_111, %mul3A_149 : i32
      %add3A_151 = arith.constant 1 : i32
      %add3A_152 = arith.addi %mul3A_150, %add3A_151 : i32
      %dma_start3A_153 = arith.constant 0 : i32
      %dma_start3A_154 = arith.constant 128 : i32
      %dma_start3A_155 = arith.constant 0 : i32
      %dma_start3A_156 = tpu.memref_slice %arg8[%dma_start3A_153, %dma_start3A_154, %dma_start3A_155] : memref<2x384x64xf32, #tpu.memory_space<vmem>> -> memref<1x128x64xf32, #tpu.memory_space<vmem>>
      %dma_start3A_157 = tpu.memref_squeeze %dma_start3A_156 : memref<1x128x64xf32, #tpu.memory_space<vmem>> -> memref<128x64xf32, #tpu.memory_space<vmem>>
      %dma_start3A_158 = arith.constant 0 : i32
      %dma_start3A_159 = tpu.memref_slice %arg7[%add3A_152, %dma_start3A_158] : memref<79x128xi32, #tpu.memory_space<vmem>> -> memref<1x128xi32, #tpu.memory_space<vmem>>
      %dma_start3A_160 = tpu.memref_squeeze %dma_start3A_159 : memref<1x128xi32, #tpu.memory_space<vmem>> -> memref<128xi32, #tpu.memory_space<vmem>>
      %dma_start3A_161 = arith.constant 0 : i32
      %dma_start3A_162 = arith.constant 0 : i32
      %dma_start3A_163 = tpu.memref_slice %arg10[%dma_start3A_161, %dma_start3A_162] : memref<10240x64xf32, #tpu.memory_space<vmem_shared>> -> memref<10240x64xf32, #tpu.memory_space<vmem_shared>>
      tpu.enqueue_indirect_dma source(%dma_start3A_157 : memref<128x64xf32, #tpu.memory_space<vmem>>) target(%dma_start3A_163 : memref<10240x64xf32, #tpu.memory_space<vmem_shared>>) offsets(%dma_start3A_160 : memref<128xi32, #tpu.memory_space<vmem>>) semaphore(%arg13 : memref<!tpu.dma_semaphore, #tpu.memory_space<semaphore_mem>>) {add = true}
      %mul3A_164 = arith.constant 3 : i32
      %mul3A_165 = arith.muli %add3A_111, %mul3A_164 : i32
      %add3A_166 = arith.constant 2 : i32
      %add3A_167 = arith.addi %mul3A_165, %add3A_166 : i32
      %dma_start3A_168 = arith.constant 0 : i32
      %dma_start3A_169 = arith.constant 256 : i32
      %dma_start3A_170 = arith.constant 0 : i32
      %dma_start3A_171 = tpu.memref_slice %arg8[%dma_start3A_168, %dma_start3A_169, %dma_start3A_170] : memref<2x384x64xf32, #tpu.memory_space<vmem>> -> memref<1x128x64xf32, #tpu.memory_space<vmem>>
      %dma_start3A_172 = tpu.memref_squeeze %dma_start3A_171 : memref<1x128x64xf32, #tpu.memory_space<vmem>> -> memref<128x64xf32, #tpu.memory_space<vmem>>
      %dma_start3A_173 = arith.constant 0 : i32
      %dma_start3A_174 = tpu.memref_slice %arg7[%add3A_167, %dma_start3A_173] : memref<79x128xi32, #tpu.memory_space<vmem>> -> memref<1x128xi32, #tpu.memory_space<vmem>>
      %dma_start3A_175 = tpu.memref_squeeze %dma_start3A_174 : memref<1x128xi32, #tpu.memory_space<vmem>> -> memref<128xi32, #tpu.memory_space<vmem>>
      %dma_start3A_176 = arith.constant 0 : i32
      %dma_start3A_177 = arith.constant 0 : i32
      %dma_start3A_178 = tpu.memref_slice %arg10[%dma_start3A_176, %dma_start3A_177] : memref<10240x64xf32, #tpu.memory_space<vmem_shared>> -> memref<10240x64xf32, #tpu.memory_space<vmem_shared>>
      tpu.enqueue_indirect_dma source(%dma_start3A_172 : memref<128x64xf32, #tpu.memory_space<vmem>>) target(%dma_start3A_178 : memref<10240x64xf32, #tpu.memory_space<vmem_shared>>) offsets(%dma_start3A_175 : memref<128xi32, #tpu.memory_space<vmem>>) semaphore(%arg13 : memref<!tpu.dma_semaphore, #tpu.memory_space<semaphore_mem>>) {add = true}
      %mul3A_179 = arith.constant 2 : i32
      %mul3A_180 = arith.muli %mul3A_179, %scan3A_106 : i32
      %add3A_181 = arith.constant 1 : i32
      %add3A_182 = arith.addi %mul3A_180, %add3A_181 : i32
      %add3A_183 = arith.constant 1 : i32
      %add3A_184 = arith.addi %add3A_182, %add3A_183 : i32
      %lt3A_185 = arith.constant 26 : i32
      %lt3A_186 = arith.cmpi slt, %add3A_184, %lt3A_185 : i32
      %convert_element_type3A_187 = arith.extui %lt3A_186 : i1 to i32
      %cond3A_188 = arith.constant 0 : i32
      %cond3A_189 = arith.cmpi ne, %convert_element_type3A_187, %cond3A_188 : i32
      scf.if %cond3A_189 {
        %ge3A = arith.constant 1 : i32
        %ge3A_251 = arith.cmpi sge, %add3A_182, %ge3A : i32
        %convert_element_type3A_252 = arith.extui %ge3A_251 : i1 to i32
        %cond3A_253 = arith.constant 0 : i32
        %cond3A_254 = arith.cmpi ne, %convert_element_type3A_252, %cond3A_253 : i32
        scf.if %cond3A_254 {
          %dma_wait3A_305 = arith.constant 0 : i32
          %dma_wait3A_306 = arith.constant 0 : i32
          %dma_wait3A_307 = arith.constant 0 : i32
          %dma_wait3A_308 = tpu.memref_slice %arg8[%dma_wait3A_305, %dma_wait3A_306, %dma_wait3A_307] : memref<2x384x64xf32, #tpu.memory_space<vmem>> -> memref<1x384x64xf32, #tpu.memory_space<vmem>>
          %dma_wait3A_309 = tpu.memref_squeeze %dma_wait3A_308 : memref<1x384x64xf32, #tpu.memory_space<vmem>> -> memref<384x64xf32, #tpu.memory_space<vmem>>
          %dma_wait3A_310 = arith.constant 0 : i32
          %dma_wait3A_311 = arith.constant 0 : i32
          %dma_wait3A_312 = tpu.memref_slice %arg10[%dma_wait3A_310, %dma_wait3A_311] : memref<10240x64xf32, #tpu.memory_space<vmem_shared>> -> memref<384x64xf32, #tpu.memory_space<vmem_shared>>
          %dma_wait3A_313 = arith.constant 0 : i32
          %dma_wait3A_314 = arith.constant 0 : i32
          %dma_wait3A_315 = tpu.memref_slice %arg10[%dma_wait3A_313, %dma_wait3A_314] : memref<10240x64xf32, #tpu.memory_space<vmem_shared>> -> memref<384x64xf32, #tpu.memory_space<vmem_shared>>
          %dma_wait3A_316 = arith.constant 0 : i32
          %dma_wait3A_317 = arith.constant 0 : i32
          %dma_wait3A_318 = tpu.memref_slice %arg8[%dma_wait3A_305, %dma_wait3A_316, %dma_wait3A_317] : memref<2x384x64xf32, #tpu.memory_space<vmem>> -> memref<1x384x64xf32, #tpu.memory_space<vmem>>
          %dma_wait3A_319 = tpu.memref_squeeze %dma_wait3A_318 : memref<1x384x64xf32, #tpu.memory_space<vmem>> -> memref<384x64xf32, #tpu.memory_space<vmem>>
          tpu.wait_dma2 semaphore(%arg13 : memref<!tpu.dma_semaphore, #tpu.memory_space<semaphore_mem>>) src(%dma_wait3A_319 : memref<384x64xf32, #tpu.memory_space<vmem>>) dst(%dma_wait3A_315 : memref<384x64xf32, #tpu.memory_space<vmem_shared>>)
        } else {
        }
        %add3A_255 = arith.constant 1 : i32
        %add3A_256 = arith.addi %add3A_182, %add3A_255 : i32
        %mul3A_257 = arith.constant 3 : i32
        %mul3A_258 = arith.muli %add3A_256, %mul3A_257 : i32
        %add3A_259 = arith.constant 0 : i32
        %add3A_260 = arith.addi %mul3A_258, %add3A_259 : i32
        %mul3A_261 = arith.constant 128 : i32
        %mul3A_262 = arith.muli %add3A_260, %mul3A_261 : i32
        %multiple_of3A_263 = tpu.assume_multiple %mul3A_262, 128 : i32
        %dma_start3A_264 = arith.constant 0 : i32
        %dma_start3A_265 = arith.constant 0 : i32
        %dma_start3A_266 = arith.constant 0 : i32
        %dma_start3A_267 = tpu.memref_slice %arg8[%dma_start3A_264, %dma_start3A_265, %dma_start3A_266] : memref<2x384x64xf32, #tpu.memory_space<vmem>> -> memref<1x128x64xf32, #tpu.memory_space<vmem>>
        %dma_start3A_268 = tpu.memref_squeeze %dma_start3A_267 : memref<1x128x64xf32, #tpu.memory_space<vmem>> -> memref<128x64xf32, #tpu.memory_space<vmem>>
        %dma_start3A_269 = tpu.memref_slice %arg6[%multiple_of3A_263] : memref<9984xi32, #tpu.memory_space<vmem>> -> memref<128xi32, #tpu.memory_space<vmem>>
        %dma_start3A_270 = arith.constant 0 : i32
        %dma_start3A_271 = arith.constant 0 : i32
        %dma_start3A_272 = tpu.memref_slice %arg4[%dma_start3A_270, %dma_start3A_271] : memref<10000x64xf32, #tpu.memory_space<hbm>> -> memref<10000x64xf32, #tpu.memory_space<hbm>>
        tpu.enqueue_indirect_dma source(%dma_start3A_272 : memref<10000x64xf32, #tpu.memory_space<hbm>>) target(%dma_start3A_268 : memref<128x64xf32, #tpu.memory_space<vmem>>) offsets(%dma_start3A_269 : memref<128xi32, #tpu.memory_space<vmem>>) semaphore(%arg11 : memref<!tpu.dma_semaphore, #tpu.memory_space<semaphore_mem>>)
        %mul3A_273 = arith.constant 3 : i32
        %mul3A_274 = arith.muli %add3A_256, %mul3A_273 : i32
        %add3A_275 = arith.constant 1 : i32
        %add3A_276 = arith.addi %mul3A_274, %add3A_275 : i32
        %mul3A_277 = arith.constant 128 : i32
        %mul3A_278 = arith.muli %add3A_276, %mul3A_277 : i32
        %multiple_of3A_279 = tpu.assume_multiple %mul3A_278, 128 : i32
        %dma_start3A_280 = arith.constant 0 : i32
        %dma_start3A_281 = arith.constant 128 : i32
        %dma_start3A_282 = arith.constant 0 : i32
        %dma_start3A_283 = tpu.memref_slice %arg8[%dma_start3A_280, %dma_start3A_281, %dma_start3A_282] : memref<2x384x64xf32, #tpu.memory_space<vmem>> -> memref<1x128x64xf32, #tpu.memory_space<vmem>>
        %dma_start3A_284 = tpu.memref_squeeze %dma_start3A_283 : memref<1x128x64xf32, #tpu.memory_space<vmem>> -> memref<128x64xf32, #tpu.memory_space<vmem>>
        %dma_start3A_285 = tpu.memref_slice %arg6[%multiple_of3A_279] : memref<9984xi32, #tpu.memory_space<vmem>> -> memref<128xi32, #tpu.memory_space<vmem>>
        %dma_start3A_286 = arith.constant 0 : i32
        %dma_start3A_287 = arith.constant 0 : i32
        %dma_start3A_288 = tpu.memref_slice %arg4[%dma_start3A_286, %dma_start3A_287] : memref<10000x64xf32, #tpu.memory_space<hbm>> -> memref<10000x64xf32, #tpu.memory_space<hbm>>
        tpu.enqueue_indirect_dma source(%dma_start3A_288 : memref<10000x64xf32, #tpu.memory_space<hbm>>) target(%dma_start3A_284 : memref<128x64xf32, #tpu.memory_space<vmem>>) offsets(%dma_start3A_285 : memref<128xi32, #tpu.memory_space<vmem>>) semaphore(%arg11 : memref<!tpu.dma_semaphore, #tpu.memory_space<semaphore_mem>>)
        %mul3A_289 = arith.constant 3 : i32
        %mul3A_290 = arith.muli %add3A_256, %mul3A_289 : i32
        %add3A_291 = arith.constant 2 : i32
        %add3A_292 = arith.addi %mul3A_290, %add3A_291 : i32
        %mul3A_293 = arith.constant 128 : i32
        %mul3A_294 = arith.muli %add3A_292, %mul3A_293 : i32
        %multiple_of3A_295 = tpu.assume_multiple %mul3A_294, 128 : i32
        %dma_start3A_296 = arith.constant 0 : i32
        %dma_start3A_297 = arith.constant 256 : i32
        %dma_start3A_298 = arith.constant 0 : i32
        %dma_start3A_299 = tpu.memref_slice %arg8[%dma_start3A_296, %dma_start3A_297, %dma_start3A_298] : memref<2x384x64xf32, #tpu.memory_space<vmem>> -> memref<1x128x64xf32, #tpu.memory_space<vmem>>
        %dma_start3A_300 = tpu.memref_squeeze %dma_start3A_299 : memref<1x128x64xf32, #tpu.memory_space<vmem>> -> memref<128x64xf32, #tpu.memory_space<vmem>>
        %dma_start3A_301 = tpu.memref_slice %arg6[%multiple_of3A_295] : memref<9984xi32, #tpu.memory_space<vmem>> -> memref<128xi32, #tpu.memory_space<vmem>>
        %dma_start3A_302 = arith.constant 0 : i32
        %dma_start3A_303 = arith.constant 0 : i32
        %dma_start3A_304 = tpu.memref_slice %arg4[%dma_start3A_302, %dma_start3A_303] : memref<10000x64xf32, #tpu.memory_space<hbm>> -> memref<10000x64xf32, #tpu.memory_space<hbm>>
        tpu.enqueue_indirect_dma source(%dma_start3A_304 : memref<10000x64xf32, #tpu.memory_space<hbm>>) target(%dma_start3A_300 : memref<128x64xf32, #tpu.memory_space<vmem>>) offsets(%dma_start3A_301 : memref<128xi32, #tpu.memory_space<vmem>>) semaphore(%arg11 : memref<!tpu.dma_semaphore, #tpu.memory_space<semaphore_mem>>)
      } else {
      }
      %dma_wait3A_190 = arith.constant 1 : i32
      %dma_wait3A_191 = arith.constant 0 : i32
      %dma_wait3A_192 = arith.constant 0 : i32
      %dma_wait3A_193 = tpu.memref_slice %arg8[%dma_wait3A_190, %dma_wait3A_191, %dma_wait3A_192] : memref<2x384x64xf32, #tpu.memory_space<vmem>> -> memref<1x384x64xf32, #tpu.memory_space<vmem>>
      %dma_wait3A_194 = tpu.memref_squeeze %dma_wait3A_193 : memref<1x384x64xf32, #tpu.memory_space<vmem>> -> memref<384x64xf32, #tpu.memory_space<vmem>>
      %dma_wait3A_195 = arith.constant 0 : i32
      %dma_wait3A_196 = arith.constant 0 : i32
      %dma_wait3A_197 = tpu.memref_slice %arg4[%dma_wait3A_195, %dma_wait3A_196] : memref<10000x64xf32, #tpu.memory_space<hbm>> -> memref<384x64xf32, #tpu.memory_space<hbm>>
      %dma_wait3A_198 = arith.constant 0 : i32
      %dma_wait3A_199 = arith.constant 0 : i32
      %dma_wait3A_200 = tpu.memref_slice %arg8[%dma_wait3A_190, %dma_wait3A_198, %dma_wait3A_199] : memref<2x384x64xf32, #tpu.memory_space<vmem>> -> memref<1x384x64xf32, #tpu.memory_space<vmem>>
      %dma_wait3A_201 = tpu.memref_squeeze %dma_wait3A_200 : memref<1x384x64xf32, #tpu.memory_space<vmem>> -> memref<384x64xf32, #tpu.memory_space<vmem>>
      %dma_wait3A_202 = arith.constant 0 : i32
      %dma_wait3A_203 = arith.constant 0 : i32
      %dma_wait3A_204 = tpu.memref_slice %arg4[%dma_wait3A_202, %dma_wait3A_203] : memref<10000x64xf32, #tpu.memory_space<hbm>> -> memref<384x64xf32, #tpu.memory_space<hbm>>
      tpu.wait_dma2 semaphore(%arg12 : memref<!tpu.dma_semaphore, #tpu.memory_space<semaphore_mem>>) src(%dma_wait3A_204 : memref<384x64xf32, #tpu.memory_space<hbm>>) dst(%dma_wait3A_201 : memref<384x64xf32, #tpu.memory_space<vmem>>)
      %mul3A_205 = arith.constant 3 : i32
      %mul3A_206 = arith.muli %add3A_182, %mul3A_205 : i32
      %add3A_207 = arith.constant 0 : i32
      %add3A_208 = arith.addi %mul3A_206, %add3A_207 : i32
      %dma_start3A_209 = arith.constant 1 : i32
      %dma_start3A_210 = arith.constant 0 : i32
      %dma_start3A_211 = arith.constant 0 : i32
      %dma_start3A_212 = tpu.memref_slice %arg8[%dma_start3A_209, %dma_start3A_210, %dma_start3A_211] : memref<2x384x64xf32, #tpu.memory_space<vmem>> -> memref<1x128x64xf32, #tpu.memory_space<vmem>>
      %dma_start3A_213 = tpu.memref_squeeze %dma_start3A_212 : memref<1x128x64xf32, #tpu.memory_space<vmem>> -> memref<128x64xf32, #tpu.memory_space<vmem>>
      %dma_start3A_214 = arith.constant 0 : i32
      %dma_start3A_215 = tpu.memref_slice %arg7[%add3A_208, %dma_start3A_214] : memref<79x128xi32, #tpu.memory_space<vmem>> -> memref<1x128xi32, #tpu.memory_space<vmem>>
      %dma_start3A_216 = tpu.memref_squeeze %dma_start3A_215 : memref<1x128xi32, #tpu.memory_space<vmem>> -> memref<128xi32, #tpu.memory_space<vmem>>
      %dma_start3A_217 = arith.constant 0 : i32
      %dma_start3A_218 = arith.constant 0 : i32
      %dma_start3A_219 = tpu.memref_slice %arg10[%dma_start3A_217, %dma_start3A_218] : memref<10240x64xf32, #tpu.memory_space<vmem_shared>> -> memref<10240x64xf32, #tpu.memory_space<vmem_shared>>
      tpu.enqueue_indirect_dma source(%dma_start3A_213 : memref<128x64xf32, #tpu.memory_space<vmem>>) target(%dma_start3A_219 : memref<10240x64xf32, #tpu.memory_space<vmem_shared>>) offsets(%dma_start3A_216 : memref<128xi32, #tpu.memory_space<vmem>>) semaphore(%arg14 : memref<!tpu.dma_semaphore, #tpu.memory_space<semaphore_mem>>) {add = true}
      %mul3A_220 = arith.constant 3 : i32
      %mul3A_221 = arith.muli %add3A_182, %mul3A_220 : i32
      %add3A_222 = arith.constant 1 : i32
      %add3A_223 = arith.addi %mul3A_221, %add3A_222 : i32
      %dma_start3A_224 = arith.constant 1 : i32
      %dma_start3A_225 = arith.constant 128 : i32
      %dma_start3A_226 = arith.constant 0 : i32
      %dma_start3A_227 = tpu.memref_slice %arg8[%dma_start3A_224, %dma_start3A_225, %dma_start3A_226] : memref<2x384x64xf32, #tpu.memory_space<vmem>> -> memref<1x128x64xf32, #tpu.memory_space<vmem>>
      %dma_start3A_228 = tpu.memref_squeeze %dma_start3A_227 : memref<1x128x64xf32, #tpu.memory_space<vmem>> -> memref<128x64xf32, #tpu.memory_space<vmem>>
      %dma_start3A_229 = arith.constant 0 : i32
      %dma_start3A_230 = tpu.memref_slice %arg7[%add3A_223, %dma_start3A_229] : memref<79x128xi32, #tpu.memory_space<vmem>> -> memref<1x128xi32, #tpu.memory_space<vmem>>
      %dma_start3A_231 = tpu.memref_squeeze %dma_start3A_230 : memref<1x128xi32, #tpu.memory_space<vmem>> -> memref<128xi32, #tpu.memory_space<vmem>>
      %dma_start3A_232 = arith.constant 0 : i32
      %dma_start3A_233 = arith.constant 0 : i32
      %dma_start3A_234 = tpu.memref_slice %arg10[%dma_start3A_232, %dma_start3A_233] : memref<10240x64xf32, #tpu.memory_space<vmem_shared>> -> memref<10240x64xf32, #tpu.memory_space<vmem_shared>>
      tpu.enqueue_indirect_dma source(%dma_start3A_228 : memref<128x64xf32, #tpu.memory_space<vmem>>) target(%dma_start3A_234 : memref<10240x64xf32, #tpu.memory_space<vmem_shared>>) offsets(%dma_start3A_231 : memref<128xi32, #tpu.memory_space<vmem>>) semaphore(%arg14 : memref<!tpu.dma_semaphore, #tpu.memory_space<semaphore_mem>>) {add = true}
      %mul3A_235 = arith.constant 3 : i32
      %mul3A_236 = arith.muli %add3A_182, %mul3A_235 : i32
      %add3A_237 = arith.constant 2 : i32
      %add3A_238 = arith.addi %mul3A_236, %add3A_237 : i32
      %dma_start3A_239 = arith.constant 1 : i32
      %dma_start3A_240 = arith.constant 256 : i32
      %dma_start3A_241 = arith.constant 0 : i32
      %dma_start3A_242 = tpu.memref_slice %arg8[%dma_start3A_239, %dma_start3A_240, %dma_start3A_241] : memref<2x384x64xf32, #tpu.memory_space<vmem>> -> memref<1x128x64xf32, #tpu.memory_space<vmem>>
      %dma_start3A_243 = tpu.memref_squeeze %dma_start3A_242 : memref<1x128x64xf32, #tpu.memory_space<vmem>> -> memref<128x64xf32, #tpu.memory_space<vmem>>
      %dma_start3A_244 = arith.constant 0 : i32
      %dma_start3A_245 = tpu.memref_slice %arg7[%add3A_238, %dma_start3A_244] : memref<79x128xi32, #tpu.memory_space<vmem>> -> memref<1x128xi32, #tpu.memory_space<vmem>>
      %dma_start3A_246 = tpu.memref_squeeze %dma_start3A_245 : memref<1x128xi32, #tpu.memory_space<vmem>> -> memref<128xi32, #tpu.memory_space<vmem>>
      %dma_start3A_247 = arith.constant 0 : i32
      %dma_start3A_248 = arith.constant 0 : i32
      %dma_start3A_249 = tpu.memref_slice %arg10[%dma_start3A_247, %dma_start3A_248] : memref<10240x64xf32, #tpu.memory_space<vmem_shared>> -> memref<10240x64xf32, #tpu.memory_space<vmem_shared>>
      tpu.enqueue_indirect_dma source(%dma_start3A_243 : memref<128x64xf32, #tpu.memory_space<vmem>>) target(%dma_start3A_249 : memref<10240x64xf32, #tpu.memory_space<vmem_shared>>) offsets(%dma_start3A_246 : memref<128xi32, #tpu.memory_space<vmem>>) semaphore(%arg14 : memref<!tpu.dma_semaphore, #tpu.memory_space<semaphore_mem>>) {add = true}
      %scan3A_250 = arith.constant 0 : i32
      scf.yield %scan3A_250 : i32
    }
    %scan3A_69 = arith.constant 13 : i32
    %dma_wait3A = arith.constant 1 : i32
    %dma_wait3A_70 = arith.constant 0 : i32
    %dma_wait3A_71 = arith.constant 0 : i32
    %dma_wait3A_72 = tpu.memref_slice %arg8[%dma_wait3A, %dma_wait3A_70, %dma_wait3A_71] : memref<2x384x64xf32, #tpu.memory_space<vmem>> -> memref<1x384x64xf32, #tpu.memory_space<vmem>>
    %dma_wait3A_73 = tpu.memref_squeeze %dma_wait3A_72 : memref<1x384x64xf32, #tpu.memory_space<vmem>> -> memref<384x64xf32, #tpu.memory_space<vmem>>
    %dma_wait3A_74 = arith.constant 0 : i32
    %dma_wait3A_75 = arith.constant 0 : i32
    %dma_wait3A_76 = tpu.memref_slice %arg10[%dma_wait3A_74, %dma_wait3A_75] : memref<10240x64xf32, #tpu.memory_space<vmem_shared>> -> memref<384x64xf32, #tpu.memory_space<vmem_shared>>
    %dma_wait3A_77 = arith.constant 0 : i32
    %dma_wait3A_78 = arith.constant 0 : i32
    %dma_wait3A_79 = tpu.memref_slice %arg10[%dma_wait3A_77, %dma_wait3A_78] : memref<10240x64xf32, #tpu.memory_space<vmem_shared>> -> memref<384x64xf32, #tpu.memory_space<vmem_shared>>
    %dma_wait3A_80 = arith.constant 0 : i32
    %dma_wait3A_81 = arith.constant 0 : i32
    %dma_wait3A_82 = tpu.memref_slice %arg8[%dma_wait3A, %dma_wait3A_80, %dma_wait3A_81] : memref<2x384x64xf32, #tpu.memory_space<vmem>> -> memref<1x384x64xf32, #tpu.memory_space<vmem>>
    %dma_wait3A_83 = tpu.memref_squeeze %dma_wait3A_82 : memref<1x384x64xf32, #tpu.memory_space<vmem>> -> memref<384x64xf32, #tpu.memory_space<vmem>>
    tpu.wait_dma2 semaphore(%arg14 : memref<!tpu.dma_semaphore, #tpu.memory_space<semaphore_mem>>) src(%dma_wait3A_83 : memref<384x64xf32, #tpu.memory_space<vmem>>) dst(%dma_wait3A_79 : memref<384x64xf32, #tpu.memory_space<vmem_shared>>)
    %dma_wait3A_84 = arith.constant 0 : i32
    %dma_wait3A_85 = arith.constant 0 : i32
    %dma_wait3A_86 = arith.constant 0 : i32
    %dma_wait3A_87 = tpu.memref_slice %arg8[%dma_wait3A_84, %dma_wait3A_85, %dma_wait3A_86] : memref<2x384x64xf32, #tpu.memory_space<vmem>> -> memref<1x384x64xf32, #tpu.memory_space<vmem>>
    %dma_wait3A_88 = tpu.memref_squeeze %dma_wait3A_87 : memref<1x384x64xf32, #tpu.memory_space<vmem>> -> memref<384x64xf32, #tpu.memory_space<vmem>>
    %dma_wait3A_89 = arith.constant 0 : i32
    %dma_wait3A_90 = arith.constant 0 : i32
    %dma_wait3A_91 = tpu.memref_slice %arg10[%dma_wait3A_89, %dma_wait3A_90] : memref<10240x64xf32, #tpu.memory_space<vmem_shared>> -> memref<384x64xf32, #tpu.memory_space<vmem_shared>>
    %dma_wait3A_92 = arith.constant 0 : i32
    %dma_wait3A_93 = arith.constant 0 : i32
    %dma_wait3A_94 = tpu.memref_slice %arg10[%dma_wait3A_92, %dma_wait3A_93] : memref<10240x64xf32, #tpu.memory_space<vmem_shared>> -> memref<384x64xf32, #tpu.memory_space<vmem_shared>>
    %dma_wait3A_95 = arith.constant 0 : i32
    %dma_wait3A_96 = arith.constant 0 : i32
    %dma_wait3A_97 = tpu.memref_slice %arg8[%dma_wait3A_84, %dma_wait3A_95, %dma_wait3A_96] : memref<2x384x64xf32, #tpu.memory_space<vmem>> -> memref<1x384x64xf32, #tpu.memory_space<vmem>>
    %dma_wait3A_98 = tpu.memref_squeeze %dma_wait3A_97 : memref<1x384x64xf32, #tpu.memory_space<vmem>> -> memref<384x64xf32, #tpu.memory_space<vmem>>
    tpu.wait_dma2 semaphore(%arg13 : memref<!tpu.dma_semaphore, #tpu.memory_space<semaphore_mem>>) src(%dma_wait3A_98 : memref<384x64xf32, #tpu.memory_space<vmem>>) dst(%dma_wait3A_94 : memref<384x64xf32, #tpu.memory_space<vmem_shared>>)
    %lt3A = arith.constant 4 : i32
    %lt3A_99 = arith.cmpi slt, %add3A_26, %lt3A : i32
    %convert_element_type3A = arith.extui %lt3A_99 : i1 to i32
    %cond3A = arith.constant 0 : i32
    %cond3A_100 = arith.cmpi ne, %convert_element_type3A, %cond3A : i32
    scf.if %cond3A_100 {
      %add3A_106 = arith.constant 2496 : i32
      %add3A_107 = arith.addi %add3A_106, %add3A_26 : i32
      "tpu.region"() ({
        %run_scoped3A_137 = tpu.sem_alloc : memref<!tpu.dma_semaphore, #tpu.memory_space<semaphore_mem>>
        %dma_start3A_138 = arith.constant 78 : i32
        %dma_start3A_139 = arith.constant 0 : i32
        %dma_start3A_140 = tpu.memref_slice %arg7[%dma_start3A_138, %dma_start3A_139] : memref<79x128xi32, #tpu.memory_space<vmem>> -> memref<1x128xi32, #tpu.memory_space<vmem>>
        %dma_start3A_141 = arith.constant 0 : i32
        %dma_start3A_142 = tpu.memref_slice %arg3[%add3A_107, %dma_start3A_141] : memref<2500x128xi32, #tpu.memory_space<hbm>> -> memref<1x128xi32, #tpu.memory_space<hbm>>
        %dma_start3A_143 = arith.constant 78 : i32
        %dma_start3A_144 = arith.constant 0 : i32
        %dma_start3A_145 = tpu.memref_slice %arg7[%dma_start3A_143, %dma_start3A_144] : memref<79x128xi32, #tpu.memory_space<vmem>> -> memref<1x128xi32, #tpu.memory_space<vmem>>
        %dma_start3A_146 = arith.constant 0 : i32
        %dma_start3A_147 = tpu.memref_slice %arg3[%add3A_107, %dma_start3A_146] : memref<2500x128xi32, #tpu.memory_space<hbm>> -> memref<1x128xi32, #tpu.memory_space<hbm>>
        tpu.enqueue_dma source(%dma_start3A_147 : memref<1x128xi32, #tpu.memory_space<hbm>>) target(%dma_start3A_145 : memref<1x128xi32, #tpu.memory_space<vmem>>) target_semaphore(%run_scoped3A_137 : memref<!tpu.dma_semaphore, #tpu.memory_space<semaphore_mem>>)
        %dma_wait3A_148 = arith.constant 78 : i32
        %dma_wait3A_149 = arith.constant 0 : i32
        %dma_wait3A_150 = tpu.memref_slice %arg7[%dma_wait3A_148, %dma_wait3A_149] : memref<79x128xi32, #tpu.memory_space<vmem>> -> memref<1x128xi32, #tpu.memory_space<vmem>>
        %dma_wait3A_151 = arith.constant 0 : i32
        %dma_wait3A_152 = tpu.memref_slice %arg3[%add3A_107, %dma_wait3A_151] : memref<2500x128xi32, #tpu.memory_space<hbm>> -> memref<1x128xi32, #tpu.memory_space<hbm>>
        %dma_wait3A_153 = arith.constant 78 : i32
        %dma_wait3A_154 = arith.constant 0 : i32
        %dma_wait3A_155 = tpu.memref_slice %arg7[%dma_wait3A_153, %dma_wait3A_154] : memref<79x128xi32, #tpu.memory_space<vmem>> -> memref<1x128xi32, #tpu.memory_space<vmem>>
        %dma_wait3A_156 = arith.constant 0 : i32
        %dma_wait3A_157 = tpu.memref_slice %arg3[%add3A_107, %dma_wait3A_156] : memref<2500x128xi32, #tpu.memory_space<hbm>> -> memref<1x128xi32, #tpu.memory_space<hbm>>
        tpu.wait_dma2 semaphore(%run_scoped3A_137 : memref<!tpu.dma_semaphore, #tpu.memory_space<semaphore_mem>>) src(%dma_wait3A_157 : memref<1x128xi32, #tpu.memory_space<hbm>>) dst(%dma_wait3A_155 : memref<1x128xi32, #tpu.memory_space<vmem>>)
        tpu.yield
      }) : () -> ()
      %mul3A_108 = arith.constant 128 : i32
      %mul3A_109 = arith.muli %add3A_107, %mul3A_108 : i32
      %multiple_of3A_110 = tpu.assume_multiple %mul3A_109, 128 : i32
      "tpu.region"() ({
        %run_scoped3A_137 = tpu.sem_alloc : memref<!tpu.dma_semaphore, #tpu.memory_space<semaphore_mem>>
        %dma_start3A_138 = arith.constant 0 : i32
        %dma_start3A_139 = tpu.memref_slice %arg6[%dma_start3A_138] : memref<9984xi32, #tpu.memory_space<vmem>> -> memref<128xi32, #tpu.memory_space<vmem>>
        %dma_start3A_140 = tpu.memref_slice %arg2[%multiple_of3A_110] : memref<320000xi32, #tpu.memory_space<hbm>> -> memref<128xi32, #tpu.memory_space<hbm>>
        %dma_start3A_141 = arith.constant 0 : i32
        %dma_start3A_142 = tpu.memref_slice %arg6[%dma_start3A_141] : memref<9984xi32, #tpu.memory_space<vmem>> -> memref<128xi32, #tpu.memory_space<vmem>>
        %dma_start3A_143 = tpu.memref_slice %arg2[%multiple_of3A_110] : memref<320000xi32, #tpu.memory_space<hbm>> -> memref<128xi32, #tpu.memory_space<hbm>>
        tpu.enqueue_dma source(%dma_start3A_143 : memref<128xi32, #tpu.memory_space<hbm>>) target(%dma_start3A_142 : memref<128xi32, #tpu.memory_space<vmem>>) target_semaphore(%run_scoped3A_137 : memref<!tpu.dma_semaphore, #tpu.memory_space<semaphore_mem>>)
        %dma_wait3A_144 = arith.constant 0 : i32
        %dma_wait3A_145 = tpu.memref_slice %arg6[%dma_wait3A_144] : memref<9984xi32, #tpu.memory_space<vmem>> -> memref<128xi32, #tpu.memory_space<vmem>>
        %dma_wait3A_146 = tpu.memref_slice %arg2[%multiple_of3A_110] : memref<320000xi32, #tpu.memory_space<hbm>> -> memref<128xi32, #tpu.memory_space<hbm>>
        %dma_wait3A_147 = arith.constant 0 : i32
        %dma_wait3A_148 = tpu.memref_slice %arg6[%dma_wait3A_147] : memref<9984xi32, #tpu.memory_space<vmem>> -> memref<128xi32, #tpu.memory_space<vmem>>
        %dma_wait3A_149 = tpu.memref_slice %arg2[%multiple_of3A_110] : memref<320000xi32, #tpu.memory_space<hbm>> -> memref<128xi32, #tpu.memory_space<hbm>>
        tpu.wait_dma2 semaphore(%run_scoped3A_137 : memref<!tpu.dma_semaphore, #tpu.memory_space<semaphore_mem>>) src(%dma_wait3A_149 : memref<128xi32, #tpu.memory_space<hbm>>) dst(%dma_wait3A_148 : memref<128xi32, #tpu.memory_space<vmem>>)
        tpu.yield
      }) : () -> ()
      %dma_start3A_111 = arith.constant 0 : i32
      %dma_start3A_112 = arith.constant 0 : i32
      %dma_start3A_113 = arith.constant 0 : i32
      %dma_start3A_114 = tpu.memref_slice %arg8[%dma_start3A_111, %dma_start3A_112, %dma_start3A_113] : memref<2x384x64xf32, #tpu.memory_space<vmem>> -> memref<1x128x64xf32, #tpu.memory_space<vmem>>
      %dma_start3A_115 = tpu.memref_squeeze %dma_start3A_114 : memref<1x128x64xf32, #tpu.memory_space<vmem>> -> memref<128x64xf32, #tpu.memory_space<vmem>>
      %dma_start3A_116 = arith.constant 0 : i32
      %dma_start3A_117 = tpu.memref_slice %arg6[%dma_start3A_116] : memref<9984xi32, #tpu.memory_space<vmem>> -> memref<128xi32, #tpu.memory_space<vmem>>
      %dma_start3A_118 = arith.constant 0 : i32
      %dma_start3A_119 = arith.constant 0 : i32
      %dma_start3A_120 = tpu.memref_slice %arg4[%dma_start3A_118, %dma_start3A_119] : memref<10000x64xf32, #tpu.memory_space<hbm>> -> memref<10000x64xf32, #tpu.memory_space<hbm>>
      tpu.enqueue_indirect_dma source(%dma_start3A_120 : memref<10000x64xf32, #tpu.memory_space<hbm>>) target(%dma_start3A_115 : memref<128x64xf32, #tpu.memory_space<vmem>>) offsets(%dma_start3A_117 : memref<128xi32, #tpu.memory_space<vmem>>) semaphore(%arg11 : memref<!tpu.dma_semaphore, #tpu.memory_space<semaphore_mem>>)
      %dma_wait3A_121 = arith.constant 0 : i32
      %dma_wait3A_122 = arith.constant 0 : i32
      %dma_wait3A_123 = arith.constant 0 : i32
      %dma_wait3A_124 = tpu.memref_slice %arg8[%dma_wait3A_121, %dma_wait3A_122, %dma_wait3A_123] : memref<2x384x64xf32, #tpu.memory_space<vmem>> -> memref<1x128x64xf32, #tpu.memory_space<vmem>>
      %dma_wait3A_125 = tpu.memref_squeeze %dma_wait3A_124 : memref<1x128x64xf32, #tpu.memory_space<vmem>> -> memref<128x64xf32, #tpu.memory_space<vmem>>
      %dma_wait3A_126 = arith.constant 0 : i32
      %dma_wait3A_127 = arith.constant 0 : i32
      %dma_wait3A_128 = tpu.memref_slice %arg4[%dma_wait3A_126, %dma_wait3A_127] : memref<10000x64xf32, #tpu.memory_space<hbm>> -> memref<128x64xf32, #tpu.memory_space<hbm>>
      %dma_wait3A_129 = arith.constant 0 : i32
      %dma_wait3A_130 = arith.constant 0 : i32
      %dma_wait3A_131 = tpu.memref_slice %arg8[%dma_wait3A_121, %dma_wait3A_129, %dma_wait3A_130] : memref<2x384x64xf32, #tpu.memory_space<vmem>> -> memref<1x128x64xf32, #tpu.memory_space<vmem>>
      %dma_wait3A_132 = tpu.memref_squeeze %dma_wait3A_131 : memref<1x128x64xf32, #tpu.memory_space<vmem>> -> memref<128x64xf32, #tpu.memory_space<vmem>>
      %dma_wait3A_133 = arith.constant 0 : i32
      %dma_wait3A_134 = arith.constant 0 : i32
      %dma_wait3A_135 = tpu.memref_slice %arg4[%dma_wait3A_133, %dma_wait3A_134] : memref<10000x64xf32, #tpu.memory_space<hbm>> -> memref<128x64xf32, #tpu.memory_space<hbm>>
      tpu.wait_dma2 semaphore(%arg11 : memref<!tpu.dma_semaphore, #tpu.memory_space<semaphore_mem>>) src(%dma_wait3A_135 : memref<128x64xf32, #tpu.memory_space<hbm>>) dst(%dma_wait3A_132 : memref<128x64xf32, #tpu.memory_space<vmem>>)
      %run_scoped3A = arith.constant 0 : i32
      %run_scoped3A_136 = arith.constant 78 : i32
      "tpu.region"() ({
        %run_scoped3A_137 = tpu.sem_alloc : memref<!tpu.dma_semaphore, #tpu.memory_space<semaphore_mem>>
        %dma_start3A_138 = arith.constant 0 : i32
        %dma_start3A_139 = arith.constant 0 : i32
        %dma_start3A_140 = tpu.memref_slice %arg8[%run_scoped3A, %dma_start3A_138, %dma_start3A_139] : memref<2x384x64xf32, #tpu.memory_space<vmem>> -> memref<1x128x64xf32, #tpu.memory_space<vmem>>
        %dma_start3A_141 = tpu.memref_squeeze %dma_start3A_140 : memref<1x128x64xf32, #tpu.memory_space<vmem>> -> memref<128x64xf32, #tpu.memory_space<vmem>>
        %dma_start3A_142 = arith.constant 0 : i32
        %dma_start3A_143 = tpu.memref_slice %arg7[%run_scoped3A_136, %dma_start3A_142] : memref<79x128xi32, #tpu.memory_space<vmem>> -> memref<1x128xi32, #tpu.memory_space<vmem>>
        %dma_start3A_144 = tpu.memref_squeeze %dma_start3A_143 : memref<1x128xi32, #tpu.memory_space<vmem>> -> memref<128xi32, #tpu.memory_space<vmem>>
        %dma_start3A_145 = arith.constant 0 : i32
        %dma_start3A_146 = arith.constant 0 : i32
        %dma_start3A_147 = tpu.memref_slice %arg10[%dma_start3A_145, %dma_start3A_146] : memref<10240x64xf32, #tpu.memory_space<vmem_shared>> -> memref<10240x64xf32, #tpu.memory_space<vmem_shared>>
        tpu.enqueue_indirect_dma source(%dma_start3A_141 : memref<128x64xf32, #tpu.memory_space<vmem>>) target(%dma_start3A_147 : memref<10240x64xf32, #tpu.memory_space<vmem_shared>>) offsets(%dma_start3A_144 : memref<128xi32, #tpu.memory_space<vmem>>) semaphore(%run_scoped3A_137 : memref<!tpu.dma_semaphore, #tpu.memory_space<semaphore_mem>>) {add = true}
        %dma_wait3A_148 = arith.constant 0 : i32
        %dma_wait3A_149 = arith.constant 0 : i32
        %dma_wait3A_150 = tpu.memref_slice %arg8[%run_scoped3A, %dma_wait3A_148, %dma_wait3A_149] : memref<2x384x64xf32, #tpu.memory_space<vmem>> -> memref<1x128x64xf32, #tpu.memory_space<vmem>>
        %dma_wait3A_151 = tpu.memref_squeeze %dma_wait3A_150 : memref<1x128x64xf32, #tpu.memory_space<vmem>> -> memref<128x64xf32, #tpu.memory_space<vmem>>
        %dma_wait3A_152 = arith.constant 0 : i32
        %dma_wait3A_153 = tpu.memref_slice %arg7[%run_scoped3A_136, %dma_wait3A_152] : memref<79x128xi32, #tpu.memory_space<vmem>> -> memref<1x128xi32, #tpu.memory_space<vmem>>
        %dma_wait3A_154 = tpu.memref_squeeze %dma_wait3A_153 : memref<1x128xi32, #tpu.memory_space<vmem>> -> memref<128xi32, #tpu.memory_space<vmem>>
        %dma_wait3A_155 = arith.constant 0 : i32
        %dma_wait3A_156 = arith.constant 0 : i32
        %dma_wait3A_157 = tpu.memref_slice %arg10[%dma_wait3A_155, %dma_wait3A_156] : memref<10240x64xf32, #tpu.memory_space<vmem_shared>> -> memref<10240x64xf32, #tpu.memory_space<vmem_shared>>
        tpu.wait_indirect_dma semaphore(%run_scoped3A_137 : memref<!tpu.dma_semaphore, #tpu.memory_space<semaphore_mem>>) src(%dma_wait3A_151 : memref<128x64xf32, #tpu.memory_space<vmem>>) dst(%dma_wait3A_157 : memref<10240x64xf32, #tpu.memory_space<vmem_shared>>)
        tpu.yield
      }) : () -> ()
    } else {
    }
    %barrier3A_101 = arith.constant 0 : index
    tpu.barrier barrier_id(%barrier3A_101)
    %mul3A_102 = arith.constant 625 : i32
    %mul3A_103 = arith.muli %arg1, %mul3A_102 : i32
    %mul3A_104 = arith.constant 625 : i32
    %mul3A_105 = arith.muli %arg1, %mul3A_104 : i32
    "tpu.region"() ({
      %run_scoped3A = tpu.sem_alloc : memref<!tpu.dma_semaphore, #tpu.memory_space<semaphore_mem>>
      %dma_start3A_106 = arith.constant 0 : i32
      %dma_start3A_107 = tpu.memref_slice %arg5[%arg0, %mul3A_105, %dma_start3A_106] : memref<2x10000x64xf32, #tpu.memory_space<hbm>> -> memref<1x625x64xf32, #tpu.memory_space<hbm>>
      %dma_start3A_108 = tpu.memref_squeeze %dma_start3A_107 : memref<1x625x64xf32, #tpu.memory_space<hbm>> -> memref<625x64xf32, #tpu.memory_space<hbm>>
      %dma_start3A_109 = arith.constant 0 : i32
      %dma_start3A_110 = tpu.memref_slice %arg10[%mul3A_103, %dma_start3A_109] : memref<10240x64xf32, #tpu.memory_space<vmem_shared>> -> memref<625x64xf32, #tpu.memory_space<vmem_shared>>
      tpu.enqueue_dma source(%dma_start3A_110 : memref<625x64xf32, #tpu.memory_space<vmem_shared>>) target(%dma_start3A_108 : memref<625x64xf32, #tpu.memory_space<hbm>>) target_semaphore(%run_scoped3A : memref<!tpu.dma_semaphore, #tpu.memory_space<semaphore_mem>>)
      %dma_wait3A_111 = arith.constant 0 : i32
      %dma_wait3A_112 = tpu.memref_slice %arg5[%arg0, %mul3A_105, %dma_wait3A_111] : memref<2x10000x64xf32, #tpu.memory_space<hbm>> -> memref<1x625x64xf32, #tpu.memory_space<hbm>>
      %dma_wait3A_113 = tpu.memref_squeeze %dma_wait3A_112 : memref<1x625x64xf32, #tpu.memory_space<hbm>> -> memref<625x64xf32, #tpu.memory_space<hbm>>
      %dma_wait3A_114 = arith.constant 0 : i32
      %dma_wait3A_115 = tpu.memref_slice %arg10[%mul3A_103, %dma_wait3A_114] : memref<10240x64xf32, #tpu.memory_space<vmem_shared>> -> memref<625x64xf32, #tpu.memory_space<vmem_shared>>
      tpu.wait_dma2 semaphore(%run_scoped3A : memref<!tpu.dma_semaphore, #tpu.memory_space<semaphore_mem>>) src(%dma_wait3A_115 : memref<625x64xf32, #tpu.memory_space<vmem_shared>>) dst(%dma_wait3A_113 : memref<625x64xf32, #tpu.memory_space<hbm>>)
      tpu.yield
    }) : () -> ()
    return
  }
}

#map = affine_map<(d0, d1) -> (0)>
#map1 = affine_map<(d0, d1) -> (0, 0)>
#map2 = affine_map<(d0, d1) -> (0, 0, 0)>
module attributes {stable_mosaic.version = 14 : i64} {
  func.func @body(%arg0: i32, %arg1: i32, %arg2: memref<320000xi32, #tpu.memory_space<hbm>>, %arg3: memref<2500x128xi32, #tpu.memory_space<hbm>>, %arg4: memref<10000x16xf32, #tpu.memory_space<hbm>>, %arg5: memref<2x10000x16xf32, #tpu.memory_space<hbm>>, %arg6: memref<9984xi32, #tpu.memory_space<vmem>>, %arg7: memref<79x128xi32, #tpu.memory_space<vmem>>, %arg8: memref<2x384x16xf32, #tpu.memory_space<vmem>>, %arg9: memref<128x16xf32, #tpu.memory_space<vmem>>, %arg10: memref<10240x16xf32, #tpu.memory_space<vmem_shared>>, %arg11: memref<!tpu.dma_semaphore, #tpu.memory_space<semaphore_mem>>, %arg12: memref<!tpu.dma_semaphore, #tpu.memory_space<semaphore_mem>>, %arg13: memref<!tpu.dma_semaphore, #tpu.memory_space<semaphore_mem>>, %arg14: memref<!tpu.dma_semaphore, #tpu.memory_space<semaphore_mem>>) attributes {dimension_semantics = [#tpu.dimension_semantics<core_parallel>, #tpu.dimension_semantics<subcore_parallel>], iteration_bounds = array<i64: 2, 16>, scalar_prefetch = 0 : i64, scratch_operands = 9 : i64, tpu.core_type = #tpu.core_type<sc_vector_subcore>, window_params = [{transform_indices = #map}, {transform_indices = #map1}, {transform_indices = #map1}, {transform_indices = #map2}]} {
    %scan3A = arith.constant 0 : i32
    %scan3A_0 = arith.constant 0 : i32
    %scan3A_1 = arith.constant 128 : i32
    %scan3A_2 = arith.addi %scan3A_0, %scan3A_1 : i32
    %scan3A_3 = arith.constant 1 : i32
    %scan3A_4 = scf.for %scan3A_61 = %scan3A_0 to %scan3A_2 step %scan3A_3 iter_args(%scan3A_62 = %scan3A) -> (i32)  : i32 {
      %broadcast_in_dim3A = arith.constant 1.000000e+00 : f32
      %broadcast_in_dim3A_63 = vector.broadcast %broadcast_in_dim3A : f32 to vector<16xf32>
      %swap3A = arith.index_cast %scan3A_61 : i32 to index
      %swap3A_64 = arith.constant 0 : index
      %swap3A_65 = tpu.vector_load %arg9[%swap3A, %swap3A_64] {strides = array<i32>} : memref<128x16xf32, #tpu.memory_space<vmem>>, vector<1x16xf32>,
      %swap3A_66 = vector.shape_cast %swap3A_65 : vector<1x16xf32> to vector<16xf32>
      %swap3A_67 = vector.shape_cast %broadcast_in_dim3A_63 : vector<16xf32> to vector<1x16xf32>
      tpu.vector_store %arg9[%swap3A, %swap3A_64], %swap3A_67 {strides = array<i32>} : memref<128x16xf32, #tpu.memory_space<vmem>>, vector<1x16xf32>,
      %scan3A_68 = arith.constant 0 : i32
      scf.yield %scan3A_68 : i32
    }
    %scan3A_5 = arith.constant 128 : i32
    %scan3A_6 = arith.constant 0 : i32
    %scan3A_7 = arith.constant 0 : i32
    %scan3A_8 = arith.constant 128 : i32
    %scan3A_9 = arith.addi %scan3A_7, %scan3A_8 : i32
    %scan3A_10 = arith.constant 1 : i32
    %scan3A_11 = scf.for %scan3A_61 = %scan3A_7 to %scan3A_9 step %scan3A_10 iter_args(%scan3A_62 = %scan3A_6) -> (i32)  : i32 {
      %broadcast_in_dim3A = arith.constant 0.000000e+00 : f32
      %broadcast_in_dim3A_63 = vector.broadcast %broadcast_in_dim3A : f32 to vector<16xf32>
      %swap3A = arith.constant 0 : i32
      %swap3A_64 = arith.index_cast %swap3A : i32 to index
      %swap3A_65 = arith.index_cast %scan3A_61 : i32 to index
      %swap3A_66 = arith.constant 0 : index
      %swap3A_67 = tpu.vector_load %arg8[%swap3A_64, %swap3A_65, %swap3A_66] {strides = array<i32>} : memref<2x384x16xf32, #tpu.memory_space<vmem>>, vector<1x1x16xf32>,
      %swap3A_68 = vector.shape_cast %swap3A_67 : vector<1x1x16xf32> to vector<16xf32>
      %swap3A_69 = vector.shape_cast %broadcast_in_dim3A_63 : vector<16xf32> to vector<1x1x16xf32>
      tpu.vector_store %arg8[%swap3A_64, %swap3A_65, %swap3A_66], %swap3A_69 {strides = array<i32>} : memref<2x384x16xf32, #tpu.memory_space<vmem>>, vector<1x1x16xf32>,
      %scan3A_70 = arith.constant 0 : i32
      scf.yield %scan3A_70 : i32
    }
    %scan3A_12 = arith.constant 128 : i32
    %mul3A = arith.constant 640 : i32
    %mul3A_13 = arith.muli %arg1, %mul3A : i32
    %add3A = arith.constant 0 : i32
    %add3A_14 = arith.addi %mul3A_13, %add3A : i32
    %run_scoped3A = arith.constant 0 : i32
    "tpu.region"() ({
      %run_scoped3A_61 = tpu.sem_alloc : memref<!tpu.dma_semaphore, #tpu.memory_space<semaphore_mem>>
      %dma_start3A = arith.constant 0 : i32
      %dma_start3A_62 = arith.constant 0 : i32
      %dma_start3A_63 = tpu.memref_slice %arg8[%run_scoped3A, %dma_start3A, %dma_start3A_62] : memref<2x384x16xf32, #tpu.memory_space<vmem>> -> memref<1x128x16xf32, #tpu.memory_space<vmem>>
      %dma_start3A_64 = tpu.memref_squeeze %dma_start3A_63 : memref<1x128x16xf32, #tpu.memory_space<vmem>> -> memref<128x16xf32, #tpu.memory_space<vmem>>
      %dma_start3A_65 = arith.constant 0 : i32
      %dma_start3A_66 = tpu.memref_slice %arg10[%add3A_14, %dma_start3A_65] : memref<10240x16xf32, #tpu.memory_space<vmem_shared>> -> memref<128x16xf32, #tpu.memory_space<vmem_shared>>
      %dma_start3A_67 = arith.constant 0 : i32
      %dma_start3A_68 = tpu.memref_slice %arg10[%add3A_14, %dma_start3A_67] : memref<10240x16xf32, #tpu.memory_space<vmem_shared>> -> memref<128x16xf32, #tpu.memory_space<vmem_shared>>
      %dma_start3A_69 = arith.constant 0 : i32
      %dma_start3A_70 = arith.constant 0 : i32
      %dma_start3A_71 = tpu.memref_slice %arg8[%run_scoped3A, %dma_start3A_69, %dma_start3A_70] : memref<2x384x16xf32, #tpu.memory_space<vmem>> -> memref<1x128x16xf32, #tpu.memory_space<vmem>>
      %dma_start3A_72 = tpu.memref_squeeze %dma_start3A_71 : memref<1x128x16xf32, #tpu.memory_space<vmem>> -> memref<128x16xf32, #tpu.memory_space<vmem>>
      tpu.enqueue_dma source(%dma_start3A_72 : memref<128x16xf32, #tpu.memory_space<vmem>>) target(%dma_start3A_68 : memref<128x16xf32, #tpu.memory_space<vmem_shared>>) target_semaphore(%run_scoped3A_61 : memref<!tpu.dma_semaphore, #tpu.memory_space<semaphore_mem>>)
      %dma_wait3A = arith.constant 0 : i32
      %dma_wait3A_73 = arith.constant 0 : i32
      %dma_wait3A_74 = tpu.memref_slice %arg8[%run_scoped3A, %dma_wait3A, %dma_wait3A_73] : memref<2x384x16xf32, #tpu.memory_space<vmem>> -> memref<1x128x16xf32, #tpu.memory_space<vmem>>
      %dma_wait3A_75 = tpu.memref_squeeze %dma_wait3A_74 : memref<1x128x16xf32, #tpu.memory_space<vmem>> -> memref<128x16xf32, #tpu.memory_space<vmem>>
      %dma_wait3A_76 = arith.constant 0 : i32
      %dma_wait3A_77 = tpu.memref_slice %arg10[%add3A_14, %dma_wait3A_76] : memref<10240x16xf32, #tpu.memory_space<vmem_shared>> -> memref<128x16xf32, #tpu.memory_space<vmem_shared>>
      %dma_wait3A_78 = arith.constant 0 : i32
      %dma_wait3A_79 = tpu.memref_slice %arg10[%add3A_14, %dma_wait3A_78] : memref<10240x16xf32, #tpu.memory_space<vmem_shared>> -> memref<128x16xf32, #tpu.memory_space<vmem_shared>>
      %dma_wait3A_80 = arith.constant 0 : i32
      %dma_wait3A_81 = arith.constant 0 : i32
      %dma_wait3A_82 = tpu.memref_slice %arg8[%run_scoped3A, %dma_wait3A_80, %dma_wait3A_81] : memref<2x384x16xf32, #tpu.memory_space<vmem>> -> memref<1x128x16xf32, #tpu.memory_space<vmem>>
      %dma_wait3A_83 = tpu.memref_squeeze %dma_wait3A_82 : memref<1x128x16xf32, #tpu.memory_space<vmem>> -> memref<128x16xf32, #tpu.memory_space<vmem>>
      tpu.wait_dma2 semaphore(%run_scoped3A_61 : memref<!tpu.dma_semaphore, #tpu.memory_space<semaphore_mem>>) src(%dma_wait3A_83 : memref<128x16xf32, #tpu.memory_space<vmem>>) dst(%dma_wait3A_79 : memref<128x16xf32, #tpu.memory_space<vmem_shared>>)
      tpu.yield
    }) : () -> ()
    %mul3A_15 = arith.constant 640 : i32
    %mul3A_16 = arith.muli %arg1, %mul3A_15 : i32
    %add3A_17 = arith.constant 128 : i32
    %add3A_18 = arith.addi %mul3A_16, %add3A_17 : i32
    %run_scoped3A_19 = arith.constant 0 : i32
    "tpu.region"() ({
      %run_scoped3A_61 = tpu.sem_alloc : memref<!tpu.dma_semaphore, #tpu.memory_space<semaphore_mem>>
      %dma_start3A = arith.constant 0 : i32
      %dma_start3A_62 = arith.constant 0 : i32
      %dma_start3A_63 = tpu.memref_slice %arg8[%run_scoped3A_19, %dma_start3A, %dma_start3A_62] : memref<2x384x16xf32, #tpu.memory_space<vmem>> -> memref<1x128x16xf32, #tpu.memory_space<vmem>>
      %dma_start3A_64 = tpu.memref_squeeze %dma_start3A_63 : memref<1x128x16xf32, #tpu.memory_space<vmem>> -> memref<128x16xf32, #tpu.memory_space<vmem>>
      %dma_start3A_65 = arith.constant 0 : i32
      %dma_start3A_66 = tpu.memref_slice %arg10[%add3A_18, %dma_start3A_65] : memref<10240x16xf32, #tpu.memory_space<vmem_shared>> -> memref<128x16xf32, #tpu.memory_space<vmem_shared>>
      %dma_start3A_67 = arith.constant 0 : i32
      %dma_start3A_68 = tpu.memref_slice %arg10[%add3A_18, %dma_start3A_67] : memref<10240x16xf32, #tpu.memory_space<vmem_shared>> -> memref<128x16xf32, #tpu.memory_space<vmem_shared>>
      %dma_start3A_69 = arith.constant 0 : i32
      %dma_start3A_70 = arith.constant 0 : i32
      %dma_start3A_71 = tpu.memref_slice %arg8[%run_scoped3A_19, %dma_start3A_69, %dma_start3A_70] : memref<2x384x16xf32, #tpu.memory_space<vmem>> -> memref<1x128x16xf32, #tpu.memory_space<vmem>>
      %dma_start3A_72 = tpu.memref_squeeze %dma_start3A_71 : memref<1x128x16xf32, #tpu.memory_space<vmem>> -> memref<128x16xf32, #tpu.memory_space<vmem>>
      tpu.enqueue_dma source(%dma_start3A_72 : memref<128x16xf32, #tpu.memory_space<vmem>>) target(%dma_start3A_68 : memref<128x16xf32, #tpu.memory_space<vmem_shared>>) target_semaphore(%run_scoped3A_61 : memref<!tpu.dma_semaphore, #tpu.memory_space<semaphore_mem>>)
      %dma_wait3A = arith.constant 0 : i32
      %dma_wait3A_73 = arith.constant 0 : i32
      %dma_wait3A_74 = tpu.memref_slice %arg8[%run_scoped3A_19, %dma_wait3A, %dma_wait3A_73] : memref<2x384x16xf32, #tpu.memory_space<vmem>> -> memref<1x128x16xf32, #tpu.memory_space<vmem>>
      %dma_wait3A_75 = tpu.memref_squeeze %dma_wait3A_74 : memref<1x128x16xf32, #tpu.memory_space<vmem>> -> memref<128x16xf32, #tpu.memory_space<vmem>>
      %dma_wait3A_76 = arith.constant 0 : i32
      %dma_wait3A_77 = tpu.memref_slice %arg10[%add3A_18, %dma_wait3A_76] : memref<10240x16xf32, #tpu.memory_space<vmem_shared>> -> memref<128x16xf32, #tpu.memory_space<vmem_shared>>
      %dma_wait3A_78 = arith.constant 0 : i32
      %dma_wait3A_79 = tpu.memref_slice %arg10[%add3A_18, %dma_wait3A_78] : memref<10240x16xf32, #tpu.memory_space<vmem_shared>> -> memref<128x16xf32, #tpu.memory_space<vmem_shared>>
      %dma_wait3A_80 = arith.constant 0 : i32
      %dma_wait3A_81 = arith.constant 0 : i32
      %dma_wait3A_82 = tpu.memref_slice %arg8[%run_scoped3A_19, %dma_wait3A_80, %dma_wait3A_81] : memref<2x384x16xf32, #tpu.memory_space<vmem>> -> memref<1x128x16xf32, #tpu.memory_space<vmem>>
      %dma_wait3A_83 = tpu.memref_squeeze %dma_wait3A_82 : memref<1x128x16xf32, #tpu.memory_space<vmem>> -> memref<128x16xf32, #tpu.memory_space<vmem>>
      tpu.wait_dma2 semaphore(%run_scoped3A_61 : memref<!tpu.dma_semaphore, #tpu.memory_space<semaphore_mem>>) src(%dma_wait3A_83 : memref<128x16xf32, #tpu.memory_space<vmem>>) dst(%dma_wait3A_79 : memref<128x16xf32, #tpu.memory_space<vmem_shared>>)
      tpu.yield
    }) : () -> ()
    %mul3A_20 = arith.constant 640 : i32
    %mul3A_21 = arith.muli %arg1, %mul3A_20 : i32
    %add3A_22 = arith.constant 256 : i32
    %add3A_23 = arith.addi %mul3A_21, %add3A_22 : i32
    %run_scoped3A_24 = arith.constant 0 : i32
    "tpu.region"() ({
      %run_scoped3A_61 = tpu.sem_alloc : memref<!tpu.dma_semaphore, #tpu.memory_space<semaphore_mem>>
      %dma_start3A = arith.constant 0 : i32
      %dma_start3A_62 = arith.constant 0 : i32
      %dma_start3A_63 = tpu.memref_slice %arg8[%run_scoped3A_24, %dma_start3A, %dma_start3A_62] : memref<2x384x16xf32, #tpu.memory_space<vmem>> -> memref<1x128x16xf32, #tpu.memory_space<vmem>>
      %dma_start3A_64 = tpu.memref_squeeze %dma_start3A_63 : memref<1x128x16xf32, #tpu.memory_space<vmem>> -> memref<128x16xf32, #tpu.memory_space<vmem>>
      %dma_start3A_65 = arith.constant 0 : i32
      %dma_start3A_66 = tpu.memref_slice %arg10[%add3A_23, %dma_start3A_65] : memref<10240x16xf32, #tpu.memory_space<vmem_shared>> -> memref<128x16xf32, #tpu.memory_space<vmem_shared>>
      %dma_start3A_67 = arith.constant 0 : i32
      %dma_start3A_68 = tpu.memref_slice %arg10[%add3A_23, %dma_start3A_67] : memref<10240x16xf32, #tpu.memory_space<vmem_shared>> -> memref<128x16xf32, #tpu.memory_space<vmem_shared>>
      %dma_start3A_69 = arith.constant 0 : i32
      %dma_start3A_70 = arith.constant 0 : i32
      %dma_start3A_71 = tpu.memref_slice %arg8[%run_scoped3A_24, %dma_start3A_69, %dma_start3A_70] : memref<2x384x16xf32, #tpu.memory_space<vmem>> -> memref<1x128x16xf32, #tpu.memory_space<vmem>>
      %dma_start3A_72 = tpu.memref_squeeze %dma_start3A_71 : memref<1x128x16xf32, #tpu.memory_space<vmem>> -> memref<128x16xf32, #tpu.memory_space<vmem>>
      tpu.enqueue_dma source(%dma_start3A_72 : memref<128x16xf32, #tpu.memory_space<vmem>>) target(%dma_start3A_68 : memref<128x16xf32, #tpu.memory_space<vmem_shared>>) target_semaphore(%run_scoped3A_61 : memref<!tpu.dma_semaphore, #tpu.memory_space<semaphore_mem>>)
      %dma_wait3A = arith.constant 0 : i32
      %dma_wait3A_73 = arith.constant 0 : i32
      %dma_wait3A_74 = tpu.memref_slice %arg8[%run_scoped3A_24, %dma_wait3A, %dma_wait3A_73] : memref<2x384x16xf32, #tpu.memory_space<vmem>> -> memref<1x128x16xf32, #tpu.memory_space<vmem>>
      %dma_wait3A_75 = tpu.memref_squeeze %dma_wait3A_74 : memref<1x128x16xf32, #tpu.memory_space<vmem>> -> memref<128x16xf32, #tpu.memory_space<vmem>>
      %dma_wait3A_76 = arith.constant 0 : i32
      %dma_wait3A_77 = tpu.memref_slice %arg10[%add3A_23, %dma_wait3A_76] : memref<10240x16xf32, #tpu.memory_space<vmem_shared>> -> memref<128x16xf32, #tpu.memory_space<vmem_shared>>
      %dma_wait3A_78 = arith.constant 0 : i32
      %dma_wait3A_79 = tpu.memref_slice %arg10[%add3A_23, %dma_wait3A_78] : memref<10240x16xf32, #tpu.memory_space<vmem_shared>> -> memref<128x16xf32, #tpu.memory_space<vmem_shared>>
      %dma_wait3A_80 = arith.constant 0 : i32
      %dma_wait3A_81 = arith.constant 0 : i32
      %dma_wait3A_82 = tpu.memref_slice %arg8[%run_scoped3A_24, %dma_wait3A_80, %dma_wait3A_81] : memref<2x384x16xf32, #tpu.memory_space<vmem>> -> memref<1x128x16xf32, #tpu.memory_space<vmem>>
      %dma_wait3A_83 = tpu.memref_squeeze %dma_wait3A_82 : memref<1x128x16xf32, #tpu.memory_space<vmem>> -> memref<128x16xf32, #tpu.memory_space<vmem>>
      tpu.wait_dma2 semaphore(%run_scoped3A_61 : memref<!tpu.dma_semaphore, #tpu.memory_space<semaphore_mem>>) src(%dma_wait3A_83 : memref<128x16xf32, #tpu.memory_space<vmem>>) dst(%dma_wait3A_79 : memref<128x16xf32, #tpu.memory_space<vmem_shared>>)
      tpu.yield
    }) : () -> ()
    %mul3A_25 = arith.constant 640 : i32
    %mul3A_26 = arith.muli %arg1, %mul3A_25 : i32
    %add3A_27 = arith.constant 384 : i32
    %add3A_28 = arith.addi %mul3A_26, %add3A_27 : i32
    %run_scoped3A_29 = arith.constant 0 : i32
    "tpu.region"() ({
      %run_scoped3A_61 = tpu.sem_alloc : memref<!tpu.dma_semaphore, #tpu.memory_space<semaphore_mem>>
      %dma_start3A = arith.constant 0 : i32
      %dma_start3A_62 = arith.constant 0 : i32
      %dma_start3A_63 = tpu.memref_slice %arg8[%run_scoped3A_29, %dma_start3A, %dma_start3A_62] : memref<2x384x16xf32, #tpu.memory_space<vmem>> -> memref<1x128x16xf32, #tpu.memory_space<vmem>>
      %dma_start3A_64 = tpu.memref_squeeze %dma_start3A_63 : memref<1x128x16xf32, #tpu.memory_space<vmem>> -> memref<128x16xf32, #tpu.memory_space<vmem>>
      %dma_start3A_65 = arith.constant 0 : i32
      %dma_start3A_66 = tpu.memref_slice %arg10[%add3A_28, %dma_start3A_65] : memref<10240x16xf32, #tpu.memory_space<vmem_shared>> -> memref<128x16xf32, #tpu.memory_space<vmem_shared>>
      %dma_start3A_67 = arith.constant 0 : i32
      %dma_start3A_68 = tpu.memref_slice %arg10[%add3A_28, %dma_start3A_67] : memref<10240x16xf32, #tpu.memory_space<vmem_shared>> -> memref<128x16xf32, #tpu.memory_space<vmem_shared>>
      %dma_start3A_69 = arith.constant 0 : i32
      %dma_start3A_70 = arith.constant 0 : i32
      %dma_start3A_71 = tpu.memref_slice %arg8[%run_scoped3A_29, %dma_start3A_69, %dma_start3A_70] : memref<2x384x16xf32, #tpu.memory_space<vmem>> -> memref<1x128x16xf32, #tpu.memory_space<vmem>>
      %dma_start3A_72 = tpu.memref_squeeze %dma_start3A_71 : memref<1x128x16xf32, #tpu.memory_space<vmem>> -> memref<128x16xf32, #tpu.memory_space<vmem>>
      tpu.enqueue_dma source(%dma_start3A_72 : memref<128x16xf32, #tpu.memory_space<vmem>>) target(%dma_start3A_68 : memref<128x16xf32, #tpu.memory_space<vmem_shared>>) target_semaphore(%run_scoped3A_61 : memref<!tpu.dma_semaphore, #tpu.memory_space<semaphore_mem>>)
      %dma_wait3A = arith.constant 0 : i32
      %dma_wait3A_73 = arith.constant 0 : i32
      %dma_wait3A_74 = tpu.memref_slice %arg8[%run_scoped3A_29, %dma_wait3A, %dma_wait3A_73] : memref<2x384x16xf32, #tpu.memory_space<vmem>> -> memref<1x128x16xf32, #tpu.memory_space<vmem>>
      %dma_wait3A_75 = tpu.memref_squeeze %dma_wait3A_74 : memref<1x128x16xf32, #tpu.memory_space<vmem>> -> memref<128x16xf32, #tpu.memory_space<vmem>>
      %dma_wait3A_76 = arith.constant 0 : i32
      %dma_wait3A_77 = tpu.memref_slice %arg10[%add3A_28, %dma_wait3A_76] : memref<10240x16xf32, #tpu.memory_space<vmem_shared>> -> memref<128x16xf32, #tpu.memory_space<vmem_shared>>
      %dma_wait3A_78 = arith.constant 0 : i32
      %dma_wait3A_79 = tpu.memref_slice %arg10[%add3A_28, %dma_wait3A_78] : memref<10240x16xf32, #tpu.memory_space<vmem_shared>> -> memref<128x16xf32, #tpu.memory_space<vmem_shared>>
      %dma_wait3A_80 = arith.constant 0 : i32
      %dma_wait3A_81 = arith.constant 0 : i32
      %dma_wait3A_82 = tpu.memref_slice %arg8[%run_scoped3A_29, %dma_wait3A_80, %dma_wait3A_81] : memref<2x384x16xf32, #tpu.memory_space<vmem>> -> memref<1x128x16xf32, #tpu.memory_space<vmem>>
      %dma_wait3A_83 = tpu.memref_squeeze %dma_wait3A_82 : memref<1x128x16xf32, #tpu.memory_space<vmem>> -> memref<128x16xf32, #tpu.memory_space<vmem>>
      tpu.wait_dma2 semaphore(%run_scoped3A_61 : memref<!tpu.dma_semaphore, #tpu.memory_space<semaphore_mem>>) src(%dma_wait3A_83 : memref<128x16xf32, #tpu.memory_space<vmem>>) dst(%dma_wait3A_79 : memref<128x16xf32, #tpu.memory_space<vmem_shared>>)
      tpu.yield
    }) : () -> ()
    %mul3A_30 = arith.constant 640 : i32
    %mul3A_31 = arith.muli %arg1, %mul3A_30 : i32
    %add3A_32 = arith.constant 512 : i32
    %add3A_33 = arith.addi %mul3A_31, %add3A_32 : i32
    %run_scoped3A_34 = arith.constant 0 : i32
    "tpu.region"() ({
      %run_scoped3A_61 = tpu.sem_alloc : memref<!tpu.dma_semaphore, #tpu.memory_space<semaphore_mem>>
      %dma_start3A = arith.constant 0 : i32
      %dma_start3A_62 = arith.constant 0 : i32
      %dma_start3A_63 = tpu.memref_slice %arg8[%run_scoped3A_34, %dma_start3A, %dma_start3A_62] : memref<2x384x16xf32, #tpu.memory_space<vmem>> -> memref<1x128x16xf32, #tpu.memory_space<vmem>>
      %dma_start3A_64 = tpu.memref_squeeze %dma_start3A_63 : memref<1x128x16xf32, #tpu.memory_space<vmem>> -> memref<128x16xf32, #tpu.memory_space<vmem>>
      %dma_start3A_65 = arith.constant 0 : i32
      %dma_start3A_66 = tpu.memref_slice %arg10[%add3A_33, %dma_start3A_65] : memref<10240x16xf32, #tpu.memory_space<vmem_shared>> -> memref<128x16xf32, #tpu.memory_space<vmem_shared>>
      %dma_start3A_67 = arith.constant 0 : i32
      %dma_start3A_68 = tpu.memref_slice %arg10[%add3A_33, %dma_start3A_67] : memref<10240x16xf32, #tpu.memory_space<vmem_shared>> -> memref<128x16xf32, #tpu.memory_space<vmem_shared>>
      %dma_start3A_69 = arith.constant 0 : i32
      %dma_start3A_70 = arith.constant 0 : i32
      %dma_start3A_71 = tpu.memref_slice %arg8[%run_scoped3A_34, %dma_start3A_69, %dma_start3A_70] : memref<2x384x16xf32, #tpu.memory_space<vmem>> -> memref<1x128x16xf32, #tpu.memory_space<vmem>>
      %dma_start3A_72 = tpu.memref_squeeze %dma_start3A_71 : memref<1x128x16xf32, #tpu.memory_space<vmem>> -> memref<128x16xf32, #tpu.memory_space<vmem>>
      tpu.enqueue_dma source(%dma_start3A_72 : memref<128x16xf32, #tpu.memory_space<vmem>>) target(%dma_start3A_68 : memref<128x16xf32, #tpu.memory_space<vmem_shared>>) target_semaphore(%run_scoped3A_61 : memref<!tpu.dma_semaphore, #tpu.memory_space<semaphore_mem>>)
      %dma_wait3A = arith.constant 0 : i32
      %dma_wait3A_73 = arith.constant 0 : i32
      %dma_wait3A_74 = tpu.memref_slice %arg8[%run_scoped3A_34, %dma_wait3A, %dma_wait3A_73] : memref<2x384x16xf32, #tpu.memory_space<vmem>> -> memref<1x128x16xf32, #tpu.memory_space<vmem>>
      %dma_wait3A_75 = tpu.memref_squeeze %dma_wait3A_74 : memref<1x128x16xf32, #tpu.memory_space<vmem>> -> memref<128x16xf32, #tpu.memory_space<vmem>>
      %dma_wait3A_76 = arith.constant 0 : i32
      %dma_wait3A_77 = tpu.memref_slice %arg10[%add3A_33, %dma_wait3A_76] : memref<10240x16xf32, #tpu.memory_space<vmem_shared>> -> memref<128x16xf32, #tpu.memory_space<vmem_shared>>
      %dma_wait3A_78 = arith.constant 0 : i32
      %dma_wait3A_79 = tpu.memref_slice %arg10[%add3A_33, %dma_wait3A_78] : memref<10240x16xf32, #tpu.memory_space<vmem_shared>> -> memref<128x16xf32, #tpu.memory_space<vmem_shared>>
      %dma_wait3A_80 = arith.constant 0 : i32
      %dma_wait3A_81 = arith.constant 0 : i32
      %dma_wait3A_82 = tpu.memref_slice %arg8[%run_scoped3A_34, %dma_wait3A_80, %dma_wait3A_81] : memref<2x384x16xf32, #tpu.memory_space<vmem>> -> memref<1x128x16xf32, #tpu.memory_space<vmem>>
      %dma_wait3A_83 = tpu.memref_squeeze %dma_wait3A_82 : memref<1x128x16xf32, #tpu.memory_space<vmem>> -> memref<128x16xf32, #tpu.memory_space<vmem>>
      tpu.wait_dma2 semaphore(%run_scoped3A_61 : memref<!tpu.dma_semaphore, #tpu.memory_space<semaphore_mem>>) src(%dma_wait3A_83 : memref<128x16xf32, #tpu.memory_space<vmem>>) dst(%dma_wait3A_79 : memref<128x16xf32, #tpu.memory_space<vmem_shared>>)
      tpu.yield
    }) : () -> ()
    %barrier3A = arith.constant 0 : index
    tpu.barrier barrier_id(%barrier3A)
    %mul3A_35 = arith.constant 16 : i32
    %mul3A_36 = arith.muli %arg0, %mul3A_35 : i32
    %add3A_37 = arith.addi %mul3A_36, %arg1 : i32
    %mul3A_38 = arith.constant 78 : i32
    %mul3A_39 = arith.muli %add3A_37, %mul3A_38 : i32
    "tpu.region"() ({
      %run_scoped3A_61 = tpu.sem_alloc : memref<!tpu.dma_semaphore, #tpu.memory_space<semaphore_mem>>
      %dma_start3A = arith.constant 0 : i32
      %dma_start3A_62 = arith.constant 0 : i32
      %dma_start3A_63 = tpu.memref_slice %arg7[%dma_start3A, %dma_start3A_62] : memref<79x128xi32, #tpu.memory_space<vmem>> -> memref<78x128xi32, #tpu.memory_space<vmem>>
      %dma_start3A_64 = arith.constant 0 : i32
      %dma_start3A_65 = tpu.memref_slice %arg3[%mul3A_39, %dma_start3A_64] : memref<2500x128xi32, #tpu.memory_space<hbm>> -> memref<78x128xi32, #tpu.memory_space<hbm>>
      %dma_start3A_66 = arith.constant 0 : i32
      %dma_start3A_67 = arith.constant 0 : i32
      %dma_start3A_68 = tpu.memref_slice %arg7[%dma_start3A_66, %dma_start3A_67] : memref<79x128xi32, #tpu.memory_space<vmem>> -> memref<78x128xi32, #tpu.memory_space<vmem>>
      %dma_start3A_69 = arith.constant 0 : i32
      %dma_start3A_70 = tpu.memref_slice %arg3[%mul3A_39, %dma_start3A_69] : memref<2500x128xi32, #tpu.memory_space<hbm>> -> memref<78x128xi32, #tpu.memory_space<hbm>>
      tpu.enqueue_dma source(%dma_start3A_70 : memref<78x128xi32, #tpu.memory_space<hbm>>) target(%dma_start3A_68 : memref<78x128xi32, #tpu.memory_space<vmem>>) target_semaphore(%run_scoped3A_61 : memref<!tpu.dma_semaphore, #tpu.memory_space<semaphore_mem>>)
      %dma_wait3A = arith.constant 0 : i32
      %dma_wait3A_71 = arith.constant 0 : i32
      %dma_wait3A_72 = tpu.memref_slice %arg7[%dma_wait3A, %dma_wait3A_71] : memref<79x128xi32, #tpu.memory_space<vmem>> -> memref<78x128xi32, #tpu.memory_space<vmem>>
      %dma_wait3A_73 = arith.constant 0 : i32
      %dma_wait3A_74 = tpu.memref_slice %arg3[%mul3A_39, %dma_wait3A_73] : memref<2500x128xi32, #tpu.memory_space<hbm>> -> memref<78x128xi32, #tpu.memory_space<hbm>>
      %dma_wait3A_75 = arith.constant 0 : i32
      %dma_wait3A_76 = arith.constant 0 : i32
      %dma_wait3A_77 = tpu.memref_slice %arg7[%dma_wait3A_75, %dma_wait3A_76] : memref<79x128xi32, #tpu.memory_space<vmem>> -> memref<78x128xi32, #tpu.memory_space<vmem>>
      %dma_wait3A_78 = arith.constant 0 : i32
      %dma_wait3A_79 = tpu.memref_slice %arg3[%mul3A_39, %dma_wait3A_78] : memref<2500x128xi32, #tpu.memory_space<hbm>> -> memref<78x128xi32, #tpu.memory_space<hbm>>
      tpu.wait_dma2 semaphore(%run_scoped3A_61 : memref<!tpu.dma_semaphore, #tpu.memory_space<semaphore_mem>>) src(%dma_wait3A_79 : memref<78x128xi32, #tpu.memory_space<hbm>>) dst(%dma_wait3A_77 : memref<78x128xi32, #tpu.memory_space<vmem>>)
      tpu.yield
    }) : () -> ()
    %scan3A_40 = arith.constant 0 : i32
    %scan3A_41 = arith.constant 0 : i32
    %scan3A_42 = arith.constant 78 : i32
    %scan3A_43 = arith.addi %scan3A_41, %scan3A_42 : i32
    %scan3A_44 = arith.constant 1 : i32
    %scan3A_45 = scf.for %scan3A_61 = %scan3A_41 to %scan3A_43 step %scan3A_44 iter_args(%scan3A_62 = %scan3A_40) -> (i32)  : i32 {
      %dma_start3A = arith.constant 0 : i32
      %dma_start3A_63 = tpu.memref_slice %arg7[%scan3A_61, %dma_start3A] : memref<79x128xi32, #tpu.memory_space<vmem>> -> memref<1x128xi32, #tpu.memory_space<vmem>>
      %dma_start3A_64 = tpu.memref_squeeze %dma_start3A_63 : memref<1x128xi32, #tpu.memory_space<vmem>> -> memref<128xi32, #tpu.memory_space<vmem>>
      %dma_start3A_65 = arith.constant 0 : i32
      %dma_start3A_66 = arith.constant 0 : i32
      %dma_start3A_67 = tpu.memref_slice %arg10[%dma_start3A_65, %dma_start3A_66] : memref<10240x16xf32, #tpu.memory_space<vmem_shared>> -> memref<10240x16xf32, #tpu.memory_space<vmem_shared>>
      tpu.enqueue_indirect_dma source(%arg9 : memref<128x16xf32, #tpu.memory_space<vmem>>) target(%dma_start3A_67 : memref<10240x16xf32, #tpu.memory_space<vmem_shared>>) offsets(%dma_start3A_64 : memref<128xi32, #tpu.memory_space<vmem>>) semaphore(%arg13 : memref<!tpu.dma_semaphore, #tpu.memory_space<semaphore_mem>>) {add = true}
      %scan3A_68 = arith.constant 0 : i32
      scf.yield %scan3A_68 : i32
    }
    %scan3A_46 = arith.constant 78 : i32
    %scan3A_47 = arith.constant 0 : i32
    %scan3A_48 = arith.constant 0 : i32
    %scan3A_49 = arith.constant 78 : i32
    %scan3A_50 = arith.addi %scan3A_48, %scan3A_49 : i32
    %scan3A_51 = arith.constant 1 : i32
    %scan3A_52 = scf.for %scan3A_61 = %scan3A_48 to %scan3A_50 step %scan3A_51 iter_args(%scan3A_62 = %scan3A_47) -> (i32)  : i32 {
      %dma_wait3A = arith.constant 0 : i32
      %dma_wait3A_63 = arith.constant 0 : i32
      %dma_wait3A_64 = tpu.memref_slice %arg10[%dma_wait3A, %dma_wait3A_63] : memref<10240x16xf32, #tpu.memory_space<vmem_shared>> -> memref<128x16xf32, #tpu.memory_space<vmem_shared>>
      %dma_wait3A_65 = arith.constant 0 : i32
      %dma_wait3A_66 = arith.constant 0 : i32
      %dma_wait3A_67 = tpu.memref_slice %arg10[%dma_wait3A_65, %dma_wait3A_66] : memref<10240x16xf32, #tpu.memory_space<vmem_shared>> -> memref<128x16xf32, #tpu.memory_space<vmem_shared>>
      tpu.wait_dma2 semaphore(%arg13 : memref<!tpu.dma_semaphore, #tpu.memory_space<semaphore_mem>>) src(%arg9 : memref<128x16xf32, #tpu.memory_space<vmem>>) dst(%dma_wait3A_67 : memref<128x16xf32, #tpu.memory_space<vmem_shared>>)
      %scan3A_68 = arith.constant 0 : i32
      scf.yield %scan3A_68 : i32
    }
    %scan3A_53 = arith.constant 78 : i32
    %lt3A = arith.constant 4 : i32
    %lt3A_54 = arith.cmpi slt, %add3A_37, %lt3A : i32
    %convert_element_type3A = arith.extui %lt3A_54 : i1 to i32
    %cond3A = arith.constant 0 : i32
    %cond3A_55 = arith.cmpi ne, %convert_element_type3A, %cond3A : i32
    scf.if %cond3A_55 {
      %add3A_61 = arith.constant 2496 : i32
      %add3A_62 = arith.addi %add3A_61, %add3A_37 : i32
      "tpu.region"() ({
        %run_scoped3A_64 = tpu.sem_alloc : memref<!tpu.dma_semaphore, #tpu.memory_space<semaphore_mem>>
        %dma_start3A = arith.constant 78 : i32
        %dma_start3A_65 = arith.constant 0 : i32
        %dma_start3A_66 = tpu.memref_slice %arg7[%dma_start3A, %dma_start3A_65] : memref<79x128xi32, #tpu.memory_space<vmem>> -> memref<1x128xi32, #tpu.memory_space<vmem>>
        %dma_start3A_67 = arith.constant 0 : i32
        %dma_start3A_68 = tpu.memref_slice %arg3[%add3A_62, %dma_start3A_67] : memref<2500x128xi32, #tpu.memory_space<hbm>> -> memref<1x128xi32, #tpu.memory_space<hbm>>
        %dma_start3A_69 = arith.constant 78 : i32
        %dma_start3A_70 = arith.constant 0 : i32
        %dma_start3A_71 = tpu.memref_slice %arg7[%dma_start3A_69, %dma_start3A_70] : memref<79x128xi32, #tpu.memory_space<vmem>> -> memref<1x128xi32, #tpu.memory_space<vmem>>
        %dma_start3A_72 = arith.constant 0 : i32
        %dma_start3A_73 = tpu.memref_slice %arg3[%add3A_62, %dma_start3A_72] : memref<2500x128xi32, #tpu.memory_space<hbm>> -> memref<1x128xi32, #tpu.memory_space<hbm>>
        tpu.enqueue_dma source(%dma_start3A_73 : memref<1x128xi32, #tpu.memory_space<hbm>>) target(%dma_start3A_71 : memref<1x128xi32, #tpu.memory_space<vmem>>) target_semaphore(%run_scoped3A_64 : memref<!tpu.dma_semaphore, #tpu.memory_space<semaphore_mem>>)
        %dma_wait3A = arith.constant 78 : i32
        %dma_wait3A_74 = arith.constant 0 : i32
        %dma_wait3A_75 = tpu.memref_slice %arg7[%dma_wait3A, %dma_wait3A_74] : memref<79x128xi32, #tpu.memory_space<vmem>> -> memref<1x128xi32, #tpu.memory_space<vmem>>
        %dma_wait3A_76 = arith.constant 0 : i32
        %dma_wait3A_77 = tpu.memref_slice %arg3[%add3A_62, %dma_wait3A_76] : memref<2500x128xi32, #tpu.memory_space<hbm>> -> memref<1x128xi32, #tpu.memory_space<hbm>>
        %dma_wait3A_78 = arith.constant 78 : i32
        %dma_wait3A_79 = arith.constant 0 : i32
        %dma_wait3A_80 = tpu.memref_slice %arg7[%dma_wait3A_78, %dma_wait3A_79] : memref<79x128xi32, #tpu.memory_space<vmem>> -> memref<1x128xi32, #tpu.memory_space<vmem>>
        %dma_wait3A_81 = arith.constant 0 : i32
        %dma_wait3A_82 = tpu.memref_slice %arg3[%add3A_62, %dma_wait3A_81] : memref<2500x128xi32, #tpu.memory_space<hbm>> -> memref<1x128xi32, #tpu.memory_space<hbm>>
        tpu.wait_dma2 semaphore(%run_scoped3A_64 : memref<!tpu.dma_semaphore, #tpu.memory_space<semaphore_mem>>) src(%dma_wait3A_82 : memref<1x128xi32, #tpu.memory_space<hbm>>) dst(%dma_wait3A_80 : memref<1x128xi32, #tpu.memory_space<vmem>>)
        tpu.yield
      }) : () -> ()
      %run_scoped3A_63 = arith.constant 78 : i32
      "tpu.region"() ({
        %run_scoped3A_64 = tpu.sem_alloc : memref<!tpu.dma_semaphore, #tpu.memory_space<semaphore_mem>>
        %dma_start3A = arith.constant 0 : i32
        %dma_start3A_65 = tpu.memref_slice %arg7[%run_scoped3A_63, %dma_start3A] : memref<79x128xi32, #tpu.memory_space<vmem>> -> memref<1x128xi32, #tpu.memory_space<vmem>>
        %dma_start3A_66 = tpu.memref_squeeze %dma_start3A_65 : memref<1x128xi32, #tpu.memory_space<vmem>> -> memref<128xi32, #tpu.memory_space<vmem>>
        %dma_start3A_67 = arith.constant 0 : i32
        %dma_start3A_68 = arith.constant 0 : i32
        %dma_start3A_69 = tpu.memref_slice %arg10[%dma_start3A_67, %dma_start3A_68] : memref<10240x16xf32, #tpu.memory_space<vmem_shared>> -> memref<10240x16xf32, #tpu.memory_space<vmem_shared>>
        tpu.enqueue_indirect_dma source(%arg9 : memref<128x16xf32, #tpu.memory_space<vmem>>) target(%dma_start3A_69 : memref<10240x16xf32, #tpu.memory_space<vmem_shared>>) offsets(%dma_start3A_66 : memref<128xi32, #tpu.memory_space<vmem>>) semaphore(%run_scoped3A_64 : memref<!tpu.dma_semaphore, #tpu.memory_space<semaphore_mem>>) {add = true}
        %dma_wait3A = arith.constant 0 : i32
        %dma_wait3A_70 = tpu.memref_slice %arg7[%run_scoped3A_63, %dma_wait3A] : memref<79x128xi32, #tpu.memory_space<vmem>> -> memref<1x128xi32, #tpu.memory_space<vmem>>
        %dma_wait3A_71 = tpu.memref_squeeze %dma_wait3A_70 : memref<1x128xi32, #tpu.memory_space<vmem>> -> memref<128xi32, #tpu.memory_space<vmem>>
        %dma_wait3A_72 = arith.constant 0 : i32
        %dma_wait3A_73 = arith.constant 0 : i32
        %dma_wait3A_74 = tpu.memref_slice %arg10[%dma_wait3A_72, %dma_wait3A_73] : memref<10240x16xf32, #tpu.memory_space<vmem_shared>> -> memref<10240x16xf32, #tpu.memory_space<vmem_shared>>
        tpu.wait_indirect_dma semaphore(%run_scoped3A_64 : memref<!tpu.dma_semaphore, #tpu.memory_space<semaphore_mem>>) src(%arg9 : memref<128x16xf32, #tpu.memory_space<vmem>>) dst(%dma_wait3A_74 : memref<10240x16xf32, #tpu.memory_space<vmem_shared>>)
        tpu.yield
      }) : () -> ()
    } else {
    }
    %barrier3A_56 = arith.constant 0 : index
    tpu.barrier barrier_id(%barrier3A_56)
    %mul3A_57 = arith.constant 625 : i32
    %mul3A_58 = arith.muli %arg1, %mul3A_57 : i32
    %mul3A_59 = arith.constant 625 : i32
    %mul3A_60 = arith.muli %arg1, %mul3A_59 : i32
    "tpu.region"() ({
      %run_scoped3A_61 = tpu.sem_alloc : memref<!tpu.dma_semaphore, #tpu.memory_space<semaphore_mem>>
      %dma_start3A = arith.constant 0 : i32
      %dma_start3A_62 = tpu.memref_slice %arg5[%arg0, %mul3A_60, %dma_start3A] : memref<2x10000x16xf32, #tpu.memory_space<hbm>> -> memref<1x625x16xf32, #tpu.memory_space<hbm>>
      %dma_start3A_63 = tpu.memref_squeeze %dma_start3A_62 : memref<1x625x16xf32, #tpu.memory_space<hbm>> -> memref<625x16xf32, #tpu.memory_space<hbm>>
      %dma_start3A_64 = arith.constant 0 : i32
      %dma_start3A_65 = tpu.memref_slice %arg10[%mul3A_58, %dma_start3A_64] : memref<10240x16xf32, #tpu.memory_space<vmem_shared>> -> memref<625x16xf32, #tpu.memory_space<vmem_shared>>
      tpu.enqueue_dma source(%dma_start3A_65 : memref<625x16xf32, #tpu.memory_space<vmem_shared>>) target(%dma_start3A_63 : memref<625x16xf32, #tpu.memory_space<hbm>>) target_semaphore(%run_scoped3A_61 : memref<!tpu.dma_semaphore, #tpu.memory_space<semaphore_mem>>)
      %dma_wait3A = arith.constant 0 : i32
      %dma_wait3A_66 = tpu.memref_slice %arg5[%arg0, %mul3A_60, %dma_wait3A] : memref<2x10000x16xf32, #tpu.memory_space<hbm>> -> memref<1x625x16xf32, #tpu.memory_space<hbm>>
      %dma_wait3A_67 = tpu.memref_squeeze %dma_wait3A_66 : memref<1x625x16xf32, #tpu.memory_space<hbm>> -> memref<625x16xf32, #tpu.memory_space<hbm>>
      %dma_wait3A_68 = arith.constant 0 : i32
      %dma_wait3A_69 = tpu.memref_slice %arg10[%mul3A_58, %dma_wait3A_68] : memref<10240x16xf32, #tpu.memory_space<vmem_shared>> -> memref<625x16xf32, #tpu.memory_space<vmem_shared>>
      tpu.wait_dma2 semaphore(%run_scoped3A_61 : memref<!tpu.dma_semaphore, #tpu.memory_space<semaphore_mem>>) src(%dma_wait3A_69 : memref<625x16xf32, #tpu.memory_space<vmem_shared>>) dst(%dma_wait3A_67 : memref<625x16xf32, #tpu.memory_space<hbm>>)
      tpu.yield
    }) : () -> ()
    return
  }
}

#map = affine_map<(d0, d1) -> (0)>
#map1 = affine_map<(d0, d1) -> (0, 0)>
#map2 = affine_map<(d0, d1) -> (0, 0, 0)>
module attributes {stable_mosaic.version = 14 : i64} {
  func.func @body(%arg0: i32, %arg1: i32, %arg2: memref<320000xi32, #tpu.memory_space<hbm>>, %arg3: memref<2500x128xi32, #tpu.memory_space<hbm>>, %arg4: memref<10000x64xf32, #tpu.memory_space<hbm>>, %arg5: memref<2x10000x64xf32, #tpu.memory_space<hbm>>, %arg6: memref<9984xi32, #tpu.memory_space<vmem>>, %arg7: memref<79x128xi32, #tpu.memory_space<vmem>>, %arg8: memref<2x384x64xf32, #tpu.memory_space<vmem>>, %arg9: memref<128x64xf32, #tpu.memory_space<vmem>>, %arg10: memref<10240x64xf32, #tpu.memory_space<vmem_shared>>, %arg11: memref<!tpu.dma_semaphore, #tpu.memory_space<semaphore_mem>>, %arg12: memref<!tpu.dma_semaphore, #tpu.memory_space<semaphore_mem>>, %arg13: memref<!tpu.dma_semaphore, #tpu.memory_space<semaphore_mem>>, %arg14: memref<!tpu.dma_semaphore, #tpu.memory_space<semaphore_mem>>) attributes {dimension_semantics = [#tpu.dimension_semantics<core_parallel>, #tpu.dimension_semantics<subcore_parallel>], iteration_bounds = array<i64: 2, 16>, scalar_prefetch = 0 : i64, scratch_operands = 9 : i64, tpu.core_type = #tpu.core_type<sc_vector_subcore>, window_params = [{transform_indices = #map}, {transform_indices = #map1}, {transform_indices = #map1}, {transform_indices = #map2}]} {
    %scan3A = arith.constant 0 : i32
    %scan3A_0 = arith.constant 0 : i32
    %scan3A_1 = arith.constant 128 : i32
    %scan3A_2 = arith.addi %scan3A_0, %scan3A_1 : i32
    %scan3A_3 = arith.constant 1 : i32
    %scan3A_4 = scf.for %scan3A_106 = %scan3A_0 to %scan3A_2 step %scan3A_3 iter_args(%scan3A_107 = %scan3A) -> (i32)  : i32 {
      %broadcast_in_dim3A = arith.constant 0.000000e+00 : f32
      %broadcast_in_dim3A_108 = vector.broadcast %broadcast_in_dim3A : f32 to vector<16xf32>
      %swap3A = arith.index_cast %scan3A_106 : i32 to index
      %swap3A_109 = arith.constant 0 : index
      %swap3A_110 = tpu.vector_load %arg9[%swap3A, %swap3A_109] {strides = array<i32>} : memref<128x64xf32, #tpu.memory_space<vmem>>, vector<1x16xf32>,
      %swap3A_111 = vector.shape_cast %swap3A_110 : vector<1x16xf32> to vector<16xf32>
      %swap3A_112 = vector.shape_cast %broadcast_in_dim3A_108 : vector<16xf32> to vector<1x16xf32>
      tpu.vector_store %arg9[%swap3A, %swap3A_109], %swap3A_112 {strides = array<i32>} : memref<128x64xf32, #tpu.memory_space<vmem>>, vector<1x16xf32>,
      %broadcast_in_dim3A_113 = arith.constant 0.000000e+00 : f32
      %broadcast_in_dim3A_114 = vector.broadcast %broadcast_in_dim3A_113 : f32 to vector<16xf32>
      %swap3A_115 = arith.index_cast %scan3A_106 : i32 to index
      %swap3A_116 = arith.constant 16 : index
      %swap3A_117 = tpu.vector_load %arg9[%swap3A_115, %swap3A_116] {strides = array<i32>} : memref<128x64xf32, #tpu.memory_space<vmem>>, vector<1x16xf32>,
      %swap3A_118 = vector.shape_cast %swap3A_117 : vector<1x16xf32> to vector<16xf32>
      %swap3A_119 = vector.shape_cast %broadcast_in_dim3A_114 : vector<16xf32> to vector<1x16xf32>
      tpu.vector_store %arg9[%swap3A_115, %swap3A_116], %swap3A_119 {strides = array<i32>} : memref<128x64xf32, #tpu.memory_space<vmem>>, vector<1x16xf32>,
      %broadcast_in_dim3A_120 = arith.constant 0.000000e+00 : f32
      %broadcast_in_dim3A_121 = vector.broadcast %broadcast_in_dim3A_120 : f32 to vector<16xf32>
      %swap3A_122 = arith.index_cast %scan3A_106 : i32 to index
      %swap3A_123 = arith.constant 32 : index
      %swap3A_124 = tpu.vector_load %arg9[%swap3A_122, %swap3A_123] {strides = array<i32>} : memref<128x64xf32, #tpu.memory_space<vmem>>, vector<1x16xf32>,
      %swap3A_125 = vector.shape_cast %swap3A_124 : vector<1x16xf32> to vector<16xf32>
      %swap3A_126 = vector.shape_cast %broadcast_in_dim3A_121 : vector<16xf32> to vector<1x16xf32>
      tpu.vector_store %arg9[%swap3A_122, %swap3A_123], %swap3A_126 {strides = array<i32>} : memref<128x64xf32, #tpu.memory_space<vmem>>, vector<1x16xf32>,
      %broadcast_in_dim3A_127 = arith.constant 0.000000e+00 : f32
      %broadcast_in_dim3A_128 = vector.broadcast %broadcast_in_dim3A_127 : f32 to vector<16xf32>
      %swap3A_129 = arith.index_cast %scan3A_106 : i32 to index
      %swap3A_130 = arith.constant 48 : index
      %swap3A_131 = tpu.vector_load %arg9[%swap3A_129, %swap3A_130] {strides = array<i32>} : memref<128x64xf32, #tpu.memory_space<vmem>>, vector<1x16xf32>,
      %swap3A_132 = vector.shape_cast %swap3A_131 : vector<1x16xf32> to vector<16xf32>
      %swap3A_133 = vector.shape_cast %broadcast_in_dim3A_128 : vector<16xf32> to vector<1x16xf32>
      tpu.vector_store %arg9[%swap3A_129, %swap3A_130], %swap3A_133 {strides = array<i32>} : memref<128x64xf32, #tpu.memory_space<vmem>>, vector<1x16xf32>,
      %scan3A_134 = arith.constant 0 : i32
      scf.yield %scan3A_134 : i32
    }
    %scan3A_5 = arith.constant 128 : i32
    %mul3A = arith.constant 640 : i32
    %mul3A_6 = arith.muli %arg1, %mul3A : i32
    %add3A = arith.constant 0 : i32
    %add3A_7 = arith.addi %mul3A_6, %add3A : i32
    "tpu.region"() ({
      %run_scoped3A = tpu.sem_alloc : memref<!tpu.dma_semaphore, #tpu.memory_space<semaphore_mem>>
      %dma_start3A_106 = arith.constant 0 : i32
      %dma_start3A_107 = tpu.memref_slice %arg10[%add3A_7, %dma_start3A_106] : memref<10240x64xf32, #tpu.memory_space<vmem_shared>> -> memref<128x64xf32, #tpu.memory_space<vmem_shared>>
      %dma_start3A_108 = arith.constant 0 : i32
      %dma_start3A_109 = tpu.memref_slice %arg10[%add3A_7, %dma_start3A_108] : memref<10240x64xf32, #tpu.memory_space<vmem_shared>> -> memref<128x64xf32, #tpu.memory_space<vmem_shared>>
      tpu.enqueue_dma source(%arg9 : memref<128x64xf32, #tpu.memory_space<vmem>>) target(%dma_start3A_109 : memref<128x64xf32, #tpu.memory_space<vmem_shared>>) target_semaphore(%run_scoped3A : memref<!tpu.dma_semaphore, #tpu.memory_space<semaphore_mem>>)
      %dma_wait3A_110 = arith.constant 0 : i32
      %dma_wait3A_111 = tpu.memref_slice %arg10[%add3A_7, %dma_wait3A_110] : memref<10240x64xf32, #tpu.memory_space<vmem_shared>> -> memref<128x64xf32, #tpu.memory_space<vmem_shared>>
      %dma_wait3A_112 = arith.constant 0 : i32
      %dma_wait3A_113 = tpu.memref_slice %arg10[%add3A_7, %dma_wait3A_112] : memref<10240x64xf32, #tpu.memory_space<vmem_shared>> -> memref<128x64xf32, #tpu.memory_space<vmem_shared>>
      tpu.wait_dma2 semaphore(%run_scoped3A : memref<!tpu.dma_semaphore, #tpu.memory_space<semaphore_mem>>) src(%arg9 : memref<128x64xf32, #tpu.memory_space<vmem>>) dst(%dma_wait3A_113 : memref<128x64xf32, #tpu.memory_space<vmem_shared>>)
      tpu.yield
    }) : () -> ()
    %mul3A_8 = arith.constant 640 : i32
    %mul3A_9 = arith.muli %arg1, %mul3A_8 : i32
    %add3A_10 = arith.constant 128 : i32
    %add3A_11 = arith.addi %mul3A_9, %add3A_10 : i32
    "tpu.region"() ({
      %run_scoped3A = tpu.sem_alloc : memref<!tpu.dma_semaphore, #tpu.memory_space<semaphore_mem>>
      %dma_start3A_106 = arith.constant 0 : i32
      %dma_start3A_107 = tpu.memref_slice %arg10[%add3A_11, %dma_start3A_106] : memref<10240x64xf32, #tpu.memory_space<vmem_shared>> -> memref<128x64xf32, #tpu.memory_space<vmem_shared>>
      %dma_start3A_108 = arith.constant 0 : i32
      %dma_start3A_109 = tpu.memref_slice %arg10[%add3A_11, %dma_start3A_108] : memref<10240x64xf32, #tpu.memory_space<vmem_shared>> -> memref<128x64xf32, #tpu.memory_space<vmem_shared>>
      tpu.enqueue_dma source(%arg9 : memref<128x64xf32, #tpu.memory_space<vmem>>) target(%dma_start3A_109 : memref<128x64xf32, #tpu.memory_space<vmem_shared>>) target_semaphore(%run_scoped3A : memref<!tpu.dma_semaphore, #tpu.memory_space<semaphore_mem>>)
      %dma_wait3A_110 = arith.constant 0 : i32
      %dma_wait3A_111 = tpu.memref_slice %arg10[%add3A_11, %dma_wait3A_110] : memref<10240x64xf32, #tpu.memory_space<vmem_shared>> -> memref<128x64xf32, #tpu.memory_space<vmem_shared>>
      %dma_wait3A_112 = arith.constant 0 : i32
      %dma_wait3A_113 = tpu.memref_slice %arg10[%add3A_11, %dma_wait3A_112] : memref<10240x64xf32, #tpu.memory_space<vmem_shared>> -> memref<128x64xf32, #tpu.memory_space<vmem_shared>>
      tpu.wait_dma2 semaphore(%run_scoped3A : memref<!tpu.dma_semaphore, #tpu.memory_space<semaphore_mem>>) src(%arg9 : memref<128x64xf32, #tpu.memory_space<vmem>>) dst(%dma_wait3A_113 : memref<128x64xf32, #tpu.memory_space<vmem_shared>>)
      tpu.yield
    }) : () -> ()
    %mul3A_12 = arith.constant 640 : i32
    %mul3A_13 = arith.muli %arg1, %mul3A_12 : i32
    %add3A_14 = arith.constant 256 : i32
    %add3A_15 = arith.addi %mul3A_13, %add3A_14 : i32
    "tpu.region"() ({
      %run_scoped3A = tpu.sem_alloc : memref<!tpu.dma_semaphore, #tpu.memory_space<semaphore_mem>>
      %dma_start3A_106 = arith.constant 0 : i32
      %dma_start3A_107 = tpu.memref_slice %arg10[%add3A_15, %dma_start3A_106] : memref<10240x64xf32, #tpu.memory_space<vmem_shared>> -> memref<128x64xf32, #tpu.memory_space<vmem_shared>>
      %dma_start3A_108 = arith.constant 0 : i32
      %dma_start3A_109 = tpu.memref_slice %arg10[%add3A_15, %dma_start3A_108] : memref<10240x64xf32, #tpu.memory_space<vmem_shared>> -> memref<128x64xf32, #tpu.memory_space<vmem_shared>>
      tpu.enqueue_dma source(%arg9 : memref<128x64xf32, #tpu.memory_space<vmem>>) target(%dma_start3A_109 : memref<128x64xf32, #tpu.memory_space<vmem_shared>>) target_semaphore(%run_scoped3A : memref<!tpu.dma_semaphore, #tpu.memory_space<semaphore_mem>>)
      %dma_wait3A_110 = arith.constant 0 : i32
      %dma_wait3A_111 = tpu.memref_slice %arg10[%add3A_15, %dma_wait3A_110] : memref<10240x64xf32, #tpu.memory_space<vmem_shared>> -> memref<128x64xf32, #tpu.memory_space<vmem_shared>>
      %dma_wait3A_112 = arith.constant 0 : i32
      %dma_wait3A_113 = tpu.memref_slice %arg10[%add3A_15, %dma_wait3A_112] : memref<10240x64xf32, #tpu.memory_space<vmem_shared>> -> memref<128x64xf32, #tpu.memory_space<vmem_shared>>
      tpu.wait_dma2 semaphore(%run_scoped3A : memref<!tpu.dma_semaphore, #tpu.memory_space<semaphore_mem>>) src(%arg9 : memref<128x64xf32, #tpu.memory_space<vmem>>) dst(%dma_wait3A_113 : memref<128x64xf32, #tpu.memory_space<vmem_shared>>)
      tpu.yield
    }) : () -> ()
    %mul3A_16 = arith.constant 640 : i32
    %mul3A_17 = arith.muli %arg1, %mul3A_16 : i32
    %add3A_18 = arith.constant 384 : i32
    %add3A_19 = arith.addi %mul3A_17, %add3A_18 : i32
    "tpu.region"() ({
      %run_scoped3A = tpu.sem_alloc : memref<!tpu.dma_semaphore, #tpu.memory_space<semaphore_mem>>
      %dma_start3A_106 = arith.constant 0 : i32
      %dma_start3A_107 = tpu.memref_slice %arg10[%add3A_19, %dma_start3A_106] : memref<10240x64xf32, #tpu.memory_space<vmem_shared>> -> memref<128x64xf32, #tpu.memory_space<vmem_shared>>
      %dma_start3A_108 = arith.constant 0 : i32
      %dma_start3A_109 = tpu.memref_slice %arg10[%add3A_19, %dma_start3A_108] : memref<10240x64xf32, #tpu.memory_space<vmem_shared>> -> memref<128x64xf32, #tpu.memory_space<vmem_shared>>
      tpu.enqueue_dma source(%arg9 : memref<128x64xf32, #tpu.memory_space<vmem>>) target(%dma_start3A_109 : memref<128x64xf32, #tpu.memory_space<vmem_shared>>) target_semaphore(%run_scoped3A : memref<!tpu.dma_semaphore, #tpu.memory_space<semaphore_mem>>)
      %dma_wait3A_110 = arith.constant 0 : i32
      %dma_wait3A_111 = tpu.memref_slice %arg10[%add3A_19, %dma_wait3A_110] : memref<10240x64xf32, #tpu.memory_space<vmem_shared>> -> memref<128x64xf32, #tpu.memory_space<vmem_shared>>
      %dma_wait3A_112 = arith.constant 0 : i32
      %dma_wait3A_113 = tpu.memref_slice %arg10[%add3A_19, %dma_wait3A_112] : memref<10240x64xf32, #tpu.memory_space<vmem_shared>> -> memref<128x64xf32, #tpu.memory_space<vmem_shared>>
      tpu.wait_dma2 semaphore(%run_scoped3A : memref<!tpu.dma_semaphore, #tpu.memory_space<semaphore_mem>>) src(%arg9 : memref<128x64xf32, #tpu.memory_space<vmem>>) dst(%dma_wait3A_113 : memref<128x64xf32, #tpu.memory_space<vmem_shared>>)
      tpu.yield
    }) : () -> ()
    %mul3A_20 = arith.constant 640 : i32
    %mul3A_21 = arith.muli %arg1, %mul3A_20 : i32
    %add3A_22 = arith.constant 512 : i32
    %add3A_23 = arith.addi %mul3A_21, %add3A_22 : i32
    "tpu.region"() ({
      %run_scoped3A = tpu.sem_alloc : memref<!tpu.dma_semaphore, #tpu.memory_space<semaphore_mem>>
      %dma_start3A_106 = arith.constant 0 : i32
      %dma_start3A_107 = tpu.memref_slice %arg10[%add3A_23, %dma_start3A_106] : memref<10240x64xf32, #tpu.memory_space<vmem_shared>> -> memref<128x64xf32, #tpu.memory_space<vmem_shared>>
      %dma_start3A_108 = arith.constant 0 : i32
      %dma_start3A_109 = tpu.memref_slice %arg10[%add3A_23, %dma_start3A_108] : memref<10240x64xf32, #tpu.memory_space<vmem_shared>> -> memref<128x64xf32, #tpu.memory_space<vmem_shared>>
      tpu.enqueue_dma source(%arg9 : memref<128x64xf32, #tpu.memory_space<vmem>>) target(%dma_start3A_109 : memref<128x64xf32, #tpu.memory_space<vmem_shared>>) target_semaphore(%run_scoped3A : memref<!tpu.dma_semaphore, #tpu.memory_space<semaphore_mem>>)
      %dma_wait3A_110 = arith.constant 0 : i32
      %dma_wait3A_111 = tpu.memref_slice %arg10[%add3A_23, %dma_wait3A_110] : memref<10240x64xf32, #tpu.memory_space<vmem_shared>> -> memref<128x64xf32, #tpu.memory_space<vmem_shared>>
      %dma_wait3A_112 = arith.constant 0 : i32
      %dma_wait3A_113 = tpu.memref_slice %arg10[%add3A_23, %dma_wait3A_112] : memref<10240x64xf32, #tpu.memory_space<vmem_shared>> -> memref<128x64xf32, #tpu.memory_space<vmem_shared>>
      tpu.wait_dma2 semaphore(%run_scoped3A : memref<!tpu.dma_semaphore, #tpu.memory_space<semaphore_mem>>) src(%arg9 : memref<128x64xf32, #tpu.memory_space<vmem>>) dst(%dma_wait3A_113 : memref<128x64xf32, #tpu.memory_space<vmem_shared>>)
      tpu.yield
    }) : () -> ()
    %barrier3A = arith.constant 0 : index
    tpu.barrier barrier_id(%barrier3A)
    %mul3A_24 = arith.constant 16 : i32
    %mul3A_25 = arith.muli %arg0, %mul3A_24 : i32
    %add3A_26 = arith.addi %mul3A_25, %arg1 : i32
    %mul3A_27 = arith.constant 78 : i32
    %mul3A_28 = arith.muli %add3A_26, %mul3A_27 : i32
    "tpu.region"() ({
      %run_scoped3A = tpu.sem_alloc : memref<!tpu.dma_semaphore, #tpu.memory_space<semaphore_mem>>
      %dma_start3A_106 = arith.constant 0 : i32
      %dma_start3A_107 = arith.constant 0 : i32
      %dma_start3A_108 = tpu.memref_slice %arg7[%dma_start3A_106, %dma_start3A_107] : memref<79x128xi32, #tpu.memory_space<vmem>> -> memref<78x128xi32, #tpu.memory_space<vmem>>
      %dma_start3A_109 = arith.constant 0 : i32
      %dma_start3A_110 = tpu.memref_slice %arg3[%mul3A_28, %dma_start3A_109] : memref<2500x128xi32, #tpu.memory_space<hbm>> -> memref<78x128xi32, #tpu.memory_space<hbm>>
      %dma_start3A_111 = arith.constant 0 : i32
      %dma_start3A_112 = arith.constant 0 : i32
      %dma_start3A_113 = tpu.memref_slice %arg7[%dma_start3A_111, %dma_start3A_112] : memref<79x128xi32, #tpu.memory_space<vmem>> -> memref<78x128xi32, #tpu.memory_space<vmem>>
      %dma_start3A_114 = arith.constant 0 : i32
      %dma_start3A_115 = tpu.memref_slice %arg3[%mul3A_28, %dma_start3A_114] : memref<2500x128xi32, #tpu.memory_space<hbm>> -> memref<78x128xi32, #tpu.memory_space<hbm>>
      tpu.enqueue_dma source(%dma_start3A_115 : memref<78x128xi32, #tpu.memory_space<hbm>>) target(%dma_start3A_113 : memref<78x128xi32, #tpu.memory_space<vmem>>) target_semaphore(%run_scoped3A : memref<!tpu.dma_semaphore, #tpu.memory_space<semaphore_mem>>)
      %dma_wait3A_116 = arith.constant 0 : i32
      %dma_wait3A_117 = arith.constant 0 : i32
      %dma_wait3A_118 = tpu.memref_slice %arg7[%dma_wait3A_116, %dma_wait3A_117] : memref<79x128xi32, #tpu.memory_space<vmem>> -> memref<78x128xi32, #tpu.memory_space<vmem>>
      %dma_wait3A_119 = arith.constant 0 : i32
      %dma_wait3A_120 = tpu.memref_slice %arg3[%mul3A_28, %dma_wait3A_119] : memref<2500x128xi32, #tpu.memory_space<hbm>> -> memref<78x128xi32, #tpu.memory_space<hbm>>
      %dma_wait3A_121 = arith.constant 0 : i32
      %dma_wait3A_122 = arith.constant 0 : i32
      %dma_wait3A_123 = tpu.memref_slice %arg7[%dma_wait3A_121, %dma_wait3A_122] : memref<79x128xi32, #tpu.memory_space<vmem>> -> memref<78x128xi32, #tpu.memory_space<vmem>>
      %dma_wait3A_124 = arith.constant 0 : i32
      %dma_wait3A_125 = tpu.memref_slice %arg3[%mul3A_28, %dma_wait3A_124] : memref<2500x128xi32, #tpu.memory_space<hbm>> -> memref<78x128xi32, #tpu.memory_space<hbm>>
      tpu.wait_dma2 semaphore(%run_scoped3A : memref<!tpu.dma_semaphore, #tpu.memory_space<semaphore_mem>>) src(%dma_wait3A_125 : memref<78x128xi32, #tpu.memory_space<hbm>>) dst(%dma_wait3A_123 : memref<78x128xi32, #tpu.memory_space<vmem>>)
      tpu.yield
    }) : () -> ()
    %mul3A_29 = arith.constant 128 : i32
    %mul3A_30 = arith.muli %mul3A_28, %mul3A_29 : i32
    %multiple_of3A = tpu.assume_multiple %mul3A_30, 128 : i32
    "tpu.region"() ({
      %run_scoped3A = tpu.sem_alloc : memref<!tpu.dma_semaphore, #tpu.memory_space<semaphore_mem>>
      %dma_start3A_106 = arith.constant 0 : i32
      %dma_start3A_107 = tpu.memref_slice %arg6[%dma_start3A_106] : memref<9984xi32, #tpu.memory_space<vmem>> -> memref<9984xi32, #tpu.memory_space<vmem>>
      %dma_start3A_108 = tpu.memref_slice %arg2[%multiple_of3A] : memref<320000xi32, #tpu.memory_space<hbm>> -> memref<9984xi32, #tpu.memory_space<hbm>>
      %dma_start3A_109 = arith.constant 0 : i32
      %dma_start3A_110 = tpu.memref_slice %arg6[%dma_start3A_109] : memref<9984xi32, #tpu.memory_space<vmem>> -> memref<9984xi32, #tpu.memory_space<vmem>>
      %dma_start3A_111 = tpu.memref_slice %arg2[%multiple_of3A] : memref<320000xi32, #tpu.memory_space<hbm>> -> memref<9984xi32, #tpu.memory_space<hbm>>
      tpu.enqueue_dma source(%dma_start3A_111 : memref<9984xi32, #tpu.memory_space<hbm>>) target(%dma_start3A_110 : memref<9984xi32, #tpu.memory_space<vmem>>) target_semaphore(%run_scoped3A : memref<!tpu.dma_semaphore, #tpu.memory_space<semaphore_mem>>)
      %dma_wait3A_112 = arith.constant 0 : i32
      %dma_wait3A_113 = tpu.memref_slice %arg6[%dma_wait3A_112] : memref<9984xi32, #tpu.memory_space<vmem>> -> memref<9984xi32, #tpu.memory_space<vmem>>
      %dma_wait3A_114 = tpu.memref_slice %arg2[%multiple_of3A] : memref<320000xi32, #tpu.memory_space<hbm>> -> memref<9984xi32, #tpu.memory_space<hbm>>
      %dma_wait3A_115 = arith.constant 0 : i32
      %dma_wait3A_116 = tpu.memref_slice %arg6[%dma_wait3A_115] : memref<9984xi32, #tpu.memory_space<vmem>> -> memref<9984xi32, #tpu.memory_space<vmem>>
      %dma_wait3A_117 = tpu.memref_slice %arg2[%multiple_of3A] : memref<320000xi32, #tpu.memory_space<hbm>> -> memref<9984xi32, #tpu.memory_space<hbm>>
      tpu.wait_dma2 semaphore(%run_scoped3A : memref<!tpu.dma_semaphore, #tpu.memory_space<semaphore_mem>>) src(%dma_wait3A_117 : memref<9984xi32, #tpu.memory_space<hbm>>) dst(%dma_wait3A_116 : memref<9984xi32, #tpu.memory_space<vmem>>)
      tpu.yield
    }) : () -> ()
    %multiple_of3A_31 = arith.constant 0 : i32
    %multiple_of3A_32 = tpu.assume_multiple %multiple_of3A_31, 128 : i32
    %dma_start3A = arith.constant 0 : i32
    %dma_start3A_33 = arith.constant 0 : i32
    %dma_start3A_34 = arith.constant 0 : i32
    %dma_start3A_35 = tpu.memref_slice %arg8[%dma_start3A, %dma_start3A_33, %dma_start3A_34] : memref<2x384x64xf32, #tpu.memory_space<vmem>> -> memref<1x128x64xf32, #tpu.memory_space<vmem>>
    %dma_start3A_36 = tpu.memref_squeeze %dma_start3A_35 : memref<1x128x64xf32, #tpu.memory_space<vmem>> -> memref<128x64xf32, #tpu.memory_space<vmem>>
    %dma_start3A_37 = tpu.memref_slice %arg6[%multiple_of3A_32] : memref<9984xi32, #tpu.memory_space<vmem>> -> memref<128xi32, #tpu.memory_space<vmem>>
    %dma_start3A_38 = arith.constant 0 : i32
    %dma_start3A_39 = arith.constant 0 : i32
    %dma_start3A_40 = tpu.memref_slice %arg4[%dma_start3A_38, %dma_start3A_39] : memref<10000x64xf32, #tpu.memory_space<hbm>> -> memref<10000x64xf32, #tpu.memory_space<hbm>>
    tpu.enqueue_indirect_dma source(%dma_start3A_40 : memref<10000x64xf32, #tpu.memory_space<hbm>>) target(%dma_start3A_36 : memref<128x64xf32, #tpu.memory_space<vmem>>) offsets(%dma_start3A_37 : memref<128xi32, #tpu.memory_space<vmem>>) semaphore(%arg11 : memref<!tpu.dma_semaphore, #tpu.memory_space<semaphore_mem>>)
    %multiple_of3A_41 = arith.constant 128 : i32
    %multiple_of3A_42 = tpu.assume_multiple %multiple_of3A_41, 128 : i32
    %dma_start3A_43 = arith.constant 0 : i32
    %dma_start3A_44 = arith.constant 128 : i32
    %dma_start3A_45 = arith.constant 0 : i32
    %dma_start3A_46 = tpu.memref_slice %arg8[%dma_start3A_43, %dma_start3A_44, %dma_start3A_45] : memref<2x384x64xf32, #tpu.memory_space<vmem>> -> memref<1x128x64xf32, #tpu.memory_space<vmem>>
    %dma_start3A_47 = tpu.memref_squeeze %dma_start3A_46 : memref<1x128x64xf32, #tpu.memory_space<vmem>> -> memref<128x64xf32, #tpu.memory_space<vmem>>
    %dma_start3A_48 = tpu.memref_slice %arg6[%multiple_of3A_42] : memref<9984xi32, #tpu.memory_space<vmem>> -> memref<128xi32, #tpu.memory_space<vmem>>
    %dma_start3A_49 = arith.constant 0 : i32
    %dma_start3A_50 = arith.constant 0 : i32
    %dma_start3A_51 = tpu.memref_slice %arg4[%dma_start3A_49, %dma_start3A_50] : memref<10000x64xf32, #tpu.memory_space<hbm>> -> memref<10000x64xf32, #tpu.memory_space<hbm>>
    tpu.enqueue_indirect_dma source(%dma_start3A_51 : memref<10000x64xf32, #tpu.memory_space<hbm>>) target(%dma_start3A_47 : memref<128x64xf32, #tpu.memory_space<vmem>>) offsets(%dma_start3A_48 : memref<128xi32, #tpu.memory_space<vmem>>) semaphore(%arg11 : memref<!tpu.dma_semaphore, #tpu.memory_space<semaphore_mem>>)
    %multiple_of3A_52 = arith.constant 256 : i32
    %multiple_of3A_53 = tpu.assume_multiple %multiple_of3A_52, 128 : i32
    %dma_start3A_54 = arith.constant 0 : i32
    %dma_start3A_55 = arith.constant 256 : i32
    %dma_start3A_56 = arith.constant 0 : i32
    %dma_start3A_57 = tpu.memref_slice %arg8[%dma_start3A_54, %dma_start3A_55, %dma_start3A_56] : memref<2x384x64xf32, #tpu.memory_space<vmem>> -> memref<1x128x64xf32, #tpu.memory_space<vmem>>
    %dma_start3A_58 = tpu.memref_squeeze %dma_start3A_57 : memref<1x128x64xf32, #tpu.memory_space<vmem>> -> memref<128x64xf32, #tpu.memory_space<vmem>>
    %dma_start3A_59 = tpu.memref_slice %arg6[%multiple_of3A_53] : memref<9984xi32, #tpu.memory_space<vmem>> -> memref<128xi32, #tpu.memory_space<vmem>>
    %dma_start3A_60 = arith.constant 0 : i32
    %dma_start3A_61 = arith.constant 0 : i32
    %dma_start3A_62 = tpu.memref_slice %arg4[%dma_start3A_60, %dma_start3A_61] : memref<10000x64xf32, #tpu.memory_space<hbm>> -> memref<10000x64xf32, #tpu.memory_space<hbm>>
    tpu.enqueue_indirect_dma source(%dma_start3A_62 : memref<10000x64xf32, #tpu.memory_space<hbm>>) target(%dma_start3A_58 : memref<128x64xf32, #tpu.memory_space<vmem>>) offsets(%dma_start3A_59 : memref<128xi32, #tpu.memory_space<vmem>>) semaphore(%arg11 : memref<!tpu.dma_semaphore, #tpu.memory_space<semaphore_mem>>)
    %scan3A_63 = arith.constant 0 : i32
    %scan3A_64 = arith.constant 0 : i32
    %scan3A_65 = arith.constant 13 : i32
    %scan3A_66 = arith.addi %scan3A_64, %scan3A_65 : i32
    %scan3A_67 = arith.constant 1 : i32
    %scan3A_68 = scf.for %scan3A_106 = %scan3A_64 to %scan3A_66 step %scan3A_67 iter_args(%scan3A_107 = %scan3A_63) -> (i32)  : i32 {
      %mul3A_108 = arith.constant 2 : i32
      %mul3A_109 = arith.muli %mul3A_108, %scan3A_106 : i32
      %add3A_110 = arith.constant 0 : i32
      %add3A_111 = arith.addi %mul3A_109, %add3A_110 : i32
      %add3A_112 = arith.constant 1 : i32
      %add3A_113 = arith.addi %add3A_111, %add3A_112 : i32
      %lt3A_114 = arith.constant 26 : i32
      %lt3A_115 = arith.cmpi slt, %add3A_113, %lt3A_114 : i32
      %convert_element_type3A_116 = arith.extui %lt3A_115 : i1 to i32
      %cond3A_117 = arith.constant 0 : i32
      %cond3A_118 = arith.cmpi ne, %convert_element_type3A_116, %cond3A_117 : i32
      scf.if %cond3A_118 {
        %ge3A = arith.constant 1 : i32
        %ge3A_251 = arith.cmpi sge, %add3A_111, %ge3A : i32
        %convert_element_type3A_252 = arith.extui %ge3A_251 : i1 to i32
        %cond3A_253 = arith.constant 0 : i32
        %cond3A_254 = arith.cmpi ne, %convert_element_type3A_252, %cond3A_253 : i32
        scf.if %cond3A_254 {
          %dma_wait3A_305 = arith.constant 1 : i32
          %dma_wait3A_306 = arith.constant 0 : i32
          %dma_wait3A_307 = arith.constant 0 : i32
          %dma_wait3A_308 = tpu.memref_slice %arg8[%dma_wait3A_305, %dma_wait3A_306, %dma_wait3A_307] : memref<2x384x64xf32, #tpu.memory_space<vmem>> -> memref<1x384x64xf32, #tpu.memory_space<vmem>>
          %dma_wait3A_309 = tpu.memref_squeeze %dma_wait3A_308 : memref<1x384x64xf32, #tpu.memory_space<vmem>> -> memref<384x64xf32, #tpu.memory_space<vmem>>
          %dma_wait3A_310 = arith.constant 0 : i32
          %dma_wait3A_311 = arith.constant 0 : i32
          %dma_wait3A_312 = tpu.memref_slice %arg10[%dma_wait3A_310, %dma_wait3A_311] : memref<10240x64xf32, #tpu.memory_space<vmem_shared>> -> memref<384x64xf32, #tpu.memory_space<vmem_shared>>
          %dma_wait3A_313 = arith.constant 0 : i32
          %dma_wait3A_314 = arith.constant 0 : i32
          %dma_wait3A_315 = tpu.memref_slice %arg10[%dma_wait3A_313, %dma_wait3A_314] : memref<10240x64xf32, #tpu.memory_space<vmem_shared>> -> memref<384x64xf32, #tpu.memory_space<vmem_shared>>
          %dma_wait3A_316 = arith.constant 0 : i32
          %dma_wait3A_317 = arith.constant 0 : i32
          %dma_wait3A_318 = tpu.memref_slice %arg8[%dma_wait3A_305, %dma_wait3A_316, %dma_wait3A_317] : memref<2x384x64xf32, #tpu.memory_space<vmem>> -> memref<1x384x64xf32, #tpu.memory_space<vmem>>
          %dma_wait3A_319 = tpu.memref_squeeze %dma_wait3A_318 : memref<1x384x64xf32, #tpu.memory_space<vmem>> -> memref<384x64xf32, #tpu.memory_space<vmem>>
          tpu.wait_dma2 semaphore(%arg14 : memref<!tpu.dma_semaphore, #tpu.memory_space<semaphore_mem>>) src(%dma_wait3A_319 : memref<384x64xf32, #tpu.memory_space<vmem>>) dst(%dma_wait3A_315 : memref<384x64xf32, #tpu.memory_space<vmem_shared>>)
        } else {
        }
        %add3A_255 = arith.constant 1 : i32
        %add3A_256 = arith.addi %add3A_111, %add3A_255 : i32
        %mul3A_257 = arith.constant 3 : i32
        %mul3A_258 = arith.muli %add3A_256, %mul3A_257 : i32
        %add3A_259 = arith.constant 0 : i32
        %add3A_260 = arith.addi %mul3A_258, %add3A_259 : i32
        %mul3A_261 = arith.constant 128 : i32
        %mul3A_262 = arith.muli %add3A_260, %mul3A_261 : i32
        %multiple_of3A_263 = tpu.assume_multiple %mul3A_262, 128 : i32
        %dma_start3A_264 = arith.constant 1 : i32
        %dma_start3A_265 = arith.constant 0 : i32
        %dma_start3A_266 = arith.constant 0 : i32
        %dma_start3A_267 = tpu.memref_slice %arg8[%dma_start3A_264, %dma_start3A_265, %dma_start3A_266] : memref<2x384x64xf32, #tpu.memory_space<vmem>> -> memref<1x128x64xf32, #tpu.memory_space<vmem>>
        %dma_start3A_268 = tpu.memref_squeeze %dma_start3A_267 : memref<1x128x64xf32, #tpu.memory_space<vmem>> -> memref<128x64xf32, #tpu.memory_space<vmem>>
        %dma_start3A_269 = tpu.memref_slice %arg6[%multiple_of3A_263] : memref<9984xi32, #tpu.memory_space<vmem>> -> memref<128xi32, #tpu.memory_space<vmem>>
        %dma_start3A_270 = arith.constant 0 : i32
        %dma_start3A_271 = arith.constant 0 : i32
        %dma_start3A_272 = tpu.memref_slice %arg4[%dma_start3A_270, %dma_start3A_271] : memref<10000x64xf32, #tpu.memory_space<hbm>> -> memref<10000x64xf32, #tpu.memory_space<hbm>>
        tpu.enqueue_indirect_dma source(%dma_start3A_272 : memref<10000x64xf32, #tpu.memory_space<hbm>>) target(%dma_start3A_268 : memref<128x64xf32, #tpu.memory_space<vmem>>) offsets(%dma_start3A_269 : memref<128xi32, #tpu.memory_space<vmem>>) semaphore(%arg12 : memref<!tpu.dma_semaphore, #tpu.memory_space<semaphore_mem>>)
        %mul3A_273 = arith.constant 3 : i32
        %mul3A_274 = arith.muli %add3A_256, %mul3A_273 : i32
        %add3A_275 = arith.constant 1 : i32
        %add3A_276 = arith.addi %mul3A_274, %add3A_275 : i32
        %mul3A_277 = arith.constant 128 : i32
        %mul3A_278 = arith.muli %add3A_276, %mul3A_277 : i32
        %multiple_of3A_279 = tpu.assume_multiple %mul3A_278, 128 : i32
        %dma_start3A_280 = arith.constant 1 : i32
        %dma_start3A_281 = arith.constant 128 : i32
        %dma_start3A_282 = arith.constant 0 : i32
        %dma_start3A_283 = tpu.memref_slice %arg8[%dma_start3A_280, %dma_start3A_281, %dma_start3A_282] : memref<2x384x64xf32, #tpu.memory_space<vmem>> -> memref<1x128x64xf32, #tpu.memory_space<vmem>>
        %dma_start3A_284 = tpu.memref_squeeze %dma_start3A_283 : memref<1x128x64xf32, #tpu.memory_space<vmem>> -> memref<128x64xf32, #tpu.memory_space<vmem>>
        %dma_start3A_285 = tpu.memref_slice %arg6[%multiple_of3A_279] : memref<9984xi32, #tpu.memory_space<vmem>> -> memref<128xi32, #tpu.memory_space<vmem>>
        %dma_start3A_286 = arith.constant 0 : i32
        %dma_start3A_287 = arith.constant 0 : i32
        %dma_start3A_288 = tpu.memref_slice %arg4[%dma_start3A_286, %dma_start3A_287] : memref<10000x64xf32, #tpu.memory_space<hbm>> -> memref<10000x64xf32, #tpu.memory_space<hbm>>
        tpu.enqueue_indirect_dma source(%dma_start3A_288 : memref<10000x64xf32, #tpu.memory_space<hbm>>) target(%dma_start3A_284 : memref<128x64xf32, #tpu.memory_space<vmem>>) offsets(%dma_start3A_285 : memref<128xi32, #tpu.memory_space<vmem>>) semaphore(%arg12 : memref<!tpu.dma_semaphore, #tpu.memory_space<semaphore_mem>>)
        %mul3A_289 = arith.constant 3 : i32
        %mul3A_290 = arith.muli %add3A_256, %mul3A_289 : i32
        %add3A_291 = arith.constant 2 : i32
        %add3A_292 = arith.addi %mul3A_290, %add3A_291 : i32
        %mul3A_293 = arith.constant 128 : i32
        %mul3A_294 = arith.muli %add3A_292, %mul3A_293 : i32
        %multiple_of3A_295 = tpu.assume_multiple %mul3A_294, 128 : i32
        %dma_start3A_296 = arith.constant 1 : i32
        %dma_start3A_297 = arith.constant 256 : i32
        %dma_start3A_298 = arith.constant 0 : i32
        %dma_start3A_299 = tpu.memref_slice %arg8[%dma_start3A_296, %dma_start3A_297, %dma_start3A_298] : memref<2x384x64xf32, #tpu.memory_space<vmem>> -> memref<1x128x64xf32, #tpu.memory_space<vmem>>
        %dma_start3A_300 = tpu.memref_squeeze %dma_start3A_299 : memref<1x128x64xf32, #tpu.memory_space<vmem>> -> memref<128x64xf32, #tpu.memory_space<vmem>>
        %dma_start3A_301 = tpu.memref_slice %arg6[%multiple_of3A_295] : memref<9984xi32, #tpu.memory_space<vmem>> -> memref<128xi32, #tpu.memory_space<vmem>>
        %dma_start3A_302 = arith.constant 0 : i32
        %dma_start3A_303 = arith.constant 0 : i32
        %dma_start3A_304 = tpu.memref_slice %arg4[%dma_start3A_302, %dma_start3A_303] : memref<10000x64xf32, #tpu.memory_space<hbm>> -> memref<10000x64xf32, #tpu.memory_space<hbm>>
        tpu.enqueue_indirect_dma source(%dma_start3A_304 : memref<10000x64xf32, #tpu.memory_space<hbm>>) target(%dma_start3A_300 : memref<128x64xf32, #tpu.memory_space<vmem>>) offsets(%dma_start3A_301 : memref<128xi32, #tpu.memory_space<vmem>>) semaphore(%arg12 : memref<!tpu.dma_semaphore, #tpu.memory_space<semaphore_mem>>)
      } else {
      }
      %dma_wait3A_119 = arith.constant 0 : i32
      %dma_wait3A_120 = arith.constant 0 : i32
      %dma_wait3A_121 = arith.constant 0 : i32
      %dma_wait3A_122 = tpu.memref_slice %arg8[%dma_wait3A_119, %dma_wait3A_120, %dma_wait3A_121] : memref<2x384x64xf32, #tpu.memory_space<vmem>> -> memref<1x384x64xf32, #tpu.memory_space<vmem>>
      %dma_wait3A_123 = tpu.memref_squeeze %dma_wait3A_122 : memref<1x384x64xf32, #tpu.memory_space<vmem>> -> memref<384x64xf32, #tpu.memory_space<vmem>>
      %dma_wait3A_124 = arith.constant 0 : i32
      %dma_wait3A_125 = arith.constant 0 : i32
      %dma_wait3A_126 = tpu.memref_slice %arg4[%dma_wait3A_124, %dma_wait3A_125] : memref<10000x64xf32, #tpu.memory_space<hbm>> -> memref<384x64xf32, #tpu.memory_space<hbm>>
      %dma_wait3A_127 = arith.constant 0 : i32
      %dma_wait3A_128 = arith.constant 0 : i32
      %dma_wait3A_129 = tpu.memref_slice %arg8[%dma_wait3A_119, %dma_wait3A_127, %dma_wait3A_128] : memref<2x384x64xf32, #tpu.memory_space<vmem>> -> memref<1x384x64xf32, #tpu.memory_space<vmem>>
      %dma_wait3A_130 = tpu.memref_squeeze %dma_wait3A_129 : memref<1x384x64xf32, #tpu.memory_space<vmem>> -> memref<384x64xf32, #tpu.memory_space<vmem>>
      %dma_wait3A_131 = arith.constant 0 : i32
      %dma_wait3A_132 = arith.constant 0 : i32
      %dma_wait3A_133 = tpu.memref_slice %arg4[%dma_wait3A_131, %dma_wait3A_132] : memref<10000x64xf32, #tpu.memory_space<hbm>> -> memref<384x64xf32, #tpu.memory_space<hbm>>
      tpu.wait_dma2 semaphore(%arg11 : memref<!tpu.dma_semaphore, #tpu.memory_space<semaphore_mem>>) src(%dma_wait3A_133 : memref<384x64xf32, #tpu.memory_space<hbm>>) dst(%dma_wait3A_130 : memref<384x64xf32, #tpu.memory_space<vmem>>)
      %mul3A_134 = arith.constant 3 : i32
      %mul3A_135 = arith.muli %add3A_111, %mul3A_134 : i32
      %add3A_136 = arith.constant 0 : i32
      %add3A_137 = arith.addi %mul3A_135, %add3A_136 : i32
      %dma_start3A_138 = arith.constant 0 : i32
      %dma_start3A_139 = arith.constant 0 : i32
      %dma_start3A_140 = arith.constant 0 : i32
      %dma_start3A_141 = tpu.memref_slice %arg8[%dma_start3A_138, %dma_start3A_139, %dma_start3A_140] : memref<2x384x64xf32, #tpu.memory_space<vmem>> -> memref<1x128x64xf32, #tpu.memory_space<vmem>>
      %dma_start3A_142 = tpu.memref_squeeze %dma_start3A_141 : memref<1x128x64xf32, #tpu.memory_space<vmem>> -> memref<128x64xf32, #tpu.memory_space<vmem>>
      %dma_start3A_143 = arith.constant 0 : i32
      %dma_start3A_144 = tpu.memref_slice %arg7[%add3A_137, %dma_start3A_143] : memref<79x128xi32, #tpu.memory_space<vmem>> -> memref<1x128xi32, #tpu.memory_space<vmem>>
      %dma_start3A_145 = tpu.memref_squeeze %dma_start3A_144 : memref<1x128xi32, #tpu.memory_space<vmem>> -> memref<128xi32, #tpu.memory_space<vmem>>
      %dma_start3A_146 = arith.constant 0 : i32
      %dma_start3A_147 = arith.constant 0 : i32
      %dma_start3A_148 = tpu.memref_slice %arg10[%dma_start3A_146, %dma_start3A_147] : memref<10240x64xf32, #tpu.memory_space<vmem_shared>> -> memref<10240x64xf32, #tpu.memory_space<vmem_shared>>
      tpu.enqueue_indirect_dma source(%dma_start3A_142 : memref<128x64xf32, #tpu.memory_space<vmem>>) target(%dma_start3A_148 : memref<10240x64xf32, #tpu.memory_space<vmem_shared>>) offsets(%dma_start3A_145 : memref<128xi32, #tpu.memory_space<vmem>>) semaphore(%arg13 : memref<!tpu.dma_semaphore, #tpu.memory_space<semaphore_mem>>) {add = true}
      %mul3A_149 = arith.constant 3 : i32
      %mul3A_150 = arith.muli %add3A_111, %mul3A_149 : i32
      %add3A_151 = arith.constant 1 : i32
      %add3A_152 = arith.addi %mul3A_150, %add3A_151 : i32
      %dma_start3A_153 = arith.constant 0 : i32
      %dma_start3A_154 = arith.constant 128 : i32
      %dma_start3A_155 = arith.constant 0 : i32
      %dma_start3A_156 = tpu.memref_slice %arg8[%dma_start3A_153, %dma_start3A_154, %dma_start3A_155] : memref<2x384x64xf32, #tpu.memory_space<vmem>> -> memref<1x128x64xf32, #tpu.memory_space<vmem>>
      %dma_start3A_157 = tpu.memref_squeeze %dma_start3A_156 : memref<1x128x64xf32, #tpu.memory_space<vmem>> -> memref<128x64xf32, #tpu.memory_space<vmem>>
      %dma_start3A_158 = arith.constant 0 : i32
      %dma_start3A_159 = tpu.memref_slice %arg7[%add3A_152, %dma_start3A_158] : memref<79x128xi32, #tpu.memory_space<vmem>> -> memref<1x128xi32, #tpu.memory_space<vmem>>
      %dma_start3A_160 = tpu.memref_squeeze %dma_start3A_159 : memref<1x128xi32, #tpu.memory_space<vmem>> -> memref<128xi32, #tpu.memory_space<vmem>>
      %dma_start3A_161 = arith.constant 0 : i32
      %dma_start3A_162 = arith.constant 0 : i32
      %dma_start3A_163 = tpu.memref_slice %arg10[%dma_start3A_161, %dma_start3A_162] : memref<10240x64xf32, #tpu.memory_space<vmem_shared>> -> memref<10240x64xf32, #tpu.memory_space<vmem_shared>>
      tpu.enqueue_indirect_dma source(%dma_start3A_157 : memref<128x64xf32, #tpu.memory_space<vmem>>) target(%dma_start3A_163 : memref<10240x64xf32, #tpu.memory_space<vmem_shared>>) offsets(%dma_start3A_160 : memref<128xi32, #tpu.memory_space<vmem>>) semaphore(%arg13 : memref<!tpu.dma_semaphore, #tpu.memory_space<semaphore_mem>>) {add = true}
      %mul3A_164 = arith.constant 3 : i32
      %mul3A_165 = arith.muli %add3A_111, %mul3A_164 : i32
      %add3A_166 = arith.constant 2 : i32
      %add3A_167 = arith.addi %mul3A_165, %add3A_166 : i32
      %dma_start3A_168 = arith.constant 0 : i32
      %dma_start3A_169 = arith.constant 256 : i32
      %dma_start3A_170 = arith.constant 0 : i32
      %dma_start3A_171 = tpu.memref_slice %arg8[%dma_start3A_168, %dma_start3A_169, %dma_start3A_170] : memref<2x384x64xf32, #tpu.memory_space<vmem>> -> memref<1x128x64xf32, #tpu.memory_space<vmem>>
      %dma_start3A_172 = tpu.memref_squeeze %dma_start3A_171 : memref<1x128x64xf32, #tpu.memory_space<vmem>> -> memref<128x64xf32, #tpu.memory_space<vmem>>
      %dma_start3A_173 = arith.constant 0 : i32
      %dma_start3A_174 = tpu.memref_slice %arg7[%add3A_167, %dma_start3A_173] : memref<79x128xi32, #tpu.memory_space<vmem>> -> memref<1x128xi32, #tpu.memory_space<vmem>>
      %dma_start3A_175 = tpu.memref_squeeze %dma_start3A_174 : memref<1x128xi32, #tpu.memory_space<vmem>> -> memref<128xi32, #tpu.memory_space<vmem>>
      %dma_start3A_176 = arith.constant 0 : i32
      %dma_start3A_177 = arith.constant 0 : i32
      %dma_start3A_178 = tpu.memref_slice %arg10[%dma_start3A_176, %dma_start3A_177] : memref<10240x64xf32, #tpu.memory_space<vmem_shared>> -> memref<10240x64xf32, #tpu.memory_space<vmem_shared>>
      tpu.enqueue_indirect_dma source(%dma_start3A_172 : memref<128x64xf32, #tpu.memory_space<vmem>>) target(%dma_start3A_178 : memref<10240x64xf32, #tpu.memory_space<vmem_shared>>) offsets(%dma_start3A_175 : memref<128xi32, #tpu.memory_space<vmem>>) semaphore(%arg13 : memref<!tpu.dma_semaphore, #tpu.memory_space<semaphore_mem>>) {add = true}
      %mul3A_179 = arith.constant 2 : i32
      %mul3A_180 = arith.muli %mul3A_179, %scan3A_106 : i32
      %add3A_181 = arith.constant 1 : i32
      %add3A_182 = arith.addi %mul3A_180, %add3A_181 : i32
      %add3A_183 = arith.constant 1 : i32
      %add3A_184 = arith.addi %add3A_182, %add3A_183 : i32
      %lt3A_185 = arith.constant 26 : i32
      %lt3A_186 = arith.cmpi slt, %add3A_184, %lt3A_185 : i32
      %convert_element_type3A_187 = arith.extui %lt3A_186 : i1 to i32
      %cond3A_188 = arith.constant 0 : i32
      %cond3A_189 = arith.cmpi ne, %convert_element_type3A_187, %cond3A_188 : i32
      scf.if %cond3A_189 {
        %ge3A = arith.constant 1 : i32
        %ge3A_251 = arith.cmpi sge, %add3A_182, %ge3A : i32
        %convert_element_type3A_252 = arith.extui %ge3A_251 : i1 to i32
        %cond3A_253 = arith.constant 0 : i32
        %cond3A_254 = arith.cmpi ne, %convert_element_type3A_252, %cond3A_253 : i32
        scf.if %cond3A_254 {
          %dma_wait3A_305 = arith.constant 0 : i32
          %dma_wait3A_306 = arith.constant 0 : i32
          %dma_wait3A_307 = arith.constant 0 : i32
          %dma_wait3A_308 = tpu.memref_slice %arg8[%dma_wait3A_305, %dma_wait3A_306, %dma_wait3A_307] : memref<2x384x64xf32, #tpu.memory_space<vmem>> -> memref<1x384x64xf32, #tpu.memory_space<vmem>>
          %dma_wait3A_309 = tpu.memref_squeeze %dma_wait3A_308 : memref<1x384x64xf32, #tpu.memory_space<vmem>> -> memref<384x64xf32, #tpu.memory_space<vmem>>
          %dma_wait3A_310 = arith.constant 0 : i32
          %dma_wait3A_311 = arith.constant 0 : i32
          %dma_wait3A_312 = tpu.memref_slice %arg10[%dma_wait3A_310, %dma_wait3A_311] : memref<10240x64xf32, #tpu.memory_space<vmem_shared>> -> memref<384x64xf32, #tpu.memory_space<vmem_shared>>
          %dma_wait3A_313 = arith.constant 0 : i32
          %dma_wait3A_314 = arith.constant 0 : i32
          %dma_wait3A_315 = tpu.memref_slice %arg10[%dma_wait3A_313, %dma_wait3A_314] : memref<10240x64xf32, #tpu.memory_space<vmem_shared>> -> memref<384x64xf32, #tpu.memory_space<vmem_shared>>
          %dma_wait3A_316 = arith.constant 0 : i32
          %dma_wait3A_317 = arith.constant 0 : i32
          %dma_wait3A_318 = tpu.memref_slice %arg8[%dma_wait3A_305, %dma_wait3A_316, %dma_wait3A_317] : memref<2x384x64xf32, #tpu.memory_space<vmem>> -> memref<1x384x64xf32, #tpu.memory_space<vmem>>
          %dma_wait3A_319 = tpu.memref_squeeze %dma_wait3A_318 : memref<1x384x64xf32, #tpu.memory_space<vmem>> -> memref<384x64xf32, #tpu.memory_space<vmem>>
          tpu.wait_dma2 semaphore(%arg13 : memref<!tpu.dma_semaphore, #tpu.memory_space<semaphore_mem>>) src(%dma_wait3A_319 : memref<384x64xf32, #tpu.memory_space<vmem>>) dst(%dma_wait3A_315 : memref<384x64xf32, #tpu.memory_space<vmem_shared>>)
        } else {
        }
        %add3A_255 = arith.constant 1 : i32
        %add3A_256 = arith.addi %add3A_182, %add3A_255 : i32
        %mul3A_257 = arith.constant 3 : i32
        %mul3A_258 = arith.muli %add3A_256, %mul3A_257 : i32
        %add3A_259 = arith.constant 0 : i32
        %add3A_260 = arith.addi %mul3A_258, %add3A_259 : i32
        %mul3A_261 = arith.constant 128 : i32
        %mul3A_262 = arith.muli %add3A_260, %mul3A_261 : i32
        %multiple_of3A_263 = tpu.assume_multiple %mul3A_262, 128 : i32
        %dma_start3A_264 = arith.constant 0 : i32
        %dma_start3A_265 = arith.constant 0 : i32
        %dma_start3A_266 = arith.constant 0 : i32
        %dma_start3A_267 = tpu.memref_slice %arg8[%dma_start3A_264, %dma_start3A_265, %dma_start3A_266] : memref<2x384x64xf32, #tpu.memory_space<vmem>> -> memref<1x128x64xf32, #tpu.memory_space<vmem>>
        %dma_start3A_268 = tpu.memref_squeeze %dma_start3A_267 : memref<1x128x64xf32, #tpu.memory_space<vmem>> -> memref<128x64xf32, #tpu.memory_space<vmem>>
        %dma_start3A_269 = tpu.memref_slice %arg6[%multiple_of3A_263] : memref<9984xi32, #tpu.memory_space<vmem>> -> memref<128xi32, #tpu.memory_space<vmem>>
        %dma_start3A_270 = arith.constant 0 : i32
        %dma_start3A_271 = arith.constant 0 : i32
        %dma_start3A_272 = tpu.memref_slice %arg4[%dma_start3A_270, %dma_start3A_271] : memref<10000x64xf32, #tpu.memory_space<hbm>> -> memref<10000x64xf32, #tpu.memory_space<hbm>>
        tpu.enqueue_indirect_dma source(%dma_start3A_272 : memref<10000x64xf32, #tpu.memory_space<hbm>>) target(%dma_start3A_268 : memref<128x64xf32, #tpu.memory_space<vmem>>) offsets(%dma_start3A_269 : memref<128xi32, #tpu.memory_space<vmem>>) semaphore(%arg11 : memref<!tpu.dma_semaphore, #tpu.memory_space<semaphore_mem>>)
        %mul3A_273 = arith.constant 3 : i32
        %mul3A_274 = arith.muli %add3A_256, %mul3A_273 : i32
        %add3A_275 = arith.constant 1 : i32
        %add3A_276 = arith.addi %mul3A_274, %add3A_275 : i32
        %mul3A_277 = arith.constant 128 : i32
        %mul3A_278 = arith.muli %add3A_276, %mul3A_277 : i32
        %multiple_of3A_279 = tpu.assume_multiple %mul3A_278, 128 : i32
        %dma_start3A_280 = arith.constant 0 : i32
        %dma_start3A_281 = arith.constant 128 : i32
        %dma_start3A_282 = arith.constant 0 : i32
        %dma_start3A_283 = tpu.memref_slice %arg8[%dma_start3A_280, %dma_start3A_281, %dma_start3A_282] : memref<2x384x64xf32, #tpu.memory_space<vmem>> -> memref<1x128x64xf32, #tpu.memory_space<vmem>>
        %dma_start3A_284 = tpu.memref_squeeze %dma_start3A_283 : memref<1x128x64xf32, #tpu.memory_space<vmem>> -> memref<128x64xf32, #tpu.memory_space<vmem>>
        %dma_start3A_285 = tpu.memref_slice %arg6[%multiple_of3A_279] : memref<9984xi32, #tpu.memory_space<vmem>> -> memref<128xi32, #tpu.memory_space<vmem>>
        %dma_start3A_286 = arith.constant 0 : i32
        %dma_start3A_287 = arith.constant 0 : i32
        %dma_start3A_288 = tpu.memref_slice %arg4[%dma_start3A_286, %dma_start3A_287] : memref<10000x64xf32, #tpu.memory_space<hbm>> -> memref<10000x64xf32, #tpu.memory_space<hbm>>
        tpu.enqueue_indirect_dma source(%dma_start3A_288 : memref<10000x64xf32, #tpu.memory_space<hbm>>) target(%dma_start3A_284 : memref<128x64xf32, #tpu.memory_space<vmem>>) offsets(%dma_start3A_285 : memref<128xi32, #tpu.memory_space<vmem>>) semaphore(%arg11 : memref<!tpu.dma_semaphore, #tpu.memory_space<semaphore_mem>>)
        %mul3A_289 = arith.constant 3 : i32
        %mul3A_290 = arith.muli %add3A_256, %mul3A_289 : i32
        %add3A_291 = arith.constant 2 : i32
        %add3A_292 = arith.addi %mul3A_290, %add3A_291 : i32
        %mul3A_293 = arith.constant 128 : i32
        %mul3A_294 = arith.muli %add3A_292, %mul3A_293 : i32
        %multiple_of3A_295 = tpu.assume_multiple %mul3A_294, 128 : i32
        %dma_start3A_296 = arith.constant 0 : i32
        %dma_start3A_297 = arith.constant 256 : i32
        %dma_start3A_298 = arith.constant 0 : i32
        %dma_start3A_299 = tpu.memref_slice %arg8[%dma_start3A_296, %dma_start3A_297, %dma_start3A_298] : memref<2x384x64xf32, #tpu.memory_space<vmem>> -> memref<1x128x64xf32, #tpu.memory_space<vmem>>
        %dma_start3A_300 = tpu.memref_squeeze %dma_start3A_299 : memref<1x128x64xf32, #tpu.memory_space<vmem>> -> memref<128x64xf32, #tpu.memory_space<vmem>>
        %dma_start3A_301 = tpu.memref_slice %arg6[%multiple_of3A_295] : memref<9984xi32, #tpu.memory_space<vmem>> -> memref<128xi32, #tpu.memory_space<vmem>>
        %dma_start3A_302 = arith.constant 0 : i32
        %dma_start3A_303 = arith.constant 0 : i32
        %dma_start3A_304 = tpu.memref_slice %arg4[%dma_start3A_302, %dma_start3A_303] : memref<10000x64xf32, #tpu.memory_space<hbm>> -> memref<10000x64xf32, #tpu.memory_space<hbm>>
        tpu.enqueue_indirect_dma source(%dma_start3A_304 : memref<10000x64xf32, #tpu.memory_space<hbm>>) target(%dma_start3A_300 : memref<128x64xf32, #tpu.memory_space<vmem>>) offsets(%dma_start3A_301 : memref<128xi32, #tpu.memory_space<vmem>>) semaphore(%arg11 : memref<!tpu.dma_semaphore, #tpu.memory_space<semaphore_mem>>)
      } else {
      }
      %dma_wait3A_190 = arith.constant 1 : i32
      %dma_wait3A_191 = arith.constant 0 : i32
      %dma_wait3A_192 = arith.constant 0 : i32
      %dma_wait3A_193 = tpu.memref_slice %arg8[%dma_wait3A_190, %dma_wait3A_191, %dma_wait3A_192] : memref<2x384x64xf32, #tpu.memory_space<vmem>> -> memref<1x384x64xf32, #tpu.memory_space<vmem>>
      %dma_wait3A_194 = tpu.memref_squeeze %dma_wait3A_193 : memref<1x384x64xf32, #tpu.memory_space<vmem>> -> memref<384x64xf32, #tpu.memory_space<vmem>>
      %dma_wait3A_195 = arith.constant 0 : i32
      %dma_wait3A_196 = arith.constant 0 : i32
      %dma_wait3A_197 = tpu.memref_slice %arg4[%dma_wait3A_195, %dma_wait3A_196] : memref<10000x64xf32, #tpu.memory_space<hbm>> -> memref<384x64xf32, #tpu.memory_space<hbm>>
      %dma_wait3A_198 = arith.constant 0 : i32
      %dma_wait3A_199 = arith.constant 0 : i32
      %dma_wait3A_200 = tpu.memref_slice %arg8[%dma_wait3A_190, %dma_wait3A_198, %dma_wait3A_199] : memref<2x384x64xf32, #tpu.memory_space<vmem>> -> memref<1x384x64xf32, #tpu.memory_space<vmem>>
      %dma_wait3A_201 = tpu.memref_squeeze %dma_wait3A_200 : memref<1x384x64xf32, #tpu.memory_space<vmem>> -> memref<384x64xf32, #tpu.memory_space<vmem>>
      %dma_wait3A_202 = arith.constant 0 : i32
      %dma_wait3A_203 = arith.constant 0 : i32
      %dma_wait3A_204 = tpu.memref_slice %arg4[%dma_wait3A_202, %dma_wait3A_203] : memref<10000x64xf32, #tpu.memory_space<hbm>> -> memref<384x64xf32, #tpu.memory_space<hbm>>
      tpu.wait_dma2 semaphore(%arg12 : memref<!tpu.dma_semaphore, #tpu.memory_space<semaphore_mem>>) src(%dma_wait3A_204 : memref<384x64xf32, #tpu.memory_space<hbm>>) dst(%dma_wait3A_201 : memref<384x64xf32, #tpu.memory_space<vmem>>)
      %mul3A_205 = arith.constant 3 : i32
      %mul3A_206 = arith.muli %add3A_182, %mul3A_205 : i32
      %add3A_207 = arith.constant 0 : i32
      %add3A_208 = arith.addi %mul3A_206, %add3A_207 : i32
      %dma_start3A_209 = arith.constant 1 : i32
      %dma_start3A_210 = arith.constant 0 : i32
      %dma_start3A_211 = arith.constant 0 : i32
      %dma_start3A_212 = tpu.memref_slice %arg8[%dma_start3A_209, %dma_start3A_210, %dma_start3A_211] : memref<2x384x64xf32, #tpu.memory_space<vmem>> -> memref<1x128x64xf32, #tpu.memory_space<vmem>>
      %dma_start3A_213 = tpu.memref_squeeze %dma_start3A_212 : memref<1x128x64xf32, #tpu.memory_space<vmem>> -> memref<128x64xf32, #tpu.memory_space<vmem>>
      %dma_start3A_214 = arith.constant 0 : i32
      %dma_start3A_215 = tpu.memref_slice %arg7[%add3A_208, %dma_start3A_214] : memref<79x128xi32, #tpu.memory_space<vmem>> -> memref<1x128xi32, #tpu.memory_space<vmem>>
      %dma_start3A_216 = tpu.memref_squeeze %dma_start3A_215 : memref<1x128xi32, #tpu.memory_space<vmem>> -> memref<128xi32, #tpu.memory_space<vmem>>
      %dma_start3A_217 = arith.constant 0 : i32
      %dma_start3A_218 = arith.constant 0 : i32
      %dma_start3A_219 = tpu.memref_slice %arg10[%dma_start3A_217, %dma_start3A_218] : memref<10240x64xf32, #tpu.memory_space<vmem_shared>> -> memref<10240x64xf32, #tpu.memory_space<vmem_shared>>
      tpu.enqueue_indirect_dma source(%dma_start3A_213 : memref<128x64xf32, #tpu.memory_space<vmem>>) target(%dma_start3A_219 : memref<10240x64xf32, #tpu.memory_space<vmem_shared>>) offsets(%dma_start3A_216 : memref<128xi32, #tpu.memory_space<vmem>>) semaphore(%arg14 : memref<!tpu.dma_semaphore, #tpu.memory_space<semaphore_mem>>) {add = true}
      %mul3A_220 = arith.constant 3 : i32
      %mul3A_221 = arith.muli %add3A_182, %mul3A_220 : i32
      %add3A_222 = arith.constant 1 : i32
      %add3A_223 = arith.addi %mul3A_221, %add3A_222 : i32
      %dma_start3A_224 = arith.constant 1 : i32
      %dma_start3A_225 = arith.constant 128 : i32
      %dma_start3A_226 = arith.constant 0 : i32
      %dma_start3A_227 = tpu.memref_slice %arg8[%dma_start3A_224, %dma_start3A_225, %dma_start3A_226] : memref<2x384x64xf32, #tpu.memory_space<vmem>> -> memref<1x128x64xf32, #tpu.memory_space<vmem>>
      %dma_start3A_228 = tpu.memref_squeeze %dma_start3A_227 : memref<1x128x64xf32, #tpu.memory_space<vmem>> -> memref<128x64xf32, #tpu.memory_space<vmem>>
      %dma_start3A_229 = arith.constant 0 : i32
      %dma_start3A_230 = tpu.memref_slice %arg7[%add3A_223, %dma_start3A_229] : memref<79x128xi32, #tpu.memory_space<vmem>> -> memref<1x128xi32, #tpu.memory_space<vmem>>
      %dma_start3A_231 = tpu.memref_squeeze %dma_start3A_230 : memref<1x128xi32, #tpu.memory_space<vmem>> -> memref<128xi32, #tpu.memory_space<vmem>>
      %dma_start3A_232 = arith.constant 0 : i32
      %dma_start3A_233 = arith.constant 0 : i32
      %dma_start3A_234 = tpu.memref_slice %arg10[%dma_start3A_232, %dma_start3A_233] : memref<10240x64xf32, #tpu.memory_space<vmem_shared>> -> memref<10240x64xf32, #tpu.memory_space<vmem_shared>>
      tpu.enqueue_indirect_dma source(%dma_start3A_228 : memref<128x64xf32, #tpu.memory_space<vmem>>) target(%dma_start3A_234 : memref<10240x64xf32, #tpu.memory_space<vmem_shared>>) offsets(%dma_start3A_231 : memref<128xi32, #tpu.memory_space<vmem>>) semaphore(%arg14 : memref<!tpu.dma_semaphore, #tpu.memory_space<semaphore_mem>>) {add = true}
      %mul3A_235 = arith.constant 3 : i32
      %mul3A_236 = arith.muli %add3A_182, %mul3A_235 : i32
      %add3A_237 = arith.constant 2 : i32
      %add3A_238 = arith.addi %mul3A_236, %add3A_237 : i32
      %dma_start3A_239 = arith.constant 1 : i32
      %dma_start3A_240 = arith.constant 256 : i32
      %dma_start3A_241 = arith.constant 0 : i32
      %dma_start3A_242 = tpu.memref_slice %arg8[%dma_start3A_239, %dma_start3A_240, %dma_start3A_241] : memref<2x384x64xf32, #tpu.memory_space<vmem>> -> memref<1x128x64xf32, #tpu.memory_space<vmem>>
      %dma_start3A_243 = tpu.memref_squeeze %dma_start3A_242 : memref<1x128x64xf32, #tpu.memory_space<vmem>> -> memref<128x64xf32, #tpu.memory_space<vmem>>
      %dma_start3A_244 = arith.constant 0 : i32
      %dma_start3A_245 = tpu.memref_slice %arg7[%add3A_238, %dma_start3A_244] : memref<79x128xi32, #tpu.memory_space<vmem>> -> memref<1x128xi32, #tpu.memory_space<vmem>>
      %dma_start3A_246 = tpu.memref_squeeze %dma_start3A_245 : memref<1x128xi32, #tpu.memory_space<vmem>> -> memref<128xi32, #tpu.memory_space<vmem>>
      %dma_start3A_247 = arith.constant 0 : i32
      %dma_start3A_248 = arith.constant 0 : i32
      %dma_start3A_249 = tpu.memref_slice %arg10[%dma_start3A_247, %dma_start3A_248] : memref<10240x64xf32, #tpu.memory_space<vmem_shared>> -> memref<10240x64xf32, #tpu.memory_space<vmem_shared>>
      tpu.enqueue_indirect_dma source(%dma_start3A_243 : memref<128x64xf32, #tpu.memory_space<vmem>>) target(%dma_start3A_249 : memref<10240x64xf32, #tpu.memory_space<vmem_shared>>) offsets(%dma_start3A_246 : memref<128xi32, #tpu.memory_space<vmem>>) semaphore(%arg14 : memref<!tpu.dma_semaphore, #tpu.memory_space<semaphore_mem>>) {add = true}
      %scan3A_250 = arith.constant 0 : i32
      scf.yield %scan3A_250 : i32
    }
    %scan3A_69 = arith.constant 13 : i32
    %dma_wait3A = arith.constant 1 : i32
    %dma_wait3A_70 = arith.constant 0 : i32
    %dma_wait3A_71 = arith.constant 0 : i32
    %dma_wait3A_72 = tpu.memref_slice %arg8[%dma_wait3A, %dma_wait3A_70, %dma_wait3A_71] : memref<2x384x64xf32, #tpu.memory_space<vmem>> -> memref<1x384x64xf32, #tpu.memory_space<vmem>>
    %dma_wait3A_73 = tpu.memref_squeeze %dma_wait3A_72 : memref<1x384x64xf32, #tpu.memory_space<vmem>> -> memref<384x64xf32, #tpu.memory_space<vmem>>
    %dma_wait3A_74 = arith.constant 0 : i32
    %dma_wait3A_75 = arith.constant 0 : i32
    %dma_wait3A_76 = tpu.memref_slice %arg10[%dma_wait3A_74, %dma_wait3A_75] : memref<10240x64xf32, #tpu.memory_space<vmem_shared>> -> memref<384x64xf32, #tpu.memory_space<vmem_shared>>
    %dma_wait3A_77 = arith.constant 0 : i32
    %dma_wait3A_78 = arith.constant 0 : i32
    %dma_wait3A_79 = tpu.memref_slice %arg10[%dma_wait3A_77, %dma_wait3A_78] : memref<10240x64xf32, #tpu.memory_space<vmem_shared>> -> memref<384x64xf32, #tpu.memory_space<vmem_shared>>
    %dma_wait3A_80 = arith.constant 0 : i32
    %dma_wait3A_81 = arith.constant 0 : i32
    %dma_wait3A_82 = tpu.memref_slice %arg8[%dma_wait3A, %dma_wait3A_80, %dma_wait3A_81] : memref<2x384x64xf32, #tpu.memory_space<vmem>> -> memref<1x384x64xf32, #tpu.memory_space<vmem>>
    %dma_wait3A_83 = tpu.memref_squeeze %dma_wait3A_82 : memref<1x384x64xf32, #tpu.memory_space<vmem>> -> memref<384x64xf32, #tpu.memory_space<vmem>>
    tpu.wait_dma2 semaphore(%arg14 : memref<!tpu.dma_semaphore, #tpu.memory_space<semaphore_mem>>) src(%dma_wait3A_83 : memref<384x64xf32, #tpu.memory_space<vmem>>) dst(%dma_wait3A_79 : memref<384x64xf32, #tpu.memory_space<vmem_shared>>)
    %dma_wait3A_84 = arith.constant 0 : i32
    %dma_wait3A_85 = arith.constant 0 : i32
    %dma_wait3A_86 = arith.constant 0 : i32
    %dma_wait3A_87 = tpu.memref_slice %arg8[%dma_wait3A_84, %dma_wait3A_85, %dma_wait3A_86] : memref<2x384x64xf32, #tpu.memory_space<vmem>> -> memref<1x384x64xf32, #tpu.memory_space<vmem>>
    %dma_wait3A_88 = tpu.memref_squeeze %dma_wait3A_87 : memref<1x384x64xf32, #tpu.memory_space<vmem>> -> memref<384x64xf32, #tpu.memory_space<vmem>>
    %dma_wait3A_89 = arith.constant 0 : i32
    %dma_wait3A_90 = arith.constant 0 : i32
    %dma_wait3A_91 = tpu.memref_slice %arg10[%dma_wait3A_89, %dma_wait3A_90] : memref<10240x64xf32, #tpu.memory_space<vmem_shared>> -> memref<384x64xf32, #tpu.memory_space<vmem_shared>>
    %dma_wait3A_92 = arith.constant 0 : i32
    %dma_wait3A_93 = arith.constant 0 : i32
    %dma_wait3A_94 = tpu.memref_slice %arg10[%dma_wait3A_92, %dma_wait3A_93] : memref<10240x64xf32, #tpu.memory_space<vmem_shared>> -> memref<384x64xf32, #tpu.memory_space<vmem_shared>>
    %dma_wait3A_95 = arith.constant 0 : i32
    %dma_wait3A_96 = arith.constant 0 : i32
    %dma_wait3A_97 = tpu.memref_slice %arg8[%dma_wait3A_84, %dma_wait3A_95, %dma_wait3A_96] : memref<2x384x64xf32, #tpu.memory_space<vmem>> -> memref<1x384x64xf32, #tpu.memory_space<vmem>>
    %dma_wait3A_98 = tpu.memref_squeeze %dma_wait3A_97 : memref<1x384x64xf32, #tpu.memory_space<vmem>> -> memref<384x64xf32, #tpu.memory_space<vmem>>
    tpu.wait_dma2 semaphore(%arg13 : memref<!tpu.dma_semaphore, #tpu.memory_space<semaphore_mem>>) src(%dma_wait3A_98 : memref<384x64xf32, #tpu.memory_space<vmem>>) dst(%dma_wait3A_94 : memref<384x64xf32, #tpu.memory_space<vmem_shared>>)
    %lt3A = arith.constant 4 : i32
    %lt3A_99 = arith.cmpi slt, %add3A_26, %lt3A : i32
    %convert_element_type3A = arith.extui %lt3A_99 : i1 to i32
    %cond3A = arith.constant 0 : i32
    %cond3A_100 = arith.cmpi ne, %convert_element_type3A, %cond3A : i32
    scf.if %cond3A_100 {
      %add3A_106 = arith.constant 2496 : i32
      %add3A_107 = arith.addi %add3A_106, %add3A_26 : i32
      "tpu.region"() ({
        %run_scoped3A_137 = tpu.sem_alloc : memref<!tpu.dma_semaphore, #tpu.memory_space<semaphore_mem>>
        %dma_start3A_138 = arith.constant 78 : i32
        %dma_start3A_139 = arith.constant 0 : i32
        %dma_start3A_140 = tpu.memref_slice %arg7[%dma_start3A_138, %dma_start3A_139] : memref<79x128xi32, #tpu.memory_space<vmem>> -> memref<1x128xi32, #tpu.memory_space<vmem>>
        %dma_start3A_141 = arith.constant 0 : i32
        %dma_start3A_142 = tpu.memref_slice %arg3[%add3A_107, %dma_start3A_141] : memref<2500x128xi32, #tpu.memory_space<hbm>> -> memref<1x128xi32, #tpu.memory_space<hbm>>
        %dma_start3A_143 = arith.constant 78 : i32
        %dma_start3A_144 = arith.constant 0 : i32
        %dma_start3A_145 = tpu.memref_slice %arg7[%dma_start3A_143, %dma_start3A_144] : memref<79x128xi32, #tpu.memory_space<vmem>> -> memref<1x128xi32, #tpu.memory_space<vmem>>
        %dma_start3A_146 = arith.constant 0 : i32
        %dma_start3A_147 = tpu.memref_slice %arg3[%add3A_107, %dma_start3A_146] : memref<2500x128xi32, #tpu.memory_space<hbm>> -> memref<1x128xi32, #tpu.memory_space<hbm>>
        tpu.enqueue_dma source(%dma_start3A_147 : memref<1x128xi32, #tpu.memory_space<hbm>>) target(%dma_start3A_145 : memref<1x128xi32, #tpu.memory_space<vmem>>) target_semaphore(%run_scoped3A_137 : memref<!tpu.dma_semaphore, #tpu.memory_space<semaphore_mem>>)
        %dma_wait3A_148 = arith.constant 78 : i32
        %dma_wait3A_149 = arith.constant 0 : i32
        %dma_wait3A_150 = tpu.memref_slice %arg7[%dma_wait3A_148, %dma_wait3A_149] : memref<79x128xi32, #tpu.memory_space<vmem>> -> memref<1x128xi32, #tpu.memory_space<vmem>>
        %dma_wait3A_151 = arith.constant 0 : i32
        %dma_wait3A_152 = tpu.memref_slice %arg3[%add3A_107, %dma_wait3A_151] : memref<2500x128xi32, #tpu.memory_space<hbm>> -> memref<1x128xi32, #tpu.memory_space<hbm>>
        %dma_wait3A_153 = arith.constant 78 : i32
        %dma_wait3A_154 = arith.constant 0 : i32
        %dma_wait3A_155 = tpu.memref_slice %arg7[%dma_wait3A_153, %dma_wait3A_154] : memref<79x128xi32, #tpu.memory_space<vmem>> -> memref<1x128xi32, #tpu.memory_space<vmem>>
        %dma_wait3A_156 = arith.constant 0 : i32
        %dma_wait3A_157 = tpu.memref_slice %arg3[%add3A_107, %dma_wait3A_156] : memref<2500x128xi32, #tpu.memory_space<hbm>> -> memref<1x128xi32, #tpu.memory_space<hbm>>
        tpu.wait_dma2 semaphore(%run_scoped3A_137 : memref<!tpu.dma_semaphore, #tpu.memory_space<semaphore_mem>>) src(%dma_wait3A_157 : memref<1x128xi32, #tpu.memory_space<hbm>>) dst(%dma_wait3A_155 : memref<1x128xi32, #tpu.memory_space<vmem>>)
        tpu.yield
      }) : () -> ()
      %mul3A_108 = arith.constant 128 : i32
      %mul3A_109 = arith.muli %add3A_107, %mul3A_108 : i32
      %multiple_of3A_110 = tpu.assume_multiple %mul3A_109, 128 : i32
      "tpu.region"() ({
        %run_scoped3A_137 = tpu.sem_alloc : memref<!tpu.dma_semaphore, #tpu.memory_space<semaphore_mem>>
        %dma_start3A_138 = arith.constant 0 : i32
        %dma_start3A_139 = tpu.memref_slice %arg6[%dma_start3A_138] : memref<9984xi32, #tpu.memory_space<vmem>> -> memref<128xi32, #tpu.memory_space<vmem>>
        %dma_start3A_140 = tpu.memref_slice %arg2[%multiple_of3A_110] : memref<320000xi32, #tpu.memory_space<hbm>> -> memref<128xi32, #tpu.memory_space<hbm>>
        %dma_start3A_141 = arith.constant 0 : i32
        %dma_start3A_142 = tpu.memref_slice %arg6[%dma_start3A_141] : memref<9984xi32, #tpu.memory_space<vmem>> -> memref<128xi32, #tpu.memory_space<vmem>>
        %dma_start3A_143 = tpu.memref_slice %arg2[%multiple_of3A_110] : memref<320000xi32, #tpu.memory_space<hbm>> -> memref<128xi32, #tpu.memory_space<hbm>>
        tpu.enqueue_dma source(%dma_start3A_143 : memref<128xi32, #tpu.memory_space<hbm>>) target(%dma_start3A_142 : memref<128xi32, #tpu.memory_space<vmem>>) target_semaphore(%run_scoped3A_137 : memref<!tpu.dma_semaphore, #tpu.memory_space<semaphore_mem>>)
        %dma_wait3A_144 = arith.constant 0 : i32
        %dma_wait3A_145 = tpu.memref_slice %arg6[%dma_wait3A_144] : memref<9984xi32, #tpu.memory_space<vmem>> -> memref<128xi32, #tpu.memory_space<vmem>>
        %dma_wait3A_146 = tpu.memref_slice %arg2[%multiple_of3A_110] : memref<320000xi32, #tpu.memory_space<hbm>> -> memref<128xi32, #tpu.memory_space<hbm>>
        %dma_wait3A_147 = arith.constant 0 : i32
        %dma_wait3A_148 = tpu.memref_slice %arg6[%dma_wait3A_147] : memref<9984xi32, #tpu.memory_space<vmem>> -> memref<128xi32, #tpu.memory_space<vmem>>
        %dma_wait3A_149 = tpu.memref_slice %arg2[%multiple_of3A_110] : memref<320000xi32, #tpu.memory_space<hbm>> -> memref<128xi32, #tpu.memory_space<hbm>>
        tpu.wait_dma2 semaphore(%run_scoped3A_137 : memref<!tpu.dma_semaphore, #tpu.memory_space<semaphore_mem>>) src(%dma_wait3A_149 : memref<128xi32, #tpu.memory_space<hbm>>) dst(%dma_wait3A_148 : memref<128xi32, #tpu.memory_space<vmem>>)
        tpu.yield
      }) : () -> ()
      %dma_start3A_111 = arith.constant 0 : i32
      %dma_start3A_112 = arith.constant 0 : i32
      %dma_start3A_113 = arith.constant 0 : i32
      %dma_start3A_114 = tpu.memref_slice %arg8[%dma_start3A_111, %dma_start3A_112, %dma_start3A_113] : memref<2x384x64xf32, #tpu.memory_space<vmem>> -> memref<1x128x64xf32, #tpu.memory_space<vmem>>
      %dma_start3A_115 = tpu.memref_squeeze %dma_start3A_114 : memref<1x128x64xf32, #tpu.memory_space<vmem>> -> memref<128x64xf32, #tpu.memory_space<vmem>>
      %dma_start3A_116 = arith.constant 0 : i32
      %dma_start3A_117 = tpu.memref_slice %arg6[%dma_start3A_116] : memref<9984xi32, #tpu.memory_space<vmem>> -> memref<128xi32, #tpu.memory_space<vmem>>
      %dma_start3A_118 = arith.constant 0 : i32
      %dma_start3A_119 = arith.constant 0 : i32
      %dma_start3A_120 = tpu.memref_slice %arg4[%dma_start3A_118, %dma_start3A_119] : memref<10000x64xf32, #tpu.memory_space<hbm>> -> memref<10000x64xf32, #tpu.memory_space<hbm>>
      tpu.enqueue_indirect_dma source(%dma_start3A_120 : memref<10000x64xf32, #tpu.memory_space<hbm>>) target(%dma_start3A_115 : memref<128x64xf32, #tpu.memory_space<vmem>>) offsets(%dma_start3A_117 : memref<128xi32, #tpu.memory_space<vmem>>) semaphore(%arg11 : memref<!tpu.dma_semaphore, #tpu.memory_space<semaphore_mem>>)
      %dma_wait3A_121 = arith.constant 0 : i32
      %dma_wait3A_122 = arith.constant 0 : i32
      %dma_wait3A_123 = arith.constant 0 : i32
      %dma_wait3A_124 = tpu.memref_slice %arg8[%dma_wait3A_121, %dma_wait3A_122, %dma_wait3A_123] : memref<2x384x64xf32, #tpu.memory_space<vmem>> -> memref<1x128x64xf32, #tpu.memory_space<vmem>>
      %dma_wait3A_125 = tpu.memref_squeeze %dma_wait3A_124 : memref<1x128x64xf32, #tpu.memory_space<vmem>> -> memref<128x64xf32, #tpu.memory_space<vmem>>
      %dma_wait3A_126 = arith.constant 0 : i32
      %dma_wait3A_127 = arith.constant 0 : i32
      %dma_wait3A_128 = tpu.memref_slice %arg4[%dma_wait3A_126, %dma_wait3A_127] : memref<10000x64xf32, #tpu.memory_space<hbm>> -> memref<128x64xf32, #tpu.memory_space<hbm>>
      %dma_wait3A_129 = arith.constant 0 : i32
      %dma_wait3A_130 = arith.constant 0 : i32
      %dma_wait3A_131 = tpu.memref_slice %arg8[%dma_wait3A_121, %dma_wait3A_129, %dma_wait3A_130] : memref<2x384x64xf32, #tpu.memory_space<vmem>> -> memref<1x128x64xf32, #tpu.memory_space<vmem>>
      %dma_wait3A_132 = tpu.memref_squeeze %dma_wait3A_131 : memref<1x128x64xf32, #tpu.memory_space<vmem>> -> memref<128x64xf32, #tpu.memory_space<vmem>>
      %dma_wait3A_133 = arith.constant 0 : i32
      %dma_wait3A_134 = arith.constant 0 : i32
      %dma_wait3A_135 = tpu.memref_slice %arg4[%dma_wait3A_133, %dma_wait3A_134] : memref<10000x64xf32, #tpu.memory_space<hbm>> -> memref<128x64xf32, #tpu.memory_space<hbm>>
      tpu.wait_dma2 semaphore(%arg11 : memref<!tpu.dma_semaphore, #tpu.memory_space<semaphore_mem>>) src(%dma_wait3A_135 : memref<128x64xf32, #tpu.memory_space<hbm>>) dst(%dma_wait3A_132 : memref<128x64xf32, #tpu.memory_space<vmem>>)
      %run_scoped3A = arith.constant 0 : i32
      %run_scoped3A_136 = arith.constant 78 : i32
      "tpu.region"() ({
        %run_scoped3A_137 = tpu.sem_alloc : memref<!tpu.dma_semaphore, #tpu.memory_space<semaphore_mem>>
        %dma_start3A_138 = arith.constant 0 : i32
        %dma_start3A_139 = arith.constant 0 : i32
        %dma_start3A_140 = tpu.memref_slice %arg8[%run_scoped3A, %dma_start3A_138, %dma_start3A_139] : memref<2x384x64xf32, #tpu.memory_space<vmem>> -> memref<1x128x64xf32, #tpu.memory_space<vmem>>
        %dma_start3A_141 = tpu.memref_squeeze %dma_start3A_140 : memref<1x128x64xf32, #tpu.memory_space<vmem>> -> memref<128x64xf32, #tpu.memory_space<vmem>>
        %dma_start3A_142 = arith.constant 0 : i32
        %dma_start3A_143 = tpu.memref_slice %arg7[%run_scoped3A_136, %dma_start3A_142] : memref<79x128xi32, #tpu.memory_space<vmem>> -> memref<1x128xi32, #tpu.memory_space<vmem>>
        %dma_start3A_144 = tpu.memref_squeeze %dma_start3A_143 : memref<1x128xi32, #tpu.memory_space<vmem>> -> memref<128xi32, #tpu.memory_space<vmem>>
        %dma_start3A_145 = arith.constant 0 : i32
        %dma_start3A_146 = arith.constant 0 : i32
        %dma_start3A_147 = tpu.memref_slice %arg10[%dma_start3A_145, %dma_start3A_146] : memref<10240x64xf32, #tpu.memory_space<vmem_shared>> -> memref<10240x64xf32, #tpu.memory_space<vmem_shared>>
        tpu.enqueue_indirect_dma source(%dma_start3A_141 : memref<128x64xf32, #tpu.memory_space<vmem>>) target(%dma_start3A_147 : memref<10240x64xf32, #tpu.memory_space<vmem_shared>>) offsets(%dma_start3A_144 : memref<128xi32, #tpu.memory_space<vmem>>) semaphore(%run_scoped3A_137 : memref<!tpu.dma_semaphore, #tpu.memory_space<semaphore_mem>>) {add = true}
        %dma_wait3A_148 = arith.constant 0 : i32
        %dma_wait3A_149 = arith.constant 0 : i32
        %dma_wait3A_150 = tpu.memref_slice %arg8[%run_scoped3A, %dma_wait3A_148, %dma_wait3A_149] : memref<2x384x64xf32, #tpu.memory_space<vmem>> -> memref<1x128x64xf32, #tpu.memory_space<vmem>>
        %dma_wait3A_151 = tpu.memref_squeeze %dma_wait3A_150 : memref<1x128x64xf32, #tpu.memory_space<vmem>> -> memref<128x64xf32, #tpu.memory_space<vmem>>
        %dma_wait3A_152 = arith.constant 0 : i32
        %dma_wait3A_153 = tpu.memref_slice %arg7[%run_scoped3A_136, %dma_wait3A_152] : memref<79x128xi32, #tpu.memory_space<vmem>> -> memref<1x128xi32, #tpu.memory_space<vmem>>
        %dma_wait3A_154 = tpu.memref_squeeze %dma_wait3A_153 : memref<1x128xi32, #tpu.memory_space<vmem>> -> memref<128xi32, #tpu.memory_space<vmem>>
        %dma_wait3A_155 = arith.constant 0 : i32
        %dma_wait3A_156 = arith.constant 0 : i32
        %dma_wait3A_157 = tpu.memref_slice %arg10[%dma_wait3A_155, %dma_wait3A_156] : memref<10240x64xf32, #tpu.memory_space<vmem_shared>> -> memref<10240x64xf32, #tpu.memory_space<vmem_shared>>
        tpu.wait_indirect_dma semaphore(%run_scoped3A_137 : memref<!tpu.dma_semaphore, #tpu.memory_space<semaphore_mem>>) src(%dma_wait3A_151 : memref<128x64xf32, #tpu.memory_space<vmem>>) dst(%dma_wait3A_157 : memref<10240x64xf32, #tpu.memory_space<vmem_shared>>)
        tpu.yield
      }) : () -> ()
    } else {
    }
    %barrier3A_101 = arith.constant 0 : index
    tpu.barrier barrier_id(%barrier3A_101)
    %mul3A_102 = arith.constant 625 : i32
    %mul3A_103 = arith.muli %arg1, %mul3A_102 : i32
    %mul3A_104 = arith.constant 625 : i32
    %mul3A_105 = arith.muli %arg1, %mul3A_104 : i32
    "tpu.region"() ({
      %run_scoped3A = tpu.sem_alloc : memref<!tpu.dma_semaphore, #tpu.memory_space<semaphore_mem>>
      %dma_start3A_106 = arith.constant 0 : i32
      %dma_start3A_107 = tpu.memref_slice %arg5[%arg0, %mul3A_105, %dma_start3A_106] : memref<2x10000x64xf32, #tpu.memory_space<hbm>> -> memref<1x625x64xf32, #tpu.memory_space<hbm>>
      %dma_start3A_108 = tpu.memref_squeeze %dma_start3A_107 : memref<1x625x64xf32, #tpu.memory_space<hbm>> -> memref<625x64xf32, #tpu.memory_space<hbm>>
      %dma_start3A_109 = arith.constant 0 : i32
      %dma_start3A_110 = tpu.memref_slice %arg10[%mul3A_103, %dma_start3A_109] : memref<10240x64xf32, #tpu.memory_space<vmem_shared>> -> memref<625x64xf32, #tpu.memory_space<vmem_shared>>
      tpu.enqueue_dma source(%dma_start3A_110 : memref<625x64xf32, #tpu.memory_space<vmem_shared>>) target(%dma_start3A_108 : memref<625x64xf32, #tpu.memory_space<hbm>>) target_semaphore(%run_scoped3A : memref<!tpu.dma_semaphore, #tpu.memory_space<semaphore_mem>>)
      %dma_wait3A_111 = arith.constant 0 : i32
      %dma_wait3A_112 = tpu.memref_slice %arg5[%arg0, %mul3A_105, %dma_wait3A_111] : memref<2x10000x64xf32, #tpu.memory_space<hbm>> -> memref<1x625x64xf32, #tpu.memory_space<hbm>>
      %dma_wait3A_113 = tpu.memref_squeeze %dma_wait3A_112 : memref<1x625x64xf32, #tpu.memory_space<hbm>> -> memref<625x64xf32, #tpu.memory_space<hbm>>
      %dma_wait3A_114 = arith.constant 0 : i32
      %dma_wait3A_115 = tpu.memref_slice %arg10[%mul3A_103, %dma_wait3A_114] : memref<10240x64xf32, #tpu.memory_space<vmem_shared>> -> memref<625x64xf32, #tpu.memory_space<vmem_shared>>
      tpu.wait_dma2 semaphore(%run_scoped3A : memref<!tpu.dma_semaphore, #tpu.memory_space<semaphore_mem>>) src(%dma_wait3A_115 : memref<625x64xf32, #tpu.memory_space<vmem_shared>>) dst(%dma_wait3A_113 : memref<625x64xf32, #tpu.memory_space<hbm>>)
      tpu.yield
    }) : () -> ()
    return
  }
}

#map = affine_map<(d0, d1) -> (0)>
#map1 = affine_map<(d0, d1) -> (0, 0)>
#map2 = affine_map<(d0, d1) -> (0, 0, 0)>
module attributes {stable_mosaic.version = 14 : i64} {
  func.func @body(%arg0: i32, %arg1: i32, %arg2: memref<320000xi32, #tpu.memory_space<hbm>>, %arg3: memref<2500x128xi32, #tpu.memory_space<hbm>>, %arg4: memref<10000x64xf32, #tpu.memory_space<hbm>>, %arg5: memref<2x10000x64xf32, #tpu.memory_space<hbm>>, %arg6: memref<9984xi32, #tpu.memory_space<vmem>>, %arg7: memref<79x128xi32, #tpu.memory_space<vmem>>, %arg8: memref<2x384x64xf32, #tpu.memory_space<vmem>>, %arg9: memref<128x64xf32, #tpu.memory_space<vmem>>, %arg10: memref<10240x64xf32, #tpu.memory_space<vmem_shared>>, %arg11: memref<!tpu.dma_semaphore, #tpu.memory_space<semaphore_mem>>, %arg12: memref<!tpu.dma_semaphore, #tpu.memory_space<semaphore_mem>>, %arg13: memref<!tpu.dma_semaphore, #tpu.memory_space<semaphore_mem>>, %arg14: memref<!tpu.dma_semaphore, #tpu.memory_space<semaphore_mem>>) attributes {dimension_semantics = [#tpu.dimension_semantics<core_parallel>, #tpu.dimension_semantics<subcore_parallel>], iteration_bounds = array<i64: 2, 16>, scalar_prefetch = 0 : i64, scratch_operands = 9 : i64, tpu.core_type = #tpu.core_type<sc_vector_subcore>, window_params = [{transform_indices = #map}, {transform_indices = #map1}, {transform_indices = #map1}, {transform_indices = #map2}]} {
    %scan3A = arith.constant 0 : i32
    %scan3A_0 = arith.constant 0 : i32
    %scan3A_1 = arith.constant 128 : i32
    %scan3A_2 = arith.addi %scan3A_0, %scan3A_1 : i32
    %scan3A_3 = arith.constant 1 : i32
    %scan3A_4 = scf.for %scan3A_106 = %scan3A_0 to %scan3A_2 step %scan3A_3 iter_args(%scan3A_107 = %scan3A) -> (i32)  : i32 {
      %broadcast_in_dim3A = arith.constant 0.000000e+00 : f32
      %broadcast_in_dim3A_108 = vector.broadcast %broadcast_in_dim3A : f32 to vector<16xf32>
      %swap3A = arith.index_cast %scan3A_106 : i32 to index
      %swap3A_109 = arith.constant 0 : index
      %swap3A_110 = tpu.vector_load %arg9[%swap3A, %swap3A_109] {strides = array<i32>} : memref<128x64xf32, #tpu.memory_space<vmem>>, vector<1x16xf32>,
      %swap3A_111 = vector.shape_cast %swap3A_110 : vector<1x16xf32> to vector<16xf32>
      %swap3A_112 = vector.shape_cast %broadcast_in_dim3A_108 : vector<16xf32> to vector<1x16xf32>
      tpu.vector_store %arg9[%swap3A, %swap3A_109], %swap3A_112 {strides = array<i32>} : memref<128x64xf32, #tpu.memory_space<vmem>>, vector<1x16xf32>,
      %broadcast_in_dim3A_113 = arith.constant 0.000000e+00 : f32
      %broadcast_in_dim3A_114 = vector.broadcast %broadcast_in_dim3A_113 : f32 to vector<16xf32>
      %swap3A_115 = arith.index_cast %scan3A_106 : i32 to index
      %swap3A_116 = arith.constant 16 : index
      %swap3A_117 = tpu.vector_load %arg9[%swap3A_115, %swap3A_116] {strides = array<i32>} : memref<128x64xf32, #tpu.memory_space<vmem>>, vector<1x16xf32>,
      %swap3A_118 = vector.shape_cast %swap3A_117 : vector<1x16xf32> to vector<16xf32>
      %swap3A_119 = vector.shape_cast %broadcast_in_dim3A_114 : vector<16xf32> to vector<1x16xf32>
      tpu.vector_store %arg9[%swap3A_115, %swap3A_116], %swap3A_119 {strides = array<i32>} : memref<128x64xf32, #tpu.memory_space<vmem>>, vector<1x16xf32>,
      %broadcast_in_dim3A_120 = arith.constant 0.000000e+00 : f32
      %broadcast_in_dim3A_121 = vector.broadcast %broadcast_in_dim3A_120 : f32 to vector<16xf32>
      %swap3A_122 = arith.index_cast %scan3A_106 : i32 to index
      %swap3A_123 = arith.constant 32 : index
      %swap3A_124 = tpu.vector_load %arg9[%swap3A_122, %swap3A_123] {strides = array<i32>} : memref<128x64xf32, #tpu.memory_space<vmem>>, vector<1x16xf32>,
      %swap3A_125 = vector.shape_cast %swap3A_124 : vector<1x16xf32> to vector<16xf32>
      %swap3A_126 = vector.shape_cast %broadcast_in_dim3A_121 : vector<16xf32> to vector<1x16xf32>
      tpu.vector_store %arg9[%swap3A_122, %swap3A_123], %swap3A_126 {strides = array<i32>} : memref<128x64xf32, #tpu.memory_space<vmem>>, vector<1x16xf32>,
      %broadcast_in_dim3A_127 = arith.constant 0.000000e+00 : f32
      %broadcast_in_dim3A_128 = vector.broadcast %broadcast_in_dim3A_127 : f32 to vector<16xf32>
      %swap3A_129 = arith.index_cast %scan3A_106 : i32 to index
      %swap3A_130 = arith.constant 48 : index
      %swap3A_131 = tpu.vector_load %arg9[%swap3A_129, %swap3A_130] {strides = array<i32>} : memref<128x64xf32, #tpu.memory_space<vmem>>, vector<1x16xf32>,
      %swap3A_132 = vector.shape_cast %swap3A_131 : vector<1x16xf32> to vector<16xf32>
      %swap3A_133 = vector.shape_cast %broadcast_in_dim3A_128 : vector<16xf32> to vector<1x16xf32>
      tpu.vector_store %arg9[%swap3A_129, %swap3A_130], %swap3A_133 {strides = array<i32>} : memref<128x64xf32, #tpu.memory_space<vmem>>, vector<1x16xf32>,
      %scan3A_134 = arith.constant 0 : i32
      scf.yield %scan3A_134 : i32
    }
    %scan3A_5 = arith.constant 128 : i32
    %mul3A = arith.constant 640 : i32
    %mul3A_6 = arith.muli %arg1, %mul3A : i32
    %add3A = arith.constant 0 : i32
    %add3A_7 = arith.addi %mul3A_6, %add3A : i32
    "tpu.region"() ({
      %run_scoped3A = tpu.sem_alloc : memref<!tpu.dma_semaphore, #tpu.memory_space<semaphore_mem>>
      %dma_start3A_106 = arith.constant 0 : i32
      %dma_start3A_107 = tpu.memref_slice %arg10[%add3A_7, %dma_start3A_106] : memref<10240x64xf32, #tpu.memory_space<vmem_shared>> -> memref<128x64xf32, #tpu.memory_space<vmem_shared>>
      %dma_start3A_108 = arith.constant 0 : i32
      %dma_start3A_109 = tpu.memref_slice %arg10[%add3A_7, %dma_start3A_108] : memref<10240x64xf32, #tpu.memory_space<vmem_shared>> -> memref<128x64xf32, #tpu.memory_space<vmem_shared>>
      tpu.enqueue_dma source(%arg9 : memref<128x64xf32, #tpu.memory_space<vmem>>) target(%dma_start3A_109 : memref<128x64xf32, #tpu.memory_space<vmem_shared>>) target_semaphore(%run_scoped3A : memref<!tpu.dma_semaphore, #tpu.memory_space<semaphore_mem>>)
      %dma_wait3A_110 = arith.constant 0 : i32
      %dma_wait3A_111 = tpu.memref_slice %arg10[%add3A_7, %dma_wait3A_110] : memref<10240x64xf32, #tpu.memory_space<vmem_shared>> -> memref<128x64xf32, #tpu.memory_space<vmem_shared>>
      %dma_wait3A_112 = arith.constant 0 : i32
      %dma_wait3A_113 = tpu.memref_slice %arg10[%add3A_7, %dma_wait3A_112] : memref<10240x64xf32, #tpu.memory_space<vmem_shared>> -> memref<128x64xf32, #tpu.memory_space<vmem_shared>>
      tpu.wait_dma2 semaphore(%run_scoped3A : memref<!tpu.dma_semaphore, #tpu.memory_space<semaphore_mem>>) src(%arg9 : memref<128x64xf32, #tpu.memory_space<vmem>>) dst(%dma_wait3A_113 : memref<128x64xf32, #tpu.memory_space<vmem_shared>>)
      tpu.yield
    }) : () -> ()
    %mul3A_8 = arith.constant 640 : i32
    %mul3A_9 = arith.muli %arg1, %mul3A_8 : i32
    %add3A_10 = arith.constant 128 : i32
    %add3A_11 = arith.addi %mul3A_9, %add3A_10 : i32
    "tpu.region"() ({
      %run_scoped3A = tpu.sem_alloc : memref<!tpu.dma_semaphore, #tpu.memory_space<semaphore_mem>>
      %dma_start3A_106 = arith.constant 0 : i32
      %dma_start3A_107 = tpu.memref_slice %arg10[%add3A_11, %dma_start3A_106] : memref<10240x64xf32, #tpu.memory_space<vmem_shared>> -> memref<128x64xf32, #tpu.memory_space<vmem_shared>>
      %dma_start3A_108 = arith.constant 0 : i32
      %dma_start3A_109 = tpu.memref_slice %arg10[%add3A_11, %dma_start3A_108] : memref<10240x64xf32, #tpu.memory_space<vmem_shared>> -> memref<128x64xf32, #tpu.memory_space<vmem_shared>>
      tpu.enqueue_dma source(%arg9 : memref<128x64xf32, #tpu.memory_space<vmem>>) target(%dma_start3A_109 : memref<128x64xf32, #tpu.memory_space<vmem_shared>>) target_semaphore(%run_scoped3A : memref<!tpu.dma_semaphore, #tpu.memory_space<semaphore_mem>>)
      %dma_wait3A_110 = arith.constant 0 : i32
      %dma_wait3A_111 = tpu.memref_slice %arg10[%add3A_11, %dma_wait3A_110] : memref<10240x64xf32, #tpu.memory_space<vmem_shared>> -> memref<128x64xf32, #tpu.memory_space<vmem_shared>>
      %dma_wait3A_112 = arith.constant 0 : i32
      %dma_wait3A_113 = tpu.memref_slice %arg10[%add3A_11, %dma_wait3A_112] : memref<10240x64xf32, #tpu.memory_space<vmem_shared>> -> memref<128x64xf32, #tpu.memory_space<vmem_shared>>
      tpu.wait_dma2 semaphore(%run_scoped3A : memref<!tpu.dma_semaphore, #tpu.memory_space<semaphore_mem>>) src(%arg9 : memref<128x64xf32, #tpu.memory_space<vmem>>) dst(%dma_wait3A_113 : memref<128x64xf32, #tpu.memory_space<vmem_shared>>)
      tpu.yield
    }) : () -> ()
    %mul3A_12 = arith.constant 640 : i32
    %mul3A_13 = arith.muli %arg1, %mul3A_12 : i32
    %add3A_14 = arith.constant 256 : i32
    %add3A_15 = arith.addi %mul3A_13, %add3A_14 : i32
    "tpu.region"() ({
      %run_scoped3A = tpu.sem_alloc : memref<!tpu.dma_semaphore, #tpu.memory_space<semaphore_mem>>
      %dma_start3A_106 = arith.constant 0 : i32
      %dma_start3A_107 = tpu.memref_slice %arg10[%add3A_15, %dma_start3A_106] : memref<10240x64xf32, #tpu.memory_space<vmem_shared>> -> memref<128x64xf32, #tpu.memory_space<vmem_shared>>
      %dma_start3A_108 = arith.constant 0 : i32
      %dma_start3A_109 = tpu.memref_slice %arg10[%add3A_15, %dma_start3A_108] : memref<10240x64xf32, #tpu.memory_space<vmem_shared>> -> memref<128x64xf32, #tpu.memory_space<vmem_shared>>
      tpu.enqueue_dma source(%arg9 : memref<128x64xf32, #tpu.memory_space<vmem>>) target(%dma_start3A_109 : memref<128x64xf32, #tpu.memory_space<vmem_shared>>) target_semaphore(%run_scoped3A : memref<!tpu.dma_semaphore, #tpu.memory_space<semaphore_mem>>)
      %dma_wait3A_110 = arith.constant 0 : i32
      %dma_wait3A_111 = tpu.memref_slice %arg10[%add3A_15, %dma_wait3A_110] : memref<10240x64xf32, #tpu.memory_space<vmem_shared>> -> memref<128x64xf32, #tpu.memory_space<vmem_shared>>
      %dma_wait3A_112 = arith.constant 0 : i32
      %dma_wait3A_113 = tpu.memref_slice %arg10[%add3A_15, %dma_wait3A_112] : memref<10240x64xf32, #tpu.memory_space<vmem_shared>> -> memref<128x64xf32, #tpu.memory_space<vmem_shared>>
      tpu.wait_dma2 semaphore(%run_scoped3A : memref<!tpu.dma_semaphore, #tpu.memory_space<semaphore_mem>>) src(%arg9 : memref<128x64xf32, #tpu.memory_space<vmem>>) dst(%dma_wait3A_113 : memref<128x64xf32, #tpu.memory_space<vmem_shared>>)
      tpu.yield
    }) : () -> ()
    %mul3A_16 = arith.constant 640 : i32
    %mul3A_17 = arith.muli %arg1, %mul3A_16 : i32
    %add3A_18 = arith.constant 384 : i32
    %add3A_19 = arith.addi %mul3A_17, %add3A_18 : i32
    "tpu.region"() ({
      %run_scoped3A = tpu.sem_alloc : memref<!tpu.dma_semaphore, #tpu.memory_space<semaphore_mem>>
      %dma_start3A_106 = arith.constant 0 : i32
      %dma_start3A_107 = tpu.memref_slice %arg10[%add3A_19, %dma_start3A_106] : memref<10240x64xf32, #tpu.memory_space<vmem_shared>> -> memref<128x64xf32, #tpu.memory_space<vmem_shared>>
      %dma_start3A_108 = arith.constant 0 : i32
      %dma_start3A_109 = tpu.memref_slice %arg10[%add3A_19, %dma_start3A_108] : memref<10240x64xf32, #tpu.memory_space<vmem_shared>> -> memref<128x64xf32, #tpu.memory_space<vmem_shared>>
      tpu.enqueue_dma source(%arg9 : memref<128x64xf32, #tpu.memory_space<vmem>>) target(%dma_start3A_109 : memref<128x64xf32, #tpu.memory_space<vmem_shared>>) target_semaphore(%run_scoped3A : memref<!tpu.dma_semaphore, #tpu.memory_space<semaphore_mem>>)
      %dma_wait3A_110 = arith.constant 0 : i32
      %dma_wait3A_111 = tpu.memref_slice %arg10[%add3A_19, %dma_wait3A_110] : memref<10240x64xf32, #tpu.memory_space<vmem_shared>> -> memref<128x64xf32, #tpu.memory_space<vmem_shared>>
      %dma_wait3A_112 = arith.constant 0 : i32
      %dma_wait3A_113 = tpu.memref_slice %arg10[%add3A_19, %dma_wait3A_112] : memref<10240x64xf32, #tpu.memory_space<vmem_shared>> -> memref<128x64xf32, #tpu.memory_space<vmem_shared>>
      tpu.wait_dma2 semaphore(%run_scoped3A : memref<!tpu.dma_semaphore, #tpu.memory_space<semaphore_mem>>) src(%arg9 : memref<128x64xf32, #tpu.memory_space<vmem>>) dst(%dma_wait3A_113 : memref<128x64xf32, #tpu.memory_space<vmem_shared>>)
      tpu.yield
    }) : () -> ()
    %mul3A_20 = arith.constant 640 : i32
    %mul3A_21 = arith.muli %arg1, %mul3A_20 : i32
    %add3A_22 = arith.constant 512 : i32
    %add3A_23 = arith.addi %mul3A_21, %add3A_22 : i32
    "tpu.region"() ({
      %run_scoped3A = tpu.sem_alloc : memref<!tpu.dma_semaphore, #tpu.memory_space<semaphore_mem>>
      %dma_start3A_106 = arith.constant 0 : i32
      %dma_start3A_107 = tpu.memref_slice %arg10[%add3A_23, %dma_start3A_106] : memref<10240x64xf32, #tpu.memory_space<vmem_shared>> -> memref<128x64xf32, #tpu.memory_space<vmem_shared>>
      %dma_start3A_108 = arith.constant 0 : i32
      %dma_start3A_109 = tpu.memref_slice %arg10[%add3A_23, %dma_start3A_108] : memref<10240x64xf32, #tpu.memory_space<vmem_shared>> -> memref<128x64xf32, #tpu.memory_space<vmem_shared>>
      tpu.enqueue_dma source(%arg9 : memref<128x64xf32, #tpu.memory_space<vmem>>) target(%dma_start3A_109 : memref<128x64xf32, #tpu.memory_space<vmem_shared>>) target_semaphore(%run_scoped3A : memref<!tpu.dma_semaphore, #tpu.memory_space<semaphore_mem>>)
      %dma_wait3A_110 = arith.constant 0 : i32
      %dma_wait3A_111 = tpu.memref_slice %arg10[%add3A_23, %dma_wait3A_110] : memref<10240x64xf32, #tpu.memory_space<vmem_shared>> -> memref<128x64xf32, #tpu.memory_space<vmem_shared>>
      %dma_wait3A_112 = arith.constant 0 : i32
      %dma_wait3A_113 = tpu.memref_slice %arg10[%add3A_23, %dma_wait3A_112] : memref<10240x64xf32, #tpu.memory_space<vmem_shared>> -> memref<128x64xf32, #tpu.memory_space<vmem_shared>>
      tpu.wait_dma2 semaphore(%run_scoped3A : memref<!tpu.dma_semaphore, #tpu.memory_space<semaphore_mem>>) src(%arg9 : memref<128x64xf32, #tpu.memory_space<vmem>>) dst(%dma_wait3A_113 : memref<128x64xf32, #tpu.memory_space<vmem_shared>>)
      tpu.yield
    }) : () -> ()
    %barrier3A = arith.constant 0 : index
    tpu.barrier barrier_id(%barrier3A)
    %mul3A_24 = arith.constant 16 : i32
    %mul3A_25 = arith.muli %arg0, %mul3A_24 : i32
    %add3A_26 = arith.addi %mul3A_25, %arg1 : i32
    %mul3A_27 = arith.constant 78 : i32
    %mul3A_28 = arith.muli %add3A_26, %mul3A_27 : i32
    "tpu.region"() ({
      %run_scoped3A = tpu.sem_alloc : memref<!tpu.dma_semaphore, #tpu.memory_space<semaphore_mem>>
      %dma_start3A_106 = arith.constant 0 : i32
      %dma_start3A_107 = arith.constant 0 : i32
      %dma_start3A_108 = tpu.memref_slice %arg7[%dma_start3A_106, %dma_start3A_107] : memref<79x128xi32, #tpu.memory_space<vmem>> -> memref<78x128xi32, #tpu.memory_space<vmem>>
      %dma_start3A_109 = arith.constant 0 : i32
      %dma_start3A_110 = tpu.memref_slice %arg3[%mul3A_28, %dma_start3A_109] : memref<2500x128xi32, #tpu.memory_space<hbm>> -> memref<78x128xi32, #tpu.memory_space<hbm>>
      %dma_start3A_111 = arith.constant 0 : i32
      %dma_start3A_112 = arith.constant 0 : i32
      %dma_start3A_113 = tpu.memref_slice %arg7[%dma_start3A_111, %dma_start3A_112] : memref<79x128xi32, #tpu.memory_space<vmem>> -> memref<78x128xi32, #tpu.memory_space<vmem>>
      %dma_start3A_114 = arith.constant 0 : i32
      %dma_start3A_115 = tpu.memref_slice %arg3[%mul3A_28, %dma_start3A_114] : memref<2500x128xi32, #tpu.memory_space<hbm>> -> memref<78x128xi32, #tpu.memory_space<hbm>>
      tpu.enqueue_dma source(%dma_start3A_115 : memref<78x128xi32, #tpu.memory_space<hbm>>) target(%dma_start3A_113 : memref<78x128xi32, #tpu.memory_space<vmem>>) target_semaphore(%run_scoped3A : memref<!tpu.dma_semaphore, #tpu.memory_space<semaphore_mem>>)
      %dma_wait3A_116 = arith.constant 0 : i32
      %dma_wait3A_117 = arith.constant 0 : i32
      %dma_wait3A_118 = tpu.memref_slice %arg7[%dma_wait3A_116, %dma_wait3A_117] : memref<79x128xi32, #tpu.memory_space<vmem>> -> memref<78x128xi32, #tpu.memory_space<vmem>>
      %dma_wait3A_119 = arith.constant 0 : i32
      %dma_wait3A_120 = tpu.memref_slice %arg3[%mul3A_28, %dma_wait3A_119] : memref<2500x128xi32, #tpu.memory_space<hbm>> -> memref<78x128xi32, #tpu.memory_space<hbm>>
      %dma_wait3A_121 = arith.constant 0 : i32
      %dma_wait3A_122 = arith.constant 0 : i32
      %dma_wait3A_123 = tpu.memref_slice %arg7[%dma_wait3A_121, %dma_wait3A_122] : memref<79x128xi32, #tpu.memory_space<vmem>> -> memref<78x128xi32, #tpu.memory_space<vmem>>
      %dma_wait3A_124 = arith.constant 0 : i32
      %dma_wait3A_125 = tpu.memref_slice %arg3[%mul3A_28, %dma_wait3A_124] : memref<2500x128xi32, #tpu.memory_space<hbm>> -> memref<78x128xi32, #tpu.memory_space<hbm>>
      tpu.wait_dma2 semaphore(%run_scoped3A : memref<!tpu.dma_semaphore, #tpu.memory_space<semaphore_mem>>) src(%dma_wait3A_125 : memref<78x128xi32, #tpu.memory_space<hbm>>) dst(%dma_wait3A_123 : memref<78x128xi32, #tpu.memory_space<vmem>>)
      tpu.yield
    }) : () -> ()
    %mul3A_29 = arith.constant 128 : i32
    %mul3A_30 = arith.muli %mul3A_28, %mul3A_29 : i32
    %multiple_of3A = tpu.assume_multiple %mul3A_30, 128 : i32
    "tpu.region"() ({
      %run_scoped3A = tpu.sem_alloc : memref<!tpu.dma_semaphore, #tpu.memory_space<semaphore_mem>>
      %dma_start3A_106 = arith.constant 0 : i32
      %dma_start3A_107 = tpu.memref_slice %arg6[%dma_start3A_106] : memref<9984xi32, #tpu.memory_space<vmem>> -> memref<9984xi32, #tpu.memory_space<vmem>>
      %dma_start3A_108 = tpu.memref_slice %arg2[%multiple_of3A] : memref<320000xi32, #tpu.memory_space<hbm>> -> memref<9984xi32, #tpu.memory_space<hbm>>
      %dma_start3A_109 = arith.constant 0 : i32
      %dma_start3A_110 = tpu.memref_slice %arg6[%dma_start3A_109] : memref<9984xi32, #tpu.memory_space<vmem>> -> memref<9984xi32, #tpu.memory_space<vmem>>
      %dma_start3A_111 = tpu.memref_slice %arg2[%multiple_of3A] : memref<320000xi32, #tpu.memory_space<hbm>> -> memref<9984xi32, #tpu.memory_space<hbm>>
      tpu.enqueue_dma source(%dma_start3A_111 : memref<9984xi32, #tpu.memory_space<hbm>>) target(%dma_start3A_110 : memref<9984xi32, #tpu.memory_space<vmem>>) target_semaphore(%run_scoped3A : memref<!tpu.dma_semaphore, #tpu.memory_space<semaphore_mem>>)
      %dma_wait3A_112 = arith.constant 0 : i32
      %dma_wait3A_113 = tpu.memref_slice %arg6[%dma_wait3A_112] : memref<9984xi32, #tpu.memory_space<vmem>> -> memref<9984xi32, #tpu.memory_space<vmem>>
      %dma_wait3A_114 = tpu.memref_slice %arg2[%multiple_of3A] : memref<320000xi32, #tpu.memory_space<hbm>> -> memref<9984xi32, #tpu.memory_space<hbm>>
      %dma_wait3A_115 = arith.constant 0 : i32
      %dma_wait3A_116 = tpu.memref_slice %arg6[%dma_wait3A_115] : memref<9984xi32, #tpu.memory_space<vmem>> -> memref<9984xi32, #tpu.memory_space<vmem>>
      %dma_wait3A_117 = tpu.memref_slice %arg2[%multiple_of3A] : memref<320000xi32, #tpu.memory_space<hbm>> -> memref<9984xi32, #tpu.memory_space<hbm>>
      tpu.wait_dma2 semaphore(%run_scoped3A : memref<!tpu.dma_semaphore, #tpu.memory_space<semaphore_mem>>) src(%dma_wait3A_117 : memref<9984xi32, #tpu.memory_space<hbm>>) dst(%dma_wait3A_116 : memref<9984xi32, #tpu.memory_space<vmem>>)
      tpu.yield
    }) : () -> ()
    %multiple_of3A_31 = arith.constant 0 : i32
    %multiple_of3A_32 = tpu.assume_multiple %multiple_of3A_31, 128 : i32
    %dma_start3A = arith.constant 0 : i32
    %dma_start3A_33 = arith.constant 0 : i32
    %dma_start3A_34 = arith.constant 0 : i32
    %dma_start3A_35 = tpu.memref_slice %arg8[%dma_start3A, %dma_start3A_33, %dma_start3A_34] : memref<2x384x64xf32, #tpu.memory_space<vmem>> -> memref<1x128x64xf32, #tpu.memory_space<vmem>>
    %dma_start3A_36 = tpu.memref_squeeze %dma_start3A_35 : memref<1x128x64xf32, #tpu.memory_space<vmem>> -> memref<128x64xf32, #tpu.memory_space<vmem>>
    %dma_start3A_37 = tpu.memref_slice %arg6[%multiple_of3A_32] : memref<9984xi32, #tpu.memory_space<vmem>> -> memref<128xi32, #tpu.memory_space<vmem>>
    %dma_start3A_38 = arith.constant 0 : i32
    %dma_start3A_39 = arith.constant 0 : i32
    %dma_start3A_40 = tpu.memref_slice %arg4[%dma_start3A_38, %dma_start3A_39] : memref<10000x64xf32, #tpu.memory_space<hbm>> -> memref<10000x64xf32, #tpu.memory_space<hbm>>
    tpu.enqueue_indirect_dma source(%dma_start3A_40 : memref<10000x64xf32, #tpu.memory_space<hbm>>) target(%dma_start3A_36 : memref<128x64xf32, #tpu.memory_space<vmem>>) offsets(%dma_start3A_37 : memref<128xi32, #tpu.memory_space<vmem>>) semaphore(%arg11 : memref<!tpu.dma_semaphore, #tpu.memory_space<semaphore_mem>>)
    %multiple_of3A_41 = arith.constant 128 : i32
    %multiple_of3A_42 = tpu.assume_multiple %multiple_of3A_41, 128 : i32
    %dma_start3A_43 = arith.constant 0 : i32
    %dma_start3A_44 = arith.constant 128 : i32
    %dma_start3A_45 = arith.constant 0 : i32
    %dma_start3A_46 = tpu.memref_slice %arg8[%dma_start3A_43, %dma_start3A_44, %dma_start3A_45] : memref<2x384x64xf32, #tpu.memory_space<vmem>> -> memref<1x128x64xf32, #tpu.memory_space<vmem>>
    %dma_start3A_47 = tpu.memref_squeeze %dma_start3A_46 : memref<1x128x64xf32, #tpu.memory_space<vmem>> -> memref<128x64xf32, #tpu.memory_space<vmem>>
    %dma_start3A_48 = tpu.memref_slice %arg6[%multiple_of3A_42] : memref<9984xi32, #tpu.memory_space<vmem>> -> memref<128xi32, #tpu.memory_space<vmem>>
    %dma_start3A_49 = arith.constant 0 : i32
    %dma_start3A_50 = arith.constant 0 : i32
    %dma_start3A_51 = tpu.memref_slice %arg4[%dma_start3A_49, %dma_start3A_50] : memref<10000x64xf32, #tpu.memory_space<hbm>> -> memref<10000x64xf32, #tpu.memory_space<hbm>>
    tpu.enqueue_indirect_dma source(%dma_start3A_51 : memref<10000x64xf32, #tpu.memory_space<hbm>>) target(%dma_start3A_47 : memref<128x64xf32, #tpu.memory_space<vmem>>) offsets(%dma_start3A_48 : memref<128xi32, #tpu.memory_space<vmem>>) semaphore(%arg11 : memref<!tpu.dma_semaphore, #tpu.memory_space<semaphore_mem>>)
    %multiple_of3A_52 = arith.constant 256 : i32
    %multiple_of3A_53 = tpu.assume_multiple %multiple_of3A_52, 128 : i32
    %dma_start3A_54 = arith.constant 0 : i32
    %dma_start3A_55 = arith.constant 256 : i32
    %dma_start3A_56 = arith.constant 0 : i32
    %dma_start3A_57 = tpu.memref_slice %arg8[%dma_start3A_54, %dma_start3A_55, %dma_start3A_56] : memref<2x384x64xf32, #tpu.memory_space<vmem>> -> memref<1x128x64xf32, #tpu.memory_space<vmem>>
    %dma_start3A_58 = tpu.memref_squeeze %dma_start3A_57 : memref<1x128x64xf32, #tpu.memory_space<vmem>> -> memref<128x64xf32, #tpu.memory_space<vmem>>
    %dma_start3A_59 = tpu.memref_slice %arg6[%multiple_of3A_53] : memref<9984xi32, #tpu.memory_space<vmem>> -> memref<128xi32, #tpu.memory_space<vmem>>
    %dma_start3A_60 = arith.constant 0 : i32
    %dma_start3A_61 = arith.constant 0 : i32
    %dma_start3A_62 = tpu.memref_slice %arg4[%dma_start3A_60, %dma_start3A_61] : memref<10000x64xf32, #tpu.memory_space<hbm>> -> memref<10000x64xf32, #tpu.memory_space<hbm>>
    tpu.enqueue_indirect_dma source(%dma_start3A_62 : memref<10000x64xf32, #tpu.memory_space<hbm>>) target(%dma_start3A_58 : memref<128x64xf32, #tpu.memory_space<vmem>>) offsets(%dma_start3A_59 : memref<128xi32, #tpu.memory_space<vmem>>) semaphore(%arg11 : memref<!tpu.dma_semaphore, #tpu.memory_space<semaphore_mem>>)
    %scan3A_63 = arith.constant 0 : i32
    %scan3A_64 = arith.constant 0 : i32
    %scan3A_65 = arith.constant 13 : i32
    %scan3A_66 = arith.addi %scan3A_64, %scan3A_65 : i32
    %scan3A_67 = arith.constant 1 : i32
    %scan3A_68 = scf.for %scan3A_106 = %scan3A_64 to %scan3A_66 step %scan3A_67 iter_args(%scan3A_107 = %scan3A_63) -> (i32)  : i32 {
      %mul3A_108 = arith.constant 2 : i32
      %mul3A_109 = arith.muli %mul3A_108, %scan3A_106 : i32
      %add3A_110 = arith.constant 0 : i32
      %add3A_111 = arith.addi %mul3A_109, %add3A_110 : i32
      %add3A_112 = arith.constant 1 : i32
      %add3A_113 = arith.addi %add3A_111, %add3A_112 : i32
      %lt3A_114 = arith.constant 26 : i32
      %lt3A_115 = arith.cmpi slt, %add3A_113, %lt3A_114 : i32
      %convert_element_type3A_116 = arith.extui %lt3A_115 : i1 to i32
      %cond3A_117 = arith.constant 0 : i32
      %cond3A_118 = arith.cmpi ne, %convert_element_type3A_116, %cond3A_117 : i32
      scf.if %cond3A_118 {
        %ge3A = arith.constant 1 : i32
        %ge3A_251 = arith.cmpi sge, %add3A_111, %ge3A : i32
        %convert_element_type3A_252 = arith.extui %ge3A_251 : i1 to i32
        %cond3A_253 = arith.constant 0 : i32
        %cond3A_254 = arith.cmpi ne, %convert_element_type3A_252, %cond3A_253 : i32
        scf.if %cond3A_254 {
          %dma_wait3A_305 = arith.constant 1 : i32
          %dma_wait3A_306 = arith.constant 0 : i32
          %dma_wait3A_307 = arith.constant 0 : i32
          %dma_wait3A_308 = tpu.memref_slice %arg8[%dma_wait3A_305, %dma_wait3A_306, %dma_wait3A_307] : memref<2x384x64xf32, #tpu.memory_space<vmem>> -> memref<1x384x64xf32, #tpu.memory_space<vmem>>
          %dma_wait3A_309 = tpu.memref_squeeze %dma_wait3A_308 : memref<1x384x64xf32, #tpu.memory_space<vmem>> -> memref<384x64xf32, #tpu.memory_space<vmem>>
          %dma_wait3A_310 = arith.constant 0 : i32
          %dma_wait3A_311 = arith.constant 0 : i32
          %dma_wait3A_312 = tpu.memref_slice %arg10[%dma_wait3A_310, %dma_wait3A_311] : memref<10240x64xf32, #tpu.memory_space<vmem_shared>> -> memref<384x64xf32, #tpu.memory_space<vmem_shared>>
          %dma_wait3A_313 = arith.constant 0 : i32
          %dma_wait3A_314 = arith.constant 0 : i32
          %dma_wait3A_315 = tpu.memref_slice %arg10[%dma_wait3A_313, %dma_wait3A_314] : memref<10240x64xf32, #tpu.memory_space<vmem_shared>> -> memref<384x64xf32, #tpu.memory_space<vmem_shared>>
          %dma_wait3A_316 = arith.constant 0 : i32
          %dma_wait3A_317 = arith.constant 0 : i32
          %dma_wait3A_318 = tpu.memref_slice %arg8[%dma_wait3A_305, %dma_wait3A_316, %dma_wait3A_317] : memref<2x384x64xf32, #tpu.memory_space<vmem>> -> memref<1x384x64xf32, #tpu.memory_space<vmem>>
          %dma_wait3A_319 = tpu.memref_squeeze %dma_wait3A_318 : memref<1x384x64xf32, #tpu.memory_space<vmem>> -> memref<384x64xf32, #tpu.memory_space<vmem>>
          tpu.wait_dma2 semaphore(%arg14 : memref<!tpu.dma_semaphore, #tpu.memory_space<semaphore_mem>>) src(%dma_wait3A_319 : memref<384x64xf32, #tpu.memory_space<vmem>>) dst(%dma_wait3A_315 : memref<384x64xf32, #tpu.memory_space<vmem_shared>>)
        } else {
        }
        %add3A_255 = arith.constant 1 : i32
        %add3A_256 = arith.addi %add3A_111, %add3A_255 : i32
        %mul3A_257 = arith.constant 3 : i32
        %mul3A_258 = arith.muli %add3A_256, %mul3A_257 : i32
        %add3A_259 = arith.constant 0 : i32
        %add3A_260 = arith.addi %mul3A_258, %add3A_259 : i32
        %mul3A_261 = arith.constant 128 : i32
        %mul3A_262 = arith.muli %add3A_260, %mul3A_261 : i32
        %multiple_of3A_263 = tpu.assume_multiple %mul3A_262, 128 : i32
        %dma_start3A_264 = arith.constant 1 : i32
        %dma_start3A_265 = arith.constant 0 : i32
        %dma_start3A_266 = arith.constant 0 : i32
        %dma_start3A_267 = tpu.memref_slice %arg8[%dma_start3A_264, %dma_start3A_265, %dma_start3A_266] : memref<2x384x64xf32, #tpu.memory_space<vmem>> -> memref<1x128x64xf32, #tpu.memory_space<vmem>>
        %dma_start3A_268 = tpu.memref_squeeze %dma_start3A_267 : memref<1x128x64xf32, #tpu.memory_space<vmem>> -> memref<128x64xf32, #tpu.memory_space<vmem>>
        %dma_start3A_269 = tpu.memref_slice %arg6[%multiple_of3A_263] : memref<9984xi32, #tpu.memory_space<vmem>> -> memref<128xi32, #tpu.memory_space<vmem>>
        %dma_start3A_270 = arith.constant 0 : i32
        %dma_start3A_271 = arith.constant 0 : i32
        %dma_start3A_272 = tpu.memref_slice %arg4[%dma_start3A_270, %dma_start3A_271] : memref<10000x64xf32, #tpu.memory_space<hbm>> -> memref<10000x64xf32, #tpu.memory_space<hbm>>
        tpu.enqueue_indirect_dma source(%dma_start3A_272 : memref<10000x64xf32, #tpu.memory_space<hbm>>) target(%dma_start3A_268 : memref<128x64xf32, #tpu.memory_space<vmem>>) offsets(%dma_start3A_269 : memref<128xi32, #tpu.memory_space<vmem>>) semaphore(%arg12 : memref<!tpu.dma_semaphore, #tpu.memory_space<semaphore_mem>>)
        %mul3A_273 = arith.constant 3 : i32
        %mul3A_274 = arith.muli %add3A_256, %mul3A_273 : i32
        %add3A_275 = arith.constant 1 : i32
        %add3A_276 = arith.addi %mul3A_274, %add3A_275 : i32
        %mul3A_277 = arith.constant 128 : i32
        %mul3A_278 = arith.muli %add3A_276, %mul3A_277 : i32
        %multiple_of3A_279 = tpu.assume_multiple %mul3A_278, 128 : i32
        %dma_start3A_280 = arith.constant 1 : i32
        %dma_start3A_281 = arith.constant 128 : i32
        %dma_start3A_282 = arith.constant 0 : i32
        %dma_start3A_283 = tpu.memref_slice %arg8[%dma_start3A_280, %dma_start3A_281, %dma_start3A_282] : memref<2x384x64xf32, #tpu.memory_space<vmem>> -> memref<1x128x64xf32, #tpu.memory_space<vmem>>
        %dma_start3A_284 = tpu.memref_squeeze %dma_start3A_283 : memref<1x128x64xf32, #tpu.memory_space<vmem>> -> memref<128x64xf32, #tpu.memory_space<vmem>>
        %dma_start3A_285 = tpu.memref_slice %arg6[%multiple_of3A_279] : memref<9984xi32, #tpu.memory_space<vmem>> -> memref<128xi32, #tpu.memory_space<vmem>>
        %dma_start3A_286 = arith.constant 0 : i32
        %dma_start3A_287 = arith.constant 0 : i32
        %dma_start3A_288 = tpu.memref_slice %arg4[%dma_start3A_286, %dma_start3A_287] : memref<10000x64xf32, #tpu.memory_space<hbm>> -> memref<10000x64xf32, #tpu.memory_space<hbm>>
        tpu.enqueue_indirect_dma source(%dma_start3A_288 : memref<10000x64xf32, #tpu.memory_space<hbm>>) target(%dma_start3A_284 : memref<128x64xf32, #tpu.memory_space<vmem>>) offsets(%dma_start3A_285 : memref<128xi32, #tpu.memory_space<vmem>>) semaphore(%arg12 : memref<!tpu.dma_semaphore, #tpu.memory_space<semaphore_mem>>)
        %mul3A_289 = arith.constant 3 : i32
        %mul3A_290 = arith.muli %add3A_256, %mul3A_289 : i32
        %add3A_291 = arith.constant 2 : i32
        %add3A_292 = arith.addi %mul3A_290, %add3A_291 : i32
        %mul3A_293 = arith.constant 128 : i32
        %mul3A_294 = arith.muli %add3A_292, %mul3A_293 : i32
        %multiple_of3A_295 = tpu.assume_multiple %mul3A_294, 128 : i32
        %dma_start3A_296 = arith.constant 1 : i32
        %dma_start3A_297 = arith.constant 256 : i32
        %dma_start3A_298 = arith.constant 0 : i32
        %dma_start3A_299 = tpu.memref_slice %arg8[%dma_start3A_296, %dma_start3A_297, %dma_start3A_298] : memref<2x384x64xf32, #tpu.memory_space<vmem>> -> memref<1x128x64xf32, #tpu.memory_space<vmem>>
        %dma_start3A_300 = tpu.memref_squeeze %dma_start3A_299 : memref<1x128x64xf32, #tpu.memory_space<vmem>> -> memref<128x64xf32, #tpu.memory_space<vmem>>
        %dma_start3A_301 = tpu.memref_slice %arg6[%multiple_of3A_295] : memref<9984xi32, #tpu.memory_space<vmem>> -> memref<128xi32, #tpu.memory_space<vmem>>
        %dma_start3A_302 = arith.constant 0 : i32
        %dma_start3A_303 = arith.constant 0 : i32
        %dma_start3A_304 = tpu.memref_slice %arg4[%dma_start3A_302, %dma_start3A_303] : memref<10000x64xf32, #tpu.memory_space<hbm>> -> memref<10000x64xf32, #tpu.memory_space<hbm>>
        tpu.enqueue_indirect_dma source(%dma_start3A_304 : memref<10000x64xf32, #tpu.memory_space<hbm>>) target(%dma_start3A_300 : memref<128x64xf32, #tpu.memory_space<vmem>>) offsets(%dma_start3A_301 : memref<128xi32, #tpu.memory_space<vmem>>) semaphore(%arg12 : memref<!tpu.dma_semaphore, #tpu.memory_space<semaphore_mem>>)
      } else {
      }
      %dma_wait3A_119 = arith.constant 0 : i32
      %dma_wait3A_120 = arith.constant 0 : i32
      %dma_wait3A_121 = arith.constant 0 : i32
      %dma_wait3A_122 = tpu.memref_slice %arg8[%dma_wait3A_119, %dma_wait3A_120, %dma_wait3A_121] : memref<2x384x64xf32, #tpu.memory_space<vmem>> -> memref<1x384x64xf32, #tpu.memory_space<vmem>>
      %dma_wait3A_123 = tpu.memref_squeeze %dma_wait3A_122 : memref<1x384x64xf32, #tpu.memory_space<vmem>> -> memref<384x64xf32, #tpu.memory_space<vmem>>
      %dma_wait3A_124 = arith.constant 0 : i32
      %dma_wait3A_125 = arith.constant 0 : i32
      %dma_wait3A_126 = tpu.memref_slice %arg4[%dma_wait3A_124, %dma_wait3A_125] : memref<10000x64xf32, #tpu.memory_space<hbm>> -> memref<384x64xf32, #tpu.memory_space<hbm>>
      %dma_wait3A_127 = arith.constant 0 : i32
      %dma_wait3A_128 = arith.constant 0 : i32
      %dma_wait3A_129 = tpu.memref_slice %arg8[%dma_wait3A_119, %dma_wait3A_127, %dma_wait3A_128] : memref<2x384x64xf32, #tpu.memory_space<vmem>> -> memref<1x384x64xf32, #tpu.memory_space<vmem>>
      %dma_wait3A_130 = tpu.memref_squeeze %dma_wait3A_129 : memref<1x384x64xf32, #tpu.memory_space<vmem>> -> memref<384x64xf32, #tpu.memory_space<vmem>>
      %dma_wait3A_131 = arith.constant 0 : i32
      %dma_wait3A_132 = arith.constant 0 : i32
      %dma_wait3A_133 = tpu.memref_slice %arg4[%dma_wait3A_131, %dma_wait3A_132] : memref<10000x64xf32, #tpu.memory_space<hbm>> -> memref<384x64xf32, #tpu.memory_space<hbm>>
      tpu.wait_dma2 semaphore(%arg11 : memref<!tpu.dma_semaphore, #tpu.memory_space<semaphore_mem>>) src(%dma_wait3A_133 : memref<384x64xf32, #tpu.memory_space<hbm>>) dst(%dma_wait3A_130 : memref<384x64xf32, #tpu.memory_space<vmem>>)
      %mul3A_134 = arith.constant 3 : i32
      %mul3A_135 = arith.muli %add3A_111, %mul3A_134 : i32
      %add3A_136 = arith.constant 0 : i32
      %add3A_137 = arith.addi %mul3A_135, %add3A_136 : i32
      %dma_start3A_138 = arith.constant 0 : i32
      %dma_start3A_139 = arith.constant 0 : i32
      %dma_start3A_140 = arith.constant 0 : i32
      %dma_start3A_141 = tpu.memref_slice %arg8[%dma_start3A_138, %dma_start3A_139, %dma_start3A_140] : memref<2x384x64xf32, #tpu.memory_space<vmem>> -> memref<1x128x64xf32, #tpu.memory_space<vmem>>
      %dma_start3A_142 = tpu.memref_squeeze %dma_start3A_141 : memref<1x128x64xf32, #tpu.memory_space<vmem>> -> memref<128x64xf32, #tpu.memory_space<vmem>>
      %dma_start3A_143 = arith.constant 0 : i32
      %dma_start3A_144 = tpu.memref_slice %arg7[%add3A_137, %dma_start3A_143] : memref<79x128xi32, #tpu.memory_space<vmem>> -> memref<1x128xi32, #tpu.memory_space<vmem>>
      %dma_start3A_145 = tpu.memref_squeeze %dma_start3A_144 : memref<1x128xi32, #tpu.memory_space<vmem>> -> memref<128xi32, #tpu.memory_space<vmem>>
      %dma_start3A_146 = arith.constant 0 : i32
      %dma_start3A_147 = arith.constant 0 : i32
      %dma_start3A_148 = tpu.memref_slice %arg10[%dma_start3A_146, %dma_start3A_147] : memref<10240x64xf32, #tpu.memory_space<vmem_shared>> -> memref<10240x64xf32, #tpu.memory_space<vmem_shared>>
      tpu.enqueue_indirect_dma source(%dma_start3A_142 : memref<128x64xf32, #tpu.memory_space<vmem>>) target(%dma_start3A_148 : memref<10240x64xf32, #tpu.memory_space<vmem_shared>>) offsets(%dma_start3A_145 : memref<128xi32, #tpu.memory_space<vmem>>) semaphore(%arg13 : memref<!tpu.dma_semaphore, #tpu.memory_space<semaphore_mem>>) {add = true}
      %mul3A_149 = arith.constant 3 : i32
      %mul3A_150 = arith.muli %add3A_111, %mul3A_149 : i32
      %add3A_151 = arith.constant 1 : i32
      %add3A_152 = arith.addi %mul3A_150, %add3A_151 : i32
      %dma_start3A_153 = arith.constant 0 : i32
      %dma_start3A_154 = arith.constant 128 : i32
      %dma_start3A_155 = arith.constant 0 : i32
      %dma_start3A_156 = tpu.memref_slice %arg8[%dma_start3A_153, %dma_start3A_154, %dma_start3A_155] : memref<2x384x64xf32, #tpu.memory_space<vmem>> -> memref<1x128x64xf32, #tpu.memory_space<vmem>>
      %dma_start3A_157 = tpu.memref_squeeze %dma_start3A_156 : memref<1x128x64xf32, #tpu.memory_space<vmem>> -> memref<128x64xf32, #tpu.memory_space<vmem>>
      %dma_start3A_158 = arith.constant 0 : i32
      %dma_start3A_159 = tpu.memref_slice %arg7[%add3A_152, %dma_start3A_158] : memref<79x128xi32, #tpu.memory_space<vmem>> -> memref<1x128xi32, #tpu.memory_space<vmem>>
      %dma_start3A_160 = tpu.memref_squeeze %dma_start3A_159 : memref<1x128xi32, #tpu.memory_space<vmem>> -> memref<128xi32, #tpu.memory_space<vmem>>
      %dma_start3A_161 = arith.constant 0 : i32
      %dma_start3A_162 = arith.constant 0 : i32
      %dma_start3A_163 = tpu.memref_slice %arg10[%dma_start3A_161, %dma_start3A_162] : memref<10240x64xf32, #tpu.memory_space<vmem_shared>> -> memref<10240x64xf32, #tpu.memory_space<vmem_shared>>
      tpu.enqueue_indirect_dma source(%dma_start3A_157 : memref<128x64xf32, #tpu.memory_space<vmem>>) target(%dma_start3A_163 : memref<10240x64xf32, #tpu.memory_space<vmem_shared>>) offsets(%dma_start3A_160 : memref<128xi32, #tpu.memory_space<vmem>>) semaphore(%arg13 : memref<!tpu.dma_semaphore, #tpu.memory_space<semaphore_mem>>) {add = true}
      %mul3A_164 = arith.constant 3 : i32
      %mul3A_165 = arith.muli %add3A_111, %mul3A_164 : i32
      %add3A_166 = arith.constant 2 : i32
      %add3A_167 = arith.addi %mul3A_165, %add3A_166 : i32
      %dma_start3A_168 = arith.constant 0 : i32
      %dma_start3A_169 = arith.constant 256 : i32
      %dma_start3A_170 = arith.constant 0 : i32
      %dma_start3A_171 = tpu.memref_slice %arg8[%dma_start3A_168, %dma_start3A_169, %dma_start3A_170] : memref<2x384x64xf32, #tpu.memory_space<vmem>> -> memref<1x128x64xf32, #tpu.memory_space<vmem>>
      %dma_start3A_172 = tpu.memref_squeeze %dma_start3A_171 : memref<1x128x64xf32, #tpu.memory_space<vmem>> -> memref<128x64xf32, #tpu.memory_space<vmem>>
      %dma_start3A_173 = arith.constant 0 : i32
      %dma_start3A_174 = tpu.memref_slice %arg7[%add3A_167, %dma_start3A_173] : memref<79x128xi32, #tpu.memory_space<vmem>> -> memref<1x128xi32, #tpu.memory_space<vmem>>
      %dma_start3A_175 = tpu.memref_squeeze %dma_start3A_174 : memref<1x128xi32, #tpu.memory_space<vmem>> -> memref<128xi32, #tpu.memory_space<vmem>>
      %dma_start3A_176 = arith.constant 0 : i32
      %dma_start3A_177 = arith.constant 0 : i32
      %dma_start3A_178 = tpu.memref_slice %arg10[%dma_start3A_176, %dma_start3A_177] : memref<10240x64xf32, #tpu.memory_space<vmem_shared>> -> memref<10240x64xf32, #tpu.memory_space<vmem_shared>>
      tpu.enqueue_indirect_dma source(%dma_start3A_172 : memref<128x64xf32, #tpu.memory_space<vmem>>) target(%dma_start3A_178 : memref<10240x64xf32, #tpu.memory_space<vmem_shared>>) offsets(%dma_start3A_175 : memref<128xi32, #tpu.memory_space<vmem>>) semaphore(%arg13 : memref<!tpu.dma_semaphore, #tpu.memory_space<semaphore_mem>>) {add = true}
      %mul3A_179 = arith.constant 2 : i32
      %mul3A_180 = arith.muli %mul3A_179, %scan3A_106 : i32
      %add3A_181 = arith.constant 1 : i32
      %add3A_182 = arith.addi %mul3A_180, %add3A_181 : i32
      %add3A_183 = arith.constant 1 : i32
      %add3A_184 = arith.addi %add3A_182, %add3A_183 : i32
      %lt3A_185 = arith.constant 26 : i32
      %lt3A_186 = arith.cmpi slt, %add3A_184, %lt3A_185 : i32
      %convert_element_type3A_187 = arith.extui %lt3A_186 : i1 to i32
      %cond3A_188 = arith.constant 0 : i32
      %cond3A_189 = arith.cmpi ne, %convert_element_type3A_187, %cond3A_188 : i32
      scf.if %cond3A_189 {
        %ge3A = arith.constant 1 : i32
        %ge3A_251 = arith.cmpi sge, %add3A_182, %ge3A : i32
        %convert_element_type3A_252 = arith.extui %ge3A_251 : i1 to i32
        %cond3A_253 = arith.constant 0 : i32
        %cond3A_254 = arith.cmpi ne, %convert_element_type3A_252, %cond3A_253 : i32
        scf.if %cond3A_254 {
          %dma_wait3A_305 = arith.constant 0 : i32
          %dma_wait3A_306 = arith.constant 0 : i32
          %dma_wait3A_307 = arith.constant 0 : i32
          %dma_wait3A_308 = tpu.memref_slice %arg8[%dma_wait3A_305, %dma_wait3A_306, %dma_wait3A_307] : memref<2x384x64xf32, #tpu.memory_space<vmem>> -> memref<1x384x64xf32, #tpu.memory_space<vmem>>
          %dma_wait3A_309 = tpu.memref_squeeze %dma_wait3A_308 : memref<1x384x64xf32, #tpu.memory_space<vmem>> -> memref<384x64xf32, #tpu.memory_space<vmem>>
          %dma_wait3A_310 = arith.constant 0 : i32
          %dma_wait3A_311 = arith.constant 0 : i32
          %dma_wait3A_312 = tpu.memref_slice %arg10[%dma_wait3A_310, %dma_wait3A_311] : memref<10240x64xf32, #tpu.memory_space<vmem_shared>> -> memref<384x64xf32, #tpu.memory_space<vmem_shared>>
          %dma_wait3A_313 = arith.constant 0 : i32
          %dma_wait3A_314 = arith.constant 0 : i32
          %dma_wait3A_315 = tpu.memref_slice %arg10[%dma_wait3A_313, %dma_wait3A_314] : memref<10240x64xf32, #tpu.memory_space<vmem_shared>> -> memref<384x64xf32, #tpu.memory_space<vmem_shared>>
          %dma_wait3A_316 = arith.constant 0 : i32
          %dma_wait3A_317 = arith.constant 0 : i32
          %dma_wait3A_318 = tpu.memref_slice %arg8[%dma_wait3A_305, %dma_wait3A_316, %dma_wait3A_317] : memref<2x384x64xf32, #tpu.memory_space<vmem>> -> memref<1x384x64xf32, #tpu.memory_space<vmem>>
          %dma_wait3A_319 = tpu.memref_squeeze %dma_wait3A_318 : memref<1x384x64xf32, #tpu.memory_space<vmem>> -> memref<384x64xf32, #tpu.memory_space<vmem>>
          tpu.wait_dma2 semaphore(%arg13 : memref<!tpu.dma_semaphore, #tpu.memory_space<semaphore_mem>>) src(%dma_wait3A_319 : memref<384x64xf32, #tpu.memory_space<vmem>>) dst(%dma_wait3A_315 : memref<384x64xf32, #tpu.memory_space<vmem_shared>>)
        } else {
        }
        %add3A_255 = arith.constant 1 : i32
        %add3A_256 = arith.addi %add3A_182, %add3A_255 : i32
        %mul3A_257 = arith.constant 3 : i32
        %mul3A_258 = arith.muli %add3A_256, %mul3A_257 : i32
        %add3A_259 = arith.constant 0 : i32
        %add3A_260 = arith.addi %mul3A_258, %add3A_259 : i32
        %mul3A_261 = arith.constant 128 : i32
        %mul3A_262 = arith.muli %add3A_260, %mul3A_261 : i32
        %multiple_of3A_263 = tpu.assume_multiple %mul3A_262, 128 : i32
        %dma_start3A_264 = arith.constant 0 : i32
        %dma_start3A_265 = arith.constant 0 : i32
        %dma_start3A_266 = arith.constant 0 : i32
        %dma_start3A_267 = tpu.memref_slice %arg8[%dma_start3A_264, %dma_start3A_265, %dma_start3A_266] : memref<2x384x64xf32, #tpu.memory_space<vmem>> -> memref<1x128x64xf32, #tpu.memory_space<vmem>>
        %dma_start3A_268 = tpu.memref_squeeze %dma_start3A_267 : memref<1x128x64xf32, #tpu.memory_space<vmem>> -> memref<128x64xf32, #tpu.memory_space<vmem>>
        %dma_start3A_269 = tpu.memref_slice %arg6[%multiple_of3A_263] : memref<9984xi32, #tpu.memory_space<vmem>> -> memref<128xi32, #tpu.memory_space<vmem>>
        %dma_start3A_270 = arith.constant 0 : i32
        %dma_start3A_271 = arith.constant 0 : i32
        %dma_start3A_272 = tpu.memref_slice %arg4[%dma_start3A_270, %dma_start3A_271] : memref<10000x64xf32, #tpu.memory_space<hbm>> -> memref<10000x64xf32, #tpu.memory_space<hbm>>
        tpu.enqueue_indirect_dma source(%dma_start3A_272 : memref<10000x64xf32, #tpu.memory_space<hbm>>) target(%dma_start3A_268 : memref<128x64xf32, #tpu.memory_space<vmem>>) offsets(%dma_start3A_269 : memref<128xi32, #tpu.memory_space<vmem>>) semaphore(%arg11 : memref<!tpu.dma_semaphore, #tpu.memory_space<semaphore_mem>>)
        %mul3A_273 = arith.constant 3 : i32
        %mul3A_274 = arith.muli %add3A_256, %mul3A_273 : i32
        %add3A_275 = arith.constant 1 : i32
        %add3A_276 = arith.addi %mul3A_274, %add3A_275 : i32
        %mul3A_277 = arith.constant 128 : i32
        %mul3A_278 = arith.muli %add3A_276, %mul3A_277 : i32
        %multiple_of3A_279 = tpu.assume_multiple %mul3A_278, 128 : i32
        %dma_start3A_280 = arith.constant 0 : i32
        %dma_start3A_281 = arith.constant 128 : i32
        %dma_start3A_282 = arith.constant 0 : i32
        %dma_start3A_283 = tpu.memref_slice %arg8[%dma_start3A_280, %dma_start3A_281, %dma_start3A_282] : memref<2x384x64xf32, #tpu.memory_space<vmem>> -> memref<1x128x64xf32, #tpu.memory_space<vmem>>
        %dma_start3A_284 = tpu.memref_squeeze %dma_start3A_283 : memref<1x128x64xf32, #tpu.memory_space<vmem>> -> memref<128x64xf32, #tpu.memory_space<vmem>>
        %dma_start3A_285 = tpu.memref_slice %arg6[%multiple_of3A_279] : memref<9984xi32, #tpu.memory_space<vmem>> -> memref<128xi32, #tpu.memory_space<vmem>>
        %dma_start3A_286 = arith.constant 0 : i32
        %dma_start3A_287 = arith.constant 0 : i32
        %dma_start3A_288 = tpu.memref_slice %arg4[%dma_start3A_286, %dma_start3A_287] : memref<10000x64xf32, #tpu.memory_space<hbm>> -> memref<10000x64xf32, #tpu.memory_space<hbm>>
        tpu.enqueue_indirect_dma source(%dma_start3A_288 : memref<10000x64xf32, #tpu.memory_space<hbm>>) target(%dma_start3A_284 : memref<128x64xf32, #tpu.memory_space<vmem>>) offsets(%dma_start3A_285 : memref<128xi32, #tpu.memory_space<vmem>>) semaphore(%arg11 : memref<!tpu.dma_semaphore, #tpu.memory_space<semaphore_mem>>)
        %mul3A_289 = arith.constant 3 : i32
        %mul3A_290 = arith.muli %add3A_256, %mul3A_289 : i32
        %add3A_291 = arith.constant 2 : i32
        %add3A_292 = arith.addi %mul3A_290, %add3A_291 : i32
        %mul3A_293 = arith.constant 128 : i32
        %mul3A_294 = arith.muli %add3A_292, %mul3A_293 : i32
        %multiple_of3A_295 = tpu.assume_multiple %mul3A_294, 128 : i32
        %dma_start3A_296 = arith.constant 0 : i32
        %dma_start3A_297 = arith.constant 256 : i32
        %dma_start3A_298 = arith.constant 0 : i32
        %dma_start3A_299 = tpu.memref_slice %arg8[%dma_start3A_296, %dma_start3A_297, %dma_start3A_298] : memref<2x384x64xf32, #tpu.memory_space<vmem>> -> memref<1x128x64xf32, #tpu.memory_space<vmem>>
        %dma_start3A_300 = tpu.memref_squeeze %dma_start3A_299 : memref<1x128x64xf32, #tpu.memory_space<vmem>> -> memref<128x64xf32, #tpu.memory_space<vmem>>
        %dma_start3A_301 = tpu.memref_slice %arg6[%multiple_of3A_295] : memref<9984xi32, #tpu.memory_space<vmem>> -> memref<128xi32, #tpu.memory_space<vmem>>
        %dma_start3A_302 = arith.constant 0 : i32
        %dma_start3A_303 = arith.constant 0 : i32
        %dma_start3A_304 = tpu.memref_slice %arg4[%dma_start3A_302, %dma_start3A_303] : memref<10000x64xf32, #tpu.memory_space<hbm>> -> memref<10000x64xf32, #tpu.memory_space<hbm>>
        tpu.enqueue_indirect_dma source(%dma_start3A_304 : memref<10000x64xf32, #tpu.memory_space<hbm>>) target(%dma_start3A_300 : memref<128x64xf32, #tpu.memory_space<vmem>>) offsets(%dma_start3A_301 : memref<128xi32, #tpu.memory_space<vmem>>) semaphore(%arg11 : memref<!tpu.dma_semaphore, #tpu.memory_space<semaphore_mem>>)
      } else {
      }
      %dma_wait3A_190 = arith.constant 1 : i32
      %dma_wait3A_191 = arith.constant 0 : i32
      %dma_wait3A_192 = arith.constant 0 : i32
      %dma_wait3A_193 = tpu.memref_slice %arg8[%dma_wait3A_190, %dma_wait3A_191, %dma_wait3A_192] : memref<2x384x64xf32, #tpu.memory_space<vmem>> -> memref<1x384x64xf32, #tpu.memory_space<vmem>>
      %dma_wait3A_194 = tpu.memref_squeeze %dma_wait3A_193 : memref<1x384x64xf32, #tpu.memory_space<vmem>> -> memref<384x64xf32, #tpu.memory_space<vmem>>
      %dma_wait3A_195 = arith.constant 0 : i32
      %dma_wait3A_196 = arith.constant 0 : i32
      %dma_wait3A_197 = tpu.memref_slice %arg4[%dma_wait3A_195, %dma_wait3A_196] : memref<10000x64xf32, #tpu.memory_space<hbm>> -> memref<384x64xf32, #tpu.memory_space<hbm>>
      %dma_wait3A_198 = arith.constant 0 : i32
      %dma_wait3A_199 = arith.constant 0 : i32
      %dma_wait3A_200 = tpu.memref_slice %arg8[%dma_wait3A_190, %dma_wait3A_198, %dma_wait3A_199] : memref<2x384x64xf32, #tpu.memory_space<vmem>> -> memref<1x384x64xf32, #tpu.memory_space<vmem>>
      %dma_wait3A_201 = tpu.memref_squeeze %dma_wait3A_200 : memref<1x384x64xf32, #tpu.memory_space<vmem>> -> memref<384x64xf32, #tpu.memory_space<vmem>>
      %dma_wait3A_202 = arith.constant 0 : i32
      %dma_wait3A_203 = arith.constant 0 : i32
      %dma_wait3A_204 = tpu.memref_slice %arg4[%dma_wait3A_202, %dma_wait3A_203] : memref<10000x64xf32, #tpu.memory_space<hbm>> -> memref<384x64xf32, #tpu.memory_space<hbm>>
      tpu.wait_dma2 semaphore(%arg12 : memref<!tpu.dma_semaphore, #tpu.memory_space<semaphore_mem>>) src(%dma_wait3A_204 : memref<384x64xf32, #tpu.memory_space<hbm>>) dst(%dma_wait3A_201 : memref<384x64xf32, #tpu.memory_space<vmem>>)
      %mul3A_205 = arith.constant 3 : i32
      %mul3A_206 = arith.muli %add3A_182, %mul3A_205 : i32
      %add3A_207 = arith.constant 0 : i32
      %add3A_208 = arith.addi %mul3A_206, %add3A_207 : i32
      %dma_start3A_209 = arith.constant 1 : i32
      %dma_start3A_210 = arith.constant 0 : i32
      %dma_start3A_211 = arith.constant 0 : i32
      %dma_start3A_212 = tpu.memref_slice %arg8[%dma_start3A_209, %dma_start3A_210, %dma_start3A_211] : memref<2x384x64xf32, #tpu.memory_space<vmem>> -> memref<1x128x64xf32, #tpu.memory_space<vmem>>
      %dma_start3A_213 = tpu.memref_squeeze %dma_start3A_212 : memref<1x128x64xf32, #tpu.memory_space<vmem>> -> memref<128x64xf32, #tpu.memory_space<vmem>>
      %dma_start3A_214 = arith.constant 0 : i32
      %dma_start3A_215 = tpu.memref_slice %arg7[%add3A_208, %dma_start3A_214] : memref<79x128xi32, #tpu.memory_space<vmem>> -> memref<1x128xi32, #tpu.memory_space<vmem>>
      %dma_start3A_216 = tpu.memref_squeeze %dma_start3A_215 : memref<1x128xi32, #tpu.memory_space<vmem>> -> memref<128xi32, #tpu.memory_space<vmem>>
      %dma_start3A_217 = arith.constant 0 : i32
      %dma_start3A_218 = arith.constant 0 : i32
      %dma_start3A_219 = tpu.memref_slice %arg10[%dma_start3A_217, %dma_start3A_218] : memref<10240x64xf32, #tpu.memory_space<vmem_shared>> -> memref<10240x64xf32, #tpu.memory_space<vmem_shared>>
      tpu.enqueue_indirect_dma source(%dma_start3A_213 : memref<128x64xf32, #tpu.memory_space<vmem>>) target(%dma_start3A_219 : memref<10240x64xf32, #tpu.memory_space<vmem_shared>>) offsets(%dma_start3A_216 : memref<128xi32, #tpu.memory_space<vmem>>) semaphore(%arg14 : memref<!tpu.dma_semaphore, #tpu.memory_space<semaphore_mem>>) {add = true}
      %mul3A_220 = arith.constant 3 : i32
      %mul3A_221 = arith.muli %add3A_182, %mul3A_220 : i32
      %add3A_222 = arith.constant 1 : i32
      %add3A_223 = arith.addi %mul3A_221, %add3A_222 : i32
      %dma_start3A_224 = arith.constant 1 : i32
      %dma_start3A_225 = arith.constant 128 : i32
      %dma_start3A_226 = arith.constant 0 : i32
      %dma_start3A_227 = tpu.memref_slice %arg8[%dma_start3A_224, %dma_start3A_225, %dma_start3A_226] : memref<2x384x64xf32, #tpu.memory_space<vmem>> -> memref<1x128x64xf32, #tpu.memory_space<vmem>>
      %dma_start3A_228 = tpu.memref_squeeze %dma_start3A_227 : memref<1x128x64xf32, #tpu.memory_space<vmem>> -> memref<128x64xf32, #tpu.memory_space<vmem>>
      %dma_start3A_229 = arith.constant 0 : i32
      %dma_start3A_230 = tpu.memref_slice %arg7[%add3A_223, %dma_start3A_229] : memref<79x128xi32, #tpu.memory_space<vmem>> -> memref<1x128xi32, #tpu.memory_space<vmem>>
      %dma_start3A_231 = tpu.memref_squeeze %dma_start3A_230 : memref<1x128xi32, #tpu.memory_space<vmem>> -> memref<128xi32, #tpu.memory_space<vmem>>
      %dma_start3A_232 = arith.constant 0 : i32
      %dma_start3A_233 = arith.constant 0 : i32
      %dma_start3A_234 = tpu.memref_slice %arg10[%dma_start3A_232, %dma_start3A_233] : memref<10240x64xf32, #tpu.memory_space<vmem_shared>> -> memref<10240x64xf32, #tpu.memory_space<vmem_shared>>
      tpu.enqueue_indirect_dma source(%dma_start3A_228 : memref<128x64xf32, #tpu.memory_space<vmem>>) target(%dma_start3A_234 : memref<10240x64xf32, #tpu.memory_space<vmem_shared>>) offsets(%dma_start3A_231 : memref<128xi32, #tpu.memory_space<vmem>>) semaphore(%arg14 : memref<!tpu.dma_semaphore, #tpu.memory_space<semaphore_mem>>) {add = true}
      %mul3A_235 = arith.constant 3 : i32
      %mul3A_236 = arith.muli %add3A_182, %mul3A_235 : i32
      %add3A_237 = arith.constant 2 : i32
      %add3A_238 = arith.addi %mul3A_236, %add3A_237 : i32
      %dma_start3A_239 = arith.constant 1 : i32
      %dma_start3A_240 = arith.constant 256 : i32
      %dma_start3A_241 = arith.constant 0 : i32
      %dma_start3A_242 = tpu.memref_slice %arg8[%dma_start3A_239, %dma_start3A_240, %dma_start3A_241] : memref<2x384x64xf32, #tpu.memory_space<vmem>> -> memref<1x128x64xf32, #tpu.memory_space<vmem>>
      %dma_start3A_243 = tpu.memref_squeeze %dma_start3A_242 : memref<1x128x64xf32, #tpu.memory_space<vmem>> -> memref<128x64xf32, #tpu.memory_space<vmem>>
      %dma_start3A_244 = arith.constant 0 : i32
      %dma_start3A_245 = tpu.memref_slice %arg7[%add3A_238, %dma_start3A_244] : memref<79x128xi32, #tpu.memory_space<vmem>> -> memref<1x128xi32, #tpu.memory_space<vmem>>
      %dma_start3A_246 = tpu.memref_squeeze %dma_start3A_245 : memref<1x128xi32, #tpu.memory_space<vmem>> -> memref<128xi32, #tpu.memory_space<vmem>>
      %dma_start3A_247 = arith.constant 0 : i32
      %dma_start3A_248 = arith.constant 0 : i32
      %dma_start3A_249 = tpu.memref_slice %arg10[%dma_start3A_247, %dma_start3A_248] : memref<10240x64xf32, #tpu.memory_space<vmem_shared>> -> memref<10240x64xf32, #tpu.memory_space<vmem_shared>>
      tpu.enqueue_indirect_dma source(%dma_start3A_243 : memref<128x64xf32, #tpu.memory_space<vmem>>) target(%dma_start3A_249 : memref<10240x64xf32, #tpu.memory_space<vmem_shared>>) offsets(%dma_start3A_246 : memref<128xi32, #tpu.memory_space<vmem>>) semaphore(%arg14 : memref<!tpu.dma_semaphore, #tpu.memory_space<semaphore_mem>>) {add = true}
      %scan3A_250 = arith.constant 0 : i32
      scf.yield %scan3A_250 : i32
    }
    %scan3A_69 = arith.constant 13 : i32
    %dma_wait3A = arith.constant 1 : i32
    %dma_wait3A_70 = arith.constant 0 : i32
    %dma_wait3A_71 = arith.constant 0 : i32
    %dma_wait3A_72 = tpu.memref_slice %arg8[%dma_wait3A, %dma_wait3A_70, %dma_wait3A_71] : memref<2x384x64xf32, #tpu.memory_space<vmem>> -> memref<1x384x64xf32, #tpu.memory_space<vmem>>
    %dma_wait3A_73 = tpu.memref_squeeze %dma_wait3A_72 : memref<1x384x64xf32, #tpu.memory_space<vmem>> -> memref<384x64xf32, #tpu.memory_space<vmem>>
    %dma_wait3A_74 = arith.constant 0 : i32
    %dma_wait3A_75 = arith.constant 0 : i32
    %dma_wait3A_76 = tpu.memref_slice %arg10[%dma_wait3A_74, %dma_wait3A_75] : memref<10240x64xf32, #tpu.memory_space<vmem_shared>> -> memref<384x64xf32, #tpu.memory_space<vmem_shared>>
    %dma_wait3A_77 = arith.constant 0 : i32
    %dma_wait3A_78 = arith.constant 0 : i32
    %dma_wait3A_79 = tpu.memref_slice %arg10[%dma_wait3A_77, %dma_wait3A_78] : memref<10240x64xf32, #tpu.memory_space<vmem_shared>> -> memref<384x64xf32, #tpu.memory_space<vmem_shared>>
    %dma_wait3A_80 = arith.constant 0 : i32
    %dma_wait3A_81 = arith.constant 0 : i32
    %dma_wait3A_82 = tpu.memref_slice %arg8[%dma_wait3A, %dma_wait3A_80, %dma_wait3A_81] : memref<2x384x64xf32, #tpu.memory_space<vmem>> -> memref<1x384x64xf32, #tpu.memory_space<vmem>>
    %dma_wait3A_83 = tpu.memref_squeeze %dma_wait3A_82 : memref<1x384x64xf32, #tpu.memory_space<vmem>> -> memref<384x64xf32, #tpu.memory_space<vmem>>
    tpu.wait_dma2 semaphore(%arg14 : memref<!tpu.dma_semaphore, #tpu.memory_space<semaphore_mem>>) src(%dma_wait3A_83 : memref<384x64xf32, #tpu.memory_space<vmem>>) dst(%dma_wait3A_79 : memref<384x64xf32, #tpu.memory_space<vmem_shared>>)
    %dma_wait3A_84 = arith.constant 0 : i32
    %dma_wait3A_85 = arith.constant 0 : i32
    %dma_wait3A_86 = arith.constant 0 : i32
    %dma_wait3A_87 = tpu.memref_slice %arg8[%dma_wait3A_84, %dma_wait3A_85, %dma_wait3A_86] : memref<2x384x64xf32, #tpu.memory_space<vmem>> -> memref<1x384x64xf32, #tpu.memory_space<vmem>>
    %dma_wait3A_88 = tpu.memref_squeeze %dma_wait3A_87 : memref<1x384x64xf32, #tpu.memory_space<vmem>> -> memref<384x64xf32, #tpu.memory_space<vmem>>
    %dma_wait3A_89 = arith.constant 0 : i32
    %dma_wait3A_90 = arith.constant 0 : i32
    %dma_wait3A_91 = tpu.memref_slice %arg10[%dma_wait3A_89, %dma_wait3A_90] : memref<10240x64xf32, #tpu.memory_space<vmem_shared>> -> memref<384x64xf32, #tpu.memory_space<vmem_shared>>
    %dma_wait3A_92 = arith.constant 0 : i32
    %dma_wait3A_93 = arith.constant 0 : i32
    %dma_wait3A_94 = tpu.memref_slice %arg10[%dma_wait3A_92, %dma_wait3A_93] : memref<10240x64xf32, #tpu.memory_space<vmem_shared>> -> memref<384x64xf32, #tpu.memory_space<vmem_shared>>
    %dma_wait3A_95 = arith.constant 0 : i32
    %dma_wait3A_96 = arith.constant 0 : i32
    %dma_wait3A_97 = tpu.memref_slice %arg8[%dma_wait3A_84, %dma_wait3A_95, %dma_wait3A_96] : memref<2x384x64xf32, #tpu.memory_space<vmem>> -> memref<1x384x64xf32, #tpu.memory_space<vmem>>
    %dma_wait3A_98 = tpu.memref_squeeze %dma_wait3A_97 : memref<1x384x64xf32, #tpu.memory_space<vmem>> -> memref<384x64xf32, #tpu.memory_space<vmem>>
    tpu.wait_dma2 semaphore(%arg13 : memref<!tpu.dma_semaphore, #tpu.memory_space<semaphore_mem>>) src(%dma_wait3A_98 : memref<384x64xf32, #tpu.memory_space<vmem>>) dst(%dma_wait3A_94 : memref<384x64xf32, #tpu.memory_space<vmem_shared>>)
    %lt3A = arith.constant 4 : i32
    %lt3A_99 = arith.cmpi slt, %add3A_26, %lt3A : i32
    %convert_element_type3A = arith.extui %lt3A_99 : i1 to i32
    %cond3A = arith.constant 0 : i32
    %cond3A_100 = arith.cmpi ne, %convert_element_type3A, %cond3A : i32
    scf.if %cond3A_100 {
      %add3A_106 = arith.constant 2496 : i32
      %add3A_107 = arith.addi %add3A_106, %add3A_26 : i32
      "tpu.region"() ({
        %run_scoped3A_137 = tpu.sem_alloc : memref<!tpu.dma_semaphore, #tpu.memory_space<semaphore_mem>>
        %dma_start3A_138 = arith.constant 78 : i32
        %dma_start3A_139 = arith.constant 0 : i32
        %dma_start3A_140 = tpu.memref_slice %arg7[%dma_start3A_138, %dma_start3A_139] : memref<79x128xi32, #tpu.memory_space<vmem>> -> memref<1x128xi32, #tpu.memory_space<vmem>>
        %dma_start3A_141 = arith.constant 0 : i32
        %dma_start3A_142 = tpu.memref_slice %arg3[%add3A_107, %dma_start3A_141] : memref<2500x128xi32, #tpu.memory_space<hbm>> -> memref<1x128xi32, #tpu.memory_space<hbm>>
        %dma_start3A_143 = arith.constant 78 : i32
        %dma_start3A_144 = arith.constant 0 : i32
        %dma_start3A_145 = tpu.memref_slice %arg7[%dma_start3A_143, %dma_start3A_144] : memref<79x128xi32, #tpu.memory_space<vmem>> -> memref<1x128xi32, #tpu.memory_space<vmem>>
        %dma_start3A_146 = arith.constant 0 : i32
        %dma_start3A_147 = tpu.memref_slice %arg3[%add3A_107, %dma_start3A_146] : memref<2500x128xi32, #tpu.memory_space<hbm>> -> memref<1x128xi32, #tpu.memory_space<hbm>>
        tpu.enqueue_dma source(%dma_start3A_147 : memref<1x128xi32, #tpu.memory_space<hbm>>) target(%dma_start3A_145 : memref<1x128xi32, #tpu.memory_space<vmem>>) target_semaphore(%run_scoped3A_137 : memref<!tpu.dma_semaphore, #tpu.memory_space<semaphore_mem>>)
        %dma_wait3A_148 = arith.constant 78 : i32
        %dma_wait3A_149 = arith.constant 0 : i32
        %dma_wait3A_150 = tpu.memref_slice %arg7[%dma_wait3A_148, %dma_wait3A_149] : memref<79x128xi32, #tpu.memory_space<vmem>> -> memref<1x128xi32, #tpu.memory_space<vmem>>
        %dma_wait3A_151 = arith.constant 0 : i32
        %dma_wait3A_152 = tpu.memref_slice %arg3[%add3A_107, %dma_wait3A_151] : memref<2500x128xi32, #tpu.memory_space<hbm>> -> memref<1x128xi32, #tpu.memory_space<hbm>>
        %dma_wait3A_153 = arith.constant 78 : i32
        %dma_wait3A_154 = arith.constant 0 : i32
        %dma_wait3A_155 = tpu.memref_slice %arg7[%dma_wait3A_153, %dma_wait3A_154] : memref<79x128xi32, #tpu.memory_space<vmem>> -> memref<1x128xi32, #tpu.memory_space<vmem>>
        %dma_wait3A_156 = arith.constant 0 : i32
        %dma_wait3A_157 = tpu.memref_slice %arg3[%add3A_107, %dma_wait3A_156] : memref<2500x128xi32, #tpu.memory_space<hbm>> -> memref<1x128xi32, #tpu.memory_space<hbm>>
        tpu.wait_dma2 semaphore(%run_scoped3A_137 : memref<!tpu.dma_semaphore, #tpu.memory_space<semaphore_mem>>) src(%dma_wait3A_157 : memref<1x128xi32, #tpu.memory_space<hbm>>) dst(%dma_wait3A_155 : memref<1x128xi32, #tpu.memory_space<vmem>>)
        tpu.yield
      }) : () -> ()
      %mul3A_108 = arith.constant 128 : i32
      %mul3A_109 = arith.muli %add3A_107, %mul3A_108 : i32
      %multiple_of3A_110 = tpu.assume_multiple %mul3A_109, 128 : i32
      "tpu.region"() ({
        %run_scoped3A_137 = tpu.sem_alloc : memref<!tpu.dma_semaphore, #tpu.memory_space<semaphore_mem>>
        %dma_start3A_138 = arith.constant 0 : i32
        %dma_start3A_139 = tpu.memref_slice %arg6[%dma_start3A_138] : memref<9984xi32, #tpu.memory_space<vmem>> -> memref<128xi32, #tpu.memory_space<vmem>>
        %dma_start3A_140 = tpu.memref_slice %arg2[%multiple_of3A_110] : memref<320000xi32, #tpu.memory_space<hbm>> -> memref<128xi32, #tpu.memory_space<hbm>>
        %dma_start3A_141 = arith.constant 0 : i32
        %dma_start3A_142 = tpu.memref_slice %arg6[%dma_start3A_141] : memref<9984xi32, #tpu.memory_space<vmem>> -> memref<128xi32, #tpu.memory_space<vmem>>
        %dma_start3A_143 = tpu.memref_slice %arg2[%multiple_of3A_110] : memref<320000xi32, #tpu.memory_space<hbm>> -> memref<128xi32, #tpu.memory_space<hbm>>
        tpu.enqueue_dma source(%dma_start3A_143 : memref<128xi32, #tpu.memory_space<hbm>>) target(%dma_start3A_142 : memref<128xi32, #tpu.memory_space<vmem>>) target_semaphore(%run_scoped3A_137 : memref<!tpu.dma_semaphore, #tpu.memory_space<semaphore_mem>>)
        %dma_wait3A_144 = arith.constant 0 : i32
        %dma_wait3A_145 = tpu.memref_slice %arg6[%dma_wait3A_144] : memref<9984xi32, #tpu.memory_space<vmem>> -> memref<128xi32, #tpu.memory_space<vmem>>
        %dma_wait3A_146 = tpu.memref_slice %arg2[%multiple_of3A_110] : memref<320000xi32, #tpu.memory_space<hbm>> -> memref<128xi32, #tpu.memory_space<hbm>>
        %dma_wait3A_147 = arith.constant 0 : i32
        %dma_wait3A_148 = tpu.memref_slice %arg6[%dma_wait3A_147] : memref<9984xi32, #tpu.memory_space<vmem>> -> memref<128xi32, #tpu.memory_space<vmem>>
        %dma_wait3A_149 = tpu.memref_slice %arg2[%multiple_of3A_110] : memref<320000xi32, #tpu.memory_space<hbm>> -> memref<128xi32, #tpu.memory_space<hbm>>
        tpu.wait_dma2 semaphore(%run_scoped3A_137 : memref<!tpu.dma_semaphore, #tpu.memory_space<semaphore_mem>>) src(%dma_wait3A_149 : memref<128xi32, #tpu.memory_space<hbm>>) dst(%dma_wait3A_148 : memref<128xi32, #tpu.memory_space<vmem>>)
        tpu.yield
      }) : () -> ()
      %dma_start3A_111 = arith.constant 0 : i32
      %dma_start3A_112 = arith.constant 0 : i32
      %dma_start3A_113 = arith.constant 0 : i32
      %dma_start3A_114 = tpu.memref_slice %arg8[%dma_start3A_111, %dma_start3A_112, %dma_start3A_113] : memref<2x384x64xf32, #tpu.memory_space<vmem>> -> memref<1x128x64xf32, #tpu.memory_space<vmem>>
      %dma_start3A_115 = tpu.memref_squeeze %dma_start3A_114 : memref<1x128x64xf32, #tpu.memory_space<vmem>> -> memref<128x64xf32, #tpu.memory_space<vmem>>
      %dma_start3A_116 = arith.constant 0 : i32
      %dma_start3A_117 = tpu.memref_slice %arg6[%dma_start3A_116] : memref<9984xi32, #tpu.memory_space<vmem>> -> memref<128xi32, #tpu.memory_space<vmem>>
      %dma_start3A_118 = arith.constant 0 : i32
      %dma_start3A_119 = arith.constant 0 : i32
      %dma_start3A_120 = tpu.memref_slice %arg4[%dma_start3A_118, %dma_start3A_119] : memref<10000x64xf32, #tpu.memory_space<hbm>> -> memref<10000x64xf32, #tpu.memory_space<hbm>>
      tpu.enqueue_indirect_dma source(%dma_start3A_120 : memref<10000x64xf32, #tpu.memory_space<hbm>>) target(%dma_start3A_115 : memref<128x64xf32, #tpu.memory_space<vmem>>) offsets(%dma_start3A_117 : memref<128xi32, #tpu.memory_space<vmem>>) semaphore(%arg11 : memref<!tpu.dma_semaphore, #tpu.memory_space<semaphore_mem>>)
      %dma_wait3A_121 = arith.constant 0 : i32
      %dma_wait3A_122 = arith.constant 0 : i32
      %dma_wait3A_123 = arith.constant 0 : i32
      %dma_wait3A_124 = tpu.memref_slice %arg8[%dma_wait3A_121, %dma_wait3A_122, %dma_wait3A_123] : memref<2x384x64xf32, #tpu.memory_space<vmem>> -> memref<1x128x64xf32, #tpu.memory_space<vmem>>
      %dma_wait3A_125 = tpu.memref_squeeze %dma_wait3A_124 : memref<1x128x64xf32, #tpu.memory_space<vmem>> -> memref<128x64xf32, #tpu.memory_space<vmem>>
      %dma_wait3A_126 = arith.constant 0 : i32
      %dma_wait3A_127 = arith.constant 0 : i32
      %dma_wait3A_128 = tpu.memref_slice %arg4[%dma_wait3A_126, %dma_wait3A_127] : memref<10000x64xf32, #tpu.memory_space<hbm>> -> memref<128x64xf32, #tpu.memory_space<hbm>>
      %dma_wait3A_129 = arith.constant 0 : i32
      %dma_wait3A_130 = arith.constant 0 : i32
      %dma_wait3A_131 = tpu.memref_slice %arg8[%dma_wait3A_121, %dma_wait3A_129, %dma_wait3A_130] : memref<2x384x64xf32, #tpu.memory_space<vmem>> -> memref<1x128x64xf32, #tpu.memory_space<vmem>>
      %dma_wait3A_132 = tpu.memref_squeeze %dma_wait3A_131 : memref<1x128x64xf32, #tpu.memory_space<vmem>> -> memref<128x64xf32, #tpu.memory_space<vmem>>
      %dma_wait3A_133 = arith.constant 0 : i32
      %dma_wait3A_134 = arith.constant 0 : i32
      %dma_wait3A_135 = tpu.memref_slice %arg4[%dma_wait3A_133, %dma_wait3A_134] : memref<10000x64xf32, #tpu.memory_space<hbm>> -> memref<128x64xf32, #tpu.memory_space<hbm>>
      tpu.wait_dma2 semaphore(%arg11 : memref<!tpu.dma_semaphore, #tpu.memory_space<semaphore_mem>>) src(%dma_wait3A_135 : memref<128x64xf32, #tpu.memory_space<hbm>>) dst(%dma_wait3A_132 : memref<128x64xf32, #tpu.memory_space<vmem>>)
      %run_scoped3A = arith.constant 0 : i32
      %run_scoped3A_136 = arith.constant 78 : i32
      "tpu.region"() ({
        %run_scoped3A_137 = tpu.sem_alloc : memref<!tpu.dma_semaphore, #tpu.memory_space<semaphore_mem>>
        %dma_start3A_138 = arith.constant 0 : i32
        %dma_start3A_139 = arith.constant 0 : i32
        %dma_start3A_140 = tpu.memref_slice %arg8[%run_scoped3A, %dma_start3A_138, %dma_start3A_139] : memref<2x384x64xf32, #tpu.memory_space<vmem>> -> memref<1x128x64xf32, #tpu.memory_space<vmem>>
        %dma_start3A_141 = tpu.memref_squeeze %dma_start3A_140 : memref<1x128x64xf32, #tpu.memory_space<vmem>> -> memref<128x64xf32, #tpu.memory_space<vmem>>
        %dma_start3A_142 = arith.constant 0 : i32
        %dma_start3A_143 = tpu.memref_slice %arg7[%run_scoped3A_136, %dma_start3A_142] : memref<79x128xi32, #tpu.memory_space<vmem>> -> memref<1x128xi32, #tpu.memory_space<vmem>>
        %dma_start3A_144 = tpu.memref_squeeze %dma_start3A_143 : memref<1x128xi32, #tpu.memory_space<vmem>> -> memref<128xi32, #tpu.memory_space<vmem>>
        %dma_start3A_145 = arith.constant 0 : i32
        %dma_start3A_146 = arith.constant 0 : i32
        %dma_start3A_147 = tpu.memref_slice %arg10[%dma_start3A_145, %dma_start3A_146] : memref<10240x64xf32, #tpu.memory_space<vmem_shared>> -> memref<10240x64xf32, #tpu.memory_space<vmem_shared>>
        tpu.enqueue_indirect_dma source(%dma_start3A_141 : memref<128x64xf32, #tpu.memory_space<vmem>>) target(%dma_start3A_147 : memref<10240x64xf32, #tpu.memory_space<vmem_shared>>) offsets(%dma_start3A_144 : memref<128xi32, #tpu.memory_space<vmem>>) semaphore(%run_scoped3A_137 : memref<!tpu.dma_semaphore, #tpu.memory_space<semaphore_mem>>) {add = true}
        %dma_wait3A_148 = arith.constant 0 : i32
        %dma_wait3A_149 = arith.constant 0 : i32
        %dma_wait3A_150 = tpu.memref_slice %arg8[%run_scoped3A, %dma_wait3A_148, %dma_wait3A_149] : memref<2x384x64xf32, #tpu.memory_space<vmem>> -> memref<1x128x64xf32, #tpu.memory_space<vmem>>
        %dma_wait3A_151 = tpu.memref_squeeze %dma_wait3A_150 : memref<1x128x64xf32, #tpu.memory_space<vmem>> -> memref<128x64xf32, #tpu.memory_space<vmem>>
        %dma_wait3A_152 = arith.constant 0 : i32
        %dma_wait3A_153 = tpu.memref_slice %arg7[%run_scoped3A_136, %dma_wait3A_152] : memref<79x128xi32, #tpu.memory_space<vmem>> -> memref<1x128xi32, #tpu.memory_space<vmem>>
        %dma_wait3A_154 = tpu.memref_squeeze %dma_wait3A_153 : memref<1x128xi32, #tpu.memory_space<vmem>> -> memref<128xi32, #tpu.memory_space<vmem>>
        %dma_wait3A_155 = arith.constant 0 : i32
        %dma_wait3A_156 = arith.constant 0 : i32
        %dma_wait3A_157 = tpu.memref_slice %arg10[%dma_wait3A_155, %dma_wait3A_156] : memref<10240x64xf32, #tpu.memory_space<vmem_shared>> -> memref<10240x64xf32, #tpu.memory_space<vmem_shared>>
        tpu.wait_indirect_dma semaphore(%run_scoped3A_137 : memref<!tpu.dma_semaphore, #tpu.memory_space<semaphore_mem>>) src(%dma_wait3A_151 : memref<128x64xf32, #tpu.memory_space<vmem>>) dst(%dma_wait3A_157 : memref<10240x64xf32, #tpu.memory_space<vmem_shared>>)
        tpu.yield
      }) : () -> ()
    } else {
    }
    %barrier3A_101 = arith.constant 0 : index
    tpu.barrier barrier_id(%barrier3A_101)
    %mul3A_102 = arith.constant 625 : i32
    %mul3A_103 = arith.muli %arg1, %mul3A_102 : i32
    %mul3A_104 = arith.constant 625 : i32
    %mul3A_105 = arith.muli %arg1, %mul3A_104 : i32
    "tpu.region"() ({
      %run_scoped3A = tpu.sem_alloc : memref<!tpu.dma_semaphore, #tpu.memory_space<semaphore_mem>>
      %dma_start3A_106 = arith.constant 0 : i32
      %dma_start3A_107 = tpu.memref_slice %arg5[%arg0, %mul3A_105, %dma_start3A_106] : memref<2x10000x64xf32, #tpu.memory_space<hbm>> -> memref<1x625x64xf32, #tpu.memory_space<hbm>>
      %dma_start3A_108 = tpu.memref_squeeze %dma_start3A_107 : memref<1x625x64xf32, #tpu.memory_space<hbm>> -> memref<625x64xf32, #tpu.memory_space<hbm>>
      %dma_start3A_109 = arith.constant 0 : i32
      %dma_start3A_110 = tpu.memref_slice %arg10[%mul3A_103, %dma_start3A_109] : memref<10240x64xf32, #tpu.memory_space<vmem_shared>> -> memref<625x64xf32, #tpu.memory_space<vmem_shared>>
      tpu.enqueue_dma source(%dma_start3A_110 : memref<625x64xf32, #tpu.memory_space<vmem_shared>>) target(%dma_start3A_108 : memref<625x64xf32, #tpu.memory_space<hbm>>) target_semaphore(%run_scoped3A : memref<!tpu.dma_semaphore, #tpu.memory_space<semaphore_mem>>)
      %dma_wait3A_111 = arith.constant 0 : i32
      %dma_wait3A_112 = tpu.memref_slice %arg5[%arg0, %mul3A_105, %dma_wait3A_111] : memref<2x10000x64xf32, #tpu.memory_space<hbm>> -> memref<1x625x64xf32, #tpu.memory_space<hbm>>
      %dma_wait3A_113 = tpu.memref_squeeze %dma_wait3A_112 : memref<1x625x64xf32, #tpu.memory_space<hbm>> -> memref<625x64xf32, #tpu.memory_space<hbm>>
      %dma_wait3A_114 = arith.constant 0 : i32
      %dma_wait3A_115 = tpu.memref_slice %arg10[%mul3A_103, %dma_wait3A_114] : memref<10240x64xf32, #tpu.memory_space<vmem_shared>> -> memref<625x64xf32, #tpu.memory_space<vmem_shared>>
      tpu.wait_dma2 semaphore(%run_scoped3A : memref<!tpu.dma_semaphore, #tpu.memory_space<semaphore_mem>>) src(%dma_wait3A_115 : memref<625x64xf32, #tpu.memory_space<vmem_shared>>) dst(%dma_wait3A_113 : memref<625x64xf32, #tpu.memory_space<hbm>>)
      tpu.yield
    }) : () -> ()
    return
  }
}

module attributes {stable_mosaic.version = 14 : i64} {
  func.func @_k0a_body(%arg0: i32, %arg1: memref<1000x128xf32, #tpu.memory_space<vmem>>, %arg2: memref<128x64xf32, #tpu.memory_space<vmem>>, %arg3: memref<1000x64xf32, #tpu.memory_space<vmem>>) attributes {dimension_semantics = [#tpu.dimension_semantics<arbitrary>], iteration_bounds = array<i64: 10>, scalar_prefetch = 0 : i64, scratch_operands = 0 : i64, tpu.core_type = #tpu.core_type<tc>, window_params = [{transform_indices = @transform_0, window_bounds = array<i64: 1000, 128>}, {pipeline_mode = #tpu.pipeline_mode<synchronous>, transform_indices = @transform_1, window_bounds = array<i64: 128, 64>}, {transform_indices = @transform_2, window_bounds = array<i64: 1000, 64>}]} {
    %get3A = arith.constant 0 : index
    %get3A_0 = arith.constant 0 : index
    %get3A_1 = vector.load %arg1[%get3A, %get3A_0] : memref<1000x128xf32, #tpu.memory_space<vmem>>, vector<1000x128xf32>
    %get3A_2 = arith.constant 0 : index
    %get3A_3 = arith.constant 0 : index
    %get3A_4 = vector.load %arg2[%get3A_2, %get3A_3] : memref<128x64xf32, #tpu.memory_space<vmem>>, vector<128x64xf32>
    %dot_general3A = arith.constant dense<0.000000e+00> : vector<1000x64xf32>
    %dot_general3A_5 = tpu.matmul %get3A_1, %get3A_4, %dot_general3A {dimension_numbers = #tpu.dot_dimension_numbers<[1], [0], [0], [1], [0, 0, 1, 1], [], []>, transpose_lhs_hint = false} : vector<1000x128xf32>, vector<128x64xf32>, vector<1000x64xf32> -> vector<1000x64xf32>
    %swap3A = arith.constant 0 : index
    %swap3A_6 = arith.constant 0 : index
    %swap3A_7 = vector.load %arg3[%swap3A, %swap3A_6] : memref<1000x64xf32, #tpu.memory_space<vmem>>, vector<1000x64xf32>
    tpu.vector_store %arg3[%swap3A, %swap3A_6], %dot_general3A_5 {strides = array<i32>} : memref<1000x64xf32, #tpu.memory_space<vmem>>, vector<1000x64xf32>,
    return
  }
  func.func @transform_0(%arg0: i32) -> (i32, i32) {
    %c0_i32 = arith.constant 0 : i32
    %c0_i32_0 = arith.constant 0 : i32
    return %arg0, %c0_i32 : i32, i32
  }
  func.func @transform_1(%arg0: i32) -> (i32, i32) {
    %c0_i32 = arith.constant 0 : i32
    %c0_i32_0 = arith.constant 0 : i32
    %c0_i32_1 = arith.constant 0 : i32
    return %c0_i32, %c0_i32_0 : i32, i32
  }
  func.func @transform_2(%arg0: i32) -> (i32, i32) {
    %c0_i32 = arith.constant 0 : i32
    %c0_i32_0 = arith.constant 0 : i32
    return %arg0, %c0_i32 : i32, i32
  }
}

module attributes {stable_mosaic.version = 14 : i64} {
  func.func @_k0b_body(%arg0: i32, %arg1: memref<1000x64xf32, #tpu.memory_space<vmem>>, %arg2: memref<2x1000x16xf32, #tpu.memory_space<vmem>>, %arg3: memref<1000x64xf32, #tpu.memory_space<vmem>>, %arg4: memref<1000x16xf32, #tpu.memory_space<vmem>>) attributes {dimension_semantics = [#tpu.dimension_semantics<arbitrary>], iteration_bounds = array<i64: 10>, scalar_prefetch = 0 : i64, scratch_operands = 0 : i64, tpu.core_type = #tpu.core_type<tc>, window_params = [{transform_indices = @transform_0, window_bounds = array<i64: 1000, 64>}, {transform_indices = @transform_1, window_bounds = array<i64: 2, 1000, 16>}, {transform_indices = @transform_2, window_bounds = array<i64: 1000, 64>}, {transform_indices = @transform_3, window_bounds = array<i64: 1000, 16>}]} {
    %get3A = arith.constant 0 : index
    %get3A_0 = arith.constant 0 : index
    %get3A_1 = arith.constant 0 : index
    %get3A_2 = vector.load %arg2[%get3A, %get3A_0, %get3A_1] : memref<2x1000x16xf32, #tpu.memory_space<vmem>>, vector<1x1000x16xf32>
    %get3A_3 = vector.shape_cast %get3A_2 : vector<1x1000x16xf32> to vector<1000x16xf32>
    %get3A_4 = arith.constant 1 : index
    %get3A_5 = arith.constant 0 : index
    %get3A_6 = arith.constant 0 : index
    %get3A_7 = vector.load %arg2[%get3A_4, %get3A_5, %get3A_6] : memref<2x1000x16xf32, #tpu.memory_space<vmem>>, vector<1x1000x16xf32>
    %get3A_8 = vector.shape_cast %get3A_7 : vector<1x1000x16xf32> to vector<1000x16xf32>
    %add3A = arith.addf %get3A_3, %get3A_8 : vector<1000x16xf32>
    %add3A_9 = arith.constant 1.000000e+00 : f32
    %add3A_10 = vector.broadcast %add3A_9 : f32 to vector<1000x16xf32>
    %add3A_11 = arith.addf %add3A, %add3A_10 : vector<1000x16xf32>
    %max3A = arith.constant 1.000000e+00 : f32
    %max3A_12 = vector.broadcast %max3A : f32 to vector<1000x16xf32>
    %max3A_13 = arith.maximumf %add3A_11, %max3A_12 : vector<1000x16xf32>
    %rsqrt3A = math.rsqrt %max3A_13 : vector<1000x16xf32>
    %swap3A = arith.constant 0 : index
    %swap3A_14 = arith.constant 0 : index
    %swap3A_15 = vector.load %arg4[%swap3A, %swap3A_14] : memref<1000x16xf32, #tpu.memory_space<vmem>>, vector<1000x16xf32>
    tpu.vector_store %arg4[%swap3A, %swap3A_14], %rsqrt3A {strides = array<i32>} : memref<1000x16xf32, #tpu.memory_space<vmem>>, vector<1000x16xf32>,
    %get3A_16 = arith.constant 0 : index
    %get3A_17 = arith.constant 0 : index
    %get3A_18 = vector.load %arg1[%get3A_16, %get3A_17] : memref<1000x64xf32, #tpu.memory_space<vmem>>, vector<1000x64xf32>
    %slice3A = vector.extract_strided_slice %rsqrt3A {offsets = [0, 0], sizes = [1000, 1], strides = [1, 1]} : vector<1000x16xf32> to vector<1000x1xf32>
    %mul3A = vector.broadcast %slice3A : vector<1000x1xf32> to vector<1000x64xf32>
    %mul3A_19 = arith.mulf %get3A_18, %mul3A : vector<1000x64xf32>
    %swap3A_20 = arith.constant 0 : index
    %swap3A_21 = arith.constant 0 : index
    %swap3A_22 = vector.load %arg3[%swap3A_20, %swap3A_21] : memref<1000x64xf32, #tpu.memory_space<vmem>>, vector<1000x64xf32>
    tpu.vector_store %arg3[%swap3A_20, %swap3A_21], %mul3A_19 {strides = array<i32>} : memref<1000x64xf32, #tpu.memory_space<vmem>>, vector<1000x64xf32>,
    return
  }
  func.func @transform_0(%arg0: i32) -> (i32, i32) {
    %c0_i32 = arith.constant 0 : i32
    %c0_i32_0 = arith.constant 0 : i32
    return %arg0, %c0_i32 : i32, i32
  }
  func.func @transform_1(%arg0: i32) -> (i32, i32, i32) {
    %c0_i32 = arith.constant 0 : i32
    %c0_i32_0 = arith.constant 0 : i32
    %c0_i32_1 = arith.constant 0 : i32
    return %c0_i32, %arg0, %c0_i32_0 : i32, i32, i32
  }
  func.func @transform_2(%arg0: i32) -> (i32, i32) {
    %c0_i32 = arith.constant 0 : i32
    %c0_i32_0 = arith.constant 0 : i32
    return %arg0, %c0_i32 : i32, i32
  }
  func.func @transform_3(%arg0: i32) -> (i32, i32) {
    %c0_i32 = arith.constant 0 : i32
    %c0_i32_0 = arith.constant 0 : i32
    return %arg0, %c0_i32 : i32, i32
  }
}

module attributes {stable_mosaic.version = 14 : i64} {
  func.func @_kmid_body(%arg0: i32, %arg1: memref<2x1000x64xf32, #tpu.memory_space<vmem>>, %arg2: memref<1000x64xf32, #tpu.memory_space<vmem>>, %arg3: memref<1000x16xf32, #tpu.memory_space<vmem>>, %arg4: memref<1x64xf32, #tpu.memory_space<vmem>>, %arg5: memref<64x64xf32, #tpu.memory_space<vmem>>, %arg6: memref<1000x64xf32, #tpu.memory_space<vmem>>) attributes {dimension_semantics = [#tpu.dimension_semantics<arbitrary>], iteration_bounds = array<i64: 10>, scalar_prefetch = 0 : i64, scratch_operands = 0 : i64, tpu.core_type = #tpu.core_type<tc>, window_params = [{transform_indices = @transform_0, window_bounds = array<i64: 2, 1000, 64>}, {transform_indices = @transform_1, window_bounds = array<i64: 1000, 64>}, {transform_indices = @transform_2, window_bounds = array<i64: 1000, 16>}, {pipeline_mode = #tpu.pipeline_mode<synchronous>, transform_indices = @transform_3, window_bounds = array<i64: 1, 64>}, {pipeline_mode = #tpu.pipeline_mode<synchronous>, transform_indices = @transform_4, window_bounds = array<i64: 64, 64>}, {transform_indices = @transform_5, window_bounds = array<i64: 1000, 64>}]} {
    %get3A = arith.constant 0 : index
    %get3A_0 = arith.constant 0 : index
    %get3A_1 = vector.load %arg3[%get3A, %get3A_0] : memref<1000x16xf32, #tpu.memory_space<vmem>>, vector<1000x1xf32>
    %get3A_2 = arith.constant 0 : index
    %get3A_3 = arith.constant 0 : index
    %get3A_4 = arith.constant 0 : index
    %get3A_5 = vector.load %arg1[%get3A_2, %get3A_3, %get3A_4] : memref<2x1000x64xf32, #tpu.memory_space<vmem>>, vector<1x1000x64xf32>
    %get3A_6 = vector.shape_cast %get3A_5 : vector<1x1000x64xf32> to vector<1000x64xf32>
    %get3A_7 = arith.constant 1 : index
    %get3A_8 = arith.constant 0 : index
    %get3A_9 = arith.constant 0 : index
    %get3A_10 = vector.load %arg1[%get3A_7, %get3A_8, %get3A_9] : memref<2x1000x64xf32, #tpu.memory_space<vmem>>, vector<1x1000x64xf32>
    %get3A_11 = vector.shape_cast %get3A_10 : vector<1x1000x64xf32> to vector<1000x64xf32>
    %add3A = arith.addf %get3A_6, %get3A_11 : vector<1000x64xf32>
    %get3A_12 = arith.constant 0 : index
    %get3A_13 = arith.constant 0 : index
    %get3A_14 = vector.load %arg2[%get3A_12, %get3A_13] : memref<1000x64xf32, #tpu.memory_space<vmem>>, vector<1000x64xf32>
    %add3A_15 = arith.addf %add3A, %get3A_14 : vector<1000x64xf32>
    %mul3A = vector.broadcast %get3A_1 : vector<1000x1xf32> to vector<1000x64xf32>
    %mul3A_16 = arith.mulf %mul3A, %add3A_15 : vector<1000x64xf32>
    %get3A_17 = arith.constant 0 : index
    %get3A_18 = arith.constant 0 : index
    %get3A_19 = vector.load %arg4[%get3A_17, %get3A_18] : memref<1x64xf32, #tpu.memory_space<vmem>>, vector<1x64xf32>
    %add3A_20 = vector.broadcast %get3A_19 : vector<1x64xf32> to vector<1000x64xf32>
    %add3A_21 = arith.addf %mul3A_16, %add3A_20 : vector<1000x64xf32>
    %max3A = arith.constant 0.000000e+00 : f32
    %max3A_22 = vector.broadcast %max3A : f32 to vector<1000x64xf32>
    %max3A_23 = arith.maximumf %add3A_21, %max3A_22 : vector<1000x64xf32>
    %get3A_24 = arith.constant 0 : index
    %get3A_25 = arith.constant 0 : index
    %get3A_26 = vector.load %arg5[%get3A_24, %get3A_25] : memref<64x64xf32, #tpu.memory_space<vmem>>, vector<64x64xf32>
    %dot_general3A = arith.constant dense<0.000000e+00> : vector<1000x64xf32>
    %dot_general3A_27 = tpu.matmul %max3A_23, %get3A_26, %dot_general3A {dimension_numbers = #tpu.dot_dimension_numbers<[1], [0], [0], [1], [0, 0, 1, 1], [], []>, transpose_lhs_hint = false} : vector<1000x64xf32>, vector<64x64xf32>, vector<1000x64xf32> -> vector<1000x64xf32>
    %mul3A_28 = vector.broadcast %get3A_1 : vector<1000x1xf32> to vector<1000x64xf32>
    %mul3A_29 = arith.mulf %dot_general3A_27, %mul3A_28 : vector<1000x64xf32>
    %swap3A = arith.constant 0 : index
    %swap3A_30 = arith.constant 0 : index
    %swap3A_31 = vector.load %arg6[%swap3A, %swap3A_30] : memref<1000x64xf32, #tpu.memory_space<vmem>>, vector<1000x64xf32>
    tpu.vector_store %arg6[%swap3A, %swap3A_30], %mul3A_29 {strides = array<i32>} : memref<1000x64xf32, #tpu.memory_space<vmem>>, vector<1000x64xf32>,
    return
  }
  func.func @transform_0(%arg0: i32) -> (i32, i32, i32) {
    %c0_i32 = arith.constant 0 : i32
    %c0_i32_0 = arith.constant 0 : i32
    %c0_i32_1 = arith.constant 0 : i32
    return %c0_i32, %arg0, %c0_i32_0 : i32, i32, i32
  }
  func.func @transform_1(%arg0: i32) -> (i32, i32) {
    %c0_i32 = arith.constant 0 : i32
    %c0_i32_0 = arith.constant 0 : i32
    return %arg0, %c0_i32 : i32, i32
  }
  func.func @transform_2(%arg0: i32) -> (i32, i32) {
    %c0_i32 = arith.constant 0 : i32
    %c0_i32_0 = arith.constant 0 : i32
    return %arg0, %c0_i32 : i32, i32
  }
  func.func @transform_3(%arg0: i32) -> (i32, i32) {
    %c0_i32 = arith.constant 0 : i32
    %c0_i32_0 = arith.constant 0 : i32
    %c0_i32_1 = arith.constant 0 : i32
    return %c0_i32, %c0_i32_0 : i32, i32
  }
  func.func @transform_4(%arg0: i32) -> (i32, i32) {
    %c0_i32 = arith.constant 0 : i32
    %c0_i32_0 = arith.constant 0 : i32
    %c0_i32_1 = arith.constant 0 : i32
    return %c0_i32, %c0_i32_0 : i32, i32
  }
  func.func @transform_5(%arg0: i32) -> (i32, i32) {
    %c0_i32 = arith.constant 0 : i32
    %c0_i32_0 = arith.constant 0 : i32
    return %arg0, %c0_i32 : i32, i32
  }
}

module attributes {stable_mosaic.version = 14 : i64} {
  func.func @_kpool_body(%arg0: i32, %arg1: memref<257xi32, #tpu.memory_space<smem>>, %arg2: memref<10000x64xf32, #tpu.memory_space<vmem>>, %arg3: memref<8x128xf32, #tpu.memory_space<vmem>>) attributes {dimension_semantics = [#tpu.dimension_semantics<arbitrary>], iteration_bounds = array<i64: 32>, scalar_prefetch = 0 : i64, scratch_operands = 0 : i64, tpu.core_type = #tpu.core_type<tc>, window_params = [{transform_indices = @transform_0, window_bounds = array<i64: 257>}, {pipeline_mode = #tpu.pipeline_mode<synchronous>, transform_indices = @transform_1, window_bounds = array<i64: 10000, 64>}, {transform_indices = @transform_2, window_bounds = array<i64: 8, 128>}]} {
    %mul3A = arith.constant 8 : i32
    %mul3A_0 = arith.muli %arg0, %mul3A : i32
    %add3A = arith.constant 0 : i32
    %add3A_1 = arith.addi %mul3A_0, %add3A : i32
    %get3A = arith.index_cast %add3A_1 : i32 to index
    %get3A_2 = memref.load %arg1[%get3A] : memref<257xi32, #tpu.memory_space<smem>>
    %add3A_3 = arith.constant 1 : i32
    %add3A_4 = arith.addi %add3A_1, %add3A_3 : i32
    %get3A_5 = arith.index_cast %add3A_4 : i32 to index
    %get3A_6 = memref.load %arg1[%get3A_5] : memref<257xi32, #tpu.memory_space<smem>>
    %jit3A = arith.constant 8 : i32
    %div3A = arith.divsi %get3A_2, %jit3A : i32
    %sign3A = arith.constant 0 : i32
    %sign3A_7 = arith.cmpi sgt, %get3A_2, %sign3A : i32
    %sign3A_8 = arith.extui %sign3A_7 : i1 to i32
    %sign3A_9 = arith.constant 0 : i32
    %sign3A_10 = arith.cmpi slt, %get3A_2, %sign3A_9 : i32
    %sign3A_11 = arith.extui %sign3A_10 : i1 to i32
    %sign3A_12 = arith.subi %sign3A_8, %sign3A_11 : i32
    %sign3A_13 = arith.constant 0 : i32
    %sign3A_14 = arith.cmpi sgt, %jit3A, %sign3A_13 : i32
    %sign3A_15 = arith.extui %sign3A_14 : i1 to i32
    %sign3A_16 = arith.constant 0 : i32
    %sign3A_17 = arith.cmpi slt, %jit3A, %sign3A_16 : i32
    %sign3A_18 = arith.extui %sign3A_17 : i1 to i32
    %sign3A_19 = arith.subi %sign3A_15, %sign3A_18 : i32
    %ne3A = arith.cmpi ne, %sign3A_12, %sign3A_19 : i32
    %rem3A = arith.remsi %get3A_2, %jit3A : i32
    %ne3A_20 = arith.constant 0 : i32
    %ne3A_21 = arith.cmpi ne, %rem3A, %ne3A_20 : i32
    %and3A = arith.andi %ne3A, %ne3A_21 : i1
    %sub3A = arith.constant 1 : i32
    %sub3A_22 = arith.subi %div3A, %sub3A : i32
    %select_n3A = arith.select %and3A, %sub3A_22, %div3A : i32
    %mul3A_23 = arith.constant 8 : i32
    %mul3A_24 = arith.muli %select_n3A, %mul3A_23 : i32
    %sub3A_25 = arith.subi %get3A_6, %mul3A_24 : i32
    %add3A_26 = arith.constant 7 : i32
    %add3A_27 = arith.addi %sub3A_25, %add3A_26 : i32
    %jit3A_28 = arith.constant 8 : i32
    %div3A_29 = arith.divsi %add3A_27, %jit3A_28 : i32
    %sign3A_30 = arith.constant 0 : i32
    %sign3A_31 = arith.cmpi sgt, %add3A_27, %sign3A_30 : i32
    %sign3A_32 = arith.extui %sign3A_31 : i1 to i32
    %sign3A_33 = arith.constant 0 : i32
    %sign3A_34 = arith.cmpi slt, %add3A_27, %sign3A_33 : i32
    %sign3A_35 = arith.extui %sign3A_34 : i1 to i32
    %sign3A_36 = arith.subi %sign3A_32, %sign3A_35 : i32
    %sign3A_37 = arith.constant 0 : i32
    %sign3A_38 = arith.cmpi sgt, %jit3A_28, %sign3A_37 : i32
    %sign3A_39 = arith.extui %sign3A_38 : i1 to i32
    %sign3A_40 = arith.constant 0 : i32
    %sign3A_41 = arith.cmpi slt, %jit3A_28, %sign3A_40 : i32
    %sign3A_42 = arith.extui %sign3A_41 : i1 to i32
    %sign3A_43 = arith.subi %sign3A_39, %sign3A_42 : i32
    %ne3A_44 = arith.cmpi ne, %sign3A_36, %sign3A_43 : i32
    %rem3A_45 = arith.remsi %add3A_27, %jit3A_28 : i32
    %ne3A_46 = arith.constant 0 : i32
    %ne3A_47 = arith.cmpi ne, %rem3A_45, %ne3A_46 : i32
    %and3A_48 = arith.andi %ne3A_44, %ne3A_47 : i1
    %sub3A_49 = arith.constant 1 : i32
    %sub3A_50 = arith.subi %div3A_29, %sub3A_49 : i32
    %select_n3A_51 = arith.select %and3A_48, %sub3A_50, %div3A_29 : i32
    %broadcast_in_dim3A = arith.constant 0.000000e+00 : f32
    %broadcast_in_dim3A_52 = vector.broadcast %broadcast_in_dim3A : f32 to vector<8x64xf32>
    %broadcast_in_dim3A_53 = arith.constant 0xFF800000 : f32
    %broadcast_in_dim3A_54 = vector.broadcast %broadcast_in_dim3A_53 : f32 to vector<8x64xf32>
    %while3A = arith.constant 0 : i32
    %while3A_55 = arith.subi %select_n3A_51, %while3A : i32
    %while3A_56 = arith.addi %while3A, %while3A_55 : i32
    %while3A_57 = arith.constant 1 : i32
    %while3A_58 = arith.divsi %while3A_55, %while3A_57 : i32
    %while3A_59 = arith.muli %while3A_58, %while3A_57 : i32
    %while3A_60 = arith.addi %while3A, %while3A_59 : i32
    %while3A_61 = arith.constant 1 : i32
    %while3A_62:2 = scf.for %while3A_750 = %while3A to %while3A_60 step %while3A_61 iter_args(%while3A_751 = %broadcast_in_dim3A_52, %while3A_752 = %broadcast_in_dim3A_54) -> (vector<8x64xf32>, vector<8x64xf32>)  : i32 {
      %mul3A_753 = arith.constant 8 : i32
      %mul3A_754 = arith.muli %while3A_750, %mul3A_753 : i32
      %add3A_755 = arith.addi %mul3A_24, %mul3A_754 : i32
      %multiple_of3A = tpu.assume_multiple %add3A_755, 8 : i32
      %get3A_756 = arith.index_cast %multiple_of3A : i32 to index
      %get3A_757 = arith.constant 0 : index
      %get3A_758 = vector.load %arg2[%get3A_756, %get3A_757] : memref<10000x64xf32, #tpu.memory_space<vmem>>, vector<8x64xf32>
      %iota3A = tpu.iota {dimensions = array<i32: 0>} : vector<8x1xi32>
      %add3A_759 = vector.broadcast %add3A_755 : i32 to vector<8x1xi32>
      %add3A_760 = arith.addi %add3A_759, %iota3A : vector<8x1xi32>
      %ge3A = vector.broadcast %get3A_2 : i32 to vector<8x1xi32>
      %ge3A_761 = arith.cmpi sge, %add3A_760, %ge3A : vector<8x1xi32>
      %lt3A = vector.broadcast %get3A_6 : i32 to vector<8x1xi32>
      %lt3A_762 = arith.cmpi slt, %add3A_760, %lt3A : vector<8x1xi32>
      %and3A_763 = arith.andi %ge3A_761, %lt3A_762 : vector<8x1xi1>
      %jit3A_764 = arith.constant 0.000000e+00 : f32
      %broadcast_in_dim3A_765 = vector.shape_cast %and3A_763 : vector<8x1xi1> to vector<8x1xi1>
      %broadcast_in_dim3A_766 = vector.broadcast %broadcast_in_dim3A_765 : vector<8x1xi1> to vector<8x64xi1>
      %broadcast_in_dim3A_767 = vector.broadcast %jit3A_764 : f32 to vector<8x64xf32>
      %select_n3A_768 = arith.select %broadcast_in_dim3A_766, %get3A_758, %broadcast_in_dim3A_767 : vector<8x64xi1>, vector<8x64xf32>
      %add3A_769 = arith.addf %while3A_751, %select_n3A_768 : vector<8x64xf32>
      %jit3A_770 = arith.constant 0xFF800000 : f32
      %broadcast_in_dim3A_771 = vector.shape_cast %and3A_763 : vector<8x1xi1> to vector<8x1xi1>
      %broadcast_in_dim3A_772 = vector.broadcast %broadcast_in_dim3A_771 : vector<8x1xi1> to vector<8x64xi1>
      %broadcast_in_dim3A_773 = vector.broadcast %jit3A_770 : f32 to vector<8x64xf32>
      %select_n3A_774 = arith.select %broadcast_in_dim3A_772, %get3A_758, %broadcast_in_dim3A_773 : vector<8x64xi1>, vector<8x64xf32>
      %max3A_775 = arith.maximumf %while3A_752, %select_n3A_774 : vector<8x64xf32>
      scf.yield %add3A_769, %max3A_775 : vector<8x64xf32>, vector<8x64xf32>
    }
    %while3A_63 = arith.constant 1 : i32
    %while3A_64:2 = scf.for %while3A_750 = %while3A_60 to %while3A_56 step %while3A_63 iter_args(%while3A_751 = %while3A_62#0, %while3A_752 = %while3A_62#1) -> (vector<8x64xf32>, vector<8x64xf32>)  : i32 {
      %mul3A_753 = arith.constant 8 : i32
      %mul3A_754 = arith.muli %while3A_750, %mul3A_753 : i32
      %add3A_755 = arith.addi %mul3A_24, %mul3A_754 : i32
      %multiple_of3A = tpu.assume_multiple %add3A_755, 8 : i32
      %get3A_756 = arith.index_cast %multiple_of3A : i32 to index
      %get3A_757 = arith.constant 0 : index
      %get3A_758 = vector.load %arg2[%get3A_756, %get3A_757] : memref<10000x64xf32, #tpu.memory_space<vmem>>, vector<8x64xf32>
      %iota3A = tpu.iota {dimensions = array<i32: 0>} : vector<8x1xi32>
      %add3A_759 = vector.broadcast %add3A_755 : i32 to vector<8x1xi32>
      %add3A_760 = arith.addi %add3A_759, %iota3A : vector<8x1xi32>
      %ge3A = vector.broadcast %get3A_2 : i32 to vector<8x1xi32>
      %ge3A_761 = arith.cmpi sge, %add3A_760, %ge3A : vector<8x1xi32>
      %lt3A = vector.broadcast %get3A_6 : i32 to vector<8x1xi32>
      %lt3A_762 = arith.cmpi slt, %add3A_760, %lt3A : vector<8x1xi32>
      %and3A_763 = arith.andi %ge3A_761, %lt3A_762 : vector<8x1xi1>
      %jit3A_764 = arith.constant 0.000000e+00 : f32
      %broadcast_in_dim3A_765 = vector.shape_cast %and3A_763 : vector<8x1xi1> to vector<8x1xi1>
      %broadcast_in_dim3A_766 = vector.broadcast %broadcast_in_dim3A_765 : vector<8x1xi1> to vector<8x64xi1>
      %broadcast_in_dim3A_767 = vector.broadcast %jit3A_764 : f32 to vector<8x64xf32>
      %select_n3A_768 = arith.select %broadcast_in_dim3A_766, %get3A_758, %broadcast_in_dim3A_767 : vector<8x64xi1>, vector<8x64xf32>
      %add3A_769 = arith.addf %while3A_751, %select_n3A_768 : vector<8x64xf32>
      %jit3A_770 = arith.constant 0xFF800000 : f32
      %broadcast_in_dim3A_771 = vector.shape_cast %and3A_763 : vector<8x1xi1> to vector<8x1xi1>
      %broadcast_in_dim3A_772 = vector.broadcast %broadcast_in_dim3A_771 : vector<8x1xi1> to vector<8x64xi1>
      %broadcast_in_dim3A_773 = vector.broadcast %jit3A_770 : f32 to vector<8x64xf32>
      %select_n3A_774 = arith.select %broadcast_in_dim3A_772, %get3A_758, %broadcast_in_dim3A_773 : vector<8x64xi1>, vector<8x64xf32>
      %max3A_775 = arith.maximumf %while3A_752, %select_n3A_774 : vector<8x64xf32>
      scf.yield %add3A_769, %max3A_775 : vector<8x64xf32>, vector<8x64xf32>
    }
    %sub3A_65 = arith.subi %get3A_6, %get3A_2 : i32
    %convert_element_type3A = arith.sitofp %sub3A_65 : i32 to f32
    %max3A = arith.constant 1.000000e+00 : f32
    %max3A_66 = arith.maximumf %convert_element_type3A, %max3A : f32
    %reduce_sum3A = arith.constant dense<0.000000e+00> : vector<64xf32>
    %reduce_sum3A_67 = vector.multi_reduction <add>, %while3A_64#0, %reduce_sum3A [0] : vector<8x64xf32> to vector<64xf32>
    %broadcast_in_dim3A_68 = vector.shape_cast %reduce_sum3A_67 : vector<64xf32> to vector<1x64xf32>
    %div3A_69 = vector.broadcast %max3A_66 : f32 to vector<1x64xf32>
    %div3A_70 = arith.divf %broadcast_in_dim3A_68, %div3A_69 : vector<1x64xf32>
    %swap3A = arith.constant 0 : index
    %swap3A_71 = arith.constant 0 : index
    %swap3A_72 = vector.load %arg3[%swap3A, %swap3A_71] : memref<8x128xf32, #tpu.memory_space<vmem>>, vector<1x64xf32>
    tpu.vector_store %arg3[%swap3A, %swap3A_71], %div3A_70 {strides = array<i32>} : memref<8x128xf32, #tpu.memory_space<vmem>>, vector<1x64xf32>,
    %reduce_max3A = arith.constant dense<0xFF800000> : vector<64xf32>
    %reduce_max3A_73 = vector.multi_reduction <maximumf>, %while3A_64#1, %reduce_max3A [0] : vector<8x64xf32> to vector<64xf32>
    %broadcast_in_dim3A_74 = vector.shape_cast %reduce_max3A_73 : vector<64xf32> to vector<1x64xf32>
    %swap3A_75 = arith.constant 0 : index
    %swap3A_76 = arith.constant 64 : index
    %swap3A_77 = vector.load %arg3[%swap3A_75, %swap3A_76] : memref<8x128xf32, #tpu.memory_space<vmem>>, vector<1x64xf32>
    tpu.vector_store %arg3[%swap3A_75, %swap3A_76], %broadcast_in_dim3A_74 {strides = array<i32>} : memref<8x128xf32, #tpu.memory_space<vmem>>, vector<1x64xf32>,
    %mul3A_78 = arith.constant 8 : i32
    %mul3A_79 = arith.muli %arg0, %mul3A_78 : i32
    %add3A_80 = arith.constant 1 : i32
    %add3A_81 = arith.addi %mul3A_79, %add3A_80 : i32
    %get3A_82 = arith.index_cast %add3A_81 : i32 to index
    %get3A_83 = memref.load %arg1[%get3A_82] : memref<257xi32, #tpu.memory_space<smem>>
    %add3A_84 = arith.constant 1 : i32
    %add3A_85 = arith.addi %add3A_81, %add3A_84 : i32
    %get3A_86 = arith.index_cast %add3A_85 : i32 to index
    %get3A_87 = memref.load %arg1[%get3A_86] : memref<257xi32, #tpu.memory_space<smem>>
    %jit3A_88 = arith.constant 8 : i32
    %div3A_89 = arith.divsi %get3A_83, %jit3A_88 : i32
    %sign3A_90 = arith.constant 0 : i32
    %sign3A_91 = arith.cmpi sgt, %get3A_83, %sign3A_90 : i32
    %sign3A_92 = arith.extui %sign3A_91 : i1 to i32
    %sign3A_93 = arith.constant 0 : i32
    %sign3A_94 = arith.cmpi slt, %get3A_83, %sign3A_93 : i32
    %sign3A_95 = arith.extui %sign3A_94 : i1 to i32
    %sign3A_96 = arith.subi %sign3A_92, %sign3A_95 : i32
    %sign3A_97 = arith.constant 0 : i32
    %sign3A_98 = arith.cmpi sgt, %jit3A_88, %sign3A_97 : i32
    %sign3A_99 = arith.extui %sign3A_98 : i1 to i32
    %sign3A_100 = arith.constant 0 : i32
    %sign3A_101 = arith.cmpi slt, %jit3A_88, %sign3A_100 : i32
    %sign3A_102 = arith.extui %sign3A_101 : i1 to i32
    %sign3A_103 = arith.subi %sign3A_99, %sign3A_102 : i32
    %ne3A_104 = arith.cmpi ne, %sign3A_96, %sign3A_103 : i32
    %rem3A_105 = arith.remsi %get3A_83, %jit3A_88 : i32
    %ne3A_106 = arith.constant 0 : i32
    %ne3A_107 = arith.cmpi ne, %rem3A_105, %ne3A_106 : i32
    %and3A_108 = arith.andi %ne3A_104, %ne3A_107 : i1
    %sub3A_109 = arith.constant 1 : i32
    %sub3A_110 = arith.subi %div3A_89, %sub3A_109 : i32
    %select_n3A_111 = arith.select %and3A_108, %sub3A_110, %div3A_89 : i32
    %mul3A_112 = arith.constant 8 : i32
    %mul3A_113 = arith.muli %select_n3A_111, %mul3A_112 : i32
    %sub3A_114 = arith.subi %get3A_87, %mul3A_113 : i32
    %add3A_115 = arith.constant 7 : i32
    %add3A_116 = arith.addi %sub3A_114, %add3A_115 : i32
    %jit3A_117 = arith.constant 8 : i32
    %div3A_118 = arith.divsi %add3A_116, %jit3A_117 : i32
    %sign3A_119 = arith.constant 0 : i32
    %sign3A_120 = arith.cmpi sgt, %add3A_116, %sign3A_119 : i32
    %sign3A_121 = arith.extui %sign3A_120 : i1 to i32
    %sign3A_122 = arith.constant 0 : i32
    %sign3A_123 = arith.cmpi slt, %add3A_116, %sign3A_122 : i32
    %sign3A_124 = arith.extui %sign3A_123 : i1 to i32
    %sign3A_125 = arith.subi %sign3A_121, %sign3A_124 : i32
    %sign3A_126 = arith.constant 0 : i32
    %sign3A_127 = arith.cmpi sgt, %jit3A_117, %sign3A_126 : i32
    %sign3A_128 = arith.extui %sign3A_127 : i1 to i32
    %sign3A_129 = arith.constant 0 : i32
    %sign3A_130 = arith.cmpi slt, %jit3A_117, %sign3A_129 : i32
    %sign3A_131 = arith.extui %sign3A_130 : i1 to i32
    %sign3A_132 = arith.subi %sign3A_128, %sign3A_131 : i32
    %ne3A_133 = arith.cmpi ne, %sign3A_125, %sign3A_132 : i32
    %rem3A_134 = arith.remsi %add3A_116, %jit3A_117 : i32
    %ne3A_135 = arith.constant 0 : i32
    %ne3A_136 = arith.cmpi ne, %rem3A_134, %ne3A_135 : i32
    %and3A_137 = arith.andi %ne3A_133, %ne3A_136 : i1
    %sub3A_138 = arith.constant 1 : i32
    %sub3A_139 = arith.subi %div3A_118, %sub3A_138 : i32
    %select_n3A_140 = arith.select %and3A_137, %sub3A_139, %div3A_118 : i32
    %broadcast_in_dim3A_141 = arith.constant 0.000000e+00 : f32
    %broadcast_in_dim3A_142 = vector.broadcast %broadcast_in_dim3A_141 : f32 to vector<8x64xf32>
    %broadcast_in_dim3A_143 = arith.constant 0xFF800000 : f32
    %broadcast_in_dim3A_144 = vector.broadcast %broadcast_in_dim3A_143 : f32 to vector<8x64xf32>
    %while3A_145 = arith.constant 0 : i32
    %while3A_146 = arith.subi %select_n3A_140, %while3A_145 : i32
    %while3A_147 = arith.addi %while3A_145, %while3A_146 : i32
    %while3A_148 = arith.constant 1 : i32
    %while3A_149 = arith.divsi %while3A_146, %while3A_148 : i32
    %while3A_150 = arith.muli %while3A_149, %while3A_148 : i32
    %while3A_151 = arith.addi %while3A_145, %while3A_150 : i32
    %while3A_152 = arith.constant 1 : i32
    %while3A_153:2 = scf.for %while3A_750 = %while3A_145 to %while3A_151 step %while3A_152 iter_args(%while3A_751 = %broadcast_in_dim3A_142, %while3A_752 = %broadcast_in_dim3A_144) -> (vector<8x64xf32>, vector<8x64xf32>)  : i32 {
      %mul3A_753 = arith.constant 8 : i32
      %mul3A_754 = arith.muli %while3A_750, %mul3A_753 : i32
      %add3A_755 = arith.addi %mul3A_113, %mul3A_754 : i32
      %multiple_of3A = tpu.assume_multiple %add3A_755, 8 : i32
      %get3A_756 = arith.index_cast %multiple_of3A : i32 to index
      %get3A_757 = arith.constant 0 : index
      %get3A_758 = vector.load %arg2[%get3A_756, %get3A_757] : memref<10000x64xf32, #tpu.memory_space<vmem>>, vector<8x64xf32>
      %iota3A = tpu.iota {dimensions = array<i32: 0>} : vector<8x1xi32>
      %add3A_759 = vector.broadcast %add3A_755 : i32 to vector<8x1xi32>
      %add3A_760 = arith.addi %add3A_759, %iota3A : vector<8x1xi32>
      %ge3A = vector.broadcast %get3A_83 : i32 to vector<8x1xi32>
      %ge3A_761 = arith.cmpi sge, %add3A_760, %ge3A : vector<8x1xi32>
      %lt3A = vector.broadcast %get3A_87 : i32 to vector<8x1xi32>
      %lt3A_762 = arith.cmpi slt, %add3A_760, %lt3A : vector<8x1xi32>
      %and3A_763 = arith.andi %ge3A_761, %lt3A_762 : vector<8x1xi1>
      %jit3A_764 = arith.constant 0.000000e+00 : f32
      %broadcast_in_dim3A_765 = vector.shape_cast %and3A_763 : vector<8x1xi1> to vector<8x1xi1>
      %broadcast_in_dim3A_766 = vector.broadcast %broadcast_in_dim3A_765 : vector<8x1xi1> to vector<8x64xi1>
      %broadcast_in_dim3A_767 = vector.broadcast %jit3A_764 : f32 to vector<8x64xf32>
      %select_n3A_768 = arith.select %broadcast_in_dim3A_766, %get3A_758, %broadcast_in_dim3A_767 : vector<8x64xi1>, vector<8x64xf32>
      %add3A_769 = arith.addf %while3A_751, %select_n3A_768 : vector<8x64xf32>
      %jit3A_770 = arith.constant 0xFF800000 : f32
      %broadcast_in_dim3A_771 = vector.shape_cast %and3A_763 : vector<8x1xi1> to vector<8x1xi1>
      %broadcast_in_dim3A_772 = vector.broadcast %broadcast_in_dim3A_771 : vector<8x1xi1> to vector<8x64xi1>
      %broadcast_in_dim3A_773 = vector.broadcast %jit3A_770 : f32 to vector<8x64xf32>
      %select_n3A_774 = arith.select %broadcast_in_dim3A_772, %get3A_758, %broadcast_in_dim3A_773 : vector<8x64xi1>, vector<8x64xf32>
      %max3A_775 = arith.maximumf %while3A_752, %select_n3A_774 : vector<8x64xf32>
      scf.yield %add3A_769, %max3A_775 : vector<8x64xf32>, vector<8x64xf32>
    }
    %while3A_154 = arith.constant 1 : i32
    %while3A_155:2 = scf.for %while3A_750 = %while3A_151 to %while3A_147 step %while3A_154 iter_args(%while3A_751 = %while3A_153#0, %while3A_752 = %while3A_153#1) -> (vector<8x64xf32>, vector<8x64xf32>)  : i32 {
      %mul3A_753 = arith.constant 8 : i32
      %mul3A_754 = arith.muli %while3A_750, %mul3A_753 : i32
      %add3A_755 = arith.addi %mul3A_113, %mul3A_754 : i32
      %multiple_of3A = tpu.assume_multiple %add3A_755, 8 : i32
      %get3A_756 = arith.index_cast %multiple_of3A : i32 to index
      %get3A_757 = arith.constant 0 : index
      %get3A_758 = vector.load %arg2[%get3A_756, %get3A_757] : memref<10000x64xf32, #tpu.memory_space<vmem>>, vector<8x64xf32>
      %iota3A = tpu.iota {dimensions = array<i32: 0>} : vector<8x1xi32>
      %add3A_759 = vector.broadcast %add3A_755 : i32 to vector<8x1xi32>
      %add3A_760 = arith.addi %add3A_759, %iota3A : vector<8x1xi32>
      %ge3A = vector.broadcast %get3A_83 : i32 to vector<8x1xi32>
      %ge3A_761 = arith.cmpi sge, %add3A_760, %ge3A : vector<8x1xi32>
      %lt3A = vector.broadcast %get3A_87 : i32 to vector<8x1xi32>
      %lt3A_762 = arith.cmpi slt, %add3A_760, %lt3A : vector<8x1xi32>
      %and3A_763 = arith.andi %ge3A_761, %lt3A_762 : vector<8x1xi1>
      %jit3A_764 = arith.constant 0.000000e+00 : f32
      %broadcast_in_dim3A_765 = vector.shape_cast %and3A_763 : vector<8x1xi1> to vector<8x1xi1>
      %broadcast_in_dim3A_766 = vector.broadcast %broadcast_in_dim3A_765 : vector<8x1xi1> to vector<8x64xi1>
      %broadcast_in_dim3A_767 = vector.broadcast %jit3A_764 : f32 to vector<8x64xf32>
      %select_n3A_768 = arith.select %broadcast_in_dim3A_766, %get3A_758, %broadcast_in_dim3A_767 : vector<8x64xi1>, vector<8x64xf32>
      %add3A_769 = arith.addf %while3A_751, %select_n3A_768 : vector<8x64xf32>
      %jit3A_770 = arith.constant 0xFF800000 : f32
      %broadcast_in_dim3A_771 = vector.shape_cast %and3A_763 : vector<8x1xi1> to vector<8x1xi1>
      %broadcast_in_dim3A_772 = vector.broadcast %broadcast_in_dim3A_771 : vector<8x1xi1> to vector<8x64xi1>
      %broadcast_in_dim3A_773 = vector.broadcast %jit3A_770 : f32 to vector<8x64xf32>
      %select_n3A_774 = arith.select %broadcast_in_dim3A_772, %get3A_758, %broadcast_in_dim3A_773 : vector<8x64xi1>, vector<8x64xf32>
      %max3A_775 = arith.maximumf %while3A_752, %select_n3A_774 : vector<8x64xf32>
      scf.yield %add3A_769, %max3A_775 : vector<8x64xf32>, vector<8x64xf32>
    }
    %sub3A_156 = arith.subi %get3A_87, %get3A_83 : i32
    %convert_element_type3A_157 = arith.sitofp %sub3A_156 : i32 to f32
    %max3A_158 = arith.constant 1.000000e+00 : f32
    %max3A_159 = arith.maximumf %convert_element_type3A_157, %max3A_158 : f32
    %reduce_sum3A_160 = arith.constant dense<0.000000e+00> : vector<64xf32>
    %reduce_sum3A_161 = vector.multi_reduction <add>, %while3A_155#0, %reduce_sum3A_160 [0] : vector<8x64xf32> to vector<64xf32>
    %broadcast_in_dim3A_162 = vector.shape_cast %reduce_sum3A_161 : vector<64xf32> to vector<1x64xf32>
    %div3A_163 = vector.broadcast %max3A_159 : f32 to vector<1x64xf32>
    %div3A_164 = arith.divf %broadcast_in_dim3A_162, %div3A_163 : vector<1x64xf32>
    %swap3A_165 = arith.constant 1 : index
    %swap3A_166 = arith.constant 0 : index
    %swap3A_167 = vector.load %arg3[%swap3A_165, %swap3A_166] : memref<8x128xf32, #tpu.memory_space<vmem>>, vector<1x64xf32>
    tpu.vector_store %arg3[%swap3A_165, %swap3A_166], %div3A_164 {strides = array<i32>} : memref<8x128xf32, #tpu.memory_space<vmem>>, vector<1x64xf32>,
    %reduce_max3A_168 = arith.constant dense<0xFF800000> : vector<64xf32>
    %reduce_max3A_169 = vector.multi_reduction <maximumf>, %while3A_155#1, %reduce_max3A_168 [0] : vector<8x64xf32> to vector<64xf32>
    %broadcast_in_dim3A_170 = vector.shape_cast %reduce_max3A_169 : vector<64xf32> to vector<1x64xf32>
    %swap3A_171 = arith.constant 1 : index
    %swap3A_172 = arith.constant 64 : index
    %swap3A_173 = vector.load %arg3[%swap3A_171, %swap3A_172] : memref<8x128xf32, #tpu.memory_space<vmem>>, vector<1x64xf32>
    tpu.vector_store %arg3[%swap3A_171, %swap3A_172], %broadcast_in_dim3A_170 {strides = array<i32>} : memref<8x128xf32, #tpu.memory_space<vmem>>, vector<1x64xf32>,
    %mul3A_174 = arith.constant 8 : i32
    %mul3A_175 = arith.muli %arg0, %mul3A_174 : i32
    %add3A_176 = arith.constant 2 : i32
    %add3A_177 = arith.addi %mul3A_175, %add3A_176 : i32
    %get3A_178 = arith.index_cast %add3A_177 : i32 to index
    %get3A_179 = memref.load %arg1[%get3A_178] : memref<257xi32, #tpu.memory_space<smem>>
    %add3A_180 = arith.constant 1 : i32
    %add3A_181 = arith.addi %add3A_177, %add3A_180 : i32
    %get3A_182 = arith.index_cast %add3A_181 : i32 to index
    %get3A_183 = memref.load %arg1[%get3A_182] : memref<257xi32, #tpu.memory_space<smem>>
    %jit3A_184 = arith.constant 8 : i32
    %div3A_185 = arith.divsi %get3A_179, %jit3A_184 : i32
    %sign3A_186 = arith.constant 0 : i32
    %sign3A_187 = arith.cmpi sgt, %get3A_179, %sign3A_186 : i32
    %sign3A_188 = arith.extui %sign3A_187 : i1 to i32
    %sign3A_189 = arith.constant 0 : i32
    %sign3A_190 = arith.cmpi slt, %get3A_179, %sign3A_189 : i32
    %sign3A_191 = arith.extui %sign3A_190 : i1 to i32
    %sign3A_192 = arith.subi %sign3A_188, %sign3A_191 : i32
    %sign3A_193 = arith.constant 0 : i32
    %sign3A_194 = arith.cmpi sgt, %jit3A_184, %sign3A_193 : i32
    %sign3A_195 = arith.extui %sign3A_194 : i1 to i32
    %sign3A_196 = arith.constant 0 : i32
    %sign3A_197 = arith.cmpi slt, %jit3A_184, %sign3A_196 : i32
    %sign3A_198 = arith.extui %sign3A_197 : i1 to i32
    %sign3A_199 = arith.subi %sign3A_195, %sign3A_198 : i32
    %ne3A_200 = arith.cmpi ne, %sign3A_192, %sign3A_199 : i32
    %rem3A_201 = arith.remsi %get3A_179, %jit3A_184 : i32
    %ne3A_202 = arith.constant 0 : i32
    %ne3A_203 = arith.cmpi ne, %rem3A_201, %ne3A_202 : i32
    %and3A_204 = arith.andi %ne3A_200, %ne3A_203 : i1
    %sub3A_205 = arith.constant 1 : i32
    %sub3A_206 = arith.subi %div3A_185, %sub3A_205 : i32
    %select_n3A_207 = arith.select %and3A_204, %sub3A_206, %div3A_185 : i32
    %mul3A_208 = arith.constant 8 : i32
    %mul3A_209 = arith.muli %select_n3A_207, %mul3A_208 : i32
    %sub3A_210 = arith.subi %get3A_183, %mul3A_209 : i32
    %add3A_211 = arith.constant 7 : i32
    %add3A_212 = arith.addi %sub3A_210, %add3A_211 : i32
    %jit3A_213 = arith.constant 8 : i32
    %div3A_214 = arith.divsi %add3A_212, %jit3A_213 : i32
    %sign3A_215 = arith.constant 0 : i32
    %sign3A_216 = arith.cmpi sgt, %add3A_212, %sign3A_215 : i32
    %sign3A_217 = arith.extui %sign3A_216 : i1 to i32
    %sign3A_218 = arith.constant 0 : i32
    %sign3A_219 = arith.cmpi slt, %add3A_212, %sign3A_218 : i32
    %sign3A_220 = arith.extui %sign3A_219 : i1 to i32
    %sign3A_221 = arith.subi %sign3A_217, %sign3A_220 : i32
    %sign3A_222 = arith.constant 0 : i32
    %sign3A_223 = arith.cmpi sgt, %jit3A_213, %sign3A_222 : i32
    %sign3A_224 = arith.extui %sign3A_223 : i1 to i32
    %sign3A_225 = arith.constant 0 : i32
    %sign3A_226 = arith.cmpi slt, %jit3A_213, %sign3A_225 : i32
    %sign3A_227 = arith.extui %sign3A_226 : i1 to i32
    %sign3A_228 = arith.subi %sign3A_224, %sign3A_227 : i32
    %ne3A_229 = arith.cmpi ne, %sign3A_221, %sign3A_228 : i32
    %rem3A_230 = arith.remsi %add3A_212, %jit3A_213 : i32
    %ne3A_231 = arith.constant 0 : i32
    %ne3A_232 = arith.cmpi ne, %rem3A_230, %ne3A_231 : i32
    %and3A_233 = arith.andi %ne3A_229, %ne3A_232 : i1
    %sub3A_234 = arith.constant 1 : i32
    %sub3A_235 = arith.subi %div3A_214, %sub3A_234 : i32
    %select_n3A_236 = arith.select %and3A_233, %sub3A_235, %div3A_214 : i32
    %broadcast_in_dim3A_237 = arith.constant 0.000000e+00 : f32
    %broadcast_in_dim3A_238 = vector.broadcast %broadcast_in_dim3A_237 : f32 to vector<8x64xf32>
    %broadcast_in_dim3A_239 = arith.constant 0xFF800000 : f32
    %broadcast_in_dim3A_240 = vector.broadcast %broadcast_in_dim3A_239 : f32 to vector<8x64xf32>
    %while3A_241 = arith.constant 0 : i32
    %while3A_242 = arith.subi %select_n3A_236, %while3A_241 : i32
    %while3A_243 = arith.addi %while3A_241, %while3A_242 : i32
    %while3A_244 = arith.constant 1 : i32
    %while3A_245 = arith.divsi %while3A_242, %while3A_244 : i32
    %while3A_246 = arith.muli %while3A_245, %while3A_244 : i32
    %while3A_247 = arith.addi %while3A_241, %while3A_246 : i32
    %while3A_248 = arith.constant 1 : i32
    %while3A_249:2 = scf.for %while3A_750 = %while3A_241 to %while3A_247 step %while3A_248 iter_args(%while3A_751 = %broadcast_in_dim3A_238, %while3A_752 = %broadcast_in_dim3A_240) -> (vector<8x64xf32>, vector<8x64xf32>)  : i32 {
      %mul3A_753 = arith.constant 8 : i32
      %mul3A_754 = arith.muli %while3A_750, %mul3A_753 : i32
      %add3A_755 = arith.addi %mul3A_209, %mul3A_754 : i32
      %multiple_of3A = tpu.assume_multiple %add3A_755, 8 : i32
      %get3A_756 = arith.index_cast %multiple_of3A : i32 to index
      %get3A_757 = arith.constant 0 : index
      %get3A_758 = vector.load %arg2[%get3A_756, %get3A_757] : memref<10000x64xf32, #tpu.memory_space<vmem>>, vector<8x64xf32>
      %iota3A = tpu.iota {dimensions = array<i32: 0>} : vector<8x1xi32>
      %add3A_759 = vector.broadcast %add3A_755 : i32 to vector<8x1xi32>
      %add3A_760 = arith.addi %add3A_759, %iota3A : vector<8x1xi32>
      %ge3A = vector.broadcast %get3A_179 : i32 to vector<8x1xi32>
      %ge3A_761 = arith.cmpi sge, %add3A_760, %ge3A : vector<8x1xi32>
      %lt3A = vector.broadcast %get3A_183 : i32 to vector<8x1xi32>
      %lt3A_762 = arith.cmpi slt, %add3A_760, %lt3A : vector<8x1xi32>
      %and3A_763 = arith.andi %ge3A_761, %lt3A_762 : vector<8x1xi1>
      %jit3A_764 = arith.constant 0.000000e+00 : f32
      %broadcast_in_dim3A_765 = vector.shape_cast %and3A_763 : vector<8x1xi1> to vector<8x1xi1>
      %broadcast_in_dim3A_766 = vector.broadcast %broadcast_in_dim3A_765 : vector<8x1xi1> to vector<8x64xi1>
      %broadcast_in_dim3A_767 = vector.broadcast %jit3A_764 : f32 to vector<8x64xf32>
      %select_n3A_768 = arith.select %broadcast_in_dim3A_766, %get3A_758, %broadcast_in_dim3A_767 : vector<8x64xi1>, vector<8x64xf32>
      %add3A_769 = arith.addf %while3A_751, %select_n3A_768 : vector<8x64xf32>
      %jit3A_770 = arith.constant 0xFF800000 : f32
      %broadcast_in_dim3A_771 = vector.shape_cast %and3A_763 : vector<8x1xi1> to vector<8x1xi1>
      %broadcast_in_dim3A_772 = vector.broadcast %broadcast_in_dim3A_771 : vector<8x1xi1> to vector<8x64xi1>
      %broadcast_in_dim3A_773 = vector.broadcast %jit3A_770 : f32 to vector<8x64xf32>
      %select_n3A_774 = arith.select %broadcast_in_dim3A_772, %get3A_758, %broadcast_in_dim3A_773 : vector<8x64xi1>, vector<8x64xf32>
      %max3A_775 = arith.maximumf %while3A_752, %select_n3A_774 : vector<8x64xf32>
      scf.yield %add3A_769, %max3A_775 : vector<8x64xf32>, vector<8x64xf32>
    }
    %while3A_250 = arith.constant 1 : i32
    %while3A_251:2 = scf.for %while3A_750 = %while3A_247 to %while3A_243 step %while3A_250 iter_args(%while3A_751 = %while3A_249#0, %while3A_752 = %while3A_249#1) -> (vector<8x64xf32>, vector<8x64xf32>)  : i32 {
      %mul3A_753 = arith.constant 8 : i32
      %mul3A_754 = arith.muli %while3A_750, %mul3A_753 : i32
      %add3A_755 = arith.addi %mul3A_209, %mul3A_754 : i32
      %multiple_of3A = tpu.assume_multiple %add3A_755, 8 : i32
      %get3A_756 = arith.index_cast %multiple_of3A : i32 to index
      %get3A_757 = arith.constant 0 : index
      %get3A_758 = vector.load %arg2[%get3A_756, %get3A_757] : memref<10000x64xf32, #tpu.memory_space<vmem>>, vector<8x64xf32>
      %iota3A = tpu.iota {dimensions = array<i32: 0>} : vector<8x1xi32>
      %add3A_759 = vector.broadcast %add3A_755 : i32 to vector<8x1xi32>
      %add3A_760 = arith.addi %add3A_759, %iota3A : vector<8x1xi32>
      %ge3A = vector.broadcast %get3A_179 : i32 to vector<8x1xi32>
      %ge3A_761 = arith.cmpi sge, %add3A_760, %ge3A : vector<8x1xi32>
      %lt3A = vector.broadcast %get3A_183 : i32 to vector<8x1xi32>
      %lt3A_762 = arith.cmpi slt, %add3A_760, %lt3A : vector<8x1xi32>
      %and3A_763 = arith.andi %ge3A_761, %lt3A_762 : vector<8x1xi1>
      %jit3A_764 = arith.constant 0.000000e+00 : f32
      %broadcast_in_dim3A_765 = vector.shape_cast %and3A_763 : vector<8x1xi1> to vector<8x1xi1>
      %broadcast_in_dim3A_766 = vector.broadcast %broadcast_in_dim3A_765 : vector<8x1xi1> to vector<8x64xi1>
      %broadcast_in_dim3A_767 = vector.broadcast %jit3A_764 : f32 to vector<8x64xf32>
      %select_n3A_768 = arith.select %broadcast_in_dim3A_766, %get3A_758, %broadcast_in_dim3A_767 : vector<8x64xi1>, vector<8x64xf32>
      %add3A_769 = arith.addf %while3A_751, %select_n3A_768 : vector<8x64xf32>
      %jit3A_770 = arith.constant 0xFF800000 : f32
      %broadcast_in_dim3A_771 = vector.shape_cast %and3A_763 : vector<8x1xi1> to vector<8x1xi1>
      %broadcast_in_dim3A_772 = vector.broadcast %broadcast_in_dim3A_771 : vector<8x1xi1> to vector<8x64xi1>
      %broadcast_in_dim3A_773 = vector.broadcast %jit3A_770 : f32 to vector<8x64xf32>
      %select_n3A_774 = arith.select %broadcast_in_dim3A_772, %get3A_758, %broadcast_in_dim3A_773 : vector<8x64xi1>, vector<8x64xf32>
      %max3A_775 = arith.maximumf %while3A_752, %select_n3A_774 : vector<8x64xf32>
      scf.yield %add3A_769, %max3A_775 : vector<8x64xf32>, vector<8x64xf32>
    }
    %sub3A_252 = arith.subi %get3A_183, %get3A_179 : i32
    %convert_element_type3A_253 = arith.sitofp %sub3A_252 : i32 to f32
    %max3A_254 = arith.constant 1.000000e+00 : f32
    %max3A_255 = arith.maximumf %convert_element_type3A_253, %max3A_254 : f32
    %reduce_sum3A_256 = arith.constant dense<0.000000e+00> : vector<64xf32>
    %reduce_sum3A_257 = vector.multi_reduction <add>, %while3A_251#0, %reduce_sum3A_256 [0] : vector<8x64xf32> to vector<64xf32>
    %broadcast_in_dim3A_258 = vector.shape_cast %reduce_sum3A_257 : vector<64xf32> to vector<1x64xf32>
    %div3A_259 = vector.broadcast %max3A_255 : f32 to vector<1x64xf32>
    %div3A_260 = arith.divf %broadcast_in_dim3A_258, %div3A_259 : vector<1x64xf32>
    %swap3A_261 = arith.constant 2 : index
    %swap3A_262 = arith.constant 0 : index
    %swap3A_263 = vector.load %arg3[%swap3A_261, %swap3A_262] : memref<8x128xf32, #tpu.memory_space<vmem>>, vector<1x64xf32>
    tpu.vector_store %arg3[%swap3A_261, %swap3A_262], %div3A_260 {strides = array<i32>} : memref<8x128xf32, #tpu.memory_space<vmem>>, vector<1x64xf32>,
    %reduce_max3A_264 = arith.constant dense<0xFF800000> : vector<64xf32>
    %reduce_max3A_265 = vector.multi_reduction <maximumf>, %while3A_251#1, %reduce_max3A_264 [0] : vector<8x64xf32> to vector<64xf32>
    %broadcast_in_dim3A_266 = vector.shape_cast %reduce_max3A_265 : vector<64xf32> to vector<1x64xf32>
    %swap3A_267 = arith.constant 2 : index
    %swap3A_268 = arith.constant 64 : index
    %swap3A_269 = vector.load %arg3[%swap3A_267, %swap3A_268] : memref<8x128xf32, #tpu.memory_space<vmem>>, vector<1x64xf32>
    tpu.vector_store %arg3[%swap3A_267, %swap3A_268], %broadcast_in_dim3A_266 {strides = array<i32>} : memref<8x128xf32, #tpu.memory_space<vmem>>, vector<1x64xf32>,
    %mul3A_270 = arith.constant 8 : i32
    %mul3A_271 = arith.muli %arg0, %mul3A_270 : i32
    %add3A_272 = arith.constant 3 : i32
    %add3A_273 = arith.addi %mul3A_271, %add3A_272 : i32
    %get3A_274 = arith.index_cast %add3A_273 : i32 to index
    %get3A_275 = memref.load %arg1[%get3A_274] : memref<257xi32, #tpu.memory_space<smem>>
    %add3A_276 = arith.constant 1 : i32
    %add3A_277 = arith.addi %add3A_273, %add3A_276 : i32
    %get3A_278 = arith.index_cast %add3A_277 : i32 to index
    %get3A_279 = memref.load %arg1[%get3A_278] : memref<257xi32, #tpu.memory_space<smem>>
    %jit3A_280 = arith.constant 8 : i32
    %div3A_281 = arith.divsi %get3A_275, %jit3A_280 : i32
    %sign3A_282 = arith.constant 0 : i32
    %sign3A_283 = arith.cmpi sgt, %get3A_275, %sign3A_282 : i32
    %sign3A_284 = arith.extui %sign3A_283 : i1 to i32
    %sign3A_285 = arith.constant 0 : i32
    %sign3A_286 = arith.cmpi slt, %get3A_275, %sign3A_285 : i32
    %sign3A_287 = arith.extui %sign3A_286 : i1 to i32
    %sign3A_288 = arith.subi %sign3A_284, %sign3A_287 : i32
    %sign3A_289 = arith.constant 0 : i32
    %sign3A_290 = arith.cmpi sgt, %jit3A_280, %sign3A_289 : i32
    %sign3A_291 = arith.extui %sign3A_290 : i1 to i32
    %sign3A_292 = arith.constant 0 : i32
    %sign3A_293 = arith.cmpi slt, %jit3A_280, %sign3A_292 : i32
    %sign3A_294 = arith.extui %sign3A_293 : i1 to i32
    %sign3A_295 = arith.subi %sign3A_291, %sign3A_294 : i32
    %ne3A_296 = arith.cmpi ne, %sign3A_288, %sign3A_295 : i32
    %rem3A_297 = arith.remsi %get3A_275, %jit3A_280 : i32
    %ne3A_298 = arith.constant 0 : i32
    %ne3A_299 = arith.cmpi ne, %rem3A_297, %ne3A_298 : i32
    %and3A_300 = arith.andi %ne3A_296, %ne3A_299 : i1
    %sub3A_301 = arith.constant 1 : i32
    %sub3A_302 = arith.subi %div3A_281, %sub3A_301 : i32
    %select_n3A_303 = arith.select %and3A_300, %sub3A_302, %div3A_281 : i32
    %mul3A_304 = arith.constant 8 : i32
    %mul3A_305 = arith.muli %select_n3A_303, %mul3A_304 : i32
    %sub3A_306 = arith.subi %get3A_279, %mul3A_305 : i32
    %add3A_307 = arith.constant 7 : i32
    %add3A_308 = arith.addi %sub3A_306, %add3A_307 : i32
    %jit3A_309 = arith.constant 8 : i32
    %div3A_310 = arith.divsi %add3A_308, %jit3A_309 : i32
    %sign3A_311 = arith.constant 0 : i32
    %sign3A_312 = arith.cmpi sgt, %add3A_308, %sign3A_311 : i32
    %sign3A_313 = arith.extui %sign3A_312 : i1 to i32
    %sign3A_314 = arith.constant 0 : i32
    %sign3A_315 = arith.cmpi slt, %add3A_308, %sign3A_314 : i32
    %sign3A_316 = arith.extui %sign3A_315 : i1 to i32
    %sign3A_317 = arith.subi %sign3A_313, %sign3A_316 : i32
    %sign3A_318 = arith.constant 0 : i32
    %sign3A_319 = arith.cmpi sgt, %jit3A_309, %sign3A_318 : i32
    %sign3A_320 = arith.extui %sign3A_319 : i1 to i32
    %sign3A_321 = arith.constant 0 : i32
    %sign3A_322 = arith.cmpi slt, %jit3A_309, %sign3A_321 : i32
    %sign3A_323 = arith.extui %sign3A_322 : i1 to i32
    %sign3A_324 = arith.subi %sign3A_320, %sign3A_323 : i32
    %ne3A_325 = arith.cmpi ne, %sign3A_317, %sign3A_324 : i32
    %rem3A_326 = arith.remsi %add3A_308, %jit3A_309 : i32
    %ne3A_327 = arith.constant 0 : i32
    %ne3A_328 = arith.cmpi ne, %rem3A_326, %ne3A_327 : i32
    %and3A_329 = arith.andi %ne3A_325, %ne3A_328 : i1
    %sub3A_330 = arith.constant 1 : i32
    %sub3A_331 = arith.subi %div3A_310, %sub3A_330 : i32
    %select_n3A_332 = arith.select %and3A_329, %sub3A_331, %div3A_310 : i32
    %broadcast_in_dim3A_333 = arith.constant 0.000000e+00 : f32
    %broadcast_in_dim3A_334 = vector.broadcast %broadcast_in_dim3A_333 : f32 to vector<8x64xf32>
    %broadcast_in_dim3A_335 = arith.constant 0xFF800000 : f32
    %broadcast_in_dim3A_336 = vector.broadcast %broadcast_in_dim3A_335 : f32 to vector<8x64xf32>
    %while3A_337 = arith.constant 0 : i32
    %while3A_338 = arith.subi %select_n3A_332, %while3A_337 : i32
    %while3A_339 = arith.addi %while3A_337, %while3A_338 : i32
    %while3A_340 = arith.constant 1 : i32
    %while3A_341 = arith.divsi %while3A_338, %while3A_340 : i32
    %while3A_342 = arith.muli %while3A_341, %while3A_340 : i32
    %while3A_343 = arith.addi %while3A_337, %while3A_342 : i32
    %while3A_344 = arith.constant 1 : i32
    %while3A_345:2 = scf.for %while3A_750 = %while3A_337 to %while3A_343 step %while3A_344 iter_args(%while3A_751 = %broadcast_in_dim3A_334, %while3A_752 = %broadcast_in_dim3A_336) -> (vector<8x64xf32>, vector<8x64xf32>)  : i32 {
      %mul3A_753 = arith.constant 8 : i32
      %mul3A_754 = arith.muli %while3A_750, %mul3A_753 : i32
      %add3A_755 = arith.addi %mul3A_305, %mul3A_754 : i32
      %multiple_of3A = tpu.assume_multiple %add3A_755, 8 : i32
      %get3A_756 = arith.index_cast %multiple_of3A : i32 to index
      %get3A_757 = arith.constant 0 : index
      %get3A_758 = vector.load %arg2[%get3A_756, %get3A_757] : memref<10000x64xf32, #tpu.memory_space<vmem>>, vector<8x64xf32>
      %iota3A = tpu.iota {dimensions = array<i32: 0>} : vector<8x1xi32>
      %add3A_759 = vector.broadcast %add3A_755 : i32 to vector<8x1xi32>
      %add3A_760 = arith.addi %add3A_759, %iota3A : vector<8x1xi32>
      %ge3A = vector.broadcast %get3A_275 : i32 to vector<8x1xi32>
      %ge3A_761 = arith.cmpi sge, %add3A_760, %ge3A : vector<8x1xi32>
      %lt3A = vector.broadcast %get3A_279 : i32 to vector<8x1xi32>
      %lt3A_762 = arith.cmpi slt, %add3A_760, %lt3A : vector<8x1xi32>
      %and3A_763 = arith.andi %ge3A_761, %lt3A_762 : vector<8x1xi1>
      %jit3A_764 = arith.constant 0.000000e+00 : f32
      %broadcast_in_dim3A_765 = vector.shape_cast %and3A_763 : vector<8x1xi1> to vector<8x1xi1>
      %broadcast_in_dim3A_766 = vector.broadcast %broadcast_in_dim3A_765 : vector<8x1xi1> to vector<8x64xi1>
      %broadcast_in_dim3A_767 = vector.broadcast %jit3A_764 : f32 to vector<8x64xf32>
      %select_n3A_768 = arith.select %broadcast_in_dim3A_766, %get3A_758, %broadcast_in_dim3A_767 : vector<8x64xi1>, vector<8x64xf32>
      %add3A_769 = arith.addf %while3A_751, %select_n3A_768 : vector<8x64xf32>
      %jit3A_770 = arith.constant 0xFF800000 : f32
      %broadcast_in_dim3A_771 = vector.shape_cast %and3A_763 : vector<8x1xi1> to vector<8x1xi1>
      %broadcast_in_dim3A_772 = vector.broadcast %broadcast_in_dim3A_771 : vector<8x1xi1> to vector<8x64xi1>
      %broadcast_in_dim3A_773 = vector.broadcast %jit3A_770 : f32 to vector<8x64xf32>
      %select_n3A_774 = arith.select %broadcast_in_dim3A_772, %get3A_758, %broadcast_in_dim3A_773 : vector<8x64xi1>, vector<8x64xf32>
      %max3A_775 = arith.maximumf %while3A_752, %select_n3A_774 : vector<8x64xf32>
      scf.yield %add3A_769, %max3A_775 : vector<8x64xf32>, vector<8x64xf32>
    }
    %while3A_346 = arith.constant 1 : i32
    %while3A_347:2 = scf.for %while3A_750 = %while3A_343 to %while3A_339 step %while3A_346 iter_args(%while3A_751 = %while3A_345#0, %while3A_752 = %while3A_345#1) -> (vector<8x64xf32>, vector<8x64xf32>)  : i32 {
      %mul3A_753 = arith.constant 8 : i32
      %mul3A_754 = arith.muli %while3A_750, %mul3A_753 : i32
      %add3A_755 = arith.addi %mul3A_305, %mul3A_754 : i32
      %multiple_of3A = tpu.assume_multiple %add3A_755, 8 : i32
      %get3A_756 = arith.index_cast %multiple_of3A : i32 to index
      %get3A_757 = arith.constant 0 : index
      %get3A_758 = vector.load %arg2[%get3A_756, %get3A_757] : memref<10000x64xf32, #tpu.memory_space<vmem>>, vector<8x64xf32>
      %iota3A = tpu.iota {dimensions = array<i32: 0>} : vector<8x1xi32>
      %add3A_759 = vector.broadcast %add3A_755 : i32 to vector<8x1xi32>
      %add3A_760 = arith.addi %add3A_759, %iota3A : vector<8x1xi32>
      %ge3A = vector.broadcast %get3A_275 : i32 to vector<8x1xi32>
      %ge3A_761 = arith.cmpi sge, %add3A_760, %ge3A : vector<8x1xi32>
      %lt3A = vector.broadcast %get3A_279 : i32 to vector<8x1xi32>
      %lt3A_762 = arith.cmpi slt, %add3A_760, %lt3A : vector<8x1xi32>
      %and3A_763 = arith.andi %ge3A_761, %lt3A_762 : vector<8x1xi1>
      %jit3A_764 = arith.constant 0.000000e+00 : f32
      %broadcast_in_dim3A_765 = vector.shape_cast %and3A_763 : vector<8x1xi1> to vector<8x1xi1>
      %broadcast_in_dim3A_766 = vector.broadcast %broadcast_in_dim3A_765 : vector<8x1xi1> to vector<8x64xi1>
      %broadcast_in_dim3A_767 = vector.broadcast %jit3A_764 : f32 to vector<8x64xf32>
      %select_n3A_768 = arith.select %broadcast_in_dim3A_766, %get3A_758, %broadcast_in_dim3A_767 : vector<8x64xi1>, vector<8x64xf32>
      %add3A_769 = arith.addf %while3A_751, %select_n3A_768 : vector<8x64xf32>
      %jit3A_770 = arith.constant 0xFF800000 : f32
      %broadcast_in_dim3A_771 = vector.shape_cast %and3A_763 : vector<8x1xi1> to vector<8x1xi1>
      %broadcast_in_dim3A_772 = vector.broadcast %broadcast_in_dim3A_771 : vector<8x1xi1> to vector<8x64xi1>
      %broadcast_in_dim3A_773 = vector.broadcast %jit3A_770 : f32 to vector<8x64xf32>
      %select_n3A_774 = arith.select %broadcast_in_dim3A_772, %get3A_758, %broadcast_in_dim3A_773 : vector<8x64xi1>, vector<8x64xf32>
      %max3A_775 = arith.maximumf %while3A_752, %select_n3A_774 : vector<8x64xf32>
      scf.yield %add3A_769, %max3A_775 : vector<8x64xf32>, vector<8x64xf32>
    }
    %sub3A_348 = arith.subi %get3A_279, %get3A_275 : i32
    %convert_element_type3A_349 = arith.sitofp %sub3A_348 : i32 to f32
    %max3A_350 = arith.constant 1.000000e+00 : f32
    %max3A_351 = arith.maximumf %convert_element_type3A_349, %max3A_350 : f32
    %reduce_sum3A_352 = arith.constant dense<0.000000e+00> : vector<64xf32>
    %reduce_sum3A_353 = vector.multi_reduction <add>, %while3A_347#0, %reduce_sum3A_352 [0] : vector<8x64xf32> to vector<64xf32>
    %broadcast_in_dim3A_354 = vector.shape_cast %reduce_sum3A_353 : vector<64xf32> to vector<1x64xf32>
    %div3A_355 = vector.broadcast %max3A_351 : f32 to vector<1x64xf32>
    %div3A_356 = arith.divf %broadcast_in_dim3A_354, %div3A_355 : vector<1x64xf32>
    %swap3A_357 = arith.constant 3 : index
    %swap3A_358 = arith.constant 0 : index
    %swap3A_359 = vector.load %arg3[%swap3A_357, %swap3A_358] : memref<8x128xf32, #tpu.memory_space<vmem>>, vector<1x64xf32>
    tpu.vector_store %arg3[%swap3A_357, %swap3A_358], %div3A_356 {strides = array<i32>} : memref<8x128xf32, #tpu.memory_space<vmem>>, vector<1x64xf32>,
    %reduce_max3A_360 = arith.constant dense<0xFF800000> : vector<64xf32>
    %reduce_max3A_361 = vector.multi_reduction <maximumf>, %while3A_347#1, %reduce_max3A_360 [0] : vector<8x64xf32> to vector<64xf32>
    %broadcast_in_dim3A_362 = vector.shape_cast %reduce_max3A_361 : vector<64xf32> to vector<1x64xf32>
    %swap3A_363 = arith.constant 3 : index
    %swap3A_364 = arith.constant 64 : index
    %swap3A_365 = vector.load %arg3[%swap3A_363, %swap3A_364] : memref<8x128xf32, #tpu.memory_space<vmem>>, vector<1x64xf32>
    tpu.vector_store %arg3[%swap3A_363, %swap3A_364], %broadcast_in_dim3A_362 {strides = array<i32>} : memref<8x128xf32, #tpu.memory_space<vmem>>, vector<1x64xf32>,
    %mul3A_366 = arith.constant 8 : i32
    %mul3A_367 = arith.muli %arg0, %mul3A_366 : i32
    %add3A_368 = arith.constant 4 : i32
    %add3A_369 = arith.addi %mul3A_367, %add3A_368 : i32
    %get3A_370 = arith.index_cast %add3A_369 : i32 to index
    %get3A_371 = memref.load %arg1[%get3A_370] : memref<257xi32, #tpu.memory_space<smem>>
    %add3A_372 = arith.constant 1 : i32
    %add3A_373 = arith.addi %add3A_369, %add3A_372 : i32
    %get3A_374 = arith.index_cast %add3A_373 : i32 to index
    %get3A_375 = memref.load %arg1[%get3A_374] : memref<257xi32, #tpu.memory_space<smem>>
    %jit3A_376 = arith.constant 8 : i32
    %div3A_377 = arith.divsi %get3A_371, %jit3A_376 : i32
    %sign3A_378 = arith.constant 0 : i32
    %sign3A_379 = arith.cmpi sgt, %get3A_371, %sign3A_378 : i32
    %sign3A_380 = arith.extui %sign3A_379 : i1 to i32
    %sign3A_381 = arith.constant 0 : i32
    %sign3A_382 = arith.cmpi slt, %get3A_371, %sign3A_381 : i32
    %sign3A_383 = arith.extui %sign3A_382 : i1 to i32
    %sign3A_384 = arith.subi %sign3A_380, %sign3A_383 : i32
    %sign3A_385 = arith.constant 0 : i32
    %sign3A_386 = arith.cmpi sgt, %jit3A_376, %sign3A_385 : i32
    %sign3A_387 = arith.extui %sign3A_386 : i1 to i32
    %sign3A_388 = arith.constant 0 : i32
    %sign3A_389 = arith.cmpi slt, %jit3A_376, %sign3A_388 : i32
    %sign3A_390 = arith.extui %sign3A_389 : i1 to i32
    %sign3A_391 = arith.subi %sign3A_387, %sign3A_390 : i32
    %ne3A_392 = arith.cmpi ne, %sign3A_384, %sign3A_391 : i32
    %rem3A_393 = arith.remsi %get3A_371, %jit3A_376 : i32
    %ne3A_394 = arith.constant 0 : i32
    %ne3A_395 = arith.cmpi ne, %rem3A_393, %ne3A_394 : i32
    %and3A_396 = arith.andi %ne3A_392, %ne3A_395 : i1
    %sub3A_397 = arith.constant 1 : i32
    %sub3A_398 = arith.subi %div3A_377, %sub3A_397 : i32
    %select_n3A_399 = arith.select %and3A_396, %sub3A_398, %div3A_377 : i32
    %mul3A_400 = arith.constant 8 : i32
    %mul3A_401 = arith.muli %select_n3A_399, %mul3A_400 : i32
    %sub3A_402 = arith.subi %get3A_375, %mul3A_401 : i32
    %add3A_403 = arith.constant 7 : i32
    %add3A_404 = arith.addi %sub3A_402, %add3A_403 : i32
    %jit3A_405 = arith.constant 8 : i32
    %div3A_406 = arith.divsi %add3A_404, %jit3A_405 : i32
    %sign3A_407 = arith.constant 0 : i32
    %sign3A_408 = arith.cmpi sgt, %add3A_404, %sign3A_407 : i32
    %sign3A_409 = arith.extui %sign3A_408 : i1 to i32
    %sign3A_410 = arith.constant 0 : i32
    %sign3A_411 = arith.cmpi slt, %add3A_404, %sign3A_410 : i32
    %sign3A_412 = arith.extui %sign3A_411 : i1 to i32
    %sign3A_413 = arith.subi %sign3A_409, %sign3A_412 : i32
    %sign3A_414 = arith.constant 0 : i32
    %sign3A_415 = arith.cmpi sgt, %jit3A_405, %sign3A_414 : i32
    %sign3A_416 = arith.extui %sign3A_415 : i1 to i32
    %sign3A_417 = arith.constant 0 : i32
    %sign3A_418 = arith.cmpi slt, %jit3A_405, %sign3A_417 : i32
    %sign3A_419 = arith.extui %sign3A_418 : i1 to i32
    %sign3A_420 = arith.subi %sign3A_416, %sign3A_419 : i32
    %ne3A_421 = arith.cmpi ne, %sign3A_413, %sign3A_420 : i32
    %rem3A_422 = arith.remsi %add3A_404, %jit3A_405 : i32
    %ne3A_423 = arith.constant 0 : i32
    %ne3A_424 = arith.cmpi ne, %rem3A_422, %ne3A_423 : i32
    %and3A_425 = arith.andi %ne3A_421, %ne3A_424 : i1
    %sub3A_426 = arith.constant 1 : i32
    %sub3A_427 = arith.subi %div3A_406, %sub3A_426 : i32
    %select_n3A_428 = arith.select %and3A_425, %sub3A_427, %div3A_406 : i32
    %broadcast_in_dim3A_429 = arith.constant 0.000000e+00 : f32
    %broadcast_in_dim3A_430 = vector.broadcast %broadcast_in_dim3A_429 : f32 to vector<8x64xf32>
    %broadcast_in_dim3A_431 = arith.constant 0xFF800000 : f32
    %broadcast_in_dim3A_432 = vector.broadcast %broadcast_in_dim3A_431 : f32 to vector<8x64xf32>
    %while3A_433 = arith.constant 0 : i32
    %while3A_434 = arith.subi %select_n3A_428, %while3A_433 : i32
    %while3A_435 = arith.addi %while3A_433, %while3A_434 : i32
    %while3A_436 = arith.constant 1 : i32
    %while3A_437 = arith.divsi %while3A_434, %while3A_436 : i32
    %while3A_438 = arith.muli %while3A_437, %while3A_436 : i32
    %while3A_439 = arith.addi %while3A_433, %while3A_438 : i32
    %while3A_440 = arith.constant 1 : i32
    %while3A_441:2 = scf.for %while3A_750 = %while3A_433 to %while3A_439 step %while3A_440 iter_args(%while3A_751 = %broadcast_in_dim3A_430, %while3A_752 = %broadcast_in_dim3A_432) -> (vector<8x64xf32>, vector<8x64xf32>)  : i32 {
      %mul3A_753 = arith.constant 8 : i32
      %mul3A_754 = arith.muli %while3A_750, %mul3A_753 : i32
      %add3A_755 = arith.addi %mul3A_401, %mul3A_754 : i32
      %multiple_of3A = tpu.assume_multiple %add3A_755, 8 : i32
      %get3A_756 = arith.index_cast %multiple_of3A : i32 to index
      %get3A_757 = arith.constant 0 : index
      %get3A_758 = vector.load %arg2[%get3A_756, %get3A_757] : memref<10000x64xf32, #tpu.memory_space<vmem>>, vector<8x64xf32>
      %iota3A = tpu.iota {dimensions = array<i32: 0>} : vector<8x1xi32>
      %add3A_759 = vector.broadcast %add3A_755 : i32 to vector<8x1xi32>
      %add3A_760 = arith.addi %add3A_759, %iota3A : vector<8x1xi32>
      %ge3A = vector.broadcast %get3A_371 : i32 to vector<8x1xi32>
      %ge3A_761 = arith.cmpi sge, %add3A_760, %ge3A : vector<8x1xi32>
      %lt3A = vector.broadcast %get3A_375 : i32 to vector<8x1xi32>
      %lt3A_762 = arith.cmpi slt, %add3A_760, %lt3A : vector<8x1xi32>
      %and3A_763 = arith.andi %ge3A_761, %lt3A_762 : vector<8x1xi1>
      %jit3A_764 = arith.constant 0.000000e+00 : f32
      %broadcast_in_dim3A_765 = vector.shape_cast %and3A_763 : vector<8x1xi1> to vector<8x1xi1>
      %broadcast_in_dim3A_766 = vector.broadcast %broadcast_in_dim3A_765 : vector<8x1xi1> to vector<8x64xi1>
      %broadcast_in_dim3A_767 = vector.broadcast %jit3A_764 : f32 to vector<8x64xf32>
      %select_n3A_768 = arith.select %broadcast_in_dim3A_766, %get3A_758, %broadcast_in_dim3A_767 : vector<8x64xi1>, vector<8x64xf32>
      %add3A_769 = arith.addf %while3A_751, %select_n3A_768 : vector<8x64xf32>
      %jit3A_770 = arith.constant 0xFF800000 : f32
      %broadcast_in_dim3A_771 = vector.shape_cast %and3A_763 : vector<8x1xi1> to vector<8x1xi1>
      %broadcast_in_dim3A_772 = vector.broadcast %broadcast_in_dim3A_771 : vector<8x1xi1> to vector<8x64xi1>
      %broadcast_in_dim3A_773 = vector.broadcast %jit3A_770 : f32 to vector<8x64xf32>
      %select_n3A_774 = arith.select %broadcast_in_dim3A_772, %get3A_758, %broadcast_in_dim3A_773 : vector<8x64xi1>, vector<8x64xf32>
      %max3A_775 = arith.maximumf %while3A_752, %select_n3A_774 : vector<8x64xf32>
      scf.yield %add3A_769, %max3A_775 : vector<8x64xf32>, vector<8x64xf32>
    }
    %while3A_442 = arith.constant 1 : i32
    %while3A_443:2 = scf.for %while3A_750 = %while3A_439 to %while3A_435 step %while3A_442 iter_args(%while3A_751 = %while3A_441#0, %while3A_752 = %while3A_441#1) -> (vector<8x64xf32>, vector<8x64xf32>)  : i32 {
      %mul3A_753 = arith.constant 8 : i32
      %mul3A_754 = arith.muli %while3A_750, %mul3A_753 : i32
      %add3A_755 = arith.addi %mul3A_401, %mul3A_754 : i32
      %multiple_of3A = tpu.assume_multiple %add3A_755, 8 : i32
      %get3A_756 = arith.index_cast %multiple_of3A : i32 to index
      %get3A_757 = arith.constant 0 : index
      %get3A_758 = vector.load %arg2[%get3A_756, %get3A_757] : memref<10000x64xf32, #tpu.memory_space<vmem>>, vector<8x64xf32>
      %iota3A = tpu.iota {dimensions = array<i32: 0>} : vector<8x1xi32>
      %add3A_759 = vector.broadcast %add3A_755 : i32 to vector<8x1xi32>
      %add3A_760 = arith.addi %add3A_759, %iota3A : vector<8x1xi32>
      %ge3A = vector.broadcast %get3A_371 : i32 to vector<8x1xi32>
      %ge3A_761 = arith.cmpi sge, %add3A_760, %ge3A : vector<8x1xi32>
      %lt3A = vector.broadcast %get3A_375 : i32 to vector<8x1xi32>
      %lt3A_762 = arith.cmpi slt, %add3A_760, %lt3A : vector<8x1xi32>
      %and3A_763 = arith.andi %ge3A_761, %lt3A_762 : vector<8x1xi1>
      %jit3A_764 = arith.constant 0.000000e+00 : f32
      %broadcast_in_dim3A_765 = vector.shape_cast %and3A_763 : vector<8x1xi1> to vector<8x1xi1>
      %broadcast_in_dim3A_766 = vector.broadcast %broadcast_in_dim3A_765 : vector<8x1xi1> to vector<8x64xi1>
      %broadcast_in_dim3A_767 = vector.broadcast %jit3A_764 : f32 to vector<8x64xf32>
      %select_n3A_768 = arith.select %broadcast_in_dim3A_766, %get3A_758, %broadcast_in_dim3A_767 : vector<8x64xi1>, vector<8x64xf32>
      %add3A_769 = arith.addf %while3A_751, %select_n3A_768 : vector<8x64xf32>
      %jit3A_770 = arith.constant 0xFF800000 : f32
      %broadcast_in_dim3A_771 = vector.shape_cast %and3A_763 : vector<8x1xi1> to vector<8x1xi1>
      %broadcast_in_dim3A_772 = vector.broadcast %broadcast_in_dim3A_771 : vector<8x1xi1> to vector<8x64xi1>
      %broadcast_in_dim3A_773 = vector.broadcast %jit3A_770 : f32 to vector<8x64xf32>
      %select_n3A_774 = arith.select %broadcast_in_dim3A_772, %get3A_758, %broadcast_in_dim3A_773 : vector<8x64xi1>, vector<8x64xf32>
      %max3A_775 = arith.maximumf %while3A_752, %select_n3A_774 : vector<8x64xf32>
      scf.yield %add3A_769, %max3A_775 : vector<8x64xf32>, vector<8x64xf32>
    }
    %sub3A_444 = arith.subi %get3A_375, %get3A_371 : i32
    %convert_element_type3A_445 = arith.sitofp %sub3A_444 : i32 to f32
    %max3A_446 = arith.constant 1.000000e+00 : f32
    %max3A_447 = arith.maximumf %convert_element_type3A_445, %max3A_446 : f32
    %reduce_sum3A_448 = arith.constant dense<0.000000e+00> : vector<64xf32>
    %reduce_sum3A_449 = vector.multi_reduction <add>, %while3A_443#0, %reduce_sum3A_448 [0] : vector<8x64xf32> to vector<64xf32>
    %broadcast_in_dim3A_450 = vector.shape_cast %reduce_sum3A_449 : vector<64xf32> to vector<1x64xf32>
    %div3A_451 = vector.broadcast %max3A_447 : f32 to vector<1x64xf32>
    %div3A_452 = arith.divf %broadcast_in_dim3A_450, %div3A_451 : vector<1x64xf32>
    %swap3A_453 = arith.constant 4 : index
    %swap3A_454 = arith.constant 0 : index
    %swap3A_455 = vector.load %arg3[%swap3A_453, %swap3A_454] : memref<8x128xf32, #tpu.memory_space<vmem>>, vector<1x64xf32>
    tpu.vector_store %arg3[%swap3A_453, %swap3A_454], %div3A_452 {strides = array<i32>} : memref<8x128xf32, #tpu.memory_space<vmem>>, vector<1x64xf32>,
    %reduce_max3A_456 = arith.constant dense<0xFF800000> : vector<64xf32>
    %reduce_max3A_457 = vector.multi_reduction <maximumf>, %while3A_443#1, %reduce_max3A_456 [0] : vector<8x64xf32> to vector<64xf32>
    %broadcast_in_dim3A_458 = vector.shape_cast %reduce_max3A_457 : vector<64xf32> to vector<1x64xf32>
    %swap3A_459 = arith.constant 4 : index
    %swap3A_460 = arith.constant 64 : index
    %swap3A_461 = vector.load %arg3[%swap3A_459, %swap3A_460] : memref<8x128xf32, #tpu.memory_space<vmem>>, vector<1x64xf32>
    tpu.vector_store %arg3[%swap3A_459, %swap3A_460], %broadcast_in_dim3A_458 {strides = array<i32>} : memref<8x128xf32, #tpu.memory_space<vmem>>, vector<1x64xf32>,
    %mul3A_462 = arith.constant 8 : i32
    %mul3A_463 = arith.muli %arg0, %mul3A_462 : i32
    %add3A_464 = arith.constant 5 : i32
    %add3A_465 = arith.addi %mul3A_463, %add3A_464 : i32
    %get3A_466 = arith.index_cast %add3A_465 : i32 to index
    %get3A_467 = memref.load %arg1[%get3A_466] : memref<257xi32, #tpu.memory_space<smem>>
    %add3A_468 = arith.constant 1 : i32
    %add3A_469 = arith.addi %add3A_465, %add3A_468 : i32
    %get3A_470 = arith.index_cast %add3A_469 : i32 to index
    %get3A_471 = memref.load %arg1[%get3A_470] : memref<257xi32, #tpu.memory_space<smem>>
    %jit3A_472 = arith.constant 8 : i32
    %div3A_473 = arith.divsi %get3A_467, %jit3A_472 : i32
    %sign3A_474 = arith.constant 0 : i32
    %sign3A_475 = arith.cmpi sgt, %get3A_467, %sign3A_474 : i32
    %sign3A_476 = arith.extui %sign3A_475 : i1 to i32
    %sign3A_477 = arith.constant 0 : i32
    %sign3A_478 = arith.cmpi slt, %get3A_467, %sign3A_477 : i32
    %sign3A_479 = arith.extui %sign3A_478 : i1 to i32
    %sign3A_480 = arith.subi %sign3A_476, %sign3A_479 : i32
    %sign3A_481 = arith.constant 0 : i32
    %sign3A_482 = arith.cmpi sgt, %jit3A_472, %sign3A_481 : i32
    %sign3A_483 = arith.extui %sign3A_482 : i1 to i32
    %sign3A_484 = arith.constant 0 : i32
    %sign3A_485 = arith.cmpi slt, %jit3A_472, %sign3A_484 : i32
    %sign3A_486 = arith.extui %sign3A_485 : i1 to i32
    %sign3A_487 = arith.subi %sign3A_483, %sign3A_486 : i32
    %ne3A_488 = arith.cmpi ne, %sign3A_480, %sign3A_487 : i32
    %rem3A_489 = arith.remsi %get3A_467, %jit3A_472 : i32
    %ne3A_490 = arith.constant 0 : i32
    %ne3A_491 = arith.cmpi ne, %rem3A_489, %ne3A_490 : i32
    %and3A_492 = arith.andi %ne3A_488, %ne3A_491 : i1
    %sub3A_493 = arith.constant 1 : i32
    %sub3A_494 = arith.subi %div3A_473, %sub3A_493 : i32
    %select_n3A_495 = arith.select %and3A_492, %sub3A_494, %div3A_473 : i32
    %mul3A_496 = arith.constant 8 : i32
    %mul3A_497 = arith.muli %select_n3A_495, %mul3A_496 : i32
    %sub3A_498 = arith.subi %get3A_471, %mul3A_497 : i32
    %add3A_499 = arith.constant 7 : i32
    %add3A_500 = arith.addi %sub3A_498, %add3A_499 : i32
    %jit3A_501 = arith.constant 8 : i32
    %div3A_502 = arith.divsi %add3A_500, %jit3A_501 : i32
    %sign3A_503 = arith.constant 0 : i32
    %sign3A_504 = arith.cmpi sgt, %add3A_500, %sign3A_503 : i32
    %sign3A_505 = arith.extui %sign3A_504 : i1 to i32
    %sign3A_506 = arith.constant 0 : i32
    %sign3A_507 = arith.cmpi slt, %add3A_500, %sign3A_506 : i32
    %sign3A_508 = arith.extui %sign3A_507 : i1 to i32
    %sign3A_509 = arith.subi %sign3A_505, %sign3A_508 : i32
    %sign3A_510 = arith.constant 0 : i32
    %sign3A_511 = arith.cmpi sgt, %jit3A_501, %sign3A_510 : i32
    %sign3A_512 = arith.extui %sign3A_511 : i1 to i32
    %sign3A_513 = arith.constant 0 : i32
    %sign3A_514 = arith.cmpi slt, %jit3A_501, %sign3A_513 : i32
    %sign3A_515 = arith.extui %sign3A_514 : i1 to i32
    %sign3A_516 = arith.subi %sign3A_512, %sign3A_515 : i32
    %ne3A_517 = arith.cmpi ne, %sign3A_509, %sign3A_516 : i32
    %rem3A_518 = arith.remsi %add3A_500, %jit3A_501 : i32
    %ne3A_519 = arith.constant 0 : i32
    %ne3A_520 = arith.cmpi ne, %rem3A_518, %ne3A_519 : i32
    %and3A_521 = arith.andi %ne3A_517, %ne3A_520 : i1
    %sub3A_522 = arith.constant 1 : i32
    %sub3A_523 = arith.subi %div3A_502, %sub3A_522 : i32
    %select_n3A_524 = arith.select %and3A_521, %sub3A_523, %div3A_502 : i32
    %broadcast_in_dim3A_525 = arith.constant 0.000000e+00 : f32
    %broadcast_in_dim3A_526 = vector.broadcast %broadcast_in_dim3A_525 : f32 to vector<8x64xf32>
    %broadcast_in_dim3A_527 = arith.constant 0xFF800000 : f32
    %broadcast_in_dim3A_528 = vector.broadcast %broadcast_in_dim3A_527 : f32 to vector<8x64xf32>
    %while3A_529 = arith.constant 0 : i32
    %while3A_530 = arith.subi %select_n3A_524, %while3A_529 : i32
    %while3A_531 = arith.addi %while3A_529, %while3A_530 : i32
    %while3A_532 = arith.constant 1 : i32
    %while3A_533 = arith.divsi %while3A_530, %while3A_532 : i32
    %while3A_534 = arith.muli %while3A_533, %while3A_532 : i32
    %while3A_535 = arith.addi %while3A_529, %while3A_534 : i32
    %while3A_536 = arith.constant 1 : i32
    %while3A_537:2 = scf.for %while3A_750 = %while3A_529 to %while3A_535 step %while3A_536 iter_args(%while3A_751 = %broadcast_in_dim3A_526, %while3A_752 = %broadcast_in_dim3A_528) -> (vector<8x64xf32>, vector<8x64xf32>)  : i32 {
      %mul3A_753 = arith.constant 8 : i32
      %mul3A_754 = arith.muli %while3A_750, %mul3A_753 : i32
      %add3A_755 = arith.addi %mul3A_497, %mul3A_754 : i32
      %multiple_of3A = tpu.assume_multiple %add3A_755, 8 : i32
      %get3A_756 = arith.index_cast %multiple_of3A : i32 to index
      %get3A_757 = arith.constant 0 : index
      %get3A_758 = vector.load %arg2[%get3A_756, %get3A_757] : memref<10000x64xf32, #tpu.memory_space<vmem>>, vector<8x64xf32>
      %iota3A = tpu.iota {dimensions = array<i32: 0>} : vector<8x1xi32>
      %add3A_759 = vector.broadcast %add3A_755 : i32 to vector<8x1xi32>
      %add3A_760 = arith.addi %add3A_759, %iota3A : vector<8x1xi32>
      %ge3A = vector.broadcast %get3A_467 : i32 to vector<8x1xi32>
      %ge3A_761 = arith.cmpi sge, %add3A_760, %ge3A : vector<8x1xi32>
      %lt3A = vector.broadcast %get3A_471 : i32 to vector<8x1xi32>
      %lt3A_762 = arith.cmpi slt, %add3A_760, %lt3A : vector<8x1xi32>
      %and3A_763 = arith.andi %ge3A_761, %lt3A_762 : vector<8x1xi1>
      %jit3A_764 = arith.constant 0.000000e+00 : f32
      %broadcast_in_dim3A_765 = vector.shape_cast %and3A_763 : vector<8x1xi1> to vector<8x1xi1>
      %broadcast_in_dim3A_766 = vector.broadcast %broadcast_in_dim3A_765 : vector<8x1xi1> to vector<8x64xi1>
      %broadcast_in_dim3A_767 = vector.broadcast %jit3A_764 : f32 to vector<8x64xf32>
      %select_n3A_768 = arith.select %broadcast_in_dim3A_766, %get3A_758, %broadcast_in_dim3A_767 : vector<8x64xi1>, vector<8x64xf32>
      %add3A_769 = arith.addf %while3A_751, %select_n3A_768 : vector<8x64xf32>
      %jit3A_770 = arith.constant 0xFF800000 : f32
      %broadcast_in_dim3A_771 = vector.shape_cast %and3A_763 : vector<8x1xi1> to vector<8x1xi1>
      %broadcast_in_dim3A_772 = vector.broadcast %broadcast_in_dim3A_771 : vector<8x1xi1> to vector<8x64xi1>
      %broadcast_in_dim3A_773 = vector.broadcast %jit3A_770 : f32 to vector<8x64xf32>
      %select_n3A_774 = arith.select %broadcast_in_dim3A_772, %get3A_758, %broadcast_in_dim3A_773 : vector<8x64xi1>, vector<8x64xf32>
      %max3A_775 = arith.maximumf %while3A_752, %select_n3A_774 : vector<8x64xf32>
      scf.yield %add3A_769, %max3A_775 : vector<8x64xf32>, vector<8x64xf32>
    }
    %while3A_538 = arith.constant 1 : i32
    %while3A_539:2 = scf.for %while3A_750 = %while3A_535 to %while3A_531 step %while3A_538 iter_args(%while3A_751 = %while3A_537#0, %while3A_752 = %while3A_537#1) -> (vector<8x64xf32>, vector<8x64xf32>)  : i32 {
      %mul3A_753 = arith.constant 8 : i32
      %mul3A_754 = arith.muli %while3A_750, %mul3A_753 : i32
      %add3A_755 = arith.addi %mul3A_497, %mul3A_754 : i32
      %multiple_of3A = tpu.assume_multiple %add3A_755, 8 : i32
      %get3A_756 = arith.index_cast %multiple_of3A : i32 to index
      %get3A_757 = arith.constant 0 : index
      %get3A_758 = vector.load %arg2[%get3A_756, %get3A_757] : memref<10000x64xf32, #tpu.memory_space<vmem>>, vector<8x64xf32>
      %iota3A = tpu.iota {dimensions = array<i32: 0>} : vector<8x1xi32>
      %add3A_759 = vector.broadcast %add3A_755 : i32 to vector<8x1xi32>
      %add3A_760 = arith.addi %add3A_759, %iota3A : vector<8x1xi32>
      %ge3A = vector.broadcast %get3A_467 : i32 to vector<8x1xi32>
      %ge3A_761 = arith.cmpi sge, %add3A_760, %ge3A : vector<8x1xi32>
      %lt3A = vector.broadcast %get3A_471 : i32 to vector<8x1xi32>
      %lt3A_762 = arith.cmpi slt, %add3A_760, %lt3A : vector<8x1xi32>
      %and3A_763 = arith.andi %ge3A_761, %lt3A_762 : vector<8x1xi1>
      %jit3A_764 = arith.constant 0.000000e+00 : f32
      %broadcast_in_dim3A_765 = vector.shape_cast %and3A_763 : vector<8x1xi1> to vector<8x1xi1>
      %broadcast_in_dim3A_766 = vector.broadcast %broadcast_in_dim3A_765 : vector<8x1xi1> to vector<8x64xi1>
      %broadcast_in_dim3A_767 = vector.broadcast %jit3A_764 : f32 to vector<8x64xf32>
      %select_n3A_768 = arith.select %broadcast_in_dim3A_766, %get3A_758, %broadcast_in_dim3A_767 : vector<8x64xi1>, vector<8x64xf32>
      %add3A_769 = arith.addf %while3A_751, %select_n3A_768 : vector<8x64xf32>
      %jit3A_770 = arith.constant 0xFF800000 : f32
      %broadcast_in_dim3A_771 = vector.shape_cast %and3A_763 : vector<8x1xi1> to vector<8x1xi1>
      %broadcast_in_dim3A_772 = vector.broadcast %broadcast_in_dim3A_771 : vector<8x1xi1> to vector<8x64xi1>
      %broadcast_in_dim3A_773 = vector.broadcast %jit3A_770 : f32 to vector<8x64xf32>
      %select_n3A_774 = arith.select %broadcast_in_dim3A_772, %get3A_758, %broadcast_in_dim3A_773 : vector<8x64xi1>, vector<8x64xf32>
      %max3A_775 = arith.maximumf %while3A_752, %select_n3A_774 : vector<8x64xf32>
      scf.yield %add3A_769, %max3A_775 : vector<8x64xf32>, vector<8x64xf32>
    }
    %sub3A_540 = arith.subi %get3A_471, %get3A_467 : i32
    %convert_element_type3A_541 = arith.sitofp %sub3A_540 : i32 to f32
    %max3A_542 = arith.constant 1.000000e+00 : f32
    %max3A_543 = arith.maximumf %convert_element_type3A_541, %max3A_542 : f32
    %reduce_sum3A_544 = arith.constant dense<0.000000e+00> : vector<64xf32>
    %reduce_sum3A_545 = vector.multi_reduction <add>, %while3A_539#0, %reduce_sum3A_544 [0] : vector<8x64xf32> to vector<64xf32>
    %broadcast_in_dim3A_546 = vector.shape_cast %reduce_sum3A_545 : vector<64xf32> to vector<1x64xf32>
    %div3A_547 = vector.broadcast %max3A_543 : f32 to vector<1x64xf32>
    %div3A_548 = arith.divf %broadcast_in_dim3A_546, %div3A_547 : vector<1x64xf32>
    %swap3A_549 = arith.constant 5 : index
    %swap3A_550 = arith.constant 0 : index
    %swap3A_551 = vector.load %arg3[%swap3A_549, %swap3A_550] : memref<8x128xf32, #tpu.memory_space<vmem>>, vector<1x64xf32>
    tpu.vector_store %arg3[%swap3A_549, %swap3A_550], %div3A_548 {strides = array<i32>} : memref<8x128xf32, #tpu.memory_space<vmem>>, vector<1x64xf32>,
    %reduce_max3A_552 = arith.constant dense<0xFF800000> : vector<64xf32>
    %reduce_max3A_553 = vector.multi_reduction <maximumf>, %while3A_539#1, %reduce_max3A_552 [0] : vector<8x64xf32> to vector<64xf32>
    %broadcast_in_dim3A_554 = vector.shape_cast %reduce_max3A_553 : vector<64xf32> to vector<1x64xf32>
    %swap3A_555 = arith.constant 5 : index
    %swap3A_556 = arith.constant 64 : index
    %swap3A_557 = vector.load %arg3[%swap3A_555, %swap3A_556] : memref<8x128xf32, #tpu.memory_space<vmem>>, vector<1x64xf32>
    tpu.vector_store %arg3[%swap3A_555, %swap3A_556], %broadcast_in_dim3A_554 {strides = array<i32>} : memref<8x128xf32, #tpu.memory_space<vmem>>, vector<1x64xf32>,
    %mul3A_558 = arith.constant 8 : i32
    %mul3A_559 = arith.muli %arg0, %mul3A_558 : i32
    %add3A_560 = arith.constant 6 : i32
    %add3A_561 = arith.addi %mul3A_559, %add3A_560 : i32
    %get3A_562 = arith.index_cast %add3A_561 : i32 to index
    %get3A_563 = memref.load %arg1[%get3A_562] : memref<257xi32, #tpu.memory_space<smem>>
    %add3A_564 = arith.constant 1 : i32
    %add3A_565 = arith.addi %add3A_561, %add3A_564 : i32
    %get3A_566 = arith.index_cast %add3A_565 : i32 to index
    %get3A_567 = memref.load %arg1[%get3A_566] : memref<257xi32, #tpu.memory_space<smem>>
    %jit3A_568 = arith.constant 8 : i32
    %div3A_569 = arith.divsi %get3A_563, %jit3A_568 : i32
    %sign3A_570 = arith.constant 0 : i32
    %sign3A_571 = arith.cmpi sgt, %get3A_563, %sign3A_570 : i32
    %sign3A_572 = arith.extui %sign3A_571 : i1 to i32
    %sign3A_573 = arith.constant 0 : i32
    %sign3A_574 = arith.cmpi slt, %get3A_563, %sign3A_573 : i32
    %sign3A_575 = arith.extui %sign3A_574 : i1 to i32
    %sign3A_576 = arith.subi %sign3A_572, %sign3A_575 : i32
    %sign3A_577 = arith.constant 0 : i32
    %sign3A_578 = arith.cmpi sgt, %jit3A_568, %sign3A_577 : i32
    %sign3A_579 = arith.extui %sign3A_578 : i1 to i32
    %sign3A_580 = arith.constant 0 : i32
    %sign3A_581 = arith.cmpi slt, %jit3A_568, %sign3A_580 : i32
    %sign3A_582 = arith.extui %sign3A_581 : i1 to i32
    %sign3A_583 = arith.subi %sign3A_579, %sign3A_582 : i32
    %ne3A_584 = arith.cmpi ne, %sign3A_576, %sign3A_583 : i32
    %rem3A_585 = arith.remsi %get3A_563, %jit3A_568 : i32
    %ne3A_586 = arith.constant 0 : i32
    %ne3A_587 = arith.cmpi ne, %rem3A_585, %ne3A_586 : i32
    %and3A_588 = arith.andi %ne3A_584, %ne3A_587 : i1
    %sub3A_589 = arith.constant 1 : i32
    %sub3A_590 = arith.subi %div3A_569, %sub3A_589 : i32
    %select_n3A_591 = arith.select %and3A_588, %sub3A_590, %div3A_569 : i32
    %mul3A_592 = arith.constant 8 : i32
    %mul3A_593 = arith.muli %select_n3A_591, %mul3A_592 : i32
    %sub3A_594 = arith.subi %get3A_567, %mul3A_593 : i32
    %add3A_595 = arith.constant 7 : i32
    %add3A_596 = arith.addi %sub3A_594, %add3A_595 : i32
    %jit3A_597 = arith.constant 8 : i32
    %div3A_598 = arith.divsi %add3A_596, %jit3A_597 : i32
    %sign3A_599 = arith.constant 0 : i32
    %sign3A_600 = arith.cmpi sgt, %add3A_596, %sign3A_599 : i32
    %sign3A_601 = arith.extui %sign3A_600 : i1 to i32
    %sign3A_602 = arith.constant 0 : i32
    %sign3A_603 = arith.cmpi slt, %add3A_596, %sign3A_602 : i32
    %sign3A_604 = arith.extui %sign3A_603 : i1 to i32
    %sign3A_605 = arith.subi %sign3A_601, %sign3A_604 : i32
    %sign3A_606 = arith.constant 0 : i32
    %sign3A_607 = arith.cmpi sgt, %jit3A_597, %sign3A_606 : i32
    %sign3A_608 = arith.extui %sign3A_607 : i1 to i32
    %sign3A_609 = arith.constant 0 : i32
    %sign3A_610 = arith.cmpi slt, %jit3A_597, %sign3A_609 : i32
    %sign3A_611 = arith.extui %sign3A_610 : i1 to i32
    %sign3A_612 = arith.subi %sign3A_608, %sign3A_611 : i32
    %ne3A_613 = arith.cmpi ne, %sign3A_605, %sign3A_612 : i32
    %rem3A_614 = arith.remsi %add3A_596, %jit3A_597 : i32
    %ne3A_615 = arith.constant 0 : i32
    %ne3A_616 = arith.cmpi ne, %rem3A_614, %ne3A_615 : i32
    %and3A_617 = arith.andi %ne3A_613, %ne3A_616 : i1
    %sub3A_618 = arith.constant 1 : i32
    %sub3A_619 = arith.subi %div3A_598, %sub3A_618 : i32
    %select_n3A_620 = arith.select %and3A_617, %sub3A_619, %div3A_598 : i32
    %broadcast_in_dim3A_621 = arith.constant 0.000000e+00 : f32
    %broadcast_in_dim3A_622 = vector.broadcast %broadcast_in_dim3A_621 : f32 to vector<8x64xf32>
    %broadcast_in_dim3A_623 = arith.constant 0xFF800000 : f32
    %broadcast_in_dim3A_624 = vector.broadcast %broadcast_in_dim3A_623 : f32 to vector<8x64xf32>
    %while3A_625 = arith.constant 0 : i32
    %while3A_626 = arith.subi %select_n3A_620, %while3A_625 : i32
    %while3A_627 = arith.addi %while3A_625, %while3A_626 : i32
    %while3A_628 = arith.constant 1 : i32
    %while3A_629 = arith.divsi %while3A_626, %while3A_628 : i32
    %while3A_630 = arith.muli %while3A_629, %while3A_628 : i32
    %while3A_631 = arith.addi %while3A_625, %while3A_630 : i32
    %while3A_632 = arith.constant 1 : i32
    %while3A_633:2 = scf.for %while3A_750 = %while3A_625 to %while3A_631 step %while3A_632 iter_args(%while3A_751 = %broadcast_in_dim3A_622, %while3A_752 = %broadcast_in_dim3A_624) -> (vector<8x64xf32>, vector<8x64xf32>)  : i32 {
      %mul3A_753 = arith.constant 8 : i32
      %mul3A_754 = arith.muli %while3A_750, %mul3A_753 : i32
      %add3A_755 = arith.addi %mul3A_593, %mul3A_754 : i32
      %multiple_of3A = tpu.assume_multiple %add3A_755, 8 : i32
      %get3A_756 = arith.index_cast %multiple_of3A : i32 to index
      %get3A_757 = arith.constant 0 : index
      %get3A_758 = vector.load %arg2[%get3A_756, %get3A_757] : memref<10000x64xf32, #tpu.memory_space<vmem>>, vector<8x64xf32>
      %iota3A = tpu.iota {dimensions = array<i32: 0>} : vector<8x1xi32>
      %add3A_759 = vector.broadcast %add3A_755 : i32 to vector<8x1xi32>
      %add3A_760 = arith.addi %add3A_759, %iota3A : vector<8x1xi32>
      %ge3A = vector.broadcast %get3A_563 : i32 to vector<8x1xi32>
      %ge3A_761 = arith.cmpi sge, %add3A_760, %ge3A : vector<8x1xi32>
      %lt3A = vector.broadcast %get3A_567 : i32 to vector<8x1xi32>
      %lt3A_762 = arith.cmpi slt, %add3A_760, %lt3A : vector<8x1xi32>
      %and3A_763 = arith.andi %ge3A_761, %lt3A_762 : vector<8x1xi1>
      %jit3A_764 = arith.constant 0.000000e+00 : f32
      %broadcast_in_dim3A_765 = vector.shape_cast %and3A_763 : vector<8x1xi1> to vector<8x1xi1>
      %broadcast_in_dim3A_766 = vector.broadcast %broadcast_in_dim3A_765 : vector<8x1xi1> to vector<8x64xi1>
      %broadcast_in_dim3A_767 = vector.broadcast %jit3A_764 : f32 to vector<8x64xf32>
      %select_n3A_768 = arith.select %broadcast_in_dim3A_766, %get3A_758, %broadcast_in_dim3A_767 : vector<8x64xi1>, vector<8x64xf32>
      %add3A_769 = arith.addf %while3A_751, %select_n3A_768 : vector<8x64xf32>
      %jit3A_770 = arith.constant 0xFF800000 : f32
      %broadcast_in_dim3A_771 = vector.shape_cast %and3A_763 : vector<8x1xi1> to vector<8x1xi1>
      %broadcast_in_dim3A_772 = vector.broadcast %broadcast_in_dim3A_771 : vector<8x1xi1> to vector<8x64xi1>
      %broadcast_in_dim3A_773 = vector.broadcast %jit3A_770 : f32 to vector<8x64xf32>
      %select_n3A_774 = arith.select %broadcast_in_dim3A_772, %get3A_758, %broadcast_in_dim3A_773 : vector<8x64xi1>, vector<8x64xf32>
      %max3A_775 = arith.maximumf %while3A_752, %select_n3A_774 : vector<8x64xf32>
      scf.yield %add3A_769, %max3A_775 : vector<8x64xf32>, vector<8x64xf32>
    }
    %while3A_634 = arith.constant 1 : i32
    %while3A_635:2 = scf.for %while3A_750 = %while3A_631 to %while3A_627 step %while3A_634 iter_args(%while3A_751 = %while3A_633#0, %while3A_752 = %while3A_633#1) -> (vector<8x64xf32>, vector<8x64xf32>)  : i32 {
      %mul3A_753 = arith.constant 8 : i32
      %mul3A_754 = arith.muli %while3A_750, %mul3A_753 : i32
      %add3A_755 = arith.addi %mul3A_593, %mul3A_754 : i32
      %multiple_of3A = tpu.assume_multiple %add3A_755, 8 : i32
      %get3A_756 = arith.index_cast %multiple_of3A : i32 to index
      %get3A_757 = arith.constant 0 : index
      %get3A_758 = vector.load %arg2[%get3A_756, %get3A_757] : memref<10000x64xf32, #tpu.memory_space<vmem>>, vector<8x64xf32>
      %iota3A = tpu.iota {dimensions = array<i32: 0>} : vector<8x1xi32>
      %add3A_759 = vector.broadcast %add3A_755 : i32 to vector<8x1xi32>
      %add3A_760 = arith.addi %add3A_759, %iota3A : vector<8x1xi32>
      %ge3A = vector.broadcast %get3A_563 : i32 to vector<8x1xi32>
      %ge3A_761 = arith.cmpi sge, %add3A_760, %ge3A : vector<8x1xi32>
      %lt3A = vector.broadcast %get3A_567 : i32 to vector<8x1xi32>
      %lt3A_762 = arith.cmpi slt, %add3A_760, %lt3A : vector<8x1xi32>
      %and3A_763 = arith.andi %ge3A_761, %lt3A_762 : vector<8x1xi1>
      %jit3A_764 = arith.constant 0.000000e+00 : f32
      %broadcast_in_dim3A_765 = vector.shape_cast %and3A_763 : vector<8x1xi1> to vector<8x1xi1>
      %broadcast_in_dim3A_766 = vector.broadcast %broadcast_in_dim3A_765 : vector<8x1xi1> to vector<8x64xi1>
      %broadcast_in_dim3A_767 = vector.broadcast %jit3A_764 : f32 to vector<8x64xf32>
      %select_n3A_768 = arith.select %broadcast_in_dim3A_766, %get3A_758, %broadcast_in_dim3A_767 : vector<8x64xi1>, vector<8x64xf32>
      %add3A_769 = arith.addf %while3A_751, %select_n3A_768 : vector<8x64xf32>
      %jit3A_770 = arith.constant 0xFF800000 : f32
      %broadcast_in_dim3A_771 = vector.shape_cast %and3A_763 : vector<8x1xi1> to vector<8x1xi1>
      %broadcast_in_dim3A_772 = vector.broadcast %broadcast_in_dim3A_771 : vector<8x1xi1> to vector<8x64xi1>
      %broadcast_in_dim3A_773 = vector.broadcast %jit3A_770 : f32 to vector<8x64xf32>
      %select_n3A_774 = arith.select %broadcast_in_dim3A_772, %get3A_758, %broadcast_in_dim3A_773 : vector<8x64xi1>, vector<8x64xf32>
      %max3A_775 = arith.maximumf %while3A_752, %select_n3A_774 : vector<8x64xf32>
      scf.yield %add3A_769, %max3A_775 : vector<8x64xf32>, vector<8x64xf32>
    }
    %sub3A_636 = arith.subi %get3A_567, %get3A_563 : i32
    %convert_element_type3A_637 = arith.sitofp %sub3A_636 : i32 to f32
    %max3A_638 = arith.constant 1.000000e+00 : f32
    %max3A_639 = arith.maximumf %convert_element_type3A_637, %max3A_638 : f32
    %reduce_sum3A_640 = arith.constant dense<0.000000e+00> : vector<64xf32>
    %reduce_sum3A_641 = vector.multi_reduction <add>, %while3A_635#0, %reduce_sum3A_640 [0] : vector<8x64xf32> to vector<64xf32>
    %broadcast_in_dim3A_642 = vector.shape_cast %reduce_sum3A_641 : vector<64xf32> to vector<1x64xf32>
    %div3A_643 = vector.broadcast %max3A_639 : f32 to vector<1x64xf32>
    %div3A_644 = arith.divf %broadcast_in_dim3A_642, %div3A_643 : vector<1x64xf32>
    %swap3A_645 = arith.constant 6 : index
    %swap3A_646 = arith.constant 0 : index
    %swap3A_647 = vector.load %arg3[%swap3A_645, %swap3A_646] : memref<8x128xf32, #tpu.memory_space<vmem>>, vector<1x64xf32>
    tpu.vector_store %arg3[%swap3A_645, %swap3A_646], %div3A_644 {strides = array<i32>} : memref<8x128xf32, #tpu.memory_space<vmem>>, vector<1x64xf32>,
    %reduce_max3A_648 = arith.constant dense<0xFF800000> : vector<64xf32>
    %reduce_max3A_649 = vector.multi_reduction <maximumf>, %while3A_635#1, %reduce_max3A_648 [0] : vector<8x64xf32> to vector<64xf32>
    %broadcast_in_dim3A_650 = vector.shape_cast %reduce_max3A_649 : vector<64xf32> to vector<1x64xf32>
    %swap3A_651 = arith.constant 6 : index
    %swap3A_652 = arith.constant 64 : index
    %swap3A_653 = vector.load %arg3[%swap3A_651, %swap3A_652] : memref<8x128xf32, #tpu.memory_space<vmem>>, vector<1x64xf32>
    tpu.vector_store %arg3[%swap3A_651, %swap3A_652], %broadcast_in_dim3A_650 {strides = array<i32>} : memref<8x128xf32, #tpu.memory_space<vmem>>, vector<1x64xf32>,
    %mul3A_654 = arith.constant 8 : i32
    %mul3A_655 = arith.muli %arg0, %mul3A_654 : i32
    %add3A_656 = arith.constant 7 : i32
    %add3A_657 = arith.addi %mul3A_655, %add3A_656 : i32
    %get3A_658 = arith.index_cast %add3A_657 : i32 to index
    %get3A_659 = memref.load %arg1[%get3A_658] : memref<257xi32, #tpu.memory_space<smem>>
    %add3A_660 = arith.constant 1 : i32
    %add3A_661 = arith.addi %add3A_657, %add3A_660 : i32
    %get3A_662 = arith.index_cast %add3A_661 : i32 to index
    %get3A_663 = memref.load %arg1[%get3A_662] : memref<257xi32, #tpu.memory_space<smem>>
    %jit3A_664 = arith.constant 8 : i32
    %div3A_665 = arith.divsi %get3A_659, %jit3A_664 : i32
    %sign3A_666 = arith.constant 0 : i32
    %sign3A_667 = arith.cmpi sgt, %get3A_659, %sign3A_666 : i32
    %sign3A_668 = arith.extui %sign3A_667 : i1 to i32
    %sign3A_669 = arith.constant 0 : i32
    %sign3A_670 = arith.cmpi slt, %get3A_659, %sign3A_669 : i32
    %sign3A_671 = arith.extui %sign3A_670 : i1 to i32
    %sign3A_672 = arith.subi %sign3A_668, %sign3A_671 : i32
    %sign3A_673 = arith.constant 0 : i32
    %sign3A_674 = arith.cmpi sgt, %jit3A_664, %sign3A_673 : i32
    %sign3A_675 = arith.extui %sign3A_674 : i1 to i32
    %sign3A_676 = arith.constant 0 : i32
    %sign3A_677 = arith.cmpi slt, %jit3A_664, %sign3A_676 : i32
    %sign3A_678 = arith.extui %sign3A_677 : i1 to i32
    %sign3A_679 = arith.subi %sign3A_675, %sign3A_678 : i32
    %ne3A_680 = arith.cmpi ne, %sign3A_672, %sign3A_679 : i32
    %rem3A_681 = arith.remsi %get3A_659, %jit3A_664 : i32
    %ne3A_682 = arith.constant 0 : i32
    %ne3A_683 = arith.cmpi ne, %rem3A_681, %ne3A_682 : i32
    %and3A_684 = arith.andi %ne3A_680, %ne3A_683 : i1
    %sub3A_685 = arith.constant 1 : i32
    %sub3A_686 = arith.subi %div3A_665, %sub3A_685 : i32
    %select_n3A_687 = arith.select %and3A_684, %sub3A_686, %div3A_665 : i32
    %mul3A_688 = arith.constant 8 : i32
    %mul3A_689 = arith.muli %select_n3A_687, %mul3A_688 : i32
    %sub3A_690 = arith.subi %get3A_663, %mul3A_689 : i32
    %add3A_691 = arith.constant 7 : i32
    %add3A_692 = arith.addi %sub3A_690, %add3A_691 : i32
    %jit3A_693 = arith.constant 8 : i32
    %div3A_694 = arith.divsi %add3A_692, %jit3A_693 : i32
    %sign3A_695 = arith.constant 0 : i32
    %sign3A_696 = arith.cmpi sgt, %add3A_692, %sign3A_695 : i32
    %sign3A_697 = arith.extui %sign3A_696 : i1 to i32
    %sign3A_698 = arith.constant 0 : i32
    %sign3A_699 = arith.cmpi slt, %add3A_692, %sign3A_698 : i32
    %sign3A_700 = arith.extui %sign3A_699 : i1 to i32
    %sign3A_701 = arith.subi %sign3A_697, %sign3A_700 : i32
    %sign3A_702 = arith.constant 0 : i32
    %sign3A_703 = arith.cmpi sgt, %jit3A_693, %sign3A_702 : i32
    %sign3A_704 = arith.extui %sign3A_703 : i1 to i32
    %sign3A_705 = arith.constant 0 : i32
    %sign3A_706 = arith.cmpi slt, %jit3A_693, %sign3A_705 : i32
    %sign3A_707 = arith.extui %sign3A_706 : i1 to i32
    %sign3A_708 = arith.subi %sign3A_704, %sign3A_707 : i32
    %ne3A_709 = arith.cmpi ne, %sign3A_701, %sign3A_708 : i32
    %rem3A_710 = arith.remsi %add3A_692, %jit3A_693 : i32
    %ne3A_711 = arith.constant 0 : i32
    %ne3A_712 = arith.cmpi ne, %rem3A_710, %ne3A_711 : i32
    %and3A_713 = arith.andi %ne3A_709, %ne3A_712 : i1
    %sub3A_714 = arith.constant 1 : i32
    %sub3A_715 = arith.subi %div3A_694, %sub3A_714 : i32
    %select_n3A_716 = arith.select %and3A_713, %sub3A_715, %div3A_694 : i32
    %broadcast_in_dim3A_717 = arith.constant 0.000000e+00 : f32
    %broadcast_in_dim3A_718 = vector.broadcast %broadcast_in_dim3A_717 : f32 to vector<8x64xf32>
    %broadcast_in_dim3A_719 = arith.constant 0xFF800000 : f32
    %broadcast_in_dim3A_720 = vector.broadcast %broadcast_in_dim3A_719 : f32 to vector<8x64xf32>
    %while3A_721 = arith.constant 0 : i32
    %while3A_722 = arith.subi %select_n3A_716, %while3A_721 : i32
    %while3A_723 = arith.addi %while3A_721, %while3A_722 : i32
    %while3A_724 = arith.constant 1 : i32
    %while3A_725 = arith.divsi %while3A_722, %while3A_724 : i32
    %while3A_726 = arith.muli %while3A_725, %while3A_724 : i32
    %while3A_727 = arith.addi %while3A_721, %while3A_726 : i32
    %while3A_728 = arith.constant 1 : i32
    %while3A_729:2 = scf.for %while3A_750 = %while3A_721 to %while3A_727 step %while3A_728 iter_args(%while3A_751 = %broadcast_in_dim3A_718, %while3A_752 = %broadcast_in_dim3A_720) -> (vector<8x64xf32>, vector<8x64xf32>)  : i32 {
      %mul3A_753 = arith.constant 8 : i32
      %mul3A_754 = arith.muli %while3A_750, %mul3A_753 : i32
      %add3A_755 = arith.addi %mul3A_689, %mul3A_754 : i32
      %multiple_of3A = tpu.assume_multiple %add3A_755, 8 : i32
      %get3A_756 = arith.index_cast %multiple_of3A : i32 to index
      %get3A_757 = arith.constant 0 : index
      %get3A_758 = vector.load %arg2[%get3A_756, %get3A_757] : memref<10000x64xf32, #tpu.memory_space<vmem>>, vector<8x64xf32>
      %iota3A = tpu.iota {dimensions = array<i32: 0>} : vector<8x1xi32>
      %add3A_759 = vector.broadcast %add3A_755 : i32 to vector<8x1xi32>
      %add3A_760 = arith.addi %add3A_759, %iota3A : vector<8x1xi32>
      %ge3A = vector.broadcast %get3A_659 : i32 to vector<8x1xi32>
      %ge3A_761 = arith.cmpi sge, %add3A_760, %ge3A : vector<8x1xi32>
      %lt3A = vector.broadcast %get3A_663 : i32 to vector<8x1xi32>
      %lt3A_762 = arith.cmpi slt, %add3A_760, %lt3A : vector<8x1xi32>
      %and3A_763 = arith.andi %ge3A_761, %lt3A_762 : vector<8x1xi1>
      %jit3A_764 = arith.constant 0.000000e+00 : f32
      %broadcast_in_dim3A_765 = vector.shape_cast %and3A_763 : vector<8x1xi1> to vector<8x1xi1>
      %broadcast_in_dim3A_766 = vector.broadcast %broadcast_in_dim3A_765 : vector<8x1xi1> to vector<8x64xi1>
      %broadcast_in_dim3A_767 = vector.broadcast %jit3A_764 : f32 to vector<8x64xf32>
      %select_n3A_768 = arith.select %broadcast_in_dim3A_766, %get3A_758, %broadcast_in_dim3A_767 : vector<8x64xi1>, vector<8x64xf32>
      %add3A_769 = arith.addf %while3A_751, %select_n3A_768 : vector<8x64xf32>
      %jit3A_770 = arith.constant 0xFF800000 : f32
      %broadcast_in_dim3A_771 = vector.shape_cast %and3A_763 : vector<8x1xi1> to vector<8x1xi1>
      %broadcast_in_dim3A_772 = vector.broadcast %broadcast_in_dim3A_771 : vector<8x1xi1> to vector<8x64xi1>
      %broadcast_in_dim3A_773 = vector.broadcast %jit3A_770 : f32 to vector<8x64xf32>
      %select_n3A_774 = arith.select %broadcast_in_dim3A_772, %get3A_758, %broadcast_in_dim3A_773 : vector<8x64xi1>, vector<8x64xf32>
      %max3A_775 = arith.maximumf %while3A_752, %select_n3A_774 : vector<8x64xf32>
      scf.yield %add3A_769, %max3A_775 : vector<8x64xf32>, vector<8x64xf32>
    }
    %while3A_730 = arith.constant 1 : i32
    %while3A_731:2 = scf.for %while3A_750 = %while3A_727 to %while3A_723 step %while3A_730 iter_args(%while3A_751 = %while3A_729#0, %while3A_752 = %while3A_729#1) -> (vector<8x64xf32>, vector<8x64xf32>)  : i32 {
      %mul3A_753 = arith.constant 8 : i32
      %mul3A_754 = arith.muli %while3A_750, %mul3A_753 : i32
      %add3A_755 = arith.addi %mul3A_689, %mul3A_754 : i32
      %multiple_of3A = tpu.assume_multiple %add3A_755, 8 : i32
      %get3A_756 = arith.index_cast %multiple_of3A : i32 to index
      %get3A_757 = arith.constant 0 : index
      %get3A_758 = vector.load %arg2[%get3A_756, %get3A_757] : memref<10000x64xf32, #tpu.memory_space<vmem>>, vector<8x64xf32>
      %iota3A = tpu.iota {dimensions = array<i32: 0>} : vector<8x1xi32>
      %add3A_759 = vector.broadcast %add3A_755 : i32 to vector<8x1xi32>
      %add3A_760 = arith.addi %add3A_759, %iota3A : vector<8x1xi32>
      %ge3A = vector.broadcast %get3A_659 : i32 to vector<8x1xi32>
      %ge3A_761 = arith.cmpi sge, %add3A_760, %ge3A : vector<8x1xi32>
      %lt3A = vector.broadcast %get3A_663 : i32 to vector<8x1xi32>
      %lt3A_762 = arith.cmpi slt, %add3A_760, %lt3A : vector<8x1xi32>
      %and3A_763 = arith.andi %ge3A_761, %lt3A_762 : vector<8x1xi1>
      %jit3A_764 = arith.constant 0.000000e+00 : f32
      %broadcast_in_dim3A_765 = vector.shape_cast %and3A_763 : vector<8x1xi1> to vector<8x1xi1>
      %broadcast_in_dim3A_766 = vector.broadcast %broadcast_in_dim3A_765 : vector<8x1xi1> to vector<8x64xi1>
      %broadcast_in_dim3A_767 = vector.broadcast %jit3A_764 : f32 to vector<8x64xf32>
      %select_n3A_768 = arith.select %broadcast_in_dim3A_766, %get3A_758, %broadcast_in_dim3A_767 : vector<8x64xi1>, vector<8x64xf32>
      %add3A_769 = arith.addf %while3A_751, %select_n3A_768 : vector<8x64xf32>
      %jit3A_770 = arith.constant 0xFF800000 : f32
      %broadcast_in_dim3A_771 = vector.shape_cast %and3A_763 : vector<8x1xi1> to vector<8x1xi1>
      %broadcast_in_dim3A_772 = vector.broadcast %broadcast_in_dim3A_771 : vector<8x1xi1> to vector<8x64xi1>
      %broadcast_in_dim3A_773 = vector.broadcast %jit3A_770 : f32 to vector<8x64xf32>
      %select_n3A_774 = arith.select %broadcast_in_dim3A_772, %get3A_758, %broadcast_in_dim3A_773 : vector<8x64xi1>, vector<8x64xf32>
      %max3A_775 = arith.maximumf %while3A_752, %select_n3A_774 : vector<8x64xf32>
      scf.yield %add3A_769, %max3A_775 : vector<8x64xf32>, vector<8x64xf32>
    }
    %sub3A_732 = arith.subi %get3A_663, %get3A_659 : i32
    %convert_element_type3A_733 = arith.sitofp %sub3A_732 : i32 to f32
    %max3A_734 = arith.constant 1.000000e+00 : f32
    %max3A_735 = arith.maximumf %convert_element_type3A_733, %max3A_734 : f32
    %reduce_sum3A_736 = arith.constant dense<0.000000e+00> : vector<64xf32>
    %reduce_sum3A_737 = vector.multi_reduction <add>, %while3A_731#0, %reduce_sum3A_736 [0] : vector<8x64xf32> to vector<64xf32>
    %broadcast_in_dim3A_738 = vector.shape_cast %reduce_sum3A_737 : vector<64xf32> to vector<1x64xf32>
    %div3A_739 = vector.broadcast %max3A_735 : f32 to vector<1x64xf32>
    %div3A_740 = arith.divf %broadcast_in_dim3A_738, %div3A_739 : vector<1x64xf32>
    %swap3A_741 = arith.constant 7 : index
    %swap3A_742 = arith.constant 0 : index
    %swap3A_743 = vector.load %arg3[%swap3A_741, %swap3A_742] : memref<8x128xf32, #tpu.memory_space<vmem>>, vector<1x64xf32>
    tpu.vector_store %arg3[%swap3A_741, %swap3A_742], %div3A_740 {strides = array<i32>} : memref<8x128xf32, #tpu.memory_space<vmem>>, vector<1x64xf32>,
    %reduce_max3A_744 = arith.constant dense<0xFF800000> : vector<64xf32>
    %reduce_max3A_745 = vector.multi_reduction <maximumf>, %while3A_731#1, %reduce_max3A_744 [0] : vector<8x64xf32> to vector<64xf32>
    %broadcast_in_dim3A_746 = vector.shape_cast %reduce_max3A_745 : vector<64xf32> to vector<1x64xf32>
    %swap3A_747 = arith.constant 7 : index
    %swap3A_748 = arith.constant 64 : index
    %swap3A_749 = vector.load %arg3[%swap3A_747, %swap3A_748] : memref<8x128xf32, #tpu.memory_space<vmem>>, vector<1x64xf32>
    tpu.vector_store %arg3[%swap3A_747, %swap3A_748], %broadcast_in_dim3A_746 {strides = array<i32>} : memref<8x128xf32, #tpu.memory_space<vmem>>, vector<1x64xf32>,
    return
  }
  func.func @transform_0(%arg0: i32) -> i32 {
    %c0_i32 = arith.constant 0 : i32
    %c0_i32_0 = arith.constant 0 : i32
    return %c0_i32 : i32
  }
  func.func @transform_1(%arg0: i32) -> (i32, i32) {
    %c0_i32 = arith.constant 0 : i32
    %c0_i32_0 = arith.constant 0 : i32
    %c0_i32_1 = arith.constant 0 : i32
    return %c0_i32, %c0_i32_0 : i32, i32
  }
  func.func @transform_2(%arg0: i32) -> (i32, i32) {
    %c0_i32 = arith.constant 0 : i32
    %c0_i32_0 = arith.constant 0 : i32
    return %arg0, %c0_i32 : i32, i32
  }
}

module attributes {stable_mosaic.version = 14 : i64} {
  func.func @_kfinal_body(%arg0: i32, %arg1: memref<2x1000x64xf32, #tpu.memory_space<vmem>>, %arg2: memref<1000x64xf32, #tpu.memory_space<vmem>>, %arg3: memref<1000x16xf32, #tpu.memory_space<vmem>>, %arg4: memref<1x64xf32, #tpu.memory_space<vmem>>, %arg5: memref<1000x64xf32, #tpu.memory_space<vmem>>) attributes {dimension_semantics = [#tpu.dimension_semantics<arbitrary>], iteration_bounds = array<i64: 10>, scalar_prefetch = 0 : i64, scratch_operands = 0 : i64, tpu.core_type = #tpu.core_type<tc>, window_params = [{transform_indices = @transform_0, window_bounds = array<i64: 2, 1000, 64>}, {transform_indices = @transform_1, window_bounds = array<i64: 1000, 64>}, {transform_indices = @transform_2, window_bounds = array<i64: 1000, 16>}, {pipeline_mode = #tpu.pipeline_mode<synchronous>, transform_indices = @transform_3, window_bounds = array<i64: 1, 64>}, {transform_indices = @transform_4, window_bounds = array<i64: 1000, 64>}]} {
    %get3A = arith.constant 0 : index
    %get3A_0 = arith.constant 0 : index
    %get3A_1 = vector.load %arg3[%get3A, %get3A_0] : memref<1000x16xf32, #tpu.memory_space<vmem>>, vector<1000x1xf32>
    %get3A_2 = arith.constant 0 : index
    %get3A_3 = arith.constant 0 : index
    %get3A_4 = arith.constant 0 : index
    %get3A_5 = vector.load %arg1[%get3A_2, %get3A_3, %get3A_4] : memref<2x1000x64xf32, #tpu.memory_space<vmem>>, vector<1x1000x64xf32>
    %get3A_6 = vector.shape_cast %get3A_5 : vector<1x1000x64xf32> to vector<1000x64xf32>
    %get3A_7 = arith.constant 1 : index
    %get3A_8 = arith.constant 0 : index
    %get3A_9 = arith.constant 0 : index
    %get3A_10 = vector.load %arg1[%get3A_7, %get3A_8, %get3A_9] : memref<2x1000x64xf32, #tpu.memory_space<vmem>>, vector<1x1000x64xf32>
    %get3A_11 = vector.shape_cast %get3A_10 : vector<1x1000x64xf32> to vector<1000x64xf32>
    %add3A = arith.addf %get3A_6, %get3A_11 : vector<1000x64xf32>
    %get3A_12 = arith.constant 0 : index
    %get3A_13 = arith.constant 0 : index
    %get3A_14 = vector.load %arg2[%get3A_12, %get3A_13] : memref<1000x64xf32, #tpu.memory_space<vmem>>, vector<1000x64xf32>
    %add3A_15 = arith.addf %add3A, %get3A_14 : vector<1000x64xf32>
    %mul3A = vector.broadcast %get3A_1 : vector<1000x1xf32> to vector<1000x64xf32>
    %mul3A_16 = arith.mulf %mul3A, %add3A_15 : vector<1000x64xf32>
    %get3A_17 = arith.constant 0 : index
    %get3A_18 = arith.constant 0 : index
    %get3A_19 = vector.load %arg4[%get3A_17, %get3A_18] : memref<1x64xf32, #tpu.memory_space<vmem>>, vector<1x64xf32>
    %add3A_20 = vector.broadcast %get3A_19 : vector<1x64xf32> to vector<1000x64xf32>
    %add3A_21 = arith.addf %mul3A_16, %add3A_20 : vector<1000x64xf32>
    %max3A = arith.constant 0.000000e+00 : f32
    %max3A_22 = vector.broadcast %max3A : f32 to vector<1000x64xf32>
    %max3A_23 = arith.maximumf %add3A_21, %max3A_22 : vector<1000x64xf32>
    %swap3A = arith.constant 0 : index
    %swap3A_24 = arith.constant 0 : index
    %swap3A_25 = vector.load %arg5[%swap3A, %swap3A_24] : memref<1000x64xf32, #tpu.memory_space<vmem>>, vector<1000x64xf32>
    tpu.vector_store %arg5[%swap3A, %swap3A_24], %max3A_23 {strides = array<i32>} : memref<1000x64xf32, #tpu.memory_space<vmem>>, vector<1000x64xf32>,
    return
  }
  func.func @transform_0(%arg0: i32) -> (i32, i32, i32) {
    %c0_i32 = arith.constant 0 : i32
    %c0_i32_0 = arith.constant 0 : i32
    %c0_i32_1 = arith.constant 0 : i32
    return %c0_i32, %arg0, %c0_i32_0 : i32, i32, i32
  }
  func.func @transform_1(%arg0: i32) -> (i32, i32) {
    %c0_i32 = arith.constant 0 : i32
    %c0_i32_0 = arith.constant 0 : i32
    return %arg0, %c0_i32 : i32, i32
  }
  func.func @transform_2(%arg0: i32) -> (i32, i32) {
    %c0_i32 = arith.constant 0 : i32
    %c0_i32_0 = arith.constant 0 : i32
    return %arg0, %c0_i32 : i32, i32
  }
  func.func @transform_3(%arg0: i32) -> (i32, i32) {
    %c0_i32 = arith.constant 0 : i32
    %c0_i32_0 = arith.constant 0 : i32
    %c0_i32_1 = arith.constant 0 : i32
    return %c0_i32, %c0_i32_0 : i32, i32
  }
  func.func @transform_4(%arg0: i32) -> (i32, i32) {
    %c0_i32 = arith.constant 0 : i32
    %c0_i32_0 = arith.constant 0 : i32
    return %arg0, %c0_i32 : i32, i32
  }
}

module attributes {stable_mosaic.version = 14 : i64} {
  func.func @_kmlp_body(%arg0: memref<256x128xf32, #tpu.memory_space<vmem>>, %arg1: memref<128x64xf32, #tpu.memory_space<vmem>>, %arg2: memref<1x64xf32, #tpu.memory_space<vmem>>, %arg3: memref<1x64xf32, #tpu.memory_space<vmem>>, %arg4: memref<1x64xf32, #tpu.memory_space<vmem>>, %arg5: memref<64x32xf32, #tpu.memory_space<vmem>>, %arg6: memref<1x32xf32, #tpu.memory_space<vmem>>, %arg7: memref<1x32xf32, #tpu.memory_space<vmem>>, %arg8: memref<1x32xf32, #tpu.memory_space<vmem>>, %arg9: memref<32x5xf32, #tpu.memory_space<vmem>>, %arg10: memref<1x5xf32, #tpu.memory_space<vmem>>, %arg11: memref<256x5xf32, #tpu.memory_space<vmem>>) attributes {dimension_semantics = [], scalar_prefetch = 0 : i64, scratch_operands = 0 : i64, tpu.core_type = #tpu.core_type<tc>} {
    %get3A = arith.constant 0 : index
    %get3A_0 = arith.constant 0 : index
    %get3A_1 = vector.load %arg0[%get3A, %get3A_0] : memref<256x128xf32, #tpu.memory_space<vmem>>, vector<256x128xf32>
    %get3A_2 = arith.constant 0 : index
    %get3A_3 = arith.constant 0 : index
    %get3A_4 = vector.load %arg1[%get3A_2, %get3A_3] : memref<128x64xf32, #tpu.memory_space<vmem>>, vector<128x64xf32>
    %dot_general3A = arith.constant dense<0.000000e+00> : vector<256x64xf32>
    %dot_general3A_5 = tpu.matmul %get3A_1, %get3A_4, %dot_general3A {dimension_numbers = #tpu.dot_dimension_numbers<[1], [0], [0], [1], [0, 0, 1, 1], [], []>, transpose_lhs_hint = false} : vector<256x128xf32>, vector<128x64xf32>, vector<256x64xf32> -> vector<256x64xf32>
    %get3A_6 = arith.constant 0 : index
    %get3A_7 = arith.constant 0 : index
    %get3A_8 = vector.load %arg3[%get3A_6, %get3A_7] : memref<1x64xf32, #tpu.memory_space<vmem>>, vector<1x64xf32>
    %mul3A = vector.broadcast %get3A_8 : vector<1x64xf32> to vector<256x64xf32>
    %mul3A_9 = arith.mulf %dot_general3A_5, %mul3A : vector<256x64xf32>
    %get3A_10 = arith.constant 0 : index
    %get3A_11 = arith.constant 0 : index
    %get3A_12 = vector.load %arg4[%get3A_10, %get3A_11] : memref<1x64xf32, #tpu.memory_space<vmem>>, vector<1x64xf32>
    %add3A = vector.broadcast %get3A_12 : vector<1x64xf32> to vector<256x64xf32>
    %add3A_13 = arith.addf %mul3A_9, %add3A : vector<256x64xf32>
    %max3A = arith.constant 0.000000e+00 : f32
    %max3A_14 = vector.broadcast %max3A : f32 to vector<256x64xf32>
    %max3A_15 = arith.maximumf %add3A_13, %max3A_14 : vector<256x64xf32>
    %get3A_16 = arith.constant 0 : index
    %get3A_17 = arith.constant 0 : index
    %get3A_18 = vector.load %arg5[%get3A_16, %get3A_17] : memref<64x32xf32, #tpu.memory_space<vmem>>, vector<64x32xf32>
    %dot_general3A_19 = arith.constant dense<0.000000e+00> : vector<256x32xf32>
    %dot_general3A_20 = tpu.matmul %max3A_15, %get3A_18, %dot_general3A_19 {dimension_numbers = #tpu.dot_dimension_numbers<[1], [0], [0], [1], [0, 0, 1, 1], [], []>, transpose_lhs_hint = false} : vector<256x64xf32>, vector<64x32xf32>, vector<256x32xf32> -> vector<256x32xf32>
    %get3A_21 = arith.constant 0 : index
    %get3A_22 = arith.constant 0 : index
    %get3A_23 = vector.load %arg7[%get3A_21, %get3A_22] : memref<1x32xf32, #tpu.memory_space<vmem>>, vector<1x32xf32>
    %mul3A_24 = vector.broadcast %get3A_23 : vector<1x32xf32> to vector<256x32xf32>
    %mul3A_25 = arith.mulf %dot_general3A_20, %mul3A_24 : vector<256x32xf32>
    %get3A_26 = arith.constant 0 : index
    %get3A_27 = arith.constant 0 : index
    %get3A_28 = vector.load %arg8[%get3A_26, %get3A_27] : memref<1x32xf32, #tpu.memory_space<vmem>>, vector<1x32xf32>
    %add3A_29 = vector.broadcast %get3A_28 : vector<1x32xf32> to vector<256x32xf32>
    %add3A_30 = arith.addf %mul3A_25, %add3A_29 : vector<256x32xf32>
    %max3A_31 = arith.constant 0.000000e+00 : f32
    %max3A_32 = vector.broadcast %max3A_31 : f32 to vector<256x32xf32>
    %max3A_33 = arith.maximumf %add3A_30, %max3A_32 : vector<256x32xf32>
    %get3A_34 = arith.constant 0 : index
    %get3A_35 = arith.constant 0 : index
    %get3A_36 = vector.load %arg9[%get3A_34, %get3A_35] : memref<32x5xf32, #tpu.memory_space<vmem>>, vector<32x5xf32>
    %dot_general3A_37 = arith.constant dense<0.000000e+00> : vector<256x5xf32>
    %dot_general3A_38 = tpu.matmul %max3A_33, %get3A_36, %dot_general3A_37 {dimension_numbers = #tpu.dot_dimension_numbers<[1], [0], [0], [1], [0, 0, 1, 1], [], []>, transpose_lhs_hint = false} : vector<256x32xf32>, vector<32x5xf32>, vector<256x5xf32> -> vector<256x5xf32>
    %get3A_39 = arith.constant 0 : index
    %get3A_40 = arith.constant 0 : index
    %get3A_41 = vector.load %arg10[%get3A_39, %get3A_40] : memref<1x5xf32, #tpu.memory_space<vmem>>, vector<1x5xf32>
    %add3A_42 = vector.broadcast %get3A_41 : vector<1x5xf32> to vector<256x5xf32>
    %add3A_43 = arith.addf %dot_general3A_38, %add3A_42 : vector<256x5xf32>
    %swap3A = arith.constant 0 : index
    %swap3A_44 = arith.constant 0 : index
    %swap3A_45 = vector.load %arg11[%swap3A, %swap3A_44] : memref<256x5xf32, #tpu.memory_space<vmem>>, vector<256x5xf32>
    tpu.vector_store %arg11[%swap3A, %swap3A_44], %add3A_43 {strides = array<i32>} : memref<256x5xf32, #tpu.memory_space<vmem>>, vector<256x5xf32>,
    return
  }
}

</mosaic_0001>

<sc_bundles>
// kernel: kernel.13.cloned.1.call-start
scs
__scs_entry_jumppad:
0x0: {  	(pc) =	sbr.rel $0x88, $3  }
0x1: {  	(tag) =	ssettag $0x0;
	lr =	simm.s32 $0x1  }
0x2: {  	[smem:$0x3F8A] =	sst lr;
	_ =	strace $0xD0000000  }
0x3: {  	_ = 	snop  }
0x4: {  	_ = 	snop  }
0x5: {  	_ = 	snop  }
0x6: {  	_ = 	snop  }
0x7: {  	_ = 	snop  }
__scs_overlays_trampoline_lowered:
0x8: {  	[smem:$0x3F99] =	sst s0  }
0x9: {  	[smem:$0x3F9A] =	sst s1  }
0xa: {  	[smem:$0x3F9B] =	sst s2  }
0xb: {  	[smem:$0x3F9C] =	sst s3  }
0xc: {  	[smem:$0x3F9D] =	sst s4  }
0xd: {  	[smem:$0x3F9E] =	sst s5  }
0xe: {  	[smem:$0x3F9F] =	sst s6  }
0xf: {  	[smem:$0x3FA0] =	sst s7  }
0x10: {  	[smem:$0x3FA1] =	sst s8  }
0x11: {  	[smem:$0x3FA2] =	sst s9;
	s0 =	simm.s32 @!p0 $0x0  }
0x12: {  	s1 =	sld [smem:$0x3F88];
	s0 =	simm.s32 @p0 $0x1  }
0x13: {  	[smem:$0x3FA3] =	sst s0;
	s0 =	simm.s32 @!p1 $0x0  }
0x14: {  	s2 =	sld [smem:$0x3F87];
	s0 =	simm.s32 @p1 $0x1  }
0x15: {  	[smem:$0x3FA4] =	sst s0;
	s0 =	simm.s32 @!p2 $0x0  }
0x16: {  	s3 =	sld [smem:$0x3FDB];
	s0 =	simm.s32 @p2 $0x1  }
0x17: {  	s4 =	simm.s32 $0x1BF5;
	[smem:$0x3FA6] =	sst s0  }
0x18: {  	s0 =	sld [smem:$0x3F89];
	_ =	swait.ge [sflag:s4], $0x0  }
0x19: {  	s7 =	sld [smem:$0x3F8A]  }
0x1a: {  	s8 =	sadd.s32 $0xFFFFE003, lr  }
0x1b: {  	s9 =	sadd.s32 $0xFFFFFEF7, lr;
	s5 =	simm.s32 $0xFFFFFFFF;
	p2 =	slt.u32 s8, $0xFFFFF086  }
0x1c: {  	p1 =	slt.u32 s9, $0xF7A;
	s5 =	simm.s32 @!p2 $0x0  }
0x1d: {  	s5 =	simm.s32 @p1 $0x1;
	p0 =	seq.s32 s7, s2  }
0x1e: {  	s7 =	smul.u32 @!p0 $0xF7A, s2;
	p2 =	seq.s32 @!p0 s5, $0x0  }
0x1f: {  	s9 =	smul.u32 $0xF7A, s1;
	s8 =	simm.s32 @!p0 $0x1BF5;
	p2 =	por !p2, p0  }
0x20: {  	[sflag:s8] =	ssyncset.s32 @!p0 $0xFFFFF086;
	s6 =	sadd.s32 @!p0 s3, s7;
	s7 =	simm.s32 @!p0 $0x108  }
0x21: {  	s3 =	sadd.s32 s3, s9;
	s6 =	sadd.s32 @!p0 $0x88, s6;
	s7 =	simm.s32 @p2 $0x1082  }
0x22: {  	[simem:s7], [sflag:s8] =	dma.local @!p0 [hbm:s6], $0xF7A  }
0x23: {  	s9 =	sor.u32 $0xD0000000, s2;
	s6 =	simm.s32 $0x108;
	_ =	swait.ge @!p0 [sflag:s8], $0x0  }
0x24: {  	s3 =	sadd.s32 $0x88, s3;
	s6 =	simm.s32 @!p1 $0x1082;
	[sflag:s4] =	ssyncset.s32 $0xFFFFF086  }
0x25: {  	[simem:s6], [sflag:s4] =	dma.local [hbm:s3], $0xF7A  }
0x26: {  	[smem:$0x3F8A] =	sst s1;
	(tag) =	ssettag s2;
	_ =	strace s9  }
0x27: {  	s1 =	sld [smem:$0x3F9A]  }
0x28: {  	s2 =	sld [smem:$0x3F9B]  }
0x29: {  	s4 =	sld [smem:$0x3F9D]  }
0x2a: {  	p0 =	seq.s32 s5, $0x0;
	s5 =	sld [smem:$0x3F9E]  }
0x2b: {  	s6 =	sld [smem:$0x3F9F]  }
0x2c: {  	s7 =	sld [smem:$0x3FA0]  }
0x2d: {  	s3 =	simm.s32 $0x108;
	s8 =	sld [smem:$0x3FA1]  }
0x2e: {  	s3 =	simm.s32 @!p0 $0x1082;
	s9 =	sld [smem:$0x3FA2]  }
0x2f: {  	lr =	sadd.s32 s0, s3;
	s0 =	sld [smem:$0x3F99]  }
0x30: {  	s3 =	sld [smem:$0x3F9C]  }
0x31: {  	[smem:$0x3FA5] =	sst s10  }
0x32: {  	s10 =	sld [smem:$0x3FA3];
	_ =	sdelay $0x3  }
0x33: {  	p0 =	seq.s32 s10, $0x1;
	s10 =	sld [smem:$0x3FA5];
	_ =	sdelay $0x3  }
0x34: {  	[smem:$0x3FA5] =	sst s10  }
0x35: {  	s10 =	sld [smem:$0x3FA4];
	_ =	sdelay $0x3  }
0x36: {  	p1 =	seq.s32 s10, $0x1;
	s10 =	sld [smem:$0x3FA5];
	_ =	sdelay $0x3  }
0x37: {  	[smem:$0x3FA5] =	sst s10  }
0x38: {  	s10 =	sld [smem:$0x3FA6]  }
0x39: {  	_ = 	snop;
	(pc) =	sbr.ind lr, $3  }
0x3a: {  	_ = 	snop  }
0x3b: {  	_ = 	snop  }
0x3c: {  	p2 =	seq.s32 s10, $0x1;
	s10 =	sld [smem:$0x3FA5]  }
0x3d: {  	_ =	shalt  }
0x3e: {  	_ =	shalt  }
0x3f: {  	_ =	shalt  }
0x40: {  	_ =	shalt  }
0x41: {  	_ =	shalt  }
0x42: {  	_ =	shalt  }
0x43: {  	_ =	shalt  }
0x44: {  	_ =	shalt  }
0x45: {  	_ =	shalt  }
0x46: {  	_ =	shalt  }
0x47: {  	_ =	shalt  }
0x48: {  	_ =	shalt  }
0x49: {  	_ =	shalt  }
0x4a: {  	_ =	shalt  }
0x4b: {  	_ =	shalt  }
0x4c: {  	_ =	shalt  }
0x4d: {  	_ =	shalt  }
0x4e: {  	_ =	shalt  }
0x4f: {  	_ =	shalt  }
0x50: {  	_ =	shalt  }
0x51: {  	_ =	shalt  }
0x52: {  	_ =	shalt  }
0x53: {  	_ =	shalt  }
0x54: {  	_ =	shalt  }
0x55: {  	_ =	shalt  }
0x56: {  	_ =	shalt  }
0x57: {  	_ =	shalt  }
0x58: {  	_ =	shalt  }
0x59: {  	_ =	shalt  }
0x5a: {  	_ =	shalt  }
0x5b: {  	_ =	shalt  }
0x5c: {  	_ =	shalt  }
0x5d: {  	_ =	shalt  }
0x5e: {  	_ =	shalt  }
0x5f: {  	_ =	shalt  }
0x60: {  	_ =	shalt  }
0x61: {  	_ =	shalt  }
0x62: {  	_ =	shalt  }
0x63: {  	_ =	shalt  }
0x64: {  	_ =	shalt  }
0x65: {  	_ =	shalt  }
0x66: {  	_ =	shalt  }
0x67: {  	_ =	shalt  }
0x68: {  	_ =	shalt  }
0x69: {  	_ =	shalt  }
0x6a: {  	_ =	shalt  }
0x6b: {  	_ =	shalt  }
0x6c: {  	_ =	shalt  }
0x6d: {  	_ =	shalt  }
0x6e: {  	_ =	shalt  }
0x6f: {  	_ =	shalt  }
0x70: {  	_ =	shalt  }
0x71: {  	_ =	shalt  }
0x72: {  	_ =	shalt  }
0x73: {  	_ =	shalt  }
0x74: {  	_ =	shalt  }
0x75: {  	_ =	shalt  }
0x76: {  	_ =	shalt  }
0x77: {  	_ =	shalt  }
0x78: {  	_ =	shalt  }
0x79: {  	_ =	shalt  }
0x7a: {  	_ =	shalt  }
0x7b: {  	_ =	shalt  }
0x7c: {  	_ =	shalt  }
0x7d: {  	_ =	shalt  }
0x7e: {  	_ =	shalt  }
0x7f: {  	_ =	shalt  }
0x80: {  	_ =	shalt  }
0x81: {  	_ =	shalt  }
0x82: {  	_ =	shalt  }
0x83: {  	_ =	shalt  }
0x84: {  	_ =	shalt  }
0x85: {  	_ =	shalt  }
0x86: {  	_ =	shalt  }
0x87: {  	_ =	shalt  }
.Lfunc_end0:
.L_simem_size_0:
called_computation_lowered:
.L_overlay_start_0:
0x88: {  	s2 =	sld [smem:$0x3FD9]  }
0x89: {  	s3 =	sld [smem:$0x3FFE];
	_ =	sdelay $0x1  }
0x8a: {  	s1 =	srdreg.scid  }
0x8b: {  	s0 =	sand.u32 $0x1, s1  }
0x8c: {  	s16 =	sshll.u32 s0, $0xA;
	s2 =	sadd.s32 s3, s2  }
0x8d: {  	s2 =	sadd.s32 s2, s16  }
0x8e: {  	[smem:$0x3FB1] =	sst s2  }
0x8f: {  	_ = 	snop  }
0x90: {  	(tm) =	ssettm $0x1  }
0x91: {  	s17 =	sld [smem:$0x3FFB];
	_ =	sdelay $0x3  }
0x92: {  	_ =	strace s17  }
0x93: {  	s2 =	sld [smem:$0x3FFC];
	_ =	sdelay $0x3  }
0x94: {  	_ =	strace s2  }
0x95: {  	s2 =	sld [smem:$0x3FFD];
	_ =	sdelay $0x3  }
0x96: {  	_ =	strace s2  }
0x97: {  	_ =	strace $0x8FFFFFFF  }
0x98: {  	s18 =	sld [smem:$0x3FDB];
	_ =	sdelay $0x1  }
0x99: {  	s19 =	simm.s32 $_scs_section_size  }
0x9a: {  	s4 =	simm.s32 $_size__tile_overlayer_lowered;
	s5 =	simm.s32 $_tile_overlayer_lowered  }
0x9b: {  	s22 =	simm.s32 $0x1BFF;
	s21 =	sshll.u32 s5, $0x1;
	s2 =	sadd.s32 s19, s18  }
0x9c: {  	s6 =	simm.s32 $0x0;
	s20 =	sshll.u32 s4, $0x1;
	s4 =	sadd.s32 s21, s2  }
0x9d: {  	[timem:s6], [sflag:s22] =	dma.local [hbm:s4], s20  }
0x9e: {  	_ =	swait.ge [sflag:s22], s20  }
0x9f: {  	s3 =	ssub.s32 $0x0, s20;
	[sflag:s22] =	ssyncset.done $0x0  }
0xa0: {  	[sflag:s22] =	ssyncadd.s32 s3;
	_ =	sdelay $0x1  }
0xa1: {  	s23 =	simm.s32 $0x1B8B  }
0xa2: {  	_ =	swait.ge [sflag:s23], $0x1  }
0xa3: {  	[sflag:s23] =	ssyncset.done $0x0  }
0xa4: {  	s25 =	simm.s32 $0x1B8E;
	s24 =	sld [smem:$0x3FFE];
	[sflag:s23] =	ssyncadd.s32 $0xFFFFFFFF  }
0xa5: {  	s26 =	simm.s32 $execute0_lowered;
	[smem:$0x3FD2] =	sst s25  }
0xa6: {  	s4 =	sshll.u32 s26, $0x1;
	_ =	strace $0x80000046;
	[dreg:$0x1] =	wrdreg $0xFFFFFFFF  }
0xa7: {  	s28 =	simm.s32 $_size_execute0_lowered;
	s2 =	sadd.s32 s2, s4;
	[dreg:$0x0] =	wrdreg $0x0  }
0xa8: {  	s4 =	sshll.u32 s28, $0x1;
	[dreg:$0x2] =	wrdreg s2  }
0xa9: {  	[dreg:$0x3] =	wrdreg s4  }
0xaa: {  	[dreg:$0x4] =	wrdreg $0xC0  }
0xab: {  	_ =	task [dreg:s6], $0x5FFFF  }
0xac: {  	[dreg:$0x1] =	wrdreg $0xFFFFFFFF  }
0xad: {  	[dreg:$0x0] =	wrdreg $0x60  }
0xae: {  	[dreg:$0x2] =	wrdreg s24  }
0xaf: {  	[dreg:$0x3] =	wrdreg $0x5F800  }
0xb0: {  	[dreg:$0x4] =	wrdreg $0x9  }
0xb1: {  	_ =	task.clear_ibuf [dreg:s6], $0x5FFFF;
	_ =	strace $0x90000046  }
0xb2: {  	s29 =	simm.s32 $0x9;
	_ =	strace $0x80000048  }
0xb3: {  	_ =	swait.ge [sflag:s29], $0x1  }
0xb4: {  	[sflag:s29] =	ssyncadd.s32 $0xFFFFFFFF  }
0xb5: {  	_ =	strace $0x90000048  }
0xb6: {  	_ =	sfence  }
0xb7: {  	s30 =	sld [smem:$0x0];
	_ =	sdelay $0x2  }
0xb8: {  	s31 =	sshll.u32 s1, $0xD;
	s1 =	sshrl.u32 s1, $0x2  }
0xb9: {  	s3 =	sand.u32 $0x4000, s31;
	s1 =	sadd.s32 s1, s30  }
0xba: {  	s0 =	sor.u32 s3, s0;
	s1 =	sshll.u32 s1, $0x11  }
0xbb: {  	s0 =	sor.u32 s1, s0  }
0xbc: {  	s0 =	sadd.s32 $0x8F2B, s0  }
0xbd: {  	[sflag:s0] =	ssyncadd.remote.s32 $0x1  }
0xbe: {  	_ =	sfence.sel $0xFFFF  }
0xbf: {  	[dreg:$0x0] =	wrdreg $0xFFFFFFFF;
	(pc) =	sbr.abs _section_cstart, $3  }
0xc0: {  	[dreg:$0x1] =	wrdreg $0xFFFFFFFF  }
0xc1: {  	_ =	task.clear_ibuf [dreg:s6], $0x2FFFF;
	_ =	strace $0x9FFFFFFF  }
0xc2: {  	(tm) =	ssettm $0x7FFFFFFF  }
0xc3: {  	_ =	shalt  }
tec
execute0_lowered:
.L_overlay_start_1:
0x0: {  	(tag) =	ssettag $0x1  }
0x1: {  	s4 =	rddreg [dreg:$0x0]  }
0x2: {  	s0 =	srdreg.scid;
	s2 =	rddreg [dreg:$0x1]  }
0x3: {  	s1 =	rddreg [dreg:$0x2];
	s3 =	simm.s32 $0x0;
	s5 =	sand.u32 $0x1, s0  }
0x4: {  	s15 =	simm.s32 $0x80;
	s0 =	stileid.u32;
	s6 =	smul.u32 $0x27100, s5  }
0x5: {  	s16 =	simm.s32 $0x5780;
	s17 =	simm.s32 $0x1;
	s12 =	smul.u32 $0x2710, s0  }
0x6: {  	[smem:$0x7FF] =	sst s3;
	s9 =	sadd.s32 $0x4400, s4;
	s7 =	smul.u32 $0xA000, s0  }
0x7: {  	_ =	strace $0x80000047;
	s29 =	ssub.s32 $0x2, s5;
	s8 =	sshll.u32 s5, $0x4  }
0x8: {  	s14 =	sshll.u32 s0, $0x4;
	s31 =	sshrl.u32 s29, $0x1;
	s18 =	sor.u32 s0, s8  }
0x9: {  	s14 =	sadd.s32 s14, s9;
	s6 =	sadd.s32 s12, s6;
	s30 =	sshrl.u32 s7, $0x2  }
0xa: {  	s13 =	ssub.s32 s29, s31;
	s10 =	smul.u32 $0x4E0, s18;
	s19 =	sadd.s32 s12, s2  }
0xb: {  	p0 =	sgt.u32 s18, $0x3;
	s6 =	sshrl.u32 s6, $0x3;
	s12 =	smax.u32 s13, $0x1  }
0xc: {  	s13 =	simm.s32 $0x2780;
	s18 =	sshrl.u32 s19, $0x3;
	s11 =	sadd.s32 s6, s4  }
0xd: {  	s4 =	sadd.s32 s30, s2;
	s9 =	sadd.s32 s9, s10;
	s10 =	sadd.s32 $0x9C00, s14  }
0xe: {  	s14 =	simm.s32 $0x2;
	s5 =	sadd.s32 $0x800, s4;
	s6 =	sadd.s32 $0x1000, s4  }
0xf: {  	v0 =	vimm.f32 $1.000000000e+00;
	v1 =	vimm.f32 $0.0e+00;
	s7 =	sadd.s32 $0x1800, s4;
	s8 =	sadd.s32 $0x2000, s4;
	s11 =	sadd.s32 $0x1D000, s11  }
.LBB2_1:
0x10: {  	s19 =	simm.s32 $0x0  }
.LBB2_2:
0x11: {  	p1 =	sne.s32 s19, $0x1FC0  }
.Ltmp0:
0x12: {  	_ = 	snop;
	(pc) =	sbr.rel @p1 .LBB2_2-.Ltmp0, $3  }
0x13: {  	_ =	sdelay $0x1  }
0x14: {  	s20 =	sshra.s32 s19, $0x2  }
0x15: {  	s19 =	sadd.s32 $0x40, s19;
	[tilespmem:s20+$0x5780] =	vst v0  }
0x16: {  	s19 =	simm.s32 $0x40;
	s20 =	simm.s32 $0x0  }
.LBB2_4:
0x17: {  	p1 =	sne.s32 s19, $0x1FC0;
	[tilespmem:s20+$0x2780] =	vst v1;
	s20 =	smov.u32 s19;
	s19 =	sadd.s32 $0x40, s19  }
.Ltmp1:
0x18: {  	(pc) =	sbr.rel @p1 .LBB2_4-.Ltmp1, $2  }
0x19: {  	_ =	sdelay $0x2  }
0x1a: {  	s20 =	sshra.s32 s20, $0x2  }
0x1b: {  	[tilespmem:s20+$0x2780] =	vst v1  }
0x1c: {  	[spmem:s4] =	stream.linear.scatter [tilespmem:s13], [sflag:$0x2], $0x800, $0x38;
	[tilespmem:$0x8780] =	vst v63  }
0x1d: {  	_ =	swait.ge [sflag:s14], $0x800  }
0x1e: {  	[sflag:s14] =	ssyncset.done $0x0  }
0x1f: {  	[sflag:s14] =	ssyncadd.s32 $0xFFFFF800  }
0x20: {  	[spmem:s5] =	stream.linear.scatter [tilespmem:s13], [sflag:$0x2], $0x800, $0x38;
	[tilespmem:$0x8780] =	vst v63  }
0x21: {  	_ =	swait.ge [sflag:s14], $0x800  }
0x22: {  	[sflag:s14] =	ssyncset.done $0x0  }
0x23: {  	[sflag:s14] =	ssyncadd.s32 $0xFFFFF800  }
0x24: {  	[spmem:s6] =	stream.linear.scatter [tilespmem:s13], [sflag:$0x2], $0x800, $0x38;
	[tilespmem:$0x8780] =	vst v63  }
0x25: {  	_ =	swait.ge [sflag:s14], $0x800  }
0x26: {  	[sflag:s14] =	ssyncset.done $0x0  }
0x27: {  	[sflag:s14] =	ssyncadd.s32 $0xFFFFF800  }
0x28: {  	[spmem:s7] =	stream.linear.scatter [tilespmem:s13], [sflag:$0x2], $0x800, $0x38;
	[tilespmem:$0x8780] =	vst v63  }
0x29: {  	_ =	swait.ge [sflag:s14], $0x800  }
0x2a: {  	[sflag:s14] =	ssyncset.done $0x0  }
0x2b: {  	[sflag:s14] =	ssyncadd.s32 $0xFFFFF800  }
0x2c: {  	[spmem:s8] =	stream.linear.scatter [tilespmem:s13], [sflag:$0x2], $0x800, $0x38;
	[tilespmem:$0x8780] =	vst v63  }
0x2d: {  	_ =	swait.ge [sflag:s14], $0x800  }
0x2e: {  	[sflag:s14] =	ssyncset.done $0x0  }
0x2f: {  	[sflag:s14] =	ssyncadd.s32 $0xFFFFF800  }
0x30: {  	s19 =	simm.s32 $0x0;
	[bflag:$0x0] =	sbarrier.arrive $0xFFFF  }
0x31: {  	[tilespmem:s19], [sflag:$0x2] =	stream.linear.gather [hbm4b:s9+s19], $0x2700, $0x38;
	[tilespmem:$0x8780] =	vst v63  }
0x32: {  	_ =	swait.ge [sflag:s14], $0x2700  }
0x33: {  	[sflag:s14] =	ssyncset.done $0x0  }
0x34: {  	[sflag:s14] =	ssyncadd.s32 $0xFFFFD900  }
.LBB2_6:
0x35: {  	p1 =	sne.s32 s19, $0x9A00  }
.Ltmp2:
0x36: {  	_ = 	snop;
	(pc) =	sbr.rel @p1 .LBB2_6-.Ltmp2, $3  }
0x37: {  	_ =	sdelay $0x1  }
0x38: {  	s20 =	sshra.s32 s19, $0x2;
	s19 =	sadd.s32 $0x200, s19  }
0x39: {  	[spmem:s2] =	stream.indirect.scatter.add.f32 [tilespmem:s16], [sflag:$0x1], $0x10, s20, s15, $0xb8;
	[tilespmem:$0x8780] =	vst v63  }
0x3a: {  	_ =	swait.ge [sflag:s17], $0x800  }
0x3b: {  	s19 =	simm.s32 $0x4D;
	[sflag:s17] =	ssyncset.done $0x0  }
.LBB2_8:
0x3c: {  	p1 =	sne.s32 s19, $0x1;
	s19 =	sadd.s32 $0xFFFFFFFF, s19;
	[sflag:s17] =	ssyncadd.s32 $0xFFFFF800  }
.Ltmp3:
0x3d: {  	(pc) =	sbr.rel @p1 .LBB2_8-.Ltmp3, $3  }
0x3e: {  	_ =	sdelay $0x1  }
0x3f: {  	_ =	swait.ge [sflag:s17], $0x800  }
0x40: {  	[sflag:s17] =	ssyncset.done $0x0  }
0x41: {  	[sflag:s17] =	ssyncadd.s32 $0xFFFFF800;
	s19 =	simm.s32 @!p0 $0x0;
	s20 =	simm.s32 @!p0 $0x2700  }
0x42: {  	[tilespmem:s20], [sflag:$0x2] =	stream.linear.gather @!p0 [hbm4b:s10+s19], $0x80, $0x38;
	[tilespmem:$0x8780] =	vst v63  }
0x43: {  	s19 =	simm.s32 @!p0 $0x2  }
0x44: {  	_ =	swait.ge @!p0 [sflag:s19], $0x80  }
0x45: {  	[sflag:s19] =	ssyncset.done @!p0 $0x0  }
0x46: {  	s21 =	simm.s32 @!p0 $0x80;
	s22 =	simm.s32 @!p0 $0x5780;
	[sflag:s19] =	ssyncadd.s32 @!p0 $0xFFFFFF80  }
0x47: {  	[spmem:s2] =	stream.indirect.scatter.add.f32 @!p0 [tilespmem:s22], [sflag:$0x2], $0x10, s20, s21, $0xb8;
	[tilespmem:$0x8780] =	vst v63  }
0x48: {  	_ =	swait.ge @!p0 [sflag:s19], $0x800  }
0x49: {  	s3 =	sadd.s32 $0x1, s3;
	[sflag:s19] =	ssyncset.done @!p0 $0x0  }
0x4a: {  	s31 =	sshll.u32 s0, $0x6;
	p1 =	sne.s32 s3, s12;
	[sflag:s19] =	ssyncadd.s32 @!p0 $0xFFFFF800  }
.Ltmp4:
0x4b: {  	s19 =	sor.u32 $0x1C02, s31;
	[bflag:$0x0] =	sbarrier.arrive $0xFFFF;
	(pc) =	sbr.rel @p1 .LBB2_1-.Ltmp4, $4  }
0x4c: {  	[hbm:s11], [sflag:s19] =	dma.local [spmem:s18], $0x4E2  }
0x4d: {  	_ =	swait.ge [sflag:s14], $0x4E2  }
0x4e: {  	[sflag:s14] =	ssyncset.done $0x0  }
0x4f: {  	[sflag:s14] =	ssyncadd.s32 $0xFFFFFB1E  }
0x50: {  	_ =	sfence.sel $0x180000  }
0x51: {  	[bflag:$0x0] =	sbarrier.arrive $0xFFFF  }
0x52: {  	p0 =	sne.s32 s0, $0x0;
	_ =	strace $0x90000047  }
0x53: {  	s0 =	sadd.s32 @!p0 $0x100000, s1;
	[bflag:$0x2] =	sbarrier.arrive $0xFFFF  }
0x54: {  	[sflag:s0] =	ssyncadd.tile.s32 @!p0 $0x1;
	_ =	shalt  }
.Lfunc_end2:
_tile_overlayer_lowered:
.L_overlay_start_2:
0x55: {  	(tag) =	ssettag $0x2  }
0x56: {  	s0 =	rddreg [dreg:$0x0];
	s2 =	stileid.u32  }
0x57: {  	s1 =	rddreg [dreg:$0x1];
	p0 =	sne.s32 s2, $0x0  }
0x58: {  	s3 =	rddreg [dreg:$0x2];
	[bflag:$0x3] =	sbarrier.arrive $0xFFFF;
	s2 =	simm.s32 @!p0 $0x1C02  }
0x59: {  	[timem:s3], [sflag:s2] =	dma.local @!p0 [hbm:s0], s1  }
0x5a: {  	s0 =	simm.s32 @!p0 $0x2  }
0x5b: {  	_ =	swait.ge @!p0 [sflag:s0], s1  }
0x5c: {  	s1 =	ssub.s32 @!p0 $0x0, s1;
	[sflag:s0] =	ssyncset.done @!p0 $0x0  }
0x5d: {  	[sflag:s0] =	ssyncadd.s32 @!p0 s1  }
0x5e: {  	[bflag:$0x3] =	sbarrier.arrive $0xFFFF  }
0x5f: {  	_ =	shalt  }

// kernel: kernel.16.cloned.1.call-start
scs
__scs_entry_jumppad:
0x0: {  	(pc) =	sbr.rel $0x88, $3  }
0x1: {  	(tag) =	ssettag $0x0;
	lr =	simm.s32 $0x1  }
0x2: {  	[smem:$0x3F8A] =	sst lr;
	_ =	strace $0xD0000000  }
0x3: {  	_ = 	snop  }
0x4: {  	_ = 	snop  }
0x5: {  	_ = 	snop  }
0x6: {  	_ = 	snop  }
0x7: {  	_ = 	snop  }
__scs_overlays_trampoline_lowered:
0x8: {  	[smem:$0x3F99] =	sst s0  }
0x9: {  	[smem:$0x3F9A] =	sst s1  }
0xa: {  	[smem:$0x3F9B] =	sst s2  }
0xb: {  	[smem:$0x3F9C] =	sst s3  }
0xc: {  	[smem:$0x3F9D] =	sst s4  }
0xd: {  	[smem:$0x3F9E] =	sst s5  }
0xe: {  	[smem:$0x3F9F] =	sst s6  }
0xf: {  	[smem:$0x3FA0] =	sst s7  }
0x10: {  	[smem:$0x3FA1] =	sst s8  }
0x11: {  	[smem:$0x3FA2] =	sst s9;
	s0 =	simm.s32 @!p0 $0x0  }
0x12: {  	s1 =	sld [smem:$0x3F88];
	s0 =	simm.s32 @p0 $0x1  }
0x13: {  	[smem:$0x3FA3] =	sst s0;
	s0 =	simm.s32 @!p1 $0x0  }
0x14: {  	s2 =	sld [smem:$0x3F87];
	s0 =	simm.s32 @p1 $0x1  }
0x15: {  	[smem:$0x3FA4] =	sst s0;
	s0 =	simm.s32 @!p2 $0x0  }
0x16: {  	s3 =	sld [smem:$0x3FDB];
	s0 =	simm.s32 @p2 $0x1  }
0x17: {  	s4 =	simm.s32 $0x1BF5;
	[smem:$0x3FA6] =	sst s0  }
0x18: {  	s0 =	sld [smem:$0x3F89];
	_ =	swait.ge [sflag:s4], $0x0  }
0x19: {  	s7 =	sld [smem:$0x3F8A]  }
0x1a: {  	s8 =	sadd.s32 $0xFFFFE003, lr  }
0x1b: {  	s9 =	sadd.s32 $0xFFFFFEF7, lr;
	s5 =	simm.s32 $0xFFFFFFFF;
	p2 =	slt.u32 s8, $0xFFFFF086  }
0x1c: {  	p1 =	slt.u32 s9, $0xF7A;
	s5 =	simm.s32 @!p2 $0x0  }
0x1d: {  	s5 =	simm.s32 @p1 $0x1;
	p0 =	seq.s32 s7, s2  }
0x1e: {  	s7 =	smul.u32 @!p0 $0xF7A, s2;
	p2 =	seq.s32 @!p0 s5, $0x0  }
0x1f: {  	s9 =	smul.u32 $0xF7A, s1;
	s8 =	simm.s32 @!p0 $0x1BF5;
	p2 =	por !p2, p0  }
0x20: {  	[sflag:s8] =	ssyncset.s32 @!p0 $0xFFFFF086;
	s6 =	sadd.s32 @!p0 s3, s7;
	s7 =	simm.s32 @!p0 $0x108  }
0x21: {  	s3 =	sadd.s32 s3, s9;
	s6 =	sadd.s32 @!p0 $0x88, s6;
	s7 =	simm.s32 @p2 $0x1082  }
0x22: {  	[simem:s7], [sflag:s8] =	dma.local @!p0 [hbm:s6], $0xF7A  }
0x23: {  	s9 =	sor.u32 $0xD0000000, s2;
	s6 =	simm.s32 $0x108;
	_ =	swait.ge @!p0 [sflag:s8], $0x0  }
0x24: {  	s3 =	sadd.s32 $0x88, s3;
	s6 =	simm.s32 @!p1 $0x1082;
	[sflag:s4] =	ssyncset.s32 $0xFFFFF086  }
0x25: {  	[simem:s6], [sflag:s4] =	dma.local [hbm:s3], $0xF7A  }
0x26: {  	[smem:$0x3F8A] =	sst s1;
	(tag) =	ssettag s2;
	_ =	strace s9  }
0x27: {  	s1 =	sld [smem:$0x3F9A]  }
0x28: {  	s2 =	sld [smem:$0x3F9B]  }
0x29: {  	s4 =	sld [smem:$0x3F9D]  }
0x2a: {  	p0 =	seq.s32 s5, $0x0;
	s5 =	sld [smem:$0x3F9E]  }
0x2b: {  	s6 =	sld [smem:$0x3F9F]  }
0x2c: {  	s7 =	sld [smem:$0x3FA0]  }
0x2d: {  	s3 =	simm.s32 $0x108;
	s8 =	sld [smem:$0x3FA1]  }
0x2e: {  	s3 =	simm.s32 @!p0 $0x1082;
	s9 =	sld [smem:$0x3FA2]  }
0x2f: {  	lr =	sadd.s32 s0, s3;
	s0 =	sld [smem:$0x3F99]  }
0x30: {  	s3 =	sld [smem:$0x3F9C]  }
0x31: {  	[smem:$0x3FA5] =	sst s10  }
0x32: {  	s10 =	sld [smem:$0x3FA3];
	_ =	sdelay $0x3  }
0x33: {  	p0 =	seq.s32 s10, $0x1;
	s10 =	sld [smem:$0x3FA5];
	_ =	sdelay $0x3  }
0x34: {  	[smem:$0x3FA5] =	sst s10  }
0x35: {  	s10 =	sld [smem:$0x3FA4];
	_ =	sdelay $0x3  }
0x36: {  	p1 =	seq.s32 s10, $0x1;
	s10 =	sld [smem:$0x3FA5];
	_ =	sdelay $0x3  }
0x37: {  	[smem:$0x3FA5] =	sst s10  }
0x38: {  	s10 =	sld [smem:$0x3FA6]  }
0x39: {  	_ = 	snop;
	(pc) =	sbr.ind lr, $3  }
0x3a: {  	_ = 	snop  }
0x3b: {  	_ = 	snop  }
0x3c: {  	p2 =	seq.s32 s10, $0x1;
	s10 =	sld [smem:$0x3FA5]  }
0x3d: {  	_ =	shalt  }
0x3e: {  	_ =	shalt  }
0x3f: {  	_ =	shalt  }
0x40: {  	_ =	shalt  }
0x41: {  	_ =	shalt  }
0x42: {  	_ =	shalt  }
0x43: {  	_ =	shalt  }
0x44: {  	_ =	shalt  }
0x45: {  	_ =	shalt  }
0x46: {  	_ =	shalt  }
0x47: {  	_ =	shalt  }
0x48: {  	_ =	shalt  }
0x49: {  	_ =	shalt  }
0x4a: {  	_ =	shalt  }
0x4b: {  	_ =	shalt  }
0x4c: {  	_ =	shalt  }
0x4d: {  	_ =	shalt  }
0x4e: {  	_ =	shalt  }
0x4f: {  	_ =	shalt  }
0x50: {  	_ =	shalt  }
0x51: {  	_ =	shalt  }
0x52: {  	_ =	shalt  }
0x53: {  	_ =	shalt  }
0x54: {  	_ =	shalt  }
0x55: {  	_ =	shalt  }
0x56: {  	_ =	shalt  }
0x57: {  	_ =	shalt  }
0x58: {  	_ =	shalt  }
0x59: {  	_ =	shalt  }
0x5a: {  	_ =	shalt  }
0x5b: {  	_ =	shalt  }
0x5c: {  	_ =	shalt  }
0x5d: {  	_ =	shalt  }
0x5e: {  	_ =	shalt  }
0x5f: {  	_ =	shalt  }
0x60: {  	_ =	shalt  }
0x61: {  	_ =	shalt  }
0x62: {  	_ =	shalt  }
0x63: {  	_ =	shalt  }
0x64: {  	_ =	shalt  }
0x65: {  	_ =	shalt  }
0x66: {  	_ =	shalt  }
0x67: {  	_ =	shalt  }
0x68: {  	_ =	shalt  }
0x69: {  	_ =	shalt  }
0x6a: {  	_ =	shalt  }
0x6b: {  	_ =	shalt  }
0x6c: {  	_ =	shalt  }
0x6d: {  	_ =	shalt  }
0x6e: {  	_ =	shalt  }
0x6f: {  	_ =	shalt  }
0x70: {  	_ =	shalt  }
0x71: {  	_ =	shalt  }
0x72: {  	_ =	shalt  }
0x73: {  	_ =	shalt  }
0x74: {  	_ =	shalt  }
0x75: {  	_ =	shalt  }
0x76: {  	_ =	shalt  }
0x77: {  	_ =	shalt  }
0x78: {  	_ =	shalt  }
0x79: {  	_ =	shalt  }
0x7a: {  	_ =	shalt  }
0x7b: {  	_ =	shalt  }
0x7c: {  	_ =	shalt  }
0x7d: {  	_ =	shalt  }
0x7e: {  	_ =	shalt  }
0x7f: {  	_ =	shalt  }
0x80: {  	_ =	shalt  }
0x81: {  	_ =	shalt  }
0x82: {  	_ =	shalt  }
0x83: {  	_ =	shalt  }
0x84: {  	_ =	shalt  }
0x85: {  	_ =	shalt  }
0x86: {  	_ =	shalt  }
0x87: {  	_ =	shalt  }
.Lfunc_end0:
.L_simem_size_0:
called_computation.1_lowered:
.L_overlay_start_0:
0x88: {  	s2 =	sld [smem:$0x3FD9]  }
0x89: {  	s3 =	sld [smem:$0x3FFE];
	_ =	sdelay $0x1  }
0x8a: {  	s1 =	srdreg.scid  }
0x8b: {  	s0 =	sand.u32 $0x1, s1  }
0x8c: {  	s16 =	sshll.u32 s0, $0xA;
	s2 =	sadd.s32 s3, s2  }
0x8d: {  	s2 =	sadd.s32 s2, s16  }
0x8e: {  	[smem:$0x3FB1] =	sst s2  }
0x8f: {  	_ = 	snop  }
0x90: {  	(tm) =	ssettm $0x1  }
0x91: {  	s17 =	sld [smem:$0x3FFB];
	_ =	sdelay $0x3  }
0x92: {  	_ =	strace s17  }
0x93: {  	s2 =	sld [smem:$0x3FFC];
	_ =	sdelay $0x3  }
0x94: {  	_ =	strace s2  }
0x95: {  	s2 =	sld [smem:$0x3FFD];
	_ =	sdelay $0x3  }
0x96: {  	_ =	strace s2  }
0x97: {  	_ =	strace $0x8FFFFFFF  }
0x98: {  	s18 =	sld [smem:$0x3FDB];
	_ =	sdelay $0x1  }
0x99: {  	s19 =	simm.s32 $_scs_section_size  }
0x9a: {  	s4 =	simm.s32 $_size__tile_overlayer_lowered;
	s5 =	simm.s32 $_tile_overlayer_lowered  }
0x9b: {  	s22 =	simm.s32 $0x1BFF;
	s21 =	sshll.u32 s5, $0x1;
	s2 =	sadd.s32 s19, s18  }
0x9c: {  	s6 =	simm.s32 $0x0;
	s20 =	sshll.u32 s4, $0x1;
	s4 =	sadd.s32 s21, s2  }
0x9d: {  	[timem:s6], [sflag:s22] =	dma.local [hbm:s4], s20  }
0x9e: {  	_ =	swait.ge [sflag:s22], s20  }
0x9f: {  	s3 =	ssub.s32 $0x0, s20;
	[sflag:s22] =	ssyncset.done $0x0  }
0xa0: {  	[sflag:s22] =	ssyncadd.s32 s3;
	_ =	sdelay $0x1  }
0xa1: {  	s23 =	simm.s32 $0x1B8B  }
0xa2: {  	_ =	swait.ge [sflag:s23], $0x1  }
0xa3: {  	[sflag:s23] =	ssyncset.done $0x0  }
0xa4: {  	s25 =	simm.s32 $0x1B8E;
	s24 =	sld [smem:$0x3FFE];
	[sflag:s23] =	ssyncadd.s32 $0xFFFFFFFF  }
0xa5: {  	s26 =	simm.s32 $execute0_lowered;
	[smem:$0x3FD2] =	sst s25  }
0xa6: {  	s4 =	sshll.u32 s26, $0x1;
	_ =	strace $0x80000049;
	[dreg:$0x1] =	wrdreg $0xFFFFFFFF  }
0xa7: {  	s28 =	simm.s32 $_size_execute0_lowered;
	s2 =	sadd.s32 s2, s4;
	[dreg:$0x0] =	wrdreg $0x0  }
0xa8: {  	s4 =	sshll.u32 s28, $0x1;
	[dreg:$0x2] =	wrdreg s2  }
0xa9: {  	[dreg:$0x3] =	wrdreg s4  }
0xaa: {  	[dreg:$0x4] =	wrdreg $0xC0  }
0xab: {  	_ =	task [dreg:s6], $0x5FFFF  }
0xac: {  	[dreg:$0x1] =	wrdreg $0xFFFFFFFF  }
0xad: {  	[dreg:$0x0] =	wrdreg $0x60  }
0xae: {  	[dreg:$0x2] =	wrdreg s24  }
0xaf: {  	[dreg:$0x3] =	wrdreg $0x12E800  }
0xb0: {  	[dreg:$0x4] =	wrdreg $0x9  }
0xb1: {  	_ =	task.clear_ibuf [dreg:s6], $0x5FFFF;
	_ =	strace $0x90000049  }
0xb2: {  	s29 =	simm.s32 $0x9;
	_ =	strace $0x8000004B  }
0xb3: {  	_ =	swait.ge [sflag:s29], $0x1  }
0xb4: {  	[sflag:s29] =	ssyncadd.s32 $0xFFFFFFFF  }
0xb5: {  	_ =	strace $0x9000004B  }
0xb6: {  	_ =	sfence  }
0xb7: {  	s30 =	sld [smem:$0x0];
	_ =	sdelay $0x2  }
0xb8: {  	s31 =	sshll.u32 s1, $0xD;
	s1 =	sshrl.u32 s1, $0x2  }
0xb9: {  	s3 =	sand.u32 $0x4000, s31;
	s1 =	sadd.s32 s1, s30  }
0xba: {  	s0 =	sor.u32 s3, s0;
	s1 =	sshll.u32 s1, $0x11  }
0xbb: {  	s0 =	sor.u32 s1, s0  }
0xbc: {  	s0 =	sadd.s32 $0x8F2B, s0  }
0xbd: {  	[sflag:s0] =	ssyncadd.remote.s32 $0x1  }
0xbe: {  	_ =	sfence.sel $0xFFFF  }
0xbf: {  	[dreg:$0x0] =	wrdreg $0xFFFFFFFF;
	(pc) =	sbr.abs _section_cstart, $3  }
0xc0: {  	[dreg:$0x1] =	wrdreg $0xFFFFFFFF  }
0xc1: {  	_ =	task.clear_ibuf [dreg:s6], $0x2FFFF;
	_ =	strace $0x9FFFFFFF  }
0xc2: {  	(tm) =	ssettm $0x7FFFFFFF  }
0xc3: {  	_ =	shalt  }
tec
execute0_lowered:
.L_overlay_start_1:
0x0: {  	(tag) =	ssettag $0x1  }
0x1: {  	s0 =	rddreg [dreg:$0x0]  }
0x2: {  	s1 =	srdreg.scid;
	s2 =	rddreg [dreg:$0x1]  }
0x3: {  	s8 =	stileid.u32;
	s3 =	simm.s32 $0x0;
	s17 =	simm.s32 $0x5  }
0x4: {  	s18 =	simm.s32 $0x2700;
	s19 =	simm.s32 $0x80;
	s20 =	simm.s32 $0x4E80  }
0x5: {  	s21 =	simm.s32 $0x6E80;
	s23 =	simm.s32 $0x8E80;
	s29 =	simm.s32 $0xCE80  }
0x6: {  	s31 =	simm.s32 $0xEE80;
	s28 =	simm.s32 $0x4;
	s1 =	sand.u32 $0x1, s1  }
0x7: {  	s15 =	smul.u32 $0x9C40, s8;
	[smem:$0x7FF] =	sst s3;
	s13 =	sadd.s32 $0xE200, s0  }
0x8: {  	s12 =	sadd.s32 $0x4400, s0;
	s6 =	smul.u32 $0x28000, s8;
	s14 =	sshll.u32 s8, $0x4  }
0x9: {  	s4 =	smul.u32 $0x9C400, s1;
	_ =	strace $0x8000004A;
	s24 =	ssub.s32 $0x2, s1  }
0xa: {  	s1 =	sshll.u32 s1, $0x4;
	s14 =	sor.u32 $0x9C00, s14;
	s7 =	sshrl.u32 s24, $0x1  }
0xb: {  	s6 =	sshrl.u32 s6, $0x2;
	s1 =	sor.u32 s8, s1;
	s30 =	sadd.s32 s15, s2  }
0xc: {  	s4 =	sadd.s32 s15, s4;
	s16 =	ssub.s32 s24, s7;
	s11 =	smul.u32 $0x4E0, s1  }
0xd: {  	p0 =	sgt.u32 s1, $0x3;
	s24 =	simm.s32 $0x3;
	s1 =	simm.s32 $0x2  }
0xe: {  	s5 =	sshrl.u32 s4, $0x3;
	s4 =	sadd.s32 $0x18000, s0;
	s15 =	smax.u32 s16, $0x1  }
0xf: {  	s16 =	simm.s32 $0x10E80;
	s0 =	sadd.s32 s5, s0;
	s5 =	sadd.s32 s6, s2  }
0x10: {  	s10 =	sadd.s32 s12, s11;
	s11 =	sadd.s32 s13, s11;
	s12 =	sadd.s32 s12, s14  }
0x11: {  	s13 =	sadd.s32 s13, s14;
	s6 =	sadd.s32 $0x2000, s5;
	s25 =	sadd.s32 $0x4000, s5  }
0x12: {  	s26 =	sadd.s32 $0x6000, s5;
	s9 =	sadd.s32 $0x8000, s5;
	[dreg:$0x3] =	wrdreg s6  }
0x13: {  	s14 =	sadd.s32 $0x2BA00, s0;
	s0 =	simm.s32 $0x1;
	[dreg:$0x4] =	wrdreg s25  }
0x14: {  	v0 =	vimm.f32 $0.0e+00;
	[dreg:$0x5] =	wrdreg s26;
	s25 =	sshrl.u32 s30, $0x3;
	s26 =	simm.s32 $0xAE80  }
.LBB2_1:
0x15: {  	s30 =	simm.s32 $0x100;
	s22 =	simm.s32 $0x0  }
.LBB2_2:
0x16: {  	p1 =	sne.s32 s30, $0x7F00;
	[tilespmem:s22+$0x10EB0] =	vst v0;
	s6 =	smov.u32 s30;
	s30 =	sadd.s32 $0x100, s30  }
.Ltmp0:
0x17: {  	[tilespmem:s22+$0x10EA0] =	vst v0;
	(pc) =	sbr.rel @p1 .LBB2_2-.Ltmp0, $3  }
0x18: {  	[tilespmem:s22+$0x10E80] =	vst v0  }
0x19: {  	[tilespmem:s22+$0x10E90] =	vst v0;
	_ =	sdelay $0x1  }
0x1a: {  	s22 =	sshra.s32 s6, $0x2  }
0x1b: {  	[tilespmem:s22+$0x10EB0] =	vst v0  }
0x1c: {  	[tilespmem:s22+$0x10EA0] =	vst v0  }
0x1d: {  	[tilespmem:s22+$0x10E80] =	vst v0  }
0x1e: {  	[tilespmem:s22+$0x10E90] =	vst v0  }
0x1f: {  	[spmem:s5] =	stream.linear.scatter [tilespmem:s16], [sflag:$0x5], $0x2000, $0x38;
	[tilespmem:$0x1CE80] =	vst v63  }
0x20: {  	_ =	swait.ge [sflag:s17], $0x2000  }
0x21: {  	[sflag:s17] =	ssyncset.done $0x0  }
0x22: {  	s6 =	rddreg [dreg:$0x3];
	[sflag:s17] =	ssyncadd.s32 $0xFFFFE000  }
0x23: {  	[spmem:s6] =	stream.linear.scatter [tilespmem:s16], [sflag:$0x5], $0x2000, $0x38;
	[tilespmem:$0x1CE80] =	vst v63  }
0x24: {  	_ =	swait.ge [sflag:s17], $0x2000  }
0x25: {  	[sflag:s17] =	ssyncset.done $0x0  }
0x26: {  	s8 =	rddreg [dreg:$0x4];
	[sflag:s17] =	ssyncadd.s32 $0xFFFFE000  }
0x27: {  	[spmem:s8] =	stream.linear.scatter [tilespmem:s16], [sflag:$0x5], $0x2000, $0x38;
	[tilespmem:$0x1CE80] =	vst v63  }
0x28: {  	_ =	swait.ge [sflag:s17], $0x2000  }
0x29: {  	[sflag:s17] =	ssyncset.done $0x0  }
0x2a: {  	s22 =	rddreg [dreg:$0x5];
	[sflag:s17] =	ssyncadd.s32 $0xFFFFE000  }
0x2b: {  	[spmem:s22] =	stream.linear.scatter [tilespmem:s16], [sflag:$0x5], $0x2000, $0x38;
	[tilespmem:$0x1CE80] =	vst v63  }
0x2c: {  	_ =	swait.ge [sflag:s17], $0x2000  }
0x2d: {  	[sflag:s17] =	ssyncset.done $0x0  }
0x2e: {  	[sflag:s17] =	ssyncadd.s32 $0xFFFFE000  }
0x2f: {  	[spmem:s9] =	stream.linear.scatter [tilespmem:s16], [sflag:$0x5], $0x2000, $0x38;
	[tilespmem:$0x1CE80] =	vst v63  }
0x30: {  	_ =	swait.ge [sflag:s17], $0x2000  }
0x31: {  	[sflag:s17] =	ssyncset.done $0x0  }
0x32: {  	[sflag:s17] =	ssyncadd.s32 $0xFFFFE000  }
0x33: {  	s7 =	simm.s32 $0x0;
	[bflag:$0x0] =	sbarrier.arrive $0xFFFF  }
0x34: {  	[tilespmem:s18], [sflag:$0x5] =	stream.linear.gather [hbm4b:s10+s7], $0x2700, $0x38;
	[tilespmem:$0x1CE80] =	vst v63  }
0x35: {  	_ =	swait.ge [sflag:s17], $0x2700  }
0x36: {  	[sflag:s17] =	ssyncset.done $0x0  }
0x37: {  	[sflag:s17] =	ssyncadd.s32 $0xFFFFD900  }
0x38: {  	[tilespmem:s7], [sflag:$0x5] =	stream.linear.gather [hbm4b:s11+s7], $0x2700, $0x38;
	[tilespmem:$0x1CE80] =	vst v63  }
0x39: {  	_ =	swait.ge [sflag:s17], $0x2700  }
0x3a: {  	[sflag:s17] =	ssyncset.done $0x0  }
0x3b: {  	[sflag:s17] =	ssyncadd.s32 $0xFFFFD900  }
0x3c: {  	[tilespmem:s20], [sflag:$0x1] =	stream.indirect.gather [hbm4b:s4+s19], $0x40, s7, s19, $0xb8;
	[tilespmem:$0x1CE80] =	vst v63  }
0x3d: {  	_ = 	snop  }
0x3e: {  	[tilespmem:s21], [sflag:$0x1] =	stream.indirect.gather [hbm4b:s4+s19], $0x40, s19, s19, $0xb8;
	[tilespmem:$0x1CE80] =	vst v63  }
0x3f: {  	s8 =	simm.s32 $0x100  }
0x40: {  	[tilespmem:s23], [sflag:$0x1] =	stream.indirect.gather [hbm4b:s4+s19], $0x40, s8, s19, $0xb8;
	[tilespmem:$0x1CE80] =	vst v63  }
0x41: {  	s22 =	simm.s32 $0x180  }
0x42: {  	[tilespmem:s26], [sflag:$0x2] =	stream.indirect.gather [hbm4b:s4+s19], $0x40, s22, s19, $0xb8;
	[tilespmem:$0x1CE80] =	vst v63  }
0x43: {  	s7 =	simm.s32 $0x200  }
0x44: {  	[tilespmem:s29], [sflag:$0x2] =	stream.indirect.gather [hbm4b:s4+s19], $0x40, s7, s19, $0xb8;
	[tilespmem:$0x1CE80] =	vst v63  }
0x45: {  	s8 =	simm.s32 $0x280  }
0x46: {  	[tilespmem:s31], [sflag:$0x2] =	stream.indirect.gather [hbm4b:s4+s19], $0x40, s8, s19, $0xb8;
	[tilespmem:$0x1CE80] =	vst v63  }
0x47: {  	_ =	swait.ge [sflag:s0], $0x6000  }
0x48: {  	[sflag:s0] =	ssyncset.done $0x0  }
0x49: {  	[sflag:s0] =	ssyncadd.s32 $0xFFFFA000  }
0x4a: {  	[spmem:s2] =	stream.indirect.scatter.add.f32 [tilespmem:s20], [sflag:$0x3], $0x40, s18, s19, $0xb8;
	[tilespmem:$0x1CE80] =	vst v63  }
0x4b: {  	s22 =	simm.s32 $0x2780  }
0x4c: {  	[spmem:s2] =	stream.indirect.scatter.add.f32 [tilespmem:s21], [sflag:$0x3], $0x40, s22, s19, $0xb8;
	[tilespmem:$0x1CE80] =	vst v63  }
0x4d: {  	s7 =	simm.s32 $0x2800  }
0x4e: {  	[spmem:s2] =	stream.indirect.scatter.add.f32 [tilespmem:s23], [sflag:$0x3], $0x40, s7, s19, $0xb8;
	[tilespmem:$0x1CE80] =	vst v63  }
0x4f: {  	_ =	swait.ge [sflag:s24], $0x6000  }
0x50: {  	[sflag:s24] =	ssyncset.done $0x0  }
0x51: {  	s8 =	simm.s32 $0x300;
	[sflag:s24] =	ssyncadd.s32 $0xFFFFA000  }
0x52: {  	[tilespmem:s20], [sflag:$0x1] =	stream.indirect.gather [hbm4b:s4+s19], $0x40, s8, s19, $0xb8;
	[tilespmem:$0x1CE80] =	vst v63  }
0x53: {  	s22 =	simm.s32 $0x380  }
0x54: {  	[tilespmem:s21], [sflag:$0x1] =	stream.indirect.gather [hbm4b:s4+s19], $0x40, s22, s19, $0xb8;
	[tilespmem:$0x1CE80] =	vst v63  }
0x55: {  	s7 =	simm.s32 $0x400  }
0x56: {  	[tilespmem:s23], [sflag:$0x1] =	stream.indirect.gather [hbm4b:s4+s19], $0x40, s7, s19, $0xb8;
	[tilespmem:$0x1CE80] =	vst v63  }
0x57: {  	_ =	swait.ge [sflag:s1], $0x6000  }
0x58: {  	[sflag:s1] =	ssyncset.done $0x0  }
0x59: {  	s8 =	simm.s32 $0x2880;
	[sflag:s1] =	ssyncadd.s32 $0xFFFFA000  }
0x5a: {  	[spmem:s2] =	stream.indirect.scatter.add.f32 [tilespmem:s26], [sflag:$0x4], $0x40, s8, s19, $0xb8;
	[tilespmem:$0x1CE80] =	vst v63  }
0x5b: {  	s22 =	simm.s32 $0x2900  }
0x5c: {  	[spmem:s2] =	stream.indirect.scatter.add.f32 [tilespmem:s29], [sflag:$0x4], $0x40, s22, s19, $0xb8;
	[tilespmem:$0x1CE80] =	vst v63  }
0x5d: {  	s7 =	simm.s32 $0x2980  }
0x5e: {  	[spmem:s2] =	stream.indirect.scatter.add.f32 [tilespmem:s31], [sflag:$0x4], $0x40, s7, s19, $0xb8;
	[tilespmem:$0x1CE80] =	vst v63  }
0x5f: {  	_ =	swait.ge [sflag:s28], $0x6000  }
0x60: {  	[sflag:s28] =	ssyncset.done $0x0  }
0x61: {  	s8 =	simm.s32 $0x480;
	[sflag:s28] =	ssyncadd.s32 $0xFFFFA000  }
0x62: {  	[tilespmem:s26], [sflag:$0x2] =	stream.indirect.gather [hbm4b:s4+s19], $0x40, s8, s19, $0xb8;
	[tilespmem:$0x1CE80] =	vst v63  }
0x63: {  	s22 =	simm.s32 $0x500  }
0x64: {  	[tilespmem:s29], [sflag:$0x2] =	stream.indirect.gather [hbm4b:s4+s19], $0x40, s22, s19, $0xb8;
	[tilespmem:$0x1CE80] =	vst v63  }
0x65: {  	s7 =	simm.s32 $0x580  }
0x66: {  	[tilespmem:s31], [sflag:$0x2] =	stream.indirect.gather [hbm4b:s4+s19], $0x40, s7, s19, $0xb8;
	[tilespmem:$0x1CE80] =	vst v63  }
0x67: {  	_ =	swait.ge [sflag:s0], $0x6000  }
0x68: {  	[sflag:s0] =	ssyncset.done $0x0  }
0x69: {  	s8 =	simm.s32 $0x2A00;
	[sflag:s0] =	ssyncadd.s32 $0xFFFFA000  }
0x6a: {  	[spmem:s2] =	stream.indirect.scatter.add.f32 [tilespmem:s20], [sflag:$0x3], $0x40, s8, s19, $0xb8;
	[tilespmem:$0x1CE80] =	vst v63  }
0x6b: {  	s22 =	simm.s32 $0x2A80  }
0x6c: {  	[spmem:s2] =	stream.indirect.scatter.add.f32 [tilespmem:s21], [sflag:$0x3], $0x40, s22, s19, $0xb8;
	[tilespmem:$0x1CE80] =	vst v63  }
0x6d: {  	s7 =	simm.s32 $0x2B00  }
0x6e: {  	[spmem:s2] =	stream.indirect.scatter.add.f32 [tilespmem:s23], [sflag:$0x3], $0x40, s7, s19, $0xb8;
	[tilespmem:$0x1CE80] =	vst v63  }
0x6f: {  	_ =	swait.ge [sflag:s24], $0x6000  }
0x70: {  	[sflag:s24] =	ssyncset.done $0x0  }
0x71: {  	s8 =	simm.s32 $0x600;
	[sflag:s24] =	ssyncadd.s32 $0xFFFFA000  }
0x72: {  	[tilespmem:s20], [sflag:$0x1] =	stream.indirect.gather [hbm4b:s4+s19], $0x40, s8, s19, $0xb8;
	[tilespmem:$0x1CE80] =	vst v63  }
0x73: {  	s22 =	simm.s32 $0x680  }
0x74: {  	[tilespmem:s21], [sflag:$0x1] =	stream.indirect.gather [hbm4b:s4+s19], $0x40, s22, s19, $0xb8;
	[tilespmem:$0x1CE80] =	vst v63  }
0x75: {  	s7 =	simm.s32 $0x700  }
0x76: {  	[tilespmem:s23], [sflag:$0x1] =	stream.indirect.gather [hbm4b:s4+s19], $0x40, s7, s19, $0xb8;
	[tilespmem:$0x1CE80] =	vst v63  }
0x77: {  	_ =	swait.ge [sflag:s1], $0x6000  }
0x78: {  	[sflag:s1] =	ssyncset.done $0x0  }
0x79: {  	s8 =	simm.s32 $0x2B80;
	[sflag:s1] =	ssyncadd.s32 $0xFFFFA000  }
0x7a: {  	[spmem:s2] =	stream.indirect.scatter.add.f32 [tilespmem:s26], [sflag:$0x4], $0x40, s8, s19, $0xb8;
	[tilespmem:$0x1CE80] =	vst v63  }
0x7b: {  	s22 =	simm.s32 $0x2C00  }
0x7c: {  	[spmem:s2] =	stream.indirect.scatter.add.f32 [tilespmem:s29], [sflag:$0x4], $0x40, s22, s19, $0xb8;
	[tilespmem:$0x1CE80] =	vst v63  }
0x7d: {  	s30 =	simm.s32 $0xC00;
	s22 =	simm.s32 $0x2C80  }
.LBB2_4:
0x7e: {  	[spmem:s2] =	stream.indirect.scatter.add.f32 [tilespmem:s31], [sflag:$0x4], $0x40, s22, s19, $0xb8;
	[tilespmem:$0x1CE80] =	vst v63  }
0x7f: {  	s6 =	smov.u32 s30;
	s30 =	sadd.s32 $0xC00, s30;
	_ =	swait.ge [sflag:s28], $0x6000  }
0x80: {  	s22 =	sshra.s32 s6, $0x2;
	p1 =	sne.s32 s30, $0x8400;
	[sflag:s28] =	ssyncset.done $0x0  }
0x81: {  	s6 =	sadd.s32 $0x480, s22;
	[sflag:s28] =	ssyncadd.s32 $0xFFFFA000  }
0x82: {  	[tilespmem:s26], [sflag:$0x2] =	stream.indirect.gather [hbm4b:s4+s19], $0x40, s6, s19, $0xb8;
	[tilespmem:$0x1CE80] =	vst v63  }
0x83: {  	s6 =	sadd.s32 $0x500, s22  }
0x84: {  	[tilespmem:s29], [sflag:$0x2] =	stream.indirect.gather [hbm4b:s4+s19], $0x40, s6, s19, $0xb8;
	[tilespmem:$0x1CE80] =	vst v63  }
0x85: {  	s6 =	sadd.s32 $0x580, s22  }
0x86: {  	[tilespmem:s31], [sflag:$0x2] =	stream.indirect.gather [hbm4b:s4+s19], $0x40, s6, s19, $0xb8;
	[tilespmem:$0x1CE80] =	vst v63  }
0x87: {  	_ =	swait.ge [sflag:s0], $0x6000  }
0x88: {  	[sflag:s0] =	ssyncset.done $0x0  }
0x89: {  	s6 =	sadd.s32 $0x2A00, s22;
	[sflag:s0] =	ssyncadd.s32 $0xFFFFA000  }
0x8a: {  	[spmem:s2] =	stream.indirect.scatter.add.f32 [tilespmem:s20], [sflag:$0x3], $0x40, s6, s19, $0xb8;
	[tilespmem:$0x1CE80] =	vst v63  }
0x8b: {  	s6 =	sadd.s32 $0x2A80, s22  }
0x8c: {  	[spmem:s2] =	stream.indirect.scatter.add.f32 [tilespmem:s21], [sflag:$0x3], $0x40, s6, s19, $0xb8;
	[tilespmem:$0x1CE80] =	vst v63  }
0x8d: {  	s6 =	sadd.s32 $0x2B00, s22  }
0x8e: {  	[spmem:s2] =	stream.indirect.scatter.add.f32 [tilespmem:s23], [sflag:$0x3], $0x40, s6, s19, $0xb8;
	[tilespmem:$0x1CE80] =	vst v63  }
0x8f: {  	_ =	swait.ge [sflag:s24], $0x6000  }
0x90: {  	[sflag:s24] =	ssyncset.done $0x0  }
0x91: {  	s6 =	sadd.s32 $0x600, s22;
	[sflag:s24] =	ssyncadd.s32 $0xFFFFA000  }
0x92: {  	[tilespmem:s20], [sflag:$0x1] =	stream.indirect.gather [hbm4b:s4+s19], $0x40, s6, s19, $0xb8;
	[tilespmem:$0x1CE80] =	vst v63  }
0x93: {  	s6 =	sadd.s32 $0x680, s22  }
0x94: {  	[tilespmem:s21], [sflag:$0x1] =	stream.indirect.gather [hbm4b:s4+s19], $0x40, s6, s19, $0xb8;
	[tilespmem:$0x1CE80] =	vst v63  }
0x95: {  	s6 =	sadd.s32 $0x700, s22  }
0x96: {  	[tilespmem:s23], [sflag:$0x1] =	stream.indirect.gather [hbm4b:s4+s19], $0x40, s6, s19, $0xb8;
	[tilespmem:$0x1CE80] =	vst v63  }
0x97: {  	_ =	swait.ge [sflag:s1], $0x6000  }
0x98: {  	[sflag:s1] =	ssyncset.done $0x0  }
.Ltmp1:
0x99: {  	s6 =	sadd.s32 $0x2B80, s22;
	[sflag:s1] =	ssyncadd.s32 $0xFFFFA000;
	(pc) =	sbr.rel @p1 .LBB2_4-.Ltmp1, $4  }
0x9a: {  	[spmem:s2] =	stream.indirect.scatter.add.f32 [tilespmem:s26], [sflag:$0x4], $0x40, s6, s19, $0xb8;
	[tilespmem:$0x1CE80] =	vst v63  }
0x9b: {  	s6 =	sadd.s32 $0x2C00, s22  }
0x9c: {  	[spmem:s2] =	stream.indirect.scatter.add.f32 [tilespmem:s29], [sflag:$0x4], $0x40, s6, s19, $0xb8;
	[tilespmem:$0x1CE80] =	vst v63  }
0x9d: {  	s22 =	sadd.s32 $0x2C80, s22  }
0x9e: {  	[spmem:s2] =	stream.indirect.scatter.add.f32 [tilespmem:s31], [sflag:$0x4], $0x40, s22, s19, $0xb8;
	[tilespmem:$0x1CE80] =	vst v63  }
0x9f: {  	_ =	swait.ge [sflag:s28], $0x6000  }
0xa0: {  	[sflag:s28] =	ssyncset.done $0x0  }
0xa1: {  	s6 =	simm.s32 $0x2580;
	[sflag:s28] =	ssyncadd.s32 $0xFFFFA000  }
0xa2: {  	[tilespmem:s26], [sflag:$0x2] =	stream.indirect.gather [hbm4b:s4+s19], $0x40, s6, s19, $0xb8;
	[tilespmem:$0x1CE80] =	vst v63  }
0xa3: {  	s8 =	simm.s32 $0x2600  }
0xa4: {  	[tilespmem:s29], [sflag:$0x2] =	stream.indirect.gather [hbm4b:s4+s19], $0x40, s8, s19, $0xb8;
	[tilespmem:$0x1CE80] =	vst v63  }
0xa5: {  	s22 =	simm.s32 $0x2680  }
0xa6: {  	[tilespmem:s31], [sflag:$0x2] =	stream.indirect.gather [hbm4b:s4+s19], $0x40, s22, s19, $0xb8;
	[tilespmem:$0x1CE80] =	vst v63  }
0xa7: {  	_ =	swait.ge [sflag:s0], $0x6000  }
0xa8: {  	s7 =	sshra.s32 s30, $0x2;
	[sflag:s0] =	ssyncset.done $0x0  }
0xa9: {  	s8 =	sadd.s32 $0x2A00, s7;
	[sflag:s0] =	ssyncadd.s32 $0xFFFFA000  }
0xaa: {  	[spmem:s2] =	stream.indirect.scatter.add.f32 [tilespmem:s20], [sflag:$0x3], $0x40, s8, s19, $0xb8;
	[tilespmem:$0x1CE80] =	vst v63  }
0xab: {  	s30 =	sadd.s32 $0x2A80, s7  }
0xac: {  	[spmem:s2] =	stream.indirect.scatter.add.f32 [tilespmem:s21], [sflag:$0x3], $0x40, s30, s19, $0xb8;
	[tilespmem:$0x1CE80] =	vst v63  }
0xad: {  	s6 =	sadd.s32 $0x2B00, s7  }
0xae: {  	[spmem:s2] =	stream.indirect.scatter.add.f32 [tilespmem:s23], [sflag:$0x3], $0x40, s6, s19, $0xb8;
	[tilespmem:$0x1CE80] =	vst v63  }
0xaf: {  	_ =	swait.ge [sflag:s1], $0x6000  }
0xb0: {  	[sflag:s1] =	ssyncset.done $0x0  }
0xb1: {  	s7 =	simm.s32 $0x4C80;
	[sflag:s1] =	ssyncadd.s32 $0xFFFFA000  }
0xb2: {  	[spmem:s2] =	stream.indirect.scatter.add.f32 [tilespmem:s26], [sflag:$0x4], $0x40, s7, s19, $0xb8;
	[tilespmem:$0x1CE80] =	vst v63  }
0xb3: {  	s8 =	simm.s32 $0x4D00  }
0xb4: {  	[spmem:s2] =	stream.indirect.scatter.add.f32 [tilespmem:s29], [sflag:$0x4], $0x40, s8, s19, $0xb8;
	[tilespmem:$0x1CE80] =	vst v63  }
0xb5: {  	s22 =	simm.s32 $0x4D80  }
0xb6: {  	[spmem:s2] =	stream.indirect.scatter.add.f32 [tilespmem:s31], [sflag:$0x4], $0x40, s22, s19, $0xb8;
	[tilespmem:$0x1CE80] =	vst v63  }
0xb7: {  	_ =	swait.ge [sflag:s28], $0x6000  }
0xb8: {  	[sflag:s28] =	ssyncset.done $0x0  }
0xb9: {  	[sflag:s28] =	ssyncadd.s32 $0xFFFFA000  }
0xba: {  	_ =	swait.ge [sflag:s24], $0x6000  }
0xbb: {  	s30 =	simm.s32 @!p0 $0x5;
	[sflag:s24] =	ssyncset.done $0x0  }
0xbc: {  	s6 =	simm.s32 @!p0 $0x0;
	s22 =	simm.s32 @!p0 $0x4E00;
	[sflag:s24] =	ssyncadd.s32 $0xFFFFA000  }
0xbd: {  	[tilespmem:s22], [sflag:$0x5] =	stream.linear.gather @!p0 [hbm4b:s12+s6], $0x80, $0x38;
	[tilespmem:$0x1CE80] =	vst v63  }
0xbe: {  	_ =	swait.ge @!p0 [sflag:s30], $0x80  }
0xbf: {  	[sflag:s30] =	ssyncset.done @!p0 $0x0  }
0xc0: {  	[sflag:s30] =	ssyncadd.s32 @!p0 $0xFFFFFF80  }
0xc1: {  	[tilespmem:s6], [sflag:$0x5] =	stream.linear.gather @!p0 [hbm4b:s13+s6], $0x80, $0x38;
	[tilespmem:$0x1CE80] =	vst v63  }
0xc2: {  	_ =	swait.ge @!p0 [sflag:s30], $0x80  }
0xc3: {  	[sflag:s30] =	ssyncset.done @!p0 $0x0  }
0xc4: {  	s7 =	simm.s32 @!p0 $0x80;
	s8 =	simm.s32 @!p0 $0x4E80;
	[sflag:s30] =	ssyncadd.s32 @!p0 $0xFFFFFF80  }
0xc5: {  	[tilespmem:s8], [sflag:$0x1] =	stream.indirect.gather @!p0 [hbm4b:s4+s7], $0x40, s6, s7, $0xb8;
	[tilespmem:$0x1CE80] =	vst v63  }
0xc6: {  	s6 =	simm.s32 @!p0 $0x1  }
0xc7: {  	_ =	swait.ge @!p0 [sflag:s6], $0x2000  }
0xc8: {  	[sflag:s6] =	ssyncset.done @!p0 $0x0  }
0xc9: {  	[sflag:s6] =	ssyncadd.s32 @!p0 $0xFFFFE000  }
0xca: {  	[spmem:s2] =	stream.indirect.scatter.add.f32 @!p0 [tilespmem:s8], [sflag:$0x5], $0x40, s22, s7, $0xb8;
	[tilespmem:$0x1CE80] =	vst v63  }
0xcb: {  	_ =	swait.ge @!p0 [sflag:s30], $0x2000  }
0xcc: {  	[sflag:s30] =	ssyncset.done @!p0 $0x0  }
0xcd: {  	s3 =	sadd.s32 $0x1, s3;
	[sflag:s30] =	ssyncadd.s32 @!p0 $0xFFFFE000;
	s30 =	stileid.u32  }
0xce: {  	p1 =	sne.s32 s3, s15;
	s6 =	sshll.u32 s30, $0x6  }
.Ltmp2:
0xcf: {  	[bflag:$0x0] =	sbarrier.arrive $0xFFFF;
	s6 =	sor.u32 $0x1C05, s6;
	(pc) =	sbr.rel @p1 .LBB2_1-.Ltmp2, $4  }
0xd0: {  	[hbm:s14], [sflag:s6] =	dma.local [spmem:s25], $0x1388  }
0xd1: {  	_ =	swait.ge [sflag:s17], $0x1388  }
0xd2: {  	[sflag:s17] =	ssyncset.done $0x0  }
0xd3: {  	[sflag:s17] =	ssyncadd.s32 $0xFFFFEC78  }
0xd4: {  	_ =	sfence.sel $0x180000  }
0xd5: {  	[bflag:$0x0] =	sbarrier.arrive $0xFFFF  }
0xd6: {  	_ =	strace $0x9000004A  }
0xd7: {  	s0 =	stileid.u32;
	[bflag:$0x2] =	sbarrier.arrive $0xFFFF  }
0xd8: {  	p0 =	sne.s32 s0, $0x0;
	s0 =	rddreg [dreg:$0x2]  }
0xd9: {  	s0 =	sadd.s32 @!p0 $0x100000, s0  }
0xda: {  	[sflag:s0] =	ssyncadd.tile.s32 @!p0 $0x1;
	_ =	shalt  }
.Lfunc_end2:
_tile_overlayer_lowered:
.L_overlay_start_2:
0xdb: {  	(tag) =	ssettag $0x2  }
0xdc: {  	s0 =	rddreg [dreg:$0x0];
	s2 =	stileid.u32  }
0xdd: {  	s1 =	rddreg [dreg:$0x1];
	p0 =	sne.s32 s2, $0x0  }
0xde: {  	s3 =	rddreg [dreg:$0x2];
	[bflag:$0x3] =	sbarrier.arrive $0xFFFF;
	s2 =	simm.s32 @!p0 $0x1C05  }
0xdf: {  	[timem:s3], [sflag:s2] =	dma.local @!p0 [hbm:s0], s1  }
0xe0: {  	s0 =	simm.s32 @!p0 $0x5  }
0xe1: {  	_ =	swait.ge @!p0 [sflag:s0], s1  }
0xe2: {  	s1 =	ssub.s32 @!p0 $0x0, s1;
	[sflag:s0] =	ssyncset.done @!p0 $0x0  }
0xe3: {  	[sflag:s0] =	ssyncadd.s32 @!p0 s1  }
0xe4: {  	[bflag:$0x3] =	sbarrier.arrive $0xFFFF  }
0xe5: {  	_ =	shalt  }

// kernel: kernel.19.cloned.1.call-start
scs
__scs_entry_jumppad:
0x0: {  	(pc) =	sbr.rel $0x88, $3  }
0x1: {  	(tag) =	ssettag $0x0;
	lr =	simm.s32 $0x1  }
0x2: {  	[smem:$0x3F8A] =	sst lr;
	_ =	strace $0xD0000000  }
0x3: {  	_ = 	snop  }
0x4: {  	_ = 	snop  }
0x5: {  	_ = 	snop  }
0x6: {  	_ = 	snop  }
0x7: {  	_ = 	snop  }
__scs_overlays_trampoline_lowered:
0x8: {  	[smem:$0x3F99] =	sst s0  }
0x9: {  	[smem:$0x3F9A] =	sst s1  }
0xa: {  	[smem:$0x3F9B] =	sst s2  }
0xb: {  	[smem:$0x3F9C] =	sst s3  }
0xc: {  	[smem:$0x3F9D] =	sst s4  }
0xd: {  	[smem:$0x3F9E] =	sst s5  }
0xe: {  	[smem:$0x3F9F] =	sst s6  }
0xf: {  	[smem:$0x3FA0] =	sst s7  }
0x10: {  	[smem:$0x3FA1] =	sst s8  }
0x11: {  	[smem:$0x3FA2] =	sst s9;
	s0 =	simm.s32 @!p0 $0x0  }
0x12: {  	s1 =	sld [smem:$0x3F88];
	s0 =	simm.s32 @p0 $0x1  }
0x13: {  	[smem:$0x3FA3] =	sst s0;
	s0 =	simm.s32 @!p1 $0x0  }
0x14: {  	s2 =	sld [smem:$0x3F87];
	s0 =	simm.s32 @p1 $0x1  }
0x15: {  	[smem:$0x3FA4] =	sst s0;
	s0 =	simm.s32 @!p2 $0x0  }
0x16: {  	s3 =	sld [smem:$0x3FDB];
	s0 =	simm.s32 @p2 $0x1  }
0x17: {  	s4 =	simm.s32 $0x1BF5;
	[smem:$0x3FA6] =	sst s0  }
0x18: {  	s0 =	sld [smem:$0x3F89];
	_ =	swait.ge [sflag:s4], $0x0  }
0x19: {  	s7 =	sld [smem:$0x3F8A]  }
0x1a: {  	s8 =	sadd.s32 $0xFFFFE003, lr  }
0x1b: {  	s9 =	sadd.s32 $0xFFFFFEF7, lr;
	s5 =	simm.s32 $0xFFFFFFFF;
	p2 =	slt.u32 s8, $0xFFFFF086  }
0x1c: {  	p1 =	slt.u32 s9, $0xF7A;
	s5 =	simm.s32 @!p2 $0x0  }
0x1d: {  	s5 =	simm.s32 @p1 $0x1;
	p0 =	seq.s32 s7, s2  }
0x1e: {  	s7 =	smul.u32 @!p0 $0xF7A, s2;
	p2 =	seq.s32 @!p0 s5, $0x0  }
0x1f: {  	s9 =	smul.u32 $0xF7A, s1;
	s8 =	simm.s32 @!p0 $0x1BF5;
	p2 =	por !p2, p0  }
0x20: {  	[sflag:s8] =	ssyncset.s32 @!p0 $0xFFFFF086;
	s6 =	sadd.s32 @!p0 s3, s7;
	s7 =	simm.s32 @!p0 $0x108  }
0x21: {  	s3 =	sadd.s32 s3, s9;
	s6 =	sadd.s32 @!p0 $0x88, s6;
	s7 =	simm.s32 @p2 $0x1082  }
0x22: {  	[simem:s7], [sflag:s8] =	dma.local @!p0 [hbm:s6], $0xF7A  }
0x23: {  	s9 =	sor.u32 $0xD0000000, s2;
	s6 =	simm.s32 $0x108;
	_ =	swait.ge @!p0 [sflag:s8], $0x0  }
0x24: {  	s3 =	sadd.s32 $0x88, s3;
	s6 =	simm.s32 @!p1 $0x1082;
	[sflag:s4] =	ssyncset.s32 $0xFFFFF086  }
0x25: {  	[simem:s6], [sflag:s4] =	dma.local [hbm:s3], $0xF7A  }
0x26: {  	[smem:$0x3F8A] =	sst s1;
	(tag) =	ssettag s2;
	_ =	strace s9  }
0x27: {  	s1 =	sld [smem:$0x3F9A]  }
0x28: {  	s2 =	sld [smem:$0x3F9B]  }
0x29: {  	s4 =	sld [smem:$0x3F9D]  }
0x2a: {  	p0 =	seq.s32 s5, $0x0;
	s5 =	sld [smem:$0x3F9E]  }
0x2b: {  	s6 =	sld [smem:$0x3F9F]  }
0x2c: {  	s7 =	sld [smem:$0x3FA0]  }
0x2d: {  	s3 =	simm.s32 $0x108;
	s8 =	sld [smem:$0x3FA1]  }
0x2e: {  	s3 =	simm.s32 @!p0 $0x1082;
	s9 =	sld [smem:$0x3FA2]  }
0x2f: {  	lr =	sadd.s32 s0, s3;
	s0 =	sld [smem:$0x3F99]  }
0x30: {  	s3 =	sld [smem:$0x3F9C]  }
0x31: {  	[smem:$0x3FA5] =	sst s10  }
0x32: {  	s10 =	sld [smem:$0x3FA3];
	_ =	sdelay $0x3  }
0x33: {  	p0 =	seq.s32 s10, $0x1;
	s10 =	sld [smem:$0x3FA5];
	_ =	sdelay $0x3  }
0x34: {  	[smem:$0x3FA5] =	sst s10  }
0x35: {  	s10 =	sld [smem:$0x3FA4];
	_ =	sdelay $0x3  }
0x36: {  	p1 =	seq.s32 s10, $0x1;
	s10 =	sld [smem:$0x3FA5];
	_ =	sdelay $0x3  }
0x37: {  	[smem:$0x3FA5] =	sst s10  }
0x38: {  	s10 =	sld [smem:$0x3FA6]  }
0x39: {  	_ = 	snop;
	(pc) =	sbr.ind lr, $3  }
0x3a: {  	_ = 	snop  }
0x3b: {  	_ = 	snop  }
0x3c: {  	p2 =	seq.s32 s10, $0x1;
	s10 =	sld [smem:$0x3FA5]  }
0x3d: {  	_ =	shalt  }
0x3e: {  	_ =	shalt  }
0x3f: {  	_ =	shalt  }
0x40: {  	_ =	shalt  }
0x41: {  	_ =	shalt  }
0x42: {  	_ =	shalt  }
0x43: {  	_ =	shalt  }
0x44: {  	_ =	shalt  }
0x45: {  	_ =	shalt  }
0x46: {  	_ =	shalt  }
0x47: {  	_ =	shalt  }
0x48: {  	_ =	shalt  }
0x49: {  	_ =	shalt  }
0x4a: {  	_ =	shalt  }
0x4b: {  	_ =	shalt  }
0x4c: {  	_ =	shalt  }
0x4d: {  	_ =	shalt  }
0x4e: {  	_ =	shalt  }
0x4f: {  	_ =	shalt  }
0x50: {  	_ =	shalt  }
0x51: {  	_ =	shalt  }
0x52: {  	_ =	shalt  }
0x53: {  	_ =	shalt  }
0x54: {  	_ =	shalt  }
0x55: {  	_ =	shalt  }
0x56: {  	_ =	shalt  }
0x57: {  	_ =	shalt  }
0x58: {  	_ =	shalt  }
0x59: {  	_ =	shalt  }
0x5a: {  	_ =	shalt  }
0x5b: {  	_ =	shalt  }
0x5c: {  	_ =	shalt  }
0x5d: {  	_ =	shalt  }
0x5e: {  	_ =	shalt  }
0x5f: {  	_ =	shalt  }
0x60: {  	_ =	shalt  }
0x61: {  	_ =	shalt  }
0x62: {  	_ =	shalt  }
0x63: {  	_ =	shalt  }
0x64: {  	_ =	shalt  }
0x65: {  	_ =	shalt  }
0x66: {  	_ =	shalt  }
0x67: {  	_ =	shalt  }
0x68: {  	_ =	shalt  }
0x69: {  	_ =	shalt  }
0x6a: {  	_ =	shalt  }
0x6b: {  	_ =	shalt  }
0x6c: {  	_ =	shalt  }
0x6d: {  	_ =	shalt  }
0x6e: {  	_ =	shalt  }
0x6f: {  	_ =	shalt  }
0x70: {  	_ =	shalt  }
0x71: {  	_ =	shalt  }
0x72: {  	_ =	shalt  }
0x73: {  	_ =	shalt  }
0x74: {  	_ =	shalt  }
0x75: {  	_ =	shalt  }
0x76: {  	_ =	shalt  }
0x77: {  	_ =	shalt  }
0x78: {  	_ =	shalt  }
0x79: {  	_ =	shalt  }
0x7a: {  	_ =	shalt  }
0x7b: {  	_ =	shalt  }
0x7c: {  	_ =	shalt  }
0x7d: {  	_ =	shalt  }
0x7e: {  	_ =	shalt  }
0x7f: {  	_ =	shalt  }
0x80: {  	_ =	shalt  }
0x81: {  	_ =	shalt  }
0x82: {  	_ =	shalt  }
0x83: {  	_ =	shalt  }
0x84: {  	_ =	shalt  }
0x85: {  	_ =	shalt  }
0x86: {  	_ =	shalt  }
0x87: {  	_ =	shalt  }
.Lfunc_end0:
.L_simem_size_0:
called_computation.2_lowered:
.L_overlay_start_0:
0x88: {  	s2 =	sld [smem:$0x3FD9]  }
0x89: {  	s3 =	sld [smem:$0x3FFE];
	_ =	sdelay $0x1  }
0x8a: {  	s1 =	srdreg.scid  }
0x8b: {  	s0 =	sand.u32 $0x1, s1  }
0x8c: {  	s16 =	sshll.u32 s0, $0xA;
	s2 =	sadd.s32 s3, s2  }
0x8d: {  	s2 =	sadd.s32 s2, s16  }
0x8e: {  	[smem:$0x3FB1] =	sst s2  }
0x8f: {  	_ = 	snop  }
0x90: {  	(tm) =	ssettm $0x1  }
0x91: {  	s17 =	sld [smem:$0x3FFB];
	_ =	sdelay $0x3  }
0x92: {  	_ =	strace s17  }
0x93: {  	s2 =	sld [smem:$0x3FFC];
	_ =	sdelay $0x3  }
0x94: {  	_ =	strace s2  }
0x95: {  	s2 =	sld [smem:$0x3FFD];
	_ =	sdelay $0x3  }
0x96: {  	_ =	strace s2  }
0x97: {  	_ =	strace $0x8FFFFFFF  }
0x98: {  	s18 =	sld [smem:$0x3FDB];
	_ =	sdelay $0x1  }
0x99: {  	s19 =	simm.s32 $_scs_section_size  }
0x9a: {  	s4 =	simm.s32 $_size__tile_overlayer_lowered;
	s5 =	simm.s32 $_tile_overlayer_lowered  }
0x9b: {  	s22 =	simm.s32 $0x1BFF;
	s21 =	sshll.u32 s5, $0x1;
	s2 =	sadd.s32 s19, s18  }
0x9c: {  	s6 =	simm.s32 $0x0;
	s20 =	sshll.u32 s4, $0x1;
	s4 =	sadd.s32 s21, s2  }
0x9d: {  	[timem:s6], [sflag:s22] =	dma.local [hbm:s4], s20  }
0x9e: {  	_ =	swait.ge [sflag:s22], s20  }
0x9f: {  	s3 =	ssub.s32 $0x0, s20;
	[sflag:s22] =	ssyncset.done $0x0  }
0xa0: {  	[sflag:s22] =	ssyncadd.s32 s3;
	_ =	sdelay $0x1  }
0xa1: {  	s23 =	simm.s32 $0x1B8B  }
0xa2: {  	_ =	swait.ge [sflag:s23], $0x1  }
0xa3: {  	[sflag:s23] =	ssyncset.done $0x0  }
0xa4: {  	s25 =	simm.s32 $0x1B8E;
	s24 =	sld [smem:$0x3FFE];
	[sflag:s23] =	ssyncadd.s32 $0xFFFFFFFF  }
0xa5: {  	s26 =	simm.s32 $execute0_lowered;
	[smem:$0x3FD2] =	sst s25  }
0xa6: {  	s4 =	sshll.u32 s26, $0x1;
	_ =	strace $0x8000004C;
	[dreg:$0x1] =	wrdreg $0xFFFFFFFF  }
0xa7: {  	s28 =	simm.s32 $_size_execute0_lowered;
	s2 =	sadd.s32 s2, s4;
	[dreg:$0x0] =	wrdreg $0x0  }
0xa8: {  	s4 =	sshll.u32 s28, $0x1;
	[dreg:$0x2] =	wrdreg s2  }
0xa9: {  	[dreg:$0x3] =	wrdreg s4  }
0xaa: {  	[dreg:$0x4] =	wrdreg $0xC0  }
0xab: {  	_ =	task [dreg:s6], $0x5FFFF  }
0xac: {  	[dreg:$0x1] =	wrdreg $0xFFFFFFFF  }
0xad: {  	[dreg:$0x0] =	wrdreg $0x60  }
0xae: {  	[dreg:$0x2] =	wrdreg s24  }
0xaf: {  	[dreg:$0x3] =	wrdreg $0x12E800  }
0xb0: {  	[dreg:$0x4] =	wrdreg $0x9  }
0xb1: {  	_ =	task.clear_ibuf [dreg:s6], $0x5FFFF;
	_ =	strace $0x9000004C  }
0xb2: {  	s29 =	simm.s32 $0x9;
	_ =	strace $0x8000004E  }
0xb3: {  	_ =	swait.ge [sflag:s29], $0x1  }
0xb4: {  	[sflag:s29] =	ssyncadd.s32 $0xFFFFFFFF  }
0xb5: {  	_ =	strace $0x9000004E  }
0xb6: {  	_ =	sfence  }
0xb7: {  	s30 =	sld [smem:$0x0];
	_ =	sdelay $0x2  }
0xb8: {  	s31 =	sshll.u32 s1, $0xD;
	s1 =	sshrl.u32 s1, $0x2  }
0xb9: {  	s3 =	sand.u32 $0x4000, s31;
	s1 =	sadd.s32 s1, s30  }
0xba: {  	s0 =	sor.u32 s3, s0;
	s1 =	sshll.u32 s1, $0x11  }
0xbb: {  	s0 =	sor.u32 s1, s0  }
0xbc: {  	s0 =	sadd.s32 $0x8F2B, s0  }
0xbd: {  	[sflag:s0] =	ssyncadd.remote.s32 $0x1  }
0xbe: {  	_ =	sfence.sel $0xFFFF  }
0xbf: {  	[dreg:$0x0] =	wrdreg $0xFFFFFFFF;
	(pc) =	sbr.abs _section_cstart, $3  }
0xc0: {  	[dreg:$0x1] =	wrdreg $0xFFFFFFFF  }
0xc1: {  	_ =	task.clear_ibuf [dreg:s6], $0x2FFFF;
	_ =	strace $0x9FFFFFFF  }
0xc2: {  	(tm) =	ssettm $0x7FFFFFFF  }
0xc3: {  	_ =	shalt  }
tec
execute0_lowered:
.L_overlay_start_1:
0x0: {  	(tag) =	ssettag $0x1  }
0x1: {  	s0 =	rddreg [dreg:$0x0]  }
0x2: {  	s1 =	srdreg.scid;
	s2 =	rddreg [dreg:$0x1]  }
0x3: {  	s8 =	stileid.u32;
	s3 =	simm.s32 $0x0;
	s17 =	simm.s32 $0x5  }
0x4: {  	s18 =	simm.s32 $0x2700;
	s19 =	simm.s32 $0x80;
	s20 =	simm.s32 $0x4E80  }
0x5: {  	s21 =	simm.s32 $0x6E80;
	s23 =	simm.s32 $0x8E80;
	s29 =	simm.s32 $0xCE80  }
0x6: {  	s31 =	simm.s32 $0xEE80;
	s28 =	simm.s32 $0x4;
	s1 =	sand.u32 $0x1, s1  }
0x7: {  	s15 =	smul.u32 $0x9C40, s8;
	[smem:$0x7FF] =	sst s3;
	s13 =	sadd.s32 $0xE200, s0  }
0x8: {  	s12 =	sadd.s32 $0x4400, s0;
	s6 =	smul.u32 $0x28000, s8;
	s14 =	sshll.u32 s8, $0x4  }
0x9: {  	s4 =	smul.u32 $0x9C400, s1;
	_ =	strace $0x8000004D;
	s24 =	ssub.s32 $0x2, s1  }
0xa: {  	s1 =	sshll.u32 s1, $0x4;
	s14 =	sor.u32 $0x9C00, s14;
	s7 =	sshrl.u32 s24, $0x1  }
0xb: {  	s6 =	sshrl.u32 s6, $0x2;
	s1 =	sor.u32 s8, s1;
	s30 =	sadd.s32 s15, s2  }
0xc: {  	s4 =	sadd.s32 s15, s4;
	s16 =	ssub.s32 s24, s7;
	s11 =	smul.u32 $0x4E0, s1  }
0xd: {  	p0 =	sgt.u32 s1, $0x3;
	s24 =	simm.s32 $0x3;
	s1 =	simm.s32 $0x2  }
0xe: {  	s5 =	sshrl.u32 s4, $0x3;
	s4 =	sadd.s32 $0x18000, s0;
	s15 =	smax.u32 s16, $0x1  }
0xf: {  	s16 =	simm.s32 $0x10E80;
	s0 =	sadd.s32 s5, s0;
	s5 =	sadd.s32 s6, s2  }
0x10: {  	s10 =	sadd.s32 s12, s11;
	s11 =	sadd.s32 s13, s11;
	s12 =	sadd.s32 s12, s14  }
0x11: {  	s13 =	sadd.s32 s13, s14;
	s6 =	sadd.s32 $0x2000, s5;
	s25 =	sadd.s32 $0x4000, s5  }
0x12: {  	s26 =	sadd.s32 $0x6000, s5;
	s9 =	sadd.s32 $0x8000, s5;
	[dreg:$0x3] =	wrdreg s6  }
0x13: {  	s14 =	sadd.s32 $0x2BA00, s0;
	s0 =	simm.s32 $0x1;
	[dreg:$0x4] =	wrdreg s25  }
0x14: {  	v0 =	vimm.f32 $0.0e+00;
	[dreg:$0x5] =	wrdreg s26;
	s25 =	sshrl.u32 s30, $0x3;
	s26 =	simm.s32 $0xAE80  }
.LBB2_1:
0x15: {  	s30 =	simm.s32 $0x100;
	s22 =	simm.s32 $0x0  }
.LBB2_2:
0x16: {  	p1 =	sne.s32 s30, $0x7F00;
	[tilespmem:s22+$0x10EB0] =	vst v0;
	s6 =	smov.u32 s30;
	s30 =	sadd.s32 $0x100, s30  }
.Ltmp0:
0x17: {  	[tilespmem:s22+$0x10EA0] =	vst v0;
	(pc) =	sbr.rel @p1 .LBB2_2-.Ltmp0, $3  }
0x18: {  	[tilespmem:s22+$0x10E80] =	vst v0  }
0x19: {  	[tilespmem:s22+$0x10E90] =	vst v0;
	_ =	sdelay $0x1  }
0x1a: {  	s22 =	sshra.s32 s6, $0x2  }
0x1b: {  	[tilespmem:s22+$0x10EB0] =	vst v0  }
0x1c: {  	[tilespmem:s22+$0x10EA0] =	vst v0  }
0x1d: {  	[tilespmem:s22+$0x10E80] =	vst v0  }
0x1e: {  	[tilespmem:s22+$0x10E90] =	vst v0  }
0x1f: {  	[spmem:s5] =	stream.linear.scatter [tilespmem:s16], [sflag:$0x5], $0x2000, $0x38;
	[tilespmem:$0x1CE80] =	vst v63  }
0x20: {  	_ =	swait.ge [sflag:s17], $0x2000  }
0x21: {  	[sflag:s17] =	ssyncset.done $0x0  }
0x22: {  	s6 =	rddreg [dreg:$0x3];
	[sflag:s17] =	ssyncadd.s32 $0xFFFFE000  }
0x23: {  	[spmem:s6] =	stream.linear.scatter [tilespmem:s16], [sflag:$0x5], $0x2000, $0x38;
	[tilespmem:$0x1CE80] =	vst v63  }
0x24: {  	_ =	swait.ge [sflag:s17], $0x2000  }
0x25: {  	[sflag:s17] =	ssyncset.done $0x0  }
0x26: {  	s8 =	rddreg [dreg:$0x4];
	[sflag:s17] =	ssyncadd.s32 $0xFFFFE000  }
0x27: {  	[spmem:s8] =	stream.linear.scatter [tilespmem:s16], [sflag:$0x5], $0x2000, $0x38;
	[tilespmem:$0x1CE80] =	vst v63  }
0x28: {  	_ =	swait.ge [sflag:s17], $0x2000  }
0x29: {  	[sflag:s17] =	ssyncset.done $0x0  }
0x2a: {  	s22 =	rddreg [dreg:$0x5];
	[sflag:s17] =	ssyncadd.s32 $0xFFFFE000  }
0x2b: {  	[spmem:s22] =	stream.linear.scatter [tilespmem:s16], [sflag:$0x5], $0x2000, $0x38;
	[tilespmem:$0x1CE80] =	vst v63  }
0x2c: {  	_ =	swait.ge [sflag:s17], $0x2000  }
0x2d: {  	[sflag:s17] =	ssyncset.done $0x0  }
0x2e: {  	[sflag:s17] =	ssyncadd.s32 $0xFFFFE000  }
0x2f: {  	[spmem:s9] =	stream.linear.scatter [tilespmem:s16], [sflag:$0x5], $0x2000, $0x38;
	[tilespmem:$0x1CE80] =	vst v63  }
0x30: {  	_ =	swait.ge [sflag:s17], $0x2000  }
0x31: {  	[sflag:s17] =	ssyncset.done $0x0  }
0x32: {  	[sflag:s17] =	ssyncadd.s32 $0xFFFFE000  }
0x33: {  	s7 =	simm.s32 $0x0;
	[bflag:$0x0] =	sbarrier.arrive $0xFFFF  }
0x34: {  	[tilespmem:s18], [sflag:$0x5] =	stream.linear.gather [hbm4b:s10+s7], $0x2700, $0x38;
	[tilespmem:$0x1CE80] =	vst v63  }
0x35: {  	_ =	swait.ge [sflag:s17], $0x2700  }
0x36: {  	[sflag:s17] =	ssyncset.done $0x0  }
0x37: {  	[sflag:s17] =	ssyncadd.s32 $0xFFFFD900  }
0x38: {  	[tilespmem:s7], [sflag:$0x5] =	stream.linear.gather [hbm4b:s11+s7], $0x2700, $0x38;
	[tilespmem:$0x1CE80] =	vst v63  }
0x39: {  	_ =	swait.ge [sflag:s17], $0x2700  }
0x3a: {  	[sflag:s17] =	ssyncset.done $0x0  }
0x3b: {  	[sflag:s17] =	ssyncadd.s32 $0xFFFFD900  }
0x3c: {  	[tilespmem:s20], [sflag:$0x1] =	stream.indirect.gather [hbm4b:s4+s19], $0x40, s7, s19, $0xb8;
	[tilespmem:$0x1CE80] =	vst v63  }
0x3d: {  	_ = 	snop  }
0x3e: {  	[tilespmem:s21], [sflag:$0x1] =	stream.indirect.gather [hbm4b:s4+s19], $0x40, s19, s19, $0xb8;
	[tilespmem:$0x1CE80] =	vst v63  }
0x3f: {  	s8 =	simm.s32 $0x100  }
0x40: {  	[tilespmem:s23], [sflag:$0x1] =	stream.indirect.gather [hbm4b:s4+s19], $0x40, s8, s19, $0xb8;
	[tilespmem:$0x1CE80] =	vst v63  }
0x41: {  	s22 =	simm.s32 $0x180  }
0x42: {  	[tilespmem:s26], [sflag:$0x2] =	stream.indirect.gather [hbm4b:s4+s19], $0x40, s22, s19, $0xb8;
	[tilespmem:$0x1CE80] =	vst v63  }
0x43: {  	s7 =	simm.s32 $0x200  }
0x44: {  	[tilespmem:s29], [sflag:$0x2] =	stream.indirect.gather [hbm4b:s4+s19], $0x40, s7, s19, $0xb8;
	[tilespmem:$0x1CE80] =	vst v63  }
0x45: {  	s8 =	simm.s32 $0x280  }
0x46: {  	[tilespmem:s31], [sflag:$0x2] =	stream.indirect.gather [hbm4b:s4+s19], $0x40, s8, s19, $0xb8;
	[tilespmem:$0x1CE80] =	vst v63  }
0x47: {  	_ =	swait.ge [sflag:s0], $0x6000  }
0x48: {  	[sflag:s0] =	ssyncset.done $0x0  }
0x49: {  	[sflag:s0] =	ssyncadd.s32 $0xFFFFA000  }
0x4a: {  	[spmem:s2] =	stream.indirect.scatter.add.f32 [tilespmem:s20], [sflag:$0x3], $0x40, s18, s19, $0xb8;
	[tilespmem:$0x1CE80] =	vst v63  }
0x4b: {  	s22 =	simm.s32 $0x2780  }
0x4c: {  	[spmem:s2] =	stream.indirect.scatter.add.f32 [tilespmem:s21], [sflag:$0x3], $0x40, s22, s19, $0xb8;
	[tilespmem:$0x1CE80] =	vst v63  }
0x4d: {  	s7 =	simm.s32 $0x2800  }
0x4e: {  	[spmem:s2] =	stream.indirect.scatter.add.f32 [tilespmem:s23], [sflag:$0x3], $0x40, s7, s19, $0xb8;
	[tilespmem:$0x1CE80] =	vst v63  }
0x4f: {  	_ =	swait.ge [sflag:s24], $0x6000  }
0x50: {  	[sflag:s24] =	ssyncset.done $0x0  }
0x51: {  	s8 =	simm.s32 $0x300;
	[sflag:s24] =	ssyncadd.s32 $0xFFFFA000  }
0x52: {  	[tilespmem:s20], [sflag:$0x1] =	stream.indirect.gather [hbm4b:s4+s19], $0x40, s8, s19, $0xb8;
	[tilespmem:$0x1CE80] =	vst v63  }
0x53: {  	s22 =	simm.s32 $0x380  }
0x54: {  	[tilespmem:s21], [sflag:$0x1] =	stream.indirect.gather [hbm4b:s4+s19], $0x40, s22, s19, $0xb8;
	[tilespmem:$0x1CE80] =	vst v63  }
0x55: {  	s7 =	simm.s32 $0x400  }
0x56: {  	[tilespmem:s23], [sflag:$0x1] =	stream.indirect.gather [hbm4b:s4+s19], $0x40, s7, s19, $0xb8;
	[tilespmem:$0x1CE80] =	vst v63  }
0x57: {  	_ =	swait.ge [sflag:s1], $0x6000  }
0x58: {  	[sflag:s1] =	ssyncset.done $0x0  }
0x59: {  	s8 =	simm.s32 $0x2880;
	[sflag:s1] =	ssyncadd.s32 $0xFFFFA000  }
0x5a: {  	[spmem:s2] =	stream.indirect.scatter.add.f32 [tilespmem:s26], [sflag:$0x4], $0x40, s8, s19, $0xb8;
	[tilespmem:$0x1CE80] =	vst v63  }
0x5b: {  	s22 =	simm.s32 $0x2900  }
0x5c: {  	[spmem:s2] =	stream.indirect.scatter.add.f32 [tilespmem:s29], [sflag:$0x4], $0x40, s22, s19, $0xb8;
	[tilespmem:$0x1CE80] =	vst v63  }
0x5d: {  	s7 =	simm.s32 $0x2980  }
0x5e: {  	[spmem:s2] =	stream.indirect.scatter.add.f32 [tilespmem:s31], [sflag:$0x4], $0x40, s7, s19, $0xb8;
	[tilespmem:$0x1CE80] =	vst v63  }
0x5f: {  	_ =	swait.ge [sflag:s28], $0x6000  }
0x60: {  	[sflag:s28] =	ssyncset.done $0x0  }
0x61: {  	s8 =	simm.s32 $0x480;
	[sflag:s28] =	ssyncadd.s32 $0xFFFFA000  }
0x62: {  	[tilespmem:s26], [sflag:$0x2] =	stream.indirect.gather [hbm4b:s4+s19], $0x40, s8, s19, $0xb8;
	[tilespmem:$0x1CE80] =	vst v63  }
0x63: {  	s22 =	simm.s32 $0x500  }
0x64: {  	[tilespmem:s29], [sflag:$0x2] =	stream.indirect.gather [hbm4b:s4+s19], $0x40, s22, s19, $0xb8;
	[tilespmem:$0x1CE80] =	vst v63  }
0x65: {  	s7 =	simm.s32 $0x580  }
0x66: {  	[tilespmem:s31], [sflag:$0x2] =	stream.indirect.gather [hbm4b:s4+s19], $0x40, s7, s19, $0xb8;
	[tilespmem:$0x1CE80] =	vst v63  }
0x67: {  	_ =	swait.ge [sflag:s0], $0x6000  }
0x68: {  	[sflag:s0] =	ssyncset.done $0x0  }
0x69: {  	s8 =	simm.s32 $0x2A00;
	[sflag:s0] =	ssyncadd.s32 $0xFFFFA000  }
0x6a: {  	[spmem:s2] =	stream.indirect.scatter.add.f32 [tilespmem:s20], [sflag:$0x3], $0x40, s8, s19, $0xb8;
	[tilespmem:$0x1CE80] =	vst v63  }
0x6b: {  	s22 =	simm.s32 $0x2A80  }
0x6c: {  	[spmem:s2] =	stream.indirect.scatter.add.f32 [tilespmem:s21], [sflag:$0x3], $0x40, s22, s19, $0xb8;
	[tilespmem:$0x1CE80] =	vst v63  }
0x6d: {  	s7 =	simm.s32 $0x2B00  }
0x6e: {  	[spmem:s2] =	stream.indirect.scatter.add.f32 [tilespmem:s23], [sflag:$0x3], $0x40, s7, s19, $0xb8;
	[tilespmem:$0x1CE80] =	vst v63  }
0x6f: {  	_ =	swait.ge [sflag:s24], $0x6000  }
0x70: {  	[sflag:s24] =	ssyncset.done $0x0  }
0x71: {  	s8 =	simm.s32 $0x600;
	[sflag:s24] =	ssyncadd.s32 $0xFFFFA000  }
0x72: {  	[tilespmem:s20], [sflag:$0x1] =	stream.indirect.gather [hbm4b:s4+s19], $0x40, s8, s19, $0xb8;
	[tilespmem:$0x1CE80] =	vst v63  }
0x73: {  	s22 =	simm.s32 $0x680  }
0x74: {  	[tilespmem:s21], [sflag:$0x1] =	stream.indirect.gather [hbm4b:s4+s19], $0x40, s22, s19, $0xb8;
	[tilespmem:$0x1CE80] =	vst v63  }
0x75: {  	s7 =	simm.s32 $0x700  }
0x76: {  	[tilespmem:s23], [sflag:$0x1] =	stream.indirect.gather [hbm4b:s4+s19], $0x40, s7, s19, $0xb8;
	[tilespmem:$0x1CE80] =	vst v63  }
0x77: {  	_ =	swait.ge [sflag:s1], $0x6000  }
0x78: {  	[sflag:s1] =	ssyncset.done $0x0  }
0x79: {  	s8 =	simm.s32 $0x2B80;
	[sflag:s1] =	ssyncadd.s32 $0xFFFFA000  }
0x7a: {  	[spmem:s2] =	stream.indirect.scatter.add.f32 [tilespmem:s26], [sflag:$0x4], $0x40, s8, s19, $0xb8;
	[tilespmem:$0x1CE80] =	vst v63  }
0x7b: {  	s22 =	simm.s32 $0x2C00  }
0x7c: {  	[spmem:s2] =	stream.indirect.scatter.add.f32 [tilespmem:s29], [sflag:$0x4], $0x40, s22, s19, $0xb8;
	[tilespmem:$0x1CE80] =	vst v63  }
0x7d: {  	s30 =	simm.s32 $0xC00;
	s22 =	simm.s32 $0x2C80  }
.LBB2_4:
0x7e: {  	[spmem:s2] =	stream.indirect.scatter.add.f32 [tilespmem:s31], [sflag:$0x4], $0x40, s22, s19, $0xb8;
	[tilespmem:$0x1CE80] =	vst v63  }
0x7f: {  	s6 =	smov.u32 s30;
	s30 =	sadd.s32 $0xC00, s30;
	_ =	swait.ge [sflag:s28], $0x6000  }
0x80: {  	s22 =	sshra.s32 s6, $0x2;
	p1 =	sne.s32 s30, $0x8400;
	[sflag:s28] =	ssyncset.done $0x0  }
0x81: {  	s6 =	sadd.s32 $0x480, s22;
	[sflag:s28] =	ssyncadd.s32 $0xFFFFA000  }
0x82: {  	[tilespmem:s26], [sflag:$0x2] =	stream.indirect.gather [hbm4b:s4+s19], $0x40, s6, s19, $0xb8;
	[tilespmem:$0x1CE80] =	vst v63  }
0x83: {  	s6 =	sadd.s32 $0x500, s22  }
0x84: {  	[tilespmem:s29], [sflag:$0x2] =	stream.indirect.gather [hbm4b:s4+s19], $0x40, s6, s19, $0xb8;
	[tilespmem:$0x1CE80] =	vst v63  }
0x85: {  	s6 =	sadd.s32 $0x580, s22  }
0x86: {  	[tilespmem:s31], [sflag:$0x2] =	stream.indirect.gather [hbm4b:s4+s19], $0x40, s6, s19, $0xb8;
	[tilespmem:$0x1CE80] =	vst v63  }
0x87: {  	_ =	swait.ge [sflag:s0], $0x6000  }
0x88: {  	[sflag:s0] =	ssyncset.done $0x0  }
0x89: {  	s6 =	sadd.s32 $0x2A00, s22;
	[sflag:s0] =	ssyncadd.s32 $0xFFFFA000  }
0x8a: {  	[spmem:s2] =	stream.indirect.scatter.add.f32 [tilespmem:s20], [sflag:$0x3], $0x40, s6, s19, $0xb8;
	[tilespmem:$0x1CE80] =	vst v63  }
0x8b: {  	s6 =	sadd.s32 $0x2A80, s22  }
0x8c: {  	[spmem:s2] =	stream.indirect.scatter.add.f32 [tilespmem:s21], [sflag:$0x3], $0x40, s6, s19, $0xb8;
	[tilespmem:$0x1CE80] =	vst v63  }
0x8d: {  	s6 =	sadd.s32 $0x2B00, s22  }
0x8e: {  	[spmem:s2] =	stream.indirect.scatter.add.f32 [tilespmem:s23], [sflag:$0x3], $0x40, s6, s19, $0xb8;
	[tilespmem:$0x1CE80] =	vst v63  }
0x8f: {  	_ =	swait.ge [sflag:s24], $0x6000  }
0x90: {  	[sflag:s24] =	ssyncset.done $0x0  }
0x91: {  	s6 =	sadd.s32 $0x600, s22;
	[sflag:s24] =	ssyncadd.s32 $0xFFFFA000  }
0x92: {  	[tilespmem:s20], [sflag:$0x1] =	stream.indirect.gather [hbm4b:s4+s19], $0x40, s6, s19, $0xb8;
	[tilespmem:$0x1CE80] =	vst v63  }
0x93: {  	s6 =	sadd.s32 $0x680, s22  }
0x94: {  	[tilespmem:s21], [sflag:$0x1] =	stream.indirect.gather [hbm4b:s4+s19], $0x40, s6, s19, $0xb8;
	[tilespmem:$0x1CE80] =	vst v63  }
0x95: {  	s6 =	sadd.s32 $0x700, s22  }
0x96: {  	[tilespmem:s23], [sflag:$0x1] =	stream.indirect.gather [hbm4b:s4+s19], $0x40, s6, s19, $0xb8;
	[tilespmem:$0x1CE80] =	vst v63  }
0x97: {  	_ =	swait.ge [sflag:s1], $0x6000  }
0x98: {  	[sflag:s1] =	ssyncset.done $0x0  }
.Ltmp1:
0x99: {  	s6 =	sadd.s32 $0x2B80, s22;
	[sflag:s1] =	ssyncadd.s32 $0xFFFFA000;
	(pc) =	sbr.rel @p1 .LBB2_4-.Ltmp1, $4  }
0x9a: {  	[spmem:s2] =	stream.indirect.scatter.add.f32 [tilespmem:s26], [sflag:$0x4], $0x40, s6, s19, $0xb8;
	[tilespmem:$0x1CE80] =	vst v63  }
0x9b: {  	s6 =	sadd.s32 $0x2C00, s22  }
0x9c: {  	[spmem:s2] =	stream.indirect.scatter.add.f32 [tilespmem:s29], [sflag:$0x4], $0x40, s6, s19, $0xb8;
	[tilespmem:$0x1CE80] =	vst v63  }
0x9d: {  	s22 =	sadd.s32 $0x2C80, s22  }
0x9e: {  	[spmem:s2] =	stream.indirect.scatter.add.f32 [tilespmem:s31], [sflag:$0x4], $0x40, s22, s19, $0xb8;
	[tilespmem:$0x1CE80] =	vst v63  }
0x9f: {  	_ =	swait.ge [sflag:s28], $0x6000  }
0xa0: {  	[sflag:s28] =	ssyncset.done $0x0  }
0xa1: {  	s6 =	simm.s32 $0x2580;
	[sflag:s28] =	ssyncadd.s32 $0xFFFFA000  }
0xa2: {  	[tilespmem:s26], [sflag:$0x2] =	stream.indirect.gather [hbm4b:s4+s19], $0x40, s6, s19, $0xb8;
	[tilespmem:$0x1CE80] =	vst v63  }
0xa3: {  	s8 =	simm.s32 $0x2600  }
0xa4: {  	[tilespmem:s29], [sflag:$0x2] =	stream.indirect.gather [hbm4b:s4+s19], $0x40, s8, s19, $0xb8;
	[tilespmem:$0x1CE80] =	vst v63  }
0xa5: {  	s22 =	simm.s32 $0x2680  }
0xa6: {  	[tilespmem:s31], [sflag:$0x2] =	stream.indirect.gather [hbm4b:s4+s19], $0x40, s22, s19, $0xb8;
	[tilespmem:$0x1CE80] =	vst v63  }
0xa7: {  	_ =	swait.ge [sflag:s0], $0x6000  }
0xa8: {  	s7 =	sshra.s32 s30, $0x2;
	[sflag:s0] =	ssyncset.done $0x0  }
0xa9: {  	s8 =	sadd.s32 $0x2A00, s7;
	[sflag:s0] =	ssyncadd.s32 $0xFFFFA000  }
0xaa: {  	[spmem:s2] =	stream.indirect.scatter.add.f32 [tilespmem:s20], [sflag:$0x3], $0x40, s8, s19, $0xb8;
	[tilespmem:$0x1CE80] =	vst v63  }
0xab: {  	s30 =	sadd.s32 $0x2A80, s7  }
0xac: {  	[spmem:s2] =	stream.indirect.scatter.add.f32 [tilespmem:s21], [sflag:$0x3], $0x40, s30, s19, $0xb8;
	[tilespmem:$0x1CE80] =	vst v63  }
0xad: {  	s6 =	sadd.s32 $0x2B00, s7  }
0xae: {  	[spmem:s2] =	stream.indirect.scatter.add.f32 [tilespmem:s23], [sflag:$0x3], $0x40, s6, s19, $0xb8;
	[tilespmem:$0x1CE80] =	vst v63  }
0xaf: {  	_ =	swait.ge [sflag:s1], $0x6000  }
0xb0: {  	[sflag:s1] =	ssyncset.done $0x0  }
0xb1: {  	s7 =	simm.s32 $0x4C80;
	[sflag:s1] =	ssyncadd.s32 $0xFFFFA000  }
0xb2: {  	[spmem:s2] =	stream.indirect.scatter.add.f32 [tilespmem:s26], [sflag:$0x4], $0x40, s7, s19, $0xb8;
	[tilespmem:$0x1CE80] =	vst v63  }
0xb3: {  	s8 =	simm.s32 $0x4D00  }
0xb4: {  	[spmem:s2] =	stream.indirect.scatter.add.f32 [tilespmem:s29], [sflag:$0x4], $0x40, s8, s19, $0xb8;
	[tilespmem:$0x1CE80] =	vst v63  }
0xb5: {  	s22 =	simm.s32 $0x4D80  }
0xb6: {  	[spmem:s2] =	stream.indirect.scatter.add.f32 [tilespmem:s31], [sflag:$0x4], $0x40, s22, s19, $0xb8;
	[tilespmem:$0x1CE80] =	vst v63  }
0xb7: {  	_ =	swait.ge [sflag:s28], $0x6000  }
0xb8: {  	[sflag:s28] =	ssyncset.done $0x0  }
0xb9: {  	[sflag:s28] =	ssyncadd.s32 $0xFFFFA000  }
0xba: {  	_ =	swait.ge [sflag:s24], $0x6000  }
0xbb: {  	s30 =	simm.s32 @!p0 $0x5;
	[sflag:s24] =	ssyncset.done $0x0  }
0xbc: {  	s6 =	simm.s32 @!p0 $0x0;
	s22 =	simm.s32 @!p0 $0x4E00;
	[sflag:s24] =	ssyncadd.s32 $0xFFFFA000  }
0xbd: {  	[tilespmem:s22], [sflag:$0x5] =	stream.linear.gather @!p0 [hbm4b:s12+s6], $0x80, $0x38;
	[tilespmem:$0x1CE80] =	vst v63  }
0xbe: {  	_ =	swait.ge @!p0 [sflag:s30], $0x80  }
0xbf: {  	[sflag:s30] =	ssyncset.done @!p0 $0x0  }
0xc0: {  	[sflag:s30] =	ssyncadd.s32 @!p0 $0xFFFFFF80  }
0xc1: {  	[tilespmem:s6], [sflag:$0x5] =	stream.linear.gather @!p0 [hbm4b:s13+s6], $0x80, $0x38;
	[tilespmem:$0x1CE80] =	vst v63  }
0xc2: {  	_ =	swait.ge @!p0 [sflag:s30], $0x80  }
0xc3: {  	[sflag:s30] =	ssyncset.done @!p0 $0x0  }
0xc4: {  	s7 =	simm.s32 @!p0 $0x80;
	s8 =	simm.s32 @!p0 $0x4E80;
	[sflag:s30] =	ssyncadd.s32 @!p0 $0xFFFFFF80  }
0xc5: {  	[tilespmem:s8], [sflag:$0x1] =	stream.indirect.gather @!p0 [hbm4b:s4+s7], $0x40, s6, s7, $0xb8;
	[tilespmem:$0x1CE80] =	vst v63  }
0xc6: {  	s6 =	simm.s32 @!p0 $0x1  }
0xc7: {  	_ =	swait.ge @!p0 [sflag:s6], $0x2000  }
0xc8: {  	[sflag:s6] =	ssyncset.done @!p0 $0x0  }
0xc9: {  	[sflag:s6] =	ssyncadd.s32 @!p0 $0xFFFFE000  }
0xca: {  	[spmem:s2] =	stream.indirect.scatter.add.f32 @!p0 [tilespmem:s8], [sflag:$0x5], $0x40, s22, s7, $0xb8;
	[tilespmem:$0x1CE80] =	vst v63  }
0xcb: {  	_ =	swait.ge @!p0 [sflag:s30], $0x2000  }
0xcc: {  	[sflag:s30] =	ssyncset.done @!p0 $0x0  }
0xcd: {  	s3 =	sadd.s32 $0x1, s3;
	[sflag:s30] =	ssyncadd.s32 @!p0 $0xFFFFE000;
	s30 =	stileid.u32  }
0xce: {  	p1 =	sne.s32 s3, s15;
	s6 =	sshll.u32 s30, $0x6  }
.Ltmp2:
0xcf: {  	[bflag:$0x0] =	sbarrier.arrive $0xFFFF;
	s6 =	sor.u32 $0x1C05, s6;
	(pc) =	sbr.rel @p1 .LBB2_1-.Ltmp2, $4  }
0xd0: {  	[hbm:s14], [sflag:s6] =	dma.local [spmem:s25], $0x1388  }
0xd1: {  	_ =	swait.ge [sflag:s17], $0x1388  }
0xd2: {  	[sflag:s17] =	ssyncset.done $0x0  }
0xd3: {  	[sflag:s17] =	ssyncadd.s32 $0xFFFFEC78  }
0xd4: {  	_ =	sfence.sel $0x180000  }
0xd5: {  	[bflag:$0x0] =	sbarrier.arrive $0xFFFF  }
0xd6: {  	_ =	strace $0x9000004D  }
0xd7: {  	s0 =	stileid.u32;
	[bflag:$0x2] =	sbarrier.arrive $0xFFFF  }
0xd8: {  	p0 =	sne.s32 s0, $0x0;
	s0 =	rddreg [dreg:$0x2]  }
0xd9: {  	s0 =	sadd.s32 @!p0 $0x100000, s0  }
0xda: {  	[sflag:s0] =	ssyncadd.tile.s32 @!p0 $0x1;
	_ =	shalt  }
.Lfunc_end2:
_tile_overlayer_lowered:
.L_overlay_start_2:
0xdb: {  	(tag) =	ssettag $0x2  }
0xdc: {  	s0 =	rddreg [dreg:$0x0];
	s2 =	stileid.u32  }
0xdd: {  	s1 =	rddreg [dreg:$0x1];
	p0 =	sne.s32 s2, $0x0  }
0xde: {  	s3 =	rddreg [dreg:$0x2];
	[bflag:$0x3] =	sbarrier.arrive $0xFFFF;
	s2 =	simm.s32 @!p0 $0x1C05  }
0xdf: {  	[timem:s3], [sflag:s2] =	dma.local @!p0 [hbm:s0], s1  }
0xe0: {  	s0 =	simm.s32 @!p0 $0x5  }
0xe1: {  	_ =	swait.ge @!p0 [sflag:s0], s1  }
0xe2: {  	s1 =	ssub.s32 @!p0 $0x0, s1;
	[sflag:s0] =	ssyncset.done @!p0 $0x0  }
0xe3: {  	[sflag:s0] =	ssyncadd.s32 @!p0 s1  }
0xe4: {  	[bflag:$0x3] =	sbarrier.arrive $0xFFFF  }
0xe5: {  	_ =	shalt  }

// kernel: kernel.22.cloned.1.call-start
scs
__scs_entry_jumppad:
0x0: {  	(pc) =	sbr.rel $0x88, $3  }
0x1: {  	(tag) =	ssettag $0x0;
	lr =	simm.s32 $0x1  }
0x2: {  	[smem:$0x3F8A] =	sst lr;
	_ =	strace $0xD0000000  }
0x3: {  	_ = 	snop  }
0x4: {  	_ = 	snop  }
0x5: {  	_ = 	snop  }
0x6: {  	_ = 	snop  }
0x7: {  	_ = 	snop  }
__scs_overlays_trampoline_lowered:
0x8: {  	[smem:$0x3F99] =	sst s0  }
0x9: {  	[smem:$0x3F9A] =	sst s1  }
0xa: {  	[smem:$0x3F9B] =	sst s2  }
0xb: {  	[smem:$0x3F9C] =	sst s3  }
0xc: {  	[smem:$0x3F9D] =	sst s4  }
0xd: {  	[smem:$0x3F9E] =	sst s5  }
0xe: {  	[smem:$0x3F9F] =	sst s6  }
0xf: {  	[smem:$0x3FA0] =	sst s7  }
0x10: {  	[smem:$0x3FA1] =	sst s8  }
0x11: {  	[smem:$0x3FA2] =	sst s9;
	s0 =	simm.s32 @!p0 $0x0  }
0x12: {  	s1 =	sld [smem:$0x3F88];
	s0 =	simm.s32 @p0 $0x1  }
0x13: {  	[smem:$0x3FA3] =	sst s0;
	s0 =	simm.s32 @!p1 $0x0  }
0x14: {  	s2 =	sld [smem:$0x3F87];
	s0 =	simm.s32 @p1 $0x1  }
0x15: {  	[smem:$0x3FA4] =	sst s0;
	s0 =	simm.s32 @!p2 $0x0  }
0x16: {  	s3 =	sld [smem:$0x3FDB];
	s0 =	simm.s32 @p2 $0x1  }
0x17: {  	s4 =	simm.s32 $0x1BF5;
	[smem:$0x3FA6] =	sst s0  }
0x18: {  	s0 =	sld [smem:$0x3F89];
	_ =	swait.ge [sflag:s4], $0x0  }
0x19: {  	s7 =	sld [smem:$0x3F8A]  }
0x1a: {  	s8 =	sadd.s32 $0xFFFFE003, lr  }
0x1b: {  	s9 =	sadd.s32 $0xFFFFFEF7, lr;
	s5 =	simm.s32 $0xFFFFFFFF;
	p2 =	slt.u32 s8, $0xFFFFF086  }
0x1c: {  	p1 =	slt.u32 s9, $0xF7A;
	s5 =	simm.s32 @!p2 $0x0  }
0x1d: {  	s5 =	simm.s32 @p1 $0x1;
	p0 =	seq.s32 s7, s2  }
0x1e: {  	s7 =	smul.u32 @!p0 $0xF7A, s2;
	p2 =	seq.s32 @!p0 s5, $0x0  }
0x1f: {  	s9 =	smul.u32 $0xF7A, s1;
	s8 =	simm.s32 @!p0 $0x1BF5;
	p2 =	por !p2, p0  }
0x20: {  	[sflag:s8] =	ssyncset.s32 @!p0 $0xFFFFF086;
	s6 =	sadd.s32 @!p0 s3, s7;
	s7 =	simm.s32 @!p0 $0x108  }
0x21: {  	s3 =	sadd.s32 s3, s9;
	s6 =	sadd.s32 @!p0 $0x88, s6;
	s7 =	simm.s32 @p2 $0x1082  }
0x22: {  	[simem:s7], [sflag:s8] =	dma.local @!p0 [hbm:s6], $0xF7A  }
0x23: {  	s9 =	sor.u32 $0xD0000000, s2;
	s6 =	simm.s32 $0x108;
	_ =	swait.ge @!p0 [sflag:s8], $0x0  }
0x24: {  	s3 =	sadd.s32 $0x88, s3;
	s6 =	simm.s32 @!p1 $0x1082;
	[sflag:s4] =	ssyncset.s32 $0xFFFFF086  }
0x25: {  	[simem:s6], [sflag:s4] =	dma.local [hbm:s3], $0xF7A  }
0x26: {  	[smem:$0x3F8A] =	sst s1;
	(tag) =	ssettag s2;
	_ =	strace s9  }
0x27: {  	s1 =	sld [smem:$0x3F9A]  }
0x28: {  	s2 =	sld [smem:$0x3F9B]  }
0x29: {  	s4 =	sld [smem:$0x3F9D]  }
0x2a: {  	p0 =	seq.s32 s5, $0x0;
	s5 =	sld [smem:$0x3F9E]  }
0x2b: {  	s6 =	sld [smem:$0x3F9F]  }
0x2c: {  	s7 =	sld [smem:$0x3FA0]  }
0x2d: {  	s3 =	simm.s32 $0x108;
	s8 =	sld [smem:$0x3FA1]  }
0x2e: {  	s3 =	simm.s32 @!p0 $0x1082;
	s9 =	sld [smem:$0x3FA2]  }
0x2f: {  	lr =	sadd.s32 s0, s3;
	s0 =	sld [smem:$0x3F99]  }
0x30: {  	s3 =	sld [smem:$0x3F9C]  }
0x31: {  	[smem:$0x3FA5] =	sst s10  }
0x32: {  	s10 =	sld [smem:$0x3FA3];
	_ =	sdelay $0x3  }
0x33: {  	p0 =	seq.s32 s10, $0x1;
	s10 =	sld [smem:$0x3FA5];
	_ =	sdelay $0x3  }
0x34: {  	[smem:$0x3FA5] =	sst s10  }
0x35: {  	s10 =	sld [smem:$0x3FA4];
	_ =	sdelay $0x3  }
0x36: {  	p1 =	seq.s32 s10, $0x1;
	s10 =	sld [smem:$0x3FA5];
	_ =	sdelay $0x3  }
0x37: {  	[smem:$0x3FA5] =	sst s10  }
0x38: {  	s10 =	sld [smem:$0x3FA6]  }
0x39: {  	_ = 	snop;
	(pc) =	sbr.ind lr, $3  }
0x3a: {  	_ = 	snop  }
0x3b: {  	_ = 	snop  }
0x3c: {  	p2 =	seq.s32 s10, $0x1;
	s10 =	sld [smem:$0x3FA5]  }
0x3d: {  	_ =	shalt  }
0x3e: {  	_ =	shalt  }
0x3f: {  	_ =	shalt  }
0x40: {  	_ =	shalt  }
0x41: {  	_ =	shalt  }
0x42: {  	_ =	shalt  }
0x43: {  	_ =	shalt  }
0x44: {  	_ =	shalt  }
0x45: {  	_ =	shalt  }
0x46: {  	_ =	shalt  }
0x47: {  	_ =	shalt  }
0x48: {  	_ =	shalt  }
0x49: {  	_ =	shalt  }
0x4a: {  	_ =	shalt  }
0x4b: {  	_ =	shalt  }
0x4c: {  	_ =	shalt  }
0x4d: {  	_ =	shalt  }
0x4e: {  	_ =	shalt  }
0x4f: {  	_ =	shalt  }
0x50: {  	_ =	shalt  }
0x51: {  	_ =	shalt  }
0x52: {  	_ =	shalt  }
0x53: {  	_ =	shalt  }
0x54: {  	_ =	shalt  }
0x55: {  	_ =	shalt  }
0x56: {  	_ =	shalt  }
0x57: {  	_ =	shalt  }
0x58: {  	_ =	shalt  }
0x59: {  	_ =	shalt  }
0x5a: {  	_ =	shalt  }
0x5b: {  	_ =	shalt  }
0x5c: {  	_ =	shalt  }
0x5d: {  	_ =	shalt  }
0x5e: {  	_ =	shalt  }
0x5f: {  	_ =	shalt  }
0x60: {  	_ =	shalt  }
0x61: {  	_ =	shalt  }
0x62: {  	_ =	shalt  }
0x63: {  	_ =	shalt  }
0x64: {  	_ =	shalt  }
0x65: {  	_ =	shalt  }
0x66: {  	_ =	shalt  }
0x67: {  	_ =	shalt  }
0x68: {  	_ =	shalt  }
0x69: {  	_ =	shalt  }
0x6a: {  	_ =	shalt  }
0x6b: {  	_ =	shalt  }
0x6c: {  	_ =	shalt  }
0x6d: {  	_ =	shalt  }
0x6e: {  	_ =	shalt  }
0x6f: {  	_ =	shalt  }
0x70: {  	_ =	shalt  }
0x71: {  	_ =	shalt  }
0x72: {  	_ =	shalt  }
0x73: {  	_ =	shalt  }
0x74: {  	_ =	shalt  }
0x75: {  	_ =	shalt  }
0x76: {  	_ =	shalt  }
0x77: {  	_ =	shalt  }
0x78: {  	_ =	shalt  }
0x79: {  	_ =	shalt  }
0x7a: {  	_ =	shalt  }
0x7b: {  	_ =	shalt  }
0x7c: {  	_ =	shalt  }
0x7d: {  	_ =	shalt  }
0x7e: {  	_ =	shalt  }
0x7f: {  	_ =	shalt  }
0x80: {  	_ =	shalt  }
0x81: {  	_ =	shalt  }
0x82: {  	_ =	shalt  }
0x83: {  	_ =	shalt  }
0x84: {  	_ =	shalt  }
0x85: {  	_ =	shalt  }
0x86: {  	_ =	shalt  }
0x87: {  	_ =	shalt  }
.Lfunc_end0:
.L_simem_size_0:
called_computation.3_lowered:
.L_overlay_start_0:
0x88: {  	s2 =	sld [smem:$0x3FD9]  }
0x89: {  	s3 =	sld [smem:$0x3FFE];
	_ =	sdelay $0x1  }
0x8a: {  	s1 =	srdreg.scid  }
0x8b: {  	s0 =	sand.u32 $0x1, s1  }
0x8c: {  	s16 =	sshll.u32 s0, $0xA;
	s2 =	sadd.s32 s3, s2  }
0x8d: {  	s2 =	sadd.s32 s2, s16  }
0x8e: {  	[smem:$0x3FB1] =	sst s2  }
0x8f: {  	_ = 	snop  }
0x90: {  	(tm) =	ssettm $0x1  }
0x91: {  	s17 =	sld [smem:$0x3FFB];
	_ =	sdelay $0x3  }
0x92: {  	_ =	strace s17  }
0x93: {  	s2 =	sld [smem:$0x3FFC];
	_ =	sdelay $0x3  }
0x94: {  	_ =	strace s2  }
0x95: {  	s2 =	sld [smem:$0x3FFD];
	_ =	sdelay $0x3  }
0x96: {  	_ =	strace s2  }
0x97: {  	_ =	strace $0x8FFFFFFF  }
0x98: {  	s18 =	sld [smem:$0x3FDB];
	_ =	sdelay $0x1  }
0x99: {  	s19 =	simm.s32 $_scs_section_size  }
0x9a: {  	s4 =	simm.s32 $_size__tile_overlayer_lowered;
	s5 =	simm.s32 $_tile_overlayer_lowered  }
0x9b: {  	s22 =	simm.s32 $0x1BFF;
	s21 =	sshll.u32 s5, $0x1;
	s2 =	sadd.s32 s19, s18  }
0x9c: {  	s6 =	simm.s32 $0x0;
	s20 =	sshll.u32 s4, $0x1;
	s4 =	sadd.s32 s21, s2  }
0x9d: {  	[timem:s6], [sflag:s22] =	dma.local [hbm:s4], s20  }
0x9e: {  	_ =	swait.ge [sflag:s22], s20  }
0x9f: {  	s3 =	ssub.s32 $0x0, s20;
	[sflag:s22] =	ssyncset.done $0x0  }
0xa0: {  	[sflag:s22] =	ssyncadd.s32 s3;
	_ =	sdelay $0x1  }
0xa1: {  	s23 =	simm.s32 $0x1B8B  }
0xa2: {  	_ =	swait.ge [sflag:s23], $0x1  }
0xa3: {  	[sflag:s23] =	ssyncset.done $0x0  }
0xa4: {  	s25 =	simm.s32 $0x1B8E;
	s24 =	sld [smem:$0x3FFE];
	[sflag:s23] =	ssyncadd.s32 $0xFFFFFFFF  }
0xa5: {  	s26 =	simm.s32 $execute0_lowered;
	[smem:$0x3FD2] =	sst s25  }
0xa6: {  	s4 =	sshll.u32 s26, $0x1;
	_ =	strace $0x8000004F;
	[dreg:$0x1] =	wrdreg $0xFFFFFFFF  }
0xa7: {  	s28 =	simm.s32 $_size_execute0_lowered;
	s2 =	sadd.s32 s2, s4;
	[dreg:$0x0] =	wrdreg $0x0  }
0xa8: {  	s4 =	sshll.u32 s28, $0x1;
	[dreg:$0x2] =	wrdreg s2  }
0xa9: {  	[dreg:$0x3] =	wrdreg s4  }
0xaa: {  	[dreg:$0x4] =	wrdreg $0xC0  }
0xab: {  	_ =	task [dreg:s6], $0x5FFFF  }
0xac: {  	[dreg:$0x1] =	wrdreg $0xFFFFFFFF  }
0xad: {  	[dreg:$0x0] =	wrdreg $0x60  }
0xae: {  	[dreg:$0x2] =	wrdreg s24  }
0xaf: {  	[dreg:$0x3] =	wrdreg $0x12E800  }
0xb0: {  	[dreg:$0x4] =	wrdreg $0x9  }
0xb1: {  	_ =	task.clear_ibuf [dreg:s6], $0x5FFFF;
	_ =	strace $0x9000004F  }
0xb2: {  	s29 =	simm.s32 $0x9;
	_ =	strace $0x80000051  }
0xb3: {  	_ =	swait.ge [sflag:s29], $0x1  }
0xb4: {  	[sflag:s29] =	ssyncadd.s32 $0xFFFFFFFF  }
0xb5: {  	_ =	strace $0x90000051  }
0xb6: {  	_ =	sfence  }
0xb7: {  	s30 =	sld [smem:$0x0];
	_ =	sdelay $0x2  }
0xb8: {  	s31 =	sshll.u32 s1, $0xD;
	s1 =	sshrl.u32 s1, $0x2  }
0xb9: {  	s3 =	sand.u32 $0x4000, s31;
	s1 =	sadd.s32 s1, s30  }
0xba: {  	s0 =	sor.u32 s3, s0;
	s1 =	sshll.u32 s1, $0x11  }
0xbb: {  	s0 =	sor.u32 s1, s0  }
0xbc: {  	s0 =	sadd.s32 $0x8F2B, s0  }
0xbd: {  	[sflag:s0] =	ssyncadd.remote.s32 $0x1  }
0xbe: {  	_ =	sfence.sel $0xFFFF  }
0xbf: {  	[dreg:$0x0] =	wrdreg $0xFFFFFFFF;
	(pc) =	sbr.abs _section_cstart, $3  }
0xc0: {  	[dreg:$0x1] =	wrdreg $0xFFFFFFFF  }
0xc1: {  	_ =	task.clear_ibuf [dreg:s6], $0x2FFFF;
	_ =	strace $0x9FFFFFFF  }
0xc2: {  	(tm) =	ssettm $0x7FFFFFFF  }
0xc3: {  	_ =	shalt  }
tec
execute0_lowered:
.L_overlay_start_1:
0x0: {  	(tag) =	ssettag $0x1  }
0x1: {  	s0 =	rddreg [dreg:$0x0]  }
0x2: {  	s1 =	srdreg.scid;
	s2 =	rddreg [dreg:$0x1]  }
0x3: {  	s8 =	stileid.u32;
	s3 =	simm.s32 $0x0;
	s17 =	simm.s32 $0x5  }
0x4: {  	s18 =	simm.s32 $0x2700;
	s19 =	simm.s32 $0x80;
	s20 =	simm.s32 $0x4E80  }
0x5: {  	s21 =	simm.s32 $0x6E80;
	s23 =	simm.s32 $0x8E80;
	s29 =	simm.s32 $0xCE80  }
0x6: {  	s31 =	simm.s32 $0xEE80;
	s28 =	simm.s32 $0x4;
	s1 =	sand.u32 $0x1, s1  }
0x7: {  	s15 =	smul.u32 $0x9C40, s8;
	[smem:$0x7FF] =	sst s3;
	s13 =	sadd.s32 $0xE200, s0  }
0x8: {  	s12 =	sadd.s32 $0x4400, s0;
	s6 =	smul.u32 $0x28000, s8;
	s14 =	sshll.u32 s8, $0x4  }
0x9: {  	s4 =	smul.u32 $0x9C400, s1;
	_ =	strace $0x80000050;
	s24 =	ssub.s32 $0x2, s1  }
0xa: {  	s1 =	sshll.u32 s1, $0x4;
	s14 =	sor.u32 $0x9C00, s14;
	s7 =	sshrl.u32 s24, $0x1  }
0xb: {  	s6 =	sshrl.u32 s6, $0x2;
	s1 =	sor.u32 s8, s1;
	s30 =	sadd.s32 s15, s2  }
0xc: {  	s4 =	sadd.s32 s15, s4;
	s16 =	ssub.s32 s24, s7;
	s11 =	smul.u32 $0x4E0, s1  }
0xd: {  	p0 =	sgt.u32 s1, $0x3;
	s24 =	simm.s32 $0x3;
	s1 =	simm.s32 $0x2  }
0xe: {  	s5 =	sshrl.u32 s4, $0x3;
	s4 =	sadd.s32 $0x18000, s0;
	s15 =	smax.u32 s16, $0x1  }
0xf: {  	s16 =	simm.s32 $0x10E80;
	s0 =	sadd.s32 s5, s0;
	s5 =	sadd.s32 s6, s2  }
0x10: {  	s10 =	sadd.s32 s12, s11;
	s11 =	sadd.s32 s13, s11;
	s12 =	sadd.s32 s12, s14  }
0x11: {  	s13 =	sadd.s32 s13, s14;
	s6 =	sadd.s32 $0x2000, s5;
	s25 =	sadd.s32 $0x4000, s5  }
0x12: {  	s26 =	sadd.s32 $0x6000, s5;
	s9 =	sadd.s32 $0x8000, s5;
	[dreg:$0x3] =	wrdreg s6  }
0x13: {  	s14 =	sadd.s32 $0x2BA00, s0;
	s0 =	simm.s32 $0x1;
	[dreg:$0x4] =	wrdreg s25  }
0x14: {  	v0 =	vimm.f32 $0.0e+00;
	[dreg:$0x5] =	wrdreg s26;
	s25 =	sshrl.u32 s30, $0x3;
	s26 =	simm.s32 $0xAE80  }
.LBB2_1:
0x15: {  	s30 =	simm.s32 $0x100;
	s22 =	simm.s32 $0x0  }
.LBB2_2:
0x16: {  	p1 =	sne.s32 s30, $0x7F00;
	[tilespmem:s22+$0x10EB0] =	vst v0;
	s6 =	smov.u32 s30;
	s30 =	sadd.s32 $0x100, s30  }
.Ltmp0:
0x17: {  	[tilespmem:s22+$0x10EA0] =	vst v0;
	(pc) =	sbr.rel @p1 .LBB2_2-.Ltmp0, $3  }
0x18: {  	[tilespmem:s22+$0x10E80] =	vst v0  }
0x19: {  	[tilespmem:s22+$0x10E90] =	vst v0;
	_ =	sdelay $0x1  }
0x1a: {  	s22 =	sshra.s32 s6, $0x2  }
0x1b: {  	[tilespmem:s22+$0x10EB0] =	vst v0  }
0x1c: {  	[tilespmem:s22+$0x10EA0] =	vst v0  }
0x1d: {  	[tilespmem:s22+$0x10E80] =	vst v0  }
0x1e: {  	[tilespmem:s22+$0x10E90] =	vst v0  }
0x1f: {  	[spmem:s5] =	stream.linear.scatter [tilespmem:s16], [sflag:$0x5], $0x2000, $0x38;
	[tilespmem:$0x1CE80] =	vst v63  }
0x20: {  	_ =	swait.ge [sflag:s17], $0x2000  }
0x21: {  	[sflag:s17] =	ssyncset.done $0x0  }
0x22: {  	s6 =	rddreg [dreg:$0x3];
	[sflag:s17] =	ssyncadd.s32 $0xFFFFE000  }
0x23: {  	[spmem:s6] =	stream.linear.scatter [tilespmem:s16], [sflag:$0x5], $0x2000, $0x38;
	[tilespmem:$0x1CE80] =	vst v63  }
0x24: {  	_ =	swait.ge [sflag:s17], $0x2000  }
0x25: {  	[sflag:s17] =	ssyncset.done $0x0  }
0x26: {  	s8 =	rddreg [dreg:$0x4];
	[sflag:s17] =	ssyncadd.s32 $0xFFFFE000  }
0x27: {  	[spmem:s8] =	stream.linear.scatter [tilespmem:s16], [sflag:$0x5], $0x2000, $0x38;
	[tilespmem:$0x1CE80] =	vst v63  }
0x28: {  	_ =	swait.ge [sflag:s17], $0x2000  }
0x29: {  	[sflag:s17] =	ssyncset.done $0x0  }
0x2a: {  	s22 =	rddreg [dreg:$0x5];
	[sflag:s17] =	ssyncadd.s32 $0xFFFFE000  }
0x2b: {  	[spmem:s22] =	stream.linear.scatter [tilespmem:s16], [sflag:$0x5], $0x2000, $0x38;
	[tilespmem:$0x1CE80] =	vst v63  }
0x2c: {  	_ =	swait.ge [sflag:s17], $0x2000  }
0x2d: {  	[sflag:s17] =	ssyncset.done $0x0  }
0x2e: {  	[sflag:s17] =	ssyncadd.s32 $0xFFFFE000  }
0x2f: {  	[spmem:s9] =	stream.linear.scatter [tilespmem:s16], [sflag:$0x5], $0x2000, $0x38;
	[tilespmem:$0x1CE80] =	vst v63  }
0x30: {  	_ =	swait.ge [sflag:s17], $0x2000  }
0x31: {  	[sflag:s17] =	ssyncset.done $0x0  }
0x32: {  	[sflag:s17] =	ssyncadd.s32 $0xFFFFE000  }
0x33: {  	s7 =	simm.s32 $0x0;
	[bflag:$0x0] =	sbarrier.arrive $0xFFFF  }
0x34: {  	[tilespmem:s18], [sflag:$0x5] =	stream.linear.gather [hbm4b:s10+s7], $0x2700, $0x38;
	[tilespmem:$0x1CE80] =	vst v63  }
0x35: {  	_ =	swait.ge [sflag:s17], $0x2700  }
0x36: {  	[sflag:s17] =	ssyncset.done $0x0  }
0x37: {  	[sflag:s17] =	ssyncadd.s32 $0xFFFFD900  }
0x38: {  	[tilespmem:s7], [sflag:$0x5] =	stream.linear.gather [hbm4b:s11+s7], $0x2700, $0x38;
	[tilespmem:$0x1CE80] =	vst v63  }
0x39: {  	_ =	swait.ge [sflag:s17], $0x2700  }
0x3a: {  	[sflag:s17] =	ssyncset.done $0x0  }
0x3b: {  	[sflag:s17] =	ssyncadd.s32 $0xFFFFD900  }
0x3c: {  	[tilespmem:s20], [sflag:$0x1] =	stream.indirect.gather [hbm4b:s4+s19], $0x40, s7, s19, $0xb8;
	[tilespmem:$0x1CE80] =	vst v63  }
0x3d: {  	_ = 	snop  }
0x3e: {  	[tilespmem:s21], [sflag:$0x1] =	stream.indirect.gather [hbm4b:s4+s19], $0x40, s19, s19, $0xb8;
	[tilespmem:$0x1CE80] =	vst v63  }
0x3f: {  	s8 =	simm.s32 $0x100  }
0x40: {  	[tilespmem:s23], [sflag:$0x1] =	stream.indirect.gather [hbm4b:s4+s19], $0x40, s8, s19, $0xb8;
	[tilespmem:$0x1CE80] =	vst v63  }
0x41: {  	s22 =	simm.s32 $0x180  }
0x42: {  	[tilespmem:s26], [sflag:$0x2] =	stream.indirect.gather [hbm4b:s4+s19], $0x40, s22, s19, $0xb8;
	[tilespmem:$0x1CE80] =	vst v63  }
0x43: {  	s7 =	simm.s32 $0x200  }
0x44: {  	[tilespmem:s29], [sflag:$0x2] =	stream.indirect.gather [hbm4b:s4+s19], $0x40, s7, s19, $0xb8;
	[tilespmem:$0x1CE80] =	vst v63  }
0x45: {  	s8 =	simm.s32 $0x280  }
0x46: {  	[tilespmem:s31], [sflag:$0x2] =	stream.indirect.gather [hbm4b:s4+s19], $0x40, s8, s19, $0xb8;
	[tilespmem:$0x1CE80] =	vst v63  }
0x47: {  	_ =	swait.ge [sflag:s0], $0x6000  }
0x48: {  	[sflag:s0] =	ssyncset.done $0x0  }
0x49: {  	[sflag:s0] =	ssyncadd.s32 $0xFFFFA000  }
0x4a: {  	[spmem:s2] =	stream.indirect.scatter.add.f32 [tilespmem:s20], [sflag:$0x3], $0x40, s18, s19, $0xb8;
	[tilespmem:$0x1CE80] =	vst v63  }
0x4b: {  	s22 =	simm.s32 $0x2780  }
0x4c: {  	[spmem:s2] =	stream.indirect.scatter.add.f32 [tilespmem:s21], [sflag:$0x3], $0x40, s22, s19, $0xb8;
	[tilespmem:$0x1CE80] =	vst v63  }
0x4d: {  	s7 =	simm.s32 $0x2800  }
0x4e: {  	[spmem:s2] =	stream.indirect.scatter.add.f32 [tilespmem:s23], [sflag:$0x3], $0x40, s7, s19, $0xb8;
	[tilespmem:$0x1CE80] =	vst v63  }
0x4f: {  	_ =	swait.ge [sflag:s24], $0x6000  }
0x50: {  	[sflag:s24] =	ssyncset.done $0x0  }
0x51: {  	s8 =	simm.s32 $0x300;
	[sflag:s24] =	ssyncadd.s32 $0xFFFFA000  }
0x52: {  	[tilespmem:s20], [sflag:$0x1] =	stream.indirect.gather [hbm4b:s4+s19], $0x40, s8, s19, $0xb8;
	[tilespmem:$0x1CE80] =	vst v63  }
0x53: {  	s22 =	simm.s32 $0x380  }
0x54: {  	[tilespmem:s21], [sflag:$0x1] =	stream.indirect.gather [hbm4b:s4+s19], $0x40, s22, s19, $0xb8;
	[tilespmem:$0x1CE80] =	vst v63  }
0x55: {  	s7 =	simm.s32 $0x400  }
0x56: {  	[tilespmem:s23], [sflag:$0x1] =	stream.indirect.gather [hbm4b:s4+s19], $0x40, s7, s19, $0xb8;
	[tilespmem:$0x1CE80] =	vst v63  }
0x57: {  	_ =	swait.ge [sflag:s1], $0x6000  }
0x58: {  	[sflag:s1] =	ssyncset.done $0x0  }
0x59: {  	s8 =	simm.s32 $0x2880;
	[sflag:s1] =	ssyncadd.s32 $0xFFFFA000  }
0x5a: {  	[spmem:s2] =	stream.indirect.scatter.add.f32 [tilespmem:s26], [sflag:$0x4], $0x40, s8, s19, $0xb8;
	[tilespmem:$0x1CE80] =	vst v63  }
0x5b: {  	s22 =	simm.s32 $0x2900  }
0x5c: {  	[spmem:s2] =	stream.indirect.scatter.add.f32 [tilespmem:s29], [sflag:$0x4], $0x40, s22, s19, $0xb8;
	[tilespmem:$0x1CE80] =	vst v63  }
0x5d: {  	s7 =	simm.s32 $0x2980  }
0x5e: {  	[spmem:s2] =	stream.indirect.scatter.add.f32 [tilespmem:s31], [sflag:$0x4], $0x40, s7, s19, $0xb8;
	[tilespmem:$0x1CE80] =	vst v63  }
0x5f: {  	_ =	swait.ge [sflag:s28], $0x6000  }
0x60: {  	[sflag:s28] =	ssyncset.done $0x0  }
0x61: {  	s8 =	simm.s32 $0x480;
	[sflag:s28] =	ssyncadd.s32 $0xFFFFA000  }
0x62: {  	[tilespmem:s26], [sflag:$0x2] =	stream.indirect.gather [hbm4b:s4+s19], $0x40, s8, s19, $0xb8;
	[tilespmem:$0x1CE80] =	vst v63  }
0x63: {  	s22 =	simm.s32 $0x500  }
0x64: {  	[tilespmem:s29], [sflag:$0x2] =	stream.indirect.gather [hbm4b:s4+s19], $0x40, s22, s19, $0xb8;
	[tilespmem:$0x1CE80] =	vst v63  }
0x65: {  	s7 =	simm.s32 $0x580  }
0x66: {  	[tilespmem:s31], [sflag:$0x2] =	stream.indirect.gather [hbm4b:s4+s19], $0x40, s7, s19, $0xb8;
	[tilespmem:$0x1CE80] =	vst v63  }
0x67: {  	_ =	swait.ge [sflag:s0], $0x6000  }
0x68: {  	[sflag:s0] =	ssyncset.done $0x0  }
0x69: {  	s8 =	simm.s32 $0x2A00;
	[sflag:s0] =	ssyncadd.s32 $0xFFFFA000  }
0x6a: {  	[spmem:s2] =	stream.indirect.scatter.add.f32 [tilespmem:s20], [sflag:$0x3], $0x40, s8, s19, $0xb8;
	[tilespmem:$0x1CE80] =	vst v63  }
0x6b: {  	s22 =	simm.s32 $0x2A80  }
0x6c: {  	[spmem:s2] =	stream.indirect.scatter.add.f32 [tilespmem:s21], [sflag:$0x3], $0x40, s22, s19, $0xb8;
	[tilespmem:$0x1CE80] =	vst v63  }
0x6d: {  	s7 =	simm.s32 $0x2B00  }
0x6e: {  	[spmem:s2] =	stream.indirect.scatter.add.f32 [tilespmem:s23], [sflag:$0x3], $0x40, s7, s19, $0xb8;
	[tilespmem:$0x1CE80] =	vst v63  }
0x6f: {  	_ =	swait.ge [sflag:s24], $0x6000  }
0x70: {  	[sflag:s24] =	ssyncset.done $0x0  }
0x71: {  	s8 =	simm.s32 $0x600;
	[sflag:s24] =	ssyncadd.s32 $0xFFFFA000  }
0x72: {  	[tilespmem:s20], [sflag:$0x1] =	stream.indirect.gather [hbm4b:s4+s19], $0x40, s8, s19, $0xb8;
	[tilespmem:$0x1CE80] =	vst v63  }
0x73: {  	s22 =	simm.s32 $0x680  }
0x74: {  	[tilespmem:s21], [sflag:$0x1] =	stream.indirect.gather [hbm4b:s4+s19], $0x40, s22, s19, $0xb8;
	[tilespmem:$0x1CE80] =	vst v63  }
0x75: {  	s7 =	simm.s32 $0x700  }
0x76: {  	[tilespmem:s23], [sflag:$0x1] =	stream.indirect.gather [hbm4b:s4+s19], $0x40, s7, s19, $0xb8;
	[tilespmem:$0x1CE80] =	vst v63  }
0x77: {  	_ =	swait.ge [sflag:s1], $0x6000  }
0x78: {  	[sflag:s1] =	ssyncset.done $0x0  }
0x79: {  	s8 =	simm.s32 $0x2B80;
	[sflag:s1] =	ssyncadd.s32 $0xFFFFA000  }
0x7a: {  	[spmem:s2] =	stream.indirect.scatter.add.f32 [tilespmem:s26], [sflag:$0x4], $0x40, s8, s19, $0xb8;
	[tilespmem:$0x1CE80] =	vst v63  }
0x7b: {  	s22 =	simm.s32 $0x2C00  }
0x7c: {  	[spmem:s2] =	stream.indirect.scatter.add.f32 [tilespmem:s29], [sflag:$0x4], $0x40, s22, s19, $0xb8;
	[tilespmem:$0x1CE80] =	vst v63  }
0x7d: {  	s30 =	simm.s32 $0xC00;
	s22 =	simm.s32 $0x2C80  }
.LBB2_4:
0x7e: {  	[spmem:s2] =	stream.indirect.scatter.add.f32 [tilespmem:s31], [sflag:$0x4], $0x40, s22, s19, $0xb8;
	[tilespmem:$0x1CE80] =	vst v63  }
0x7f: {  	s6 =	smov.u32 s30;
	s30 =	sadd.s32 $0xC00, s30;
	_ =	swait.ge [sflag:s28], $0x6000  }
0x80: {  	s22 =	sshra.s32 s6, $0x2;
	p1 =	sne.s32 s30, $0x8400;
	[sflag:s28] =	ssyncset.done $0x0  }
0x81: {  	s6 =	sadd.s32 $0x480, s22;
	[sflag:s28] =	ssyncadd.s32 $0xFFFFA000  }
0x82: {  	[tilespmem:s26], [sflag:$0x2] =	stream.indirect.gather [hbm4b:s4+s19], $0x40, s6, s19, $0xb8;
	[tilespmem:$0x1CE80] =	vst v63  }
0x83: {  	s6 =	sadd.s32 $0x500, s22  }
0x84: {  	[tilespmem:s29], [sflag:$0x2] =	stream.indirect.gather [hbm4b:s4+s19], $0x40, s6, s19, $0xb8;
	[tilespmem:$0x1CE80] =	vst v63  }
0x85: {  	s6 =	sadd.s32 $0x580, s22  }
0x86: {  	[tilespmem:s31], [sflag:$0x2] =	stream.indirect.gather [hbm4b:s4+s19], $0x40, s6, s19, $0xb8;
	[tilespmem:$0x1CE80] =	vst v63  }
0x87: {  	_ =	swait.ge [sflag:s0], $0x6000  }
0x88: {  	[sflag:s0] =	ssyncset.done $0x0  }
0x89: {  	s6 =	sadd.s32 $0x2A00, s22;
	[sflag:s0] =	ssyncadd.s32 $0xFFFFA000  }
0x8a: {  	[spmem:s2] =	stream.indirect.scatter.add.f32 [tilespmem:s20], [sflag:$0x3], $0x40, s6, s19, $0xb8;
	[tilespmem:$0x1CE80] =	vst v63  }
0x8b: {  	s6 =	sadd.s32 $0x2A80, s22  }
0x8c: {  	[spmem:s2] =	stream.indirect.scatter.add.f32 [tilespmem:s21], [sflag:$0x3], $0x40, s6, s19, $0xb8;
	[tilespmem:$0x1CE80] =	vst v63  }
0x8d: {  	s6 =	sadd.s32 $0x2B00, s22  }
0x8e: {  	[spmem:s2] =	stream.indirect.scatter.add.f32 [tilespmem:s23], [sflag:$0x3], $0x40, s6, s19, $0xb8;
	[tilespmem:$0x1CE80] =	vst v63  }
0x8f: {  	_ =	swait.ge [sflag:s24], $0x6000  }
0x90: {  	[sflag:s24] =	ssyncset.done $0x0  }
0x91: {  	s6 =	sadd.s32 $0x600, s22;
	[sflag:s24] =	ssyncadd.s32 $0xFFFFA000  }
0x92: {  	[tilespmem:s20], [sflag:$0x1] =	stream.indirect.gather [hbm4b:s4+s19], $0x40, s6, s19, $0xb8;
	[tilespmem:$0x1CE80] =	vst v63  }
0x93: {  	s6 =	sadd.s32 $0x680, s22  }
0x94: {  	[tilespmem:s21], [sflag:$0x1] =	stream.indirect.gather [hbm4b:s4+s19], $0x40, s6, s19, $0xb8;
	[tilespmem:$0x1CE80] =	vst v63  }
0x95: {  	s6 =	sadd.s32 $0x700, s22  }
0x96: {  	[tilespmem:s23], [sflag:$0x1] =	stream.indirect.gather [hbm4b:s4+s19], $0x40, s6, s19, $0xb8;
	[tilespmem:$0x1CE80] =	vst v63  }
0x97: {  	_ =	swait.ge [sflag:s1], $0x6000  }
0x98: {  	[sflag:s1] =	ssyncset.done $0x0  }
.Ltmp1:
0x99: {  	s6 =	sadd.s32 $0x2B80, s22;
	[sflag:s1] =	ssyncadd.s32 $0xFFFFA000;
	(pc) =	sbr.rel @p1 .LBB2_4-.Ltmp1, $4  }
0x9a: {  	[spmem:s2] =	stream.indirect.scatter.add.f32 [tilespmem:s26], [sflag:$0x4], $0x40, s6, s19, $0xb8;
	[tilespmem:$0x1CE80] =	vst v63  }
0x9b: {  	s6 =	sadd.s32 $0x2C00, s22  }
0x9c: {  	[spmem:s2] =	stream.indirect.scatter.add.f32 [tilespmem:s29], [sflag:$0x4], $0x40, s6, s19, $0xb8;
	[tilespmem:$0x1CE80] =	vst v63  }
0x9d: {  	s22 =	sadd.s32 $0x2C80, s22  }
0x9e: {  	[spmem:s2] =	stream.indirect.scatter.add.f32 [tilespmem:s31], [sflag:$0x4], $0x40, s22, s19, $0xb8;
	[tilespmem:$0x1CE80] =	vst v63  }
0x9f: {  	_ =	swait.ge [sflag:s28], $0x6000  }
0xa0: {  	[sflag:s28] =	ssyncset.done $0x0  }
0xa1: {  	s6 =	simm.s32 $0x2580;
	[sflag:s28] =	ssyncadd.s32 $0xFFFFA000  }
0xa2: {  	[tilespmem:s26], [sflag:$0x2] =	stream.indirect.gather [hbm4b:s4+s19], $0x40, s6, s19, $0xb8;
	[tilespmem:$0x1CE80] =	vst v63  }
0xa3: {  	s8 =	simm.s32 $0x2600  }
0xa4: {  	[tilespmem:s29], [sflag:$0x2] =	stream.indirect.gather [hbm4b:s4+s19], $0x40, s8, s19, $0xb8;
	[tilespmem:$0x1CE80] =	vst v63  }
0xa5: {  	s22 =	simm.s32 $0x2680  }
0xa6: {  	[tilespmem:s31], [sflag:$0x2] =	stream.indirect.gather [hbm4b:s4+s19], $0x40, s22, s19, $0xb8;
	[tilespmem:$0x1CE80] =	vst v63  }
0xa7: {  	_ =	swait.ge [sflag:s0], $0x6000  }
0xa8: {  	s7 =	sshra.s32 s30, $0x2;
	[sflag:s0] =	ssyncset.done $0x0  }
0xa9: {  	s8 =	sadd.s32 $0x2A00, s7;
	[sflag:s0] =	ssyncadd.s32 $0xFFFFA000  }
0xaa: {  	[spmem:s2] =	stream.indirect.scatter.add.f32 [tilespmem:s20], [sflag:$0x3], $0x40, s8, s19, $0xb8;
	[tilespmem:$0x1CE80] =	vst v63  }
0xab: {  	s30 =	sadd.s32 $0x2A80, s7  }
0xac: {  	[spmem:s2] =	stream.indirect.scatter.add.f32 [tilespmem:s21], [sflag:$0x3], $0x40, s30, s19, $0xb8;
	[tilespmem:$0x1CE80] =	vst v63  }
0xad: {  	s6 =	sadd.s32 $0x2B00, s7  }
0xae: {  	[spmem:s2] =	stream.indirect.scatter.add.f32 [tilespmem:s23], [sflag:$0x3], $0x40, s6, s19, $0xb8;
	[tilespmem:$0x1CE80] =	vst v63  }
0xaf: {  	_ =	swait.ge [sflag:s1], $0x6000  }
0xb0: {  	[sflag:s1] =	ssyncset.done $0x0  }
0xb1: {  	s7 =	simm.s32 $0x4C80;
	[sflag:s1] =	ssyncadd.s32 $0xFFFFA000  }
0xb2: {  	[spmem:s2] =	stream.indirect.scatter.add.f32 [tilespmem:s26], [sflag:$0x4], $0x40, s7, s19, $0xb8;
	[tilespmem:$0x1CE80] =	vst v63  }
0xb3: {  	s8 =	simm.s32 $0x4D00  }
0xb4: {  	[spmem:s2] =	stream.indirect.scatter.add.f32 [tilespmem:s29], [sflag:$0x4], $0x40, s8, s19, $0xb8;
	[tilespmem:$0x1CE80] =	vst v63  }
0xb5: {  	s22 =	simm.s32 $0x4D80  }
0xb6: {  	[spmem:s2] =	stream.indirect.scatter.add.f32 [tilespmem:s31], [sflag:$0x4], $0x40, s22, s19, $0xb8;
	[tilespmem:$0x1CE80] =	vst v63  }
0xb7: {  	_ =	swait.ge [sflag:s28], $0x6000  }
0xb8: {  	[sflag:s28] =	ssyncset.done $0x0  }
0xb9: {  	[sflag:s28] =	ssyncadd.s32 $0xFFFFA000  }
0xba: {  	_ =	swait.ge [sflag:s24], $0x6000  }
0xbb: {  	s30 =	simm.s32 @!p0 $0x5;
	[sflag:s24] =	ssyncset.done $0x0  }
0xbc: {  	s6 =	simm.s32 @!p0 $0x0;
	s22 =	simm.s32 @!p0 $0x4E00;
	[sflag:s24] =	ssyncadd.s32 $0xFFFFA000  }
0xbd: {  	[tilespmem:s22], [sflag:$0x5] =	stream.linear.gather @!p0 [hbm4b:s12+s6], $0x80, $0x38;
	[tilespmem:$0x1CE80] =	vst v63  }
0xbe: {  	_ =	swait.ge @!p0 [sflag:s30], $0x80  }
0xbf: {  	[sflag:s30] =	ssyncset.done @!p0 $0x0  }
0xc0: {  	[sflag:s30] =	ssyncadd.s32 @!p0 $0xFFFFFF80  }
0xc1: {  	[tilespmem:s6], [sflag:$0x5] =	stream.linear.gather @!p0 [hbm4b:s13+s6], $0x80, $0x38;
	[tilespmem:$0x1CE80] =	vst v63  }
0xc2: {  	_ =	swait.ge @!p0 [sflag:s30], $0x80  }
0xc3: {  	[sflag:s30] =	ssyncset.done @!p0 $0x0  }
0xc4: {  	s7 =	simm.s32 @!p0 $0x80;
	s8 =	simm.s32 @!p0 $0x4E80;
	[sflag:s30] =	ssyncadd.s32 @!p0 $0xFFFFFF80  }
0xc5: {  	[tilespmem:s8], [sflag:$0x1] =	stream.indirect.gather @!p0 [hbm4b:s4+s7], $0x40, s6, s7, $0xb8;
	[tilespmem:$0x1CE80] =	vst v63  }
0xc6: {  	s6 =	simm.s32 @!p0 $0x1  }
0xc7: {  	_ =	swait.ge @!p0 [sflag:s6], $0x2000  }
0xc8: {  	[sflag:s6] =	ssyncset.done @!p0 $0x0  }
0xc9: {  	[sflag:s6] =	ssyncadd.s32 @!p0 $0xFFFFE000  }
0xca: {  	[spmem:s2] =	stream.indirect.scatter.add.f32 @!p0 [tilespmem:s8], [sflag:$0x5], $0x40, s22, s7, $0xb8;
	[tilespmem:$0x1CE80] =	vst v63  }
0xcb: {  	_ =	swait.ge @!p0 [sflag:s30], $0x2000  }
0xcc: {  	[sflag:s30] =	ssyncset.done @!p0 $0x0  }
0xcd: {  	s3 =	sadd.s32 $0x1, s3;
	[sflag:s30] =	ssyncadd.s32 @!p0 $0xFFFFE000;
	s30 =	stileid.u32  }
0xce: {  	p1 =	sne.s32 s3, s15;
	s6 =	sshll.u32 s30, $0x6  }
.Ltmp2:
0xcf: {  	[bflag:$0x0] =	sbarrier.arrive $0xFFFF;
	s6 =	sor.u32 $0x1C05, s6;
	(pc) =	sbr.rel @p1 .LBB2_1-.Ltmp2, $4  }
0xd0: {  	[hbm:s14], [sflag:s6] =	dma.local [spmem:s25], $0x1388  }
0xd1: {  	_ =	swait.ge [sflag:s17], $0x1388  }
0xd2: {  	[sflag:s17] =	ssyncset.done $0x0  }
0xd3: {  	[sflag:s17] =	ssyncadd.s32 $0xFFFFEC78  }
0xd4: {  	_ =	sfence.sel $0x180000  }
0xd5: {  	[bflag:$0x0] =	sbarrier.arrive $0xFFFF  }
0xd6: {  	_ =	strace $0x90000050  }
0xd7: {  	s0 =	stileid.u32;
	[bflag:$0x2] =	sbarrier.arrive $0xFFFF  }
0xd8: {  	p0 =	sne.s32 s0, $0x0;
	s0 =	rddreg [dreg:$0x2]  }
0xd9: {  	s0 =	sadd.s32 @!p0 $0x100000, s0  }
0xda: {  	[sflag:s0] =	ssyncadd.tile.s32 @!p0 $0x1;
	_ =	shalt  }
.Lfunc_end2:
_tile_overlayer_lowered:
.L_overlay_start_2:
0xdb: {  	(tag) =	ssettag $0x2  }
0xdc: {  	s0 =	rddreg [dreg:$0x0];
	s2 =	stileid.u32  }
0xdd: {  	s1 =	rddreg [dreg:$0x1];
	p0 =	sne.s32 s2, $0x0  }
0xde: {  	s3 =	rddreg [dreg:$0x2];
	[bflag:$0x3] =	sbarrier.arrive $0xFFFF;
	s2 =	simm.s32 @!p0 $0x1C05  }
0xdf: {  	[timem:s3], [sflag:s2] =	dma.local @!p0 [hbm:s0], s1  }
0xe0: {  	s0 =	simm.s32 @!p0 $0x5  }
0xe1: {  	_ =	swait.ge @!p0 [sflag:s0], s1  }
0xe2: {  	s1 =	ssub.s32 @!p0 $0x0, s1;
	[sflag:s0] =	ssyncset.done @!p0 $0x0  }
0xe3: {  	[sflag:s0] =	ssyncadd.s32 @!p0 s1  }
0xe4: {  	[bflag:$0x3] =	sbarrier.arrive $0xFFFF  }
0xe5: {  	_ =	shalt  }

</sc_bundles>
